<compile_context>
chip_gen: v7x
topology: tpu7x:2x2x1
jax: 0.10.2.dev20260603
libtpu: 0.0.44.dev20260713+nightly
codegen_flags: <defaults>
</compile_context>

<pallas_src>
import functools
import math

import jax
import jax.numpy as jnp
from jax import lax
from jax.experimental import pallas as pl
from jax.experimental.pallas import tpu as pltpu
from jax.experimental.pallas import tpu_sc as plsc

N = 10000
E = 160000
NUM_CLASSES = 50

N_PAD = 10240
ZROW = N
E_PAD = 163840
EDGE_ROWS = E_PAD // 128
ROWS_PER_WORKER = EDGE_ROWS // 32
STRIPE = N_PAD // 16



@functools.lru_cache(maxsize=None)
def _sc_agg(F):
    depth = 4 if F <= 64 else 2
    mesh = plsc.VectorSubcoreMesh(core_axis_name="c", subcore_axis_name="s")

    @functools.partial(
        pl.kernel,
        mesh=mesh,
        compiler_params=pltpu.CompilerParams(use_tc_tiling_on_sc=False),
        out_type=jax.ShapeDtypeStruct((2, N_PAD, F), jnp.float32),
        scratch_types=[
            pltpu.VMEM((ROWS_PER_WORKER, 128), jnp.int32),
            pltpu.VMEM((ROWS_PER_WORKER, 128), jnp.int32),
        ] + [pltpu.VMEM((128, F), jnp.float32)] * depth + [
            pltpu.VMEM_SHARED((N_PAD, F), jnp.float32),
        ] + [pltpu.SemaphoreType.DMA] * depth,
    )
    def agg(table_h, src_h, dst_h, zeros_h, out_h, srcb, dstb, *rest):
        bufs = rest[:depth]
        acc = rest[depth]
        sems = rest[depth + 1:]
        c = lax.axis_index("c")
        s = lax.axis_index("s")
        w = s * 2 + c
        pltpu.sync_copy(zeros_h.at[pl.ds(s * STRIPE, STRIPE)],
                        acc.at[pl.ds(s * STRIPE, STRIPE)])
        plsc.subcore_barrier()

        row0 = w * ROWS_PER_WORKER
        pltpu.sync_copy(src_h.at[pl.ds(row0, ROWS_PER_WORKER)], srcb)
        pltpu.sync_copy(dst_h.at[pl.ds(row0, ROWS_PER_WORKER)], dstb)

        for d in range(depth):
            pltpu.async_copy(table_h.at[srcb.at[d]], bufs[d], sems[d])

        def body(t, carry):
            j0 = depth * t
            for d in range(depth):
                j = j0 + d
                pltpu.make_async_copy(table_h.at[srcb.at[d]],
                                      bufs[d], sems[d]).wait()
                pltpu.sync_copy(bufs[d], acc.at[dstb.at[j]], add=True)

                @pl.when(j + depth < ROWS_PER_WORKER)
                def _(d=d, j=j):
                    pltpu.async_copy(table_h.at[srcb.at[j + depth]],
                                     bufs[d], sems[d])

            return carry

        lax.fori_loop(0, ROWS_PER_WORKER // depth, body, 0)
        plsc.subcore_barrier()
        pltpu.sync_copy(acc.at[pl.ds(s * STRIPE, STRIPE)],
                        out_h.at[c].at[pl.ds(s * STRIPE, STRIPE)])

    return agg



def _prep_body(x_ref, w_ref, degp_ref, scale_ref, m_ref, hp_ref, dinv_ref):
    deg = degp_ref[0, :, 0:1] + degp_ref[1, :, 0:1] + 2.0
    dinv = lax.rsqrt(deg)
    xe = x_ref[...] * scale_ref[...]
    hp = jnp.dot(xe, w_ref[...], preferred_element_type=jnp.float32) * dinv
    hp_ref[...] = hp * m_ref[...]
    dinv_ref[...] = dinv


_ROWB = 2560


def _tc_prep(X, W, degp, scale, mask):
    n, fin = X.shape
    fout = W.shape[1]
    g = n // _ROWB
    return pl.pallas_call(
        _prep_body,
        grid=(g,),
        in_specs=[
            pl.BlockSpec((_ROWB, fin), lambda i: (i, 0)),
            pl.BlockSpec((fin, fout), lambda i: (0, 0)),
            pl.BlockSpec((2, _ROWB, 16), lambda i: (0, i, 0)),
            pl.BlockSpec((_ROWB, 1), lambda i: (i, 0)),
            pl.BlockSpec((_ROWB, 1), lambda i: (i, 0)),
        ],
        out_specs=(pl.BlockSpec((_ROWB, fout), lambda i: (i, 0)),
                   pl.BlockSpec((_ROWB, 1), lambda i: (i, 0))),
        out_shape=(jax.ShapeDtypeStruct((n, fout), jnp.float32),
                   jax.ShapeDtypeStruct((n, 1), jnp.float32)),
    )(X, W, degp, scale, mask)


def _finish_body(relu, p_ref, hp_ref, dinv_ref, b_ref, rm_ref, y_ref):
    psum = p_ref[0, :, :] + p_ref[1, :, :]
    dinv = dinv_ref[...]
    y = dinv * psum + 2.0 * dinv * hp_ref[...] + b_ref[...]
    if relu:
        y = jnp.maximum(y, 0.0)
    y_ref[...] = y * rm_ref[...]


def _rowwise_specs(f):
    return [
        pl.BlockSpec((2, _ROWB, f), lambda i: (0, i, 0)),
        pl.BlockSpec((_ROWB, f), lambda i: (i, 0)),
        pl.BlockSpec((_ROWB, 1), lambda i: (i, 0)),
        pl.BlockSpec((1, f), lambda i: (0, 0)),
        pl.BlockSpec((_ROWB, 1), lambda i: (i, 0)),
    ]


def _tc_finish(P, hp, dinv, b, rowmask, relu):
    n, f = hp.shape
    return pl.pallas_call(
        functools.partial(_finish_body, relu),
        grid=(n // _ROWB,),
        in_specs=_rowwise_specs(f),
        out_specs=pl.BlockSpec((_ROWB, f), lambda i: (i, 0)),
        out_shape=jax.ShapeDtypeStruct((n, f), jnp.float32),
    )(P, hp, dinv, b.reshape(1, f), rowmask)


def _logsoftmax_body(p_ref, hp_ref, dinv_ref, b_ref, cm_ref, y_ref):
    psum = p_ref[0, :, :] + p_ref[1, :, :]
    dinv = dinv_ref[...]
    y = dinv * psum + 2.0 * dinv * hp_ref[...] + b_ref[...]
    cm = cm_ref[...]
    yl = jnp.where(cm > 0, y, -1e30)
    mx = jnp.max(yl, axis=1, keepdims=True)
    ex = jnp.where(cm > 0, jnp.exp(yl - mx), 0.0)
    denom = jnp.sum(ex, axis=1, keepdims=True)
    y_ref[...] = (yl - mx) - jnp.log(denom)


def _tc_logsoftmax(P, hp, dinv, b, colmask):
    n, f = hp.shape
    specs = _rowwise_specs(f)
    specs[-1] = pl.BlockSpec((1, f), lambda i: (0, 0))
    return pl.pallas_call(
        _logsoftmax_body,
        grid=(n // _ROWB,),
        in_specs=specs,
        out_specs=pl.BlockSpec((_ROWB, f), lambda i: (i, 0)),
        out_shape=jax.ShapeDtypeStruct((n, f), jnp.float32),
    )(P, hp, dinv, b.reshape(1, f), colmask)


def _score_body(k, y_ref, p_ref, valid_ref, m_ref, s_ref):
    pv = p_ref[...]
    pn = jnp.sqrt(jnp.sum(pv * pv))
    st = jnp.tanh(jnp.dot(y_ref[...], pv,
                          preferred_element_type=jnp.float32) / pn)
    valid = valid_ref[...]
    sm = jnp.where(valid > 0, st, -3.0)
    bi = lax.bitcast_convert_type(sm, jnp.int32)
    mag = jnp.bitwise_and(bi, jnp.int32(0x7FFFFFFF))
    key = jnp.where(bi >= 0, bi, -mag)

    kf = jnp.float32(k)

    def cnt_ge(t):
        return jnp.sum(jnp.where(key >= t, 1.0, 0.0))

    def step(_, lh):
        lo, hi = lh
        mid = lo + (hi - lo + 1) // 2
        ok = cnt_ge(mid) >= kf
        return (jnp.where(ok, mid, lo), jnp.where(ok, hi, mid - 1))

    lo0 = jnp.int32(-0x40400001)
    hi0 = jnp.int32(0x3F800000)
    t, _ = lax.fori_loop(0, 32, step, (lo0, hi0))

    gt = key > t
    eq = key == t
    needed = kf - jnp.sum(jnp.where(gt, 1.0, 0.0))
    idx = lax.broadcasted_iota(jnp.int32, key.shape, 0)

    def cnt_eq_lt(T):
        return jnp.sum(jnp.where(eq & (idx < T), 1.0, 0.0))

    def step2(_, lh):
        lo, hi = lh
        mid = lo + (hi - lo + 1) // 2
        ok = cnt_eq_lt(mid) <= needed
        return (jnp.where(ok, mid, lo), jnp.where(ok, hi, mid - 1))

    T, _ = lax.fori_loop(0, 16, step2, (jnp.int32(0), jnp.int32(N_PAD)))

    sel = gt | (eq & (idx < T))
    m_ref[...] = jnp.where(sel, 1.0, 0.0)
    s_ref[...] = st


def _tc_score(Y, p, valid, k):
    n, f = Y.shape
    return pl.pallas_call(
        functools.partial(_score_body, k),
        out_shape=(jax.ShapeDtypeStruct((n, 1), jnp.float32),
                   jax.ShapeDtypeStruct((n, 1), jnp.float32)),
    )(Y, p.reshape(f, 1), valid)



def _pad_rows(a, rows):
    return jnp.pad(a, ((0, rows - a.shape[0]),) + ((0, 0),) * (a.ndim - 1))


def kernel(x, pos, edge_index, W0, b0, p1, W1, b1, p2, W2, b2,
           Wu0, bu0, Wu1, bu1):
    f32 = jnp.float32

    x0 = _pad_rows(jnp.concatenate([x, pos], axis=-1), N_PAD)
    x0 = jnp.pad(x0, ((0, 0), (0, 16 - 9)))
    W0p = jnp.pad(W0, ((0, 16 - 9), (0, 0)))
    Wu1p = jnp.pad(Wu1, ((0, 0), (0, 64 - NUM_CLASSES)))
    bu1p = jnp.pad(bu1, (0, 64 - NUM_CLASSES))

    src = jnp.full((E_PAD,), ZROW, jnp.int32).at[:E].set(edge_index[0])
    dst = jnp.full((E_PAD,), ZROW, jnp.int32).at[:E].set(edge_index[1])
    src = src.reshape(EDGE_ROWS, 128)
    dst = dst.reshape(EDGE_ROWS, 128)

    rowmask = (jnp.arange(N_PAD) < N).astype(f32).reshape(N_PAD, 1)
    z16 = jnp.zeros((N_PAD, 16), f32)
    z64 = jnp.zeros((N_PAD, 64), f32)
    z128 = jnp.zeros((N_PAD, 128), f32)
    onescale = jnp.ones((N_PAD, 1), f32)
    colmask = (jnp.arange(64) < NUM_CLASSES).astype(f32).reshape(1, 64)

    k1 = int(math.ceil(0.8 * N))
    k2 = int(math.ceil(0.8 * k1))

    agg16 = _sc_agg(16)
    agg64 = _sc_agg(64)
    agg128 = _sc_agg(128)

    def ones_table(m):
        return jnp.broadcast_to(m, (N_PAD, 16))

    deg0 = agg16(ones_table(rowmask), src, dst, z16)
    hp0, dinv0 = _tc_prep(x0, W0p, deg0, onescale, rowmask)
    P0 = agg64(hp0, src, dst, z64)
    h0 = _tc_finish(P0, hp0, dinv0, b0, rowmask, relu=True)

    m1, s1 = _tc_score(h0, p1, rowmask, k1)
    deg1 = agg16(ones_table(m1), src, dst, z16)
    hp1, dinv1 = _tc_prep(h0, W1, deg1, s1, m1)
    P1 = agg128(hp1, src, dst, z128)
    h1 = _tc_finish(P1, hp1, dinv1, b1, rowmask, relu=True)

    m2, s2 = _tc_score(h1, p2, m1, k2)
    deg2 = agg16(ones_table(m2), src, dst, z16)
    hp2, dinv2 = _tc_prep(h1, W2, deg2, s2, m2)
    P2a = agg128(hp2[:, :128], src, dst, z128)
    P2b = agg128(hp2[:, 128:], src, dst, z128)
    P2 = jnp.concatenate([P2a, P2b], axis=2)
    h2 = _tc_finish(P2, hp2, dinv2, b2, m2, relu=True)

    u1in = jnp.concatenate([h1, h2], axis=-1)
    hpu0, _ = _tc_prep(u1in, Wu0, deg1, onescale, m1)
    Pu0 = agg128(hpu0, src, dst, z128)
    u1 = _tc_finish(Pu0, hpu0, dinv1, bu0, m1, relu=True)

    oin = jnp.concatenate([h0, u1], axis=-1)
    hpu1, _ = _tc_prep(oin, Wu1p, deg0, onescale, rowmask)
    Pu1 = agg64(hpu1, src, dst, z64)
    out = _tc_logsoftmax(Pu1, hpu1, dinv0, bu1p, colmask)

    return out[:N, :NUM_CLASSES]

# --- scband reference (transcript-rebuilt; emitter-appended) ---
"""Pipeline reference for scband-gunet-seg-72688026518205 (READ-ONLY COPY).

The authoritative reference and input builder live on the scoring server;
editing this copy changes nothing except your own understanding.
"""

import math
import jax
import jax.numpy as jnp
import numpy as np

N = 10000
E = 160000
NUM_CLASSES = 50


def _glorot(key, shape):
    s = math.sqrt(6.0 / (shape[0] + shape[1]))
    return jax.random.uniform(key, shape, jnp.float32, -s, s)


def setup_inputs(seed: int = 0):
    key = jax.random.key(seed)
    ks = jax.random.split(key, 12)
    inp = {}
    inp["x"] = jax.random.normal(ks[0], (N, 6), jnp.float32)
    inp["pos"] = jax.random.normal(ks[1], (N, 3), jnp.float32)
    inp["edge_index"] = jax.random.randint(ks[2], (2, E), 0, N, jnp.int32)
    inp["W0"] = _glorot(ks[3], (9, 64))
    inp["b0"] = jnp.zeros((64,), jnp.float32)
    inp["p1"] = jax.random.normal(ks[4], (64,), jnp.float32)
    inp["W1"] = _glorot(ks[5], (64, 128))
    inp["b1"] = jnp.zeros((128,), jnp.float32)
    inp["p2"] = jax.random.normal(ks[6], (128,), jnp.float32)
    inp["W2"] = _glorot(ks[7], (128, 256))
    inp["b2"] = jnp.zeros((256,), jnp.float32)
    inp["Wu0"] = _glorot(ks[8], (128 + 256, 128))
    inp["bu0"] = jnp.zeros((128,), jnp.float32)
    inp["Wu1"] = _glorot(ks[9], (64 + 128, NUM_CLASSES))
    inp["bu1"] = jnp.zeros((NUM_CLASSES,), jnp.float32)
    return inp


def _gcn(x, src, dst, ew, W, b):
    # GCNConv with improved=True: self-loop weight 2.0, symmetric normalization
    n = x.shape[0]
    loop = jnp.arange(n, dtype=src.dtype)
    s = jnp.concatenate([src, loop])
    d = jnp.concatenate([dst, loop])
    w = jnp.concatenate([ew, jnp.full((n,), 2.0, x.dtype)])
    deg = jnp.zeros((n,), x.dtype).at[d].add(w)
    deg_safe = jnp.where(deg > 0, deg, 1.0)
    dinv = jnp.where(deg > 0, 1.0 / jnp.sqrt(deg_safe), 0.0)
    norm = dinv[s] * w * dinv[d]
    h = x @ W
    out = jnp.zeros((n, W.shape[1]), x.dtype).at[d].add(h[s] * norm[:, None])
    return out + b


def _topk_pool(x, src, dst, ew, p, ratio):
    # TopKPooling: score = tanh(x.p/|p|), keep top ceil(ratio*n) nodes.
    # Edge filtering is expressed with static shapes: dropped edges get weight 0
    # and are relabeled to node 0 (mathematically identical to filter_adj for GCN aggregation).
    n = x.shape[0]
    score = jnp.tanh((x @ p) / jnp.linalg.norm(p))
    k = int(math.ceil(ratio * n))
    vals, perm = jax.lax.top_k(score, k)
    xp = x[perm, :] * vals[:, None]
    mask = jnp.zeros((n,), bool).at[perm].set(True)
    newid = jnp.zeros((n,), src.dtype).at[perm].set(jnp.arange(k, dtype=src.dtype))
    keep = (mask[src] & mask[dst]).astype(x.dtype)
    return xp, newid[src], newid[dst], ew * keep, perm


def _forward(x, pos, edge_index, W0, b0, p1, W1, b1, p2, W2, b2, Wu0, bu0, Wu1, bu1):
    x0 = jnp.concatenate([x, pos], axis=-1)
    src0, dst0 = edge_index[0], edge_index[1]
    ew0 = jnp.ones((src0.shape[0],), jnp.float32)
    h0 = jax.nn.relu(_gcn(x0, src0, dst0, ew0, W0, b0))
    h1, src1, dst1, ew1, perm1 = _topk_pool(h0, src0, dst0, ew0, p1, 0.8)
    h1 = jax.nn.relu(_gcn(h1, src1, dst1, ew1, W1, b1))
    h2, src2, dst2, ew2, perm2 = _topk_pool(h1, src1, dst1, ew1, p2, 0.8)
    h2 = jax.nn.relu(_gcn(h2, src2, dst2, ew2, W2, b2))
    # up path (sum_res=False -> concat skip with unpooled features)
    up1 = jnp.zeros((h1.shape[0], h2.shape[1]), h2.dtype).at[perm2].set(h2)
    u1 = jax.nn.relu(_gcn(jnp.concatenate([h1, up1], axis=-1), src1, dst1, ew1, Wu0, bu0))
    up0 = jnp.zeros((h0.shape[0], u1.shape[1]), u1.dtype).at[perm1].set(u1)
    out = _gcn(jnp.concatenate([h0, up0], axis=-1), src0, dst0, ew0, Wu1, bu1)
    return jax.nn.log_softmax(out, axis=1)


def reference(x, pos, edge_index, W0, b0, p1, W1, b1, p2, W2, b2, Wu0, bu0, Wu1, bu1):
    return _forward(x, pos, edge_index, W0, b0, p1, W1, b1, p2, W2, b2, Wu0, bu0, Wu1, bu1)

if __name__ == "__main__":
    import jax
    _d = setup_inputs()
    print(jax.jit(kernel)(*tuple(_d.values())))

</pallas_src>

<mosaic_0001>
#map = affine_map<(d0, d1) -> (0, 0)>
#map1 = affine_map<(d0, d1) -> (0, 0, 0)>
module attributes {stable_mosaic.version = 14 : i64} {
  func.func @agg(%arg0: i32, %arg1: i32, %arg2: memref<10240x16xf32, #tpu.memory_space<hbm>>, %arg3: memref<1280x128xi32, #tpu.memory_space<hbm>>, %arg4: memref<1280x128xi32, #tpu.memory_space<hbm>>, %arg5: memref<10240x16xf32, #tpu.memory_space<hbm>>, %arg6: memref<2x10240x16xf32, #tpu.memory_space<hbm>>, %arg7: memref<40x128xi32, #tpu.memory_space<vmem>>, %arg8: memref<40x128xi32, #tpu.memory_space<vmem>>, %arg9: memref<128x16xf32, #tpu.memory_space<vmem>>, %arg10: memref<128x16xf32, #tpu.memory_space<vmem>>, %arg11: memref<128x16xf32, #tpu.memory_space<vmem>>, %arg12: memref<128x16xf32, #tpu.memory_space<vmem>>, %arg13: memref<10240x16xf32, #tpu.memory_space<vmem_shared>>, %arg14: memref<!tpu.dma_semaphore, #tpu.memory_space<semaphore_mem>>, %arg15: memref<!tpu.dma_semaphore, #tpu.memory_space<semaphore_mem>>, %arg16: memref<!tpu.dma_semaphore, #tpu.memory_space<semaphore_mem>>, %arg17: memref<!tpu.dma_semaphore, #tpu.memory_space<semaphore_mem>>) attributes {dimension_semantics = [#tpu.dimension_semantics<core_parallel>, #tpu.dimension_semantics<subcore_parallel>], iteration_bounds = array<i64: 2, 16>, scalar_prefetch = 0 : i64, scratch_operands = 11 : i64, tpu.core_type = #tpu.core_type<sc_vector_subcore>, window_params = [{transform_indices = #map}, {transform_indices = #map}, {transform_indices = #map}, {transform_indices = #map}, {transform_indices = #map1}]} {
    %mul3A = arith.constant 2 : i32
    %mul3A_0 = arith.muli %arg1, %mul3A : i32
    %add3A = arith.addi %mul3A_0, %arg0 : i32
    %mul3A_1 = arith.constant 640 : i32
    %mul3A_2 = arith.muli %arg1, %mul3A_1 : i32
    %mul3A_3 = arith.constant 640 : i32
    %mul3A_4 = arith.muli %arg1, %mul3A_3 : i32
    "tpu.region"() ({
      %run_scoped3A = tpu.sem_alloc : memref<!tpu.dma_semaphore, #tpu.memory_space<semaphore_mem>>
      %dma_start3A_44 = arith.constant 0 : i32
      %dma_start3A_45 = tpu.memref_slice %arg13[%mul3A_4, %dma_start3A_44] : memref<10240x16xf32, #tpu.memory_space<vmem_shared>> -> memref<640x16xf32, #tpu.memory_space<vmem_shared>>
      %dma_start3A_46 = arith.constant 0 : i32
      %dma_start3A_47 = tpu.memref_slice %arg5[%mul3A_2, %dma_start3A_46] : memref<10240x16xf32, #tpu.memory_space<hbm>> -> memref<640x16xf32, #tpu.memory_space<hbm>>
      tpu.enqueue_dma source(%dma_start3A_47 : memref<640x16xf32, #tpu.memory_space<hbm>>) target(%dma_start3A_45 : memref<640x16xf32, #tpu.memory_space<vmem_shared>>) target_semaphore(%run_scoped3A : memref<!tpu.dma_semaphore, #tpu.memory_space<semaphore_mem>>)
      %dma_wait3A = arith.constant 0 : i32
      %dma_wait3A_48 = tpu.memref_slice %arg13[%mul3A_4, %dma_wait3A] : memref<10240x16xf32, #tpu.memory_space<vmem_shared>> -> memref<640x16xf32, #tpu.memory_space<vmem_shared>>
      %dma_wait3A_49 = arith.constant 0 : i32
      %dma_wait3A_50 = tpu.memref_slice %arg5[%mul3A_2, %dma_wait3A_49] : memref<10240x16xf32, #tpu.memory_space<hbm>> -> memref<640x16xf32, #tpu.memory_space<hbm>>
      tpu.wait_dma2 semaphore(%run_scoped3A : memref<!tpu.dma_semaphore, #tpu.memory_space<semaphore_mem>>) src(%dma_wait3A_50 : memref<640x16xf32, #tpu.memory_space<hbm>>) dst(%dma_wait3A_48 : memref<640x16xf32, #tpu.memory_space<vmem_shared>>)
      tpu.yield
    }) : () -> ()
    %barrier3A = arith.constant 0 : index
    tpu.barrier barrier_id(%barrier3A)
    %mul3A_5 = arith.constant 40 : i32
    %mul3A_6 = arith.muli %add3A, %mul3A_5 : i32
    "tpu.region"() ({
      %run_scoped3A = tpu.sem_alloc : memref<!tpu.dma_semaphore, #tpu.memory_space<semaphore_mem>>
      %dma_start3A_44 = arith.constant 0 : i32
      %dma_start3A_45 = tpu.memref_slice %arg3[%mul3A_6, %dma_start3A_44] : memref<1280x128xi32, #tpu.memory_space<hbm>> -> memref<40x128xi32, #tpu.memory_space<hbm>>
      %dma_start3A_46 = arith.constant 0 : i32
      %dma_start3A_47 = tpu.memref_slice %arg3[%mul3A_6, %dma_start3A_46] : memref<1280x128xi32, #tpu.memory_space<hbm>> -> memref<40x128xi32, #tpu.memory_space<hbm>>
      tpu.enqueue_dma source(%dma_start3A_47 : memref<40x128xi32, #tpu.memory_space<hbm>>) target(%arg7 : memref<40x128xi32, #tpu.memory_space<vmem>>) target_semaphore(%run_scoped3A : memref<!tpu.dma_semaphore, #tpu.memory_space<semaphore_mem>>)
      %dma_wait3A = arith.constant 0 : i32
      %dma_wait3A_48 = tpu.memref_slice %arg3[%mul3A_6, %dma_wait3A] : memref<1280x128xi32, #tpu.memory_space<hbm>> -> memref<40x128xi32, #tpu.memory_space<hbm>>
      %dma_wait3A_49 = arith.constant 0 : i32
      %dma_wait3A_50 = tpu.memref_slice %arg3[%mul3A_6, %dma_wait3A_49] : memref<1280x128xi32, #tpu.memory_space<hbm>> -> memref<40x128xi32, #tpu.memory_space<hbm>>
      tpu.wait_dma2 semaphore(%run_scoped3A : memref<!tpu.dma_semaphore, #tpu.memory_space<semaphore_mem>>) src(%dma_wait3A_50 : memref<40x128xi32, #tpu.memory_space<hbm>>) dst(%arg7 : memref<40x128xi32, #tpu.memory_space<vmem>>)
      tpu.yield
    }) : () -> ()
    "tpu.region"() ({
      %run_scoped3A = tpu.sem_alloc : memref<!tpu.dma_semaphore, #tpu.memory_space<semaphore_mem>>
      %dma_start3A_44 = arith.constant 0 : i32
      %dma_start3A_45 = tpu.memref_slice %arg4[%mul3A_6, %dma_start3A_44] : memref<1280x128xi32, #tpu.memory_space<hbm>> -> memref<40x128xi32, #tpu.memory_space<hbm>>
      %dma_start3A_46 = arith.constant 0 : i32
      %dma_start3A_47 = tpu.memref_slice %arg4[%mul3A_6, %dma_start3A_46] : memref<1280x128xi32, #tpu.memory_space<hbm>> -> memref<40x128xi32, #tpu.memory_space<hbm>>
      tpu.enqueue_dma source(%dma_start3A_47 : memref<40x128xi32, #tpu.memory_space<hbm>>) target(%arg8 : memref<40x128xi32, #tpu.memory_space<vmem>>) target_semaphore(%run_scoped3A : memref<!tpu.dma_semaphore, #tpu.memory_space<semaphore_mem>>)
      %dma_wait3A = arith.constant 0 : i32
      %dma_wait3A_48 = tpu.memref_slice %arg4[%mul3A_6, %dma_wait3A] : memref<1280x128xi32, #tpu.memory_space<hbm>> -> memref<40x128xi32, #tpu.memory_space<hbm>>
      %dma_wait3A_49 = arith.constant 0 : i32
      %dma_wait3A_50 = tpu.memref_slice %arg4[%mul3A_6, %dma_wait3A_49] : memref<1280x128xi32, #tpu.memory_space<hbm>> -> memref<40x128xi32, #tpu.memory_space<hbm>>
      tpu.wait_dma2 semaphore(%run_scoped3A : memref<!tpu.dma_semaphore, #tpu.memory_space<semaphore_mem>>) src(%dma_wait3A_50 : memref<40x128xi32, #tpu.memory_space<hbm>>) dst(%arg8 : memref<40x128xi32, #tpu.memory_space<vmem>>)
      tpu.yield
    }) : () -> ()
    %dma_start3A = arith.constant 0 : i32
    %dma_start3A_7 = arith.constant 0 : i32
    %dma_start3A_8 = tpu.memref_slice %arg7[%dma_start3A, %dma_start3A_7] : memref<40x128xi32, #tpu.memory_space<vmem>> -> memref<1x128xi32, #tpu.memory_space<vmem>>
    %dma_start3A_9 = tpu.memref_squeeze %dma_start3A_8 : memref<1x128xi32, #tpu.memory_space<vmem>> -> memref<128xi32, #tpu.memory_space<vmem>>
    %dma_start3A_10 = arith.constant 0 : i32
    %dma_start3A_11 = arith.constant 0 : i32
    %dma_start3A_12 = tpu.memref_slice %arg2[%dma_start3A_10, %dma_start3A_11] : memref<10240x16xf32, #tpu.memory_space<hbm>> -> memref<10240x16xf32, #tpu.memory_space<hbm>>
    tpu.enqueue_indirect_dma source(%dma_start3A_12 : memref<10240x16xf32, #tpu.memory_space<hbm>>) target(%arg9 : memref<128x16xf32, #tpu.memory_space<vmem>>) offsets(%dma_start3A_9 : memref<128xi32, #tpu.memory_space<vmem>>) semaphore(%arg14 : memref<!tpu.dma_semaphore, #tpu.memory_space<semaphore_mem>>)
    %dma_start3A_13 = arith.constant 1 : i32
    %dma_start3A_14 = arith.constant 0 : i32
    %dma_start3A_15 = tpu.memref_slice %arg7[%dma_start3A_13, %dma_start3A_14] : memref<40x128xi32, #tpu.memory_space<vmem>> -> memref<1x128xi32, #tpu.memory_space<vmem>>
    %dma_start3A_16 = tpu.memref_squeeze %dma_start3A_15 : memref<1x128xi32, #tpu.memory_space<vmem>> -> memref<128xi32, #tpu.memory_space<vmem>>
    %dma_start3A_17 = arith.constant 0 : i32
    %dma_start3A_18 = arith.constant 0 : i32
    %dma_start3A_19 = tpu.memref_slice %arg2[%dma_start3A_17, %dma_start3A_18] : memref<10240x16xf32, #tpu.memory_space<hbm>> -> memref<10240x16xf32, #tpu.memory_space<hbm>>
    tpu.enqueue_indirect_dma source(%dma_start3A_19 : memref<10240x16xf32, #tpu.memory_space<hbm>>) target(%arg10 : memref<128x16xf32, #tpu.memory_space<vmem>>) offsets(%dma_start3A_16 : memref<128xi32, #tpu.memory_space<vmem>>) semaphore(%arg15 : memref<!tpu.dma_semaphore, #tpu.memory_space<semaphore_mem>>)
    %dma_start3A_20 = arith.constant 2 : i32
    %dma_start3A_21 = arith.constant 0 : i32
    %dma_start3A_22 = tpu.memref_slice %arg7[%dma_start3A_20, %dma_start3A_21] : memref<40x128xi32, #tpu.memory_space<vmem>> -> memref<1x128xi32, #tpu.memory_space<vmem>>
    %dma_start3A_23 = tpu.memref_squeeze %dma_start3A_22 : memref<1x128xi32, #tpu.memory_space<vmem>> -> memref<128xi32, #tpu.memory_space<vmem>>
    %dma_start3A_24 = arith.constant 0 : i32
    %dma_start3A_25 = arith.constant 0 : i32
    %dma_start3A_26 = tpu.memref_slice %arg2[%dma_start3A_24, %dma_start3A_25] : memref<10240x16xf32, #tpu.memory_space<hbm>> -> memref<10240x16xf32, #tpu.memory_space<hbm>>
    tpu.enqueue_indirect_dma source(%dma_start3A_26 : memref<10240x16xf32, #tpu.memory_space<hbm>>) target(%arg11 : memref<128x16xf32, #tpu.memory_space<vmem>>) offsets(%dma_start3A_23 : memref<128xi32, #tpu.memory_space<vmem>>) semaphore(%arg16 : memref<!tpu.dma_semaphore, #tpu.memory_space<semaphore_mem>>)
    %dma_start3A_27 = arith.constant 3 : i32
    %dma_start3A_28 = arith.constant 0 : i32
    %dma_start3A_29 = tpu.memref_slice %arg7[%dma_start3A_27, %dma_start3A_28] : memref<40x128xi32, #tpu.memory_space<vmem>> -> memref<1x128xi32, #tpu.memory_space<vmem>>
    %dma_start3A_30 = tpu.memref_squeeze %dma_start3A_29 : memref<1x128xi32, #tpu.memory_space<vmem>> -> memref<128xi32, #tpu.memory_space<vmem>>
    %dma_start3A_31 = arith.constant 0 : i32
    %dma_start3A_32 = arith.constant 0 : i32
    %dma_start3A_33 = tpu.memref_slice %arg2[%dma_start3A_31, %dma_start3A_32] : memref<10240x16xf32, #tpu.memory_space<hbm>> -> memref<10240x16xf32, #tpu.memory_space<hbm>>
    tpu.enqueue_indirect_dma source(%dma_start3A_33 : memref<10240x16xf32, #tpu.memory_space<hbm>>) target(%arg12 : memref<128x16xf32, #tpu.memory_space<vmem>>) offsets(%dma_start3A_30 : memref<128xi32, #tpu.memory_space<vmem>>) semaphore(%arg17 : memref<!tpu.dma_semaphore, #tpu.memory_space<semaphore_mem>>)
    %scan3A = arith.constant 0 : i32
    %scan3A_34 = arith.constant 0 : i32
    %scan3A_35 = arith.constant 10 : i32
    %scan3A_36 = arith.addi %scan3A_34, %scan3A_35 : i32
    %scan3A_37 = arith.constant 1 : i32
    scf.for %scan3A_44 = %scan3A_34 to %scan3A_36 step %scan3A_37  : i32 {
      %mul3A_45 = arith.constant 4 : i32
      %mul3A_46 = arith.muli %mul3A_45, %scan3A_44 : i32
      %add3A_47 = arith.constant 0 : i32
      %add3A_48 = arith.addi %mul3A_46, %add3A_47 : i32
      %dma_wait3A = arith.constant 0 : i32
      %dma_wait3A_49 = arith.constant 0 : i32
      %dma_wait3A_50 = tpu.memref_slice %arg7[%dma_wait3A, %dma_wait3A_49] : memref<40x128xi32, #tpu.memory_space<vmem>> -> memref<1x128xi32, #tpu.memory_space<vmem>>
      %dma_wait3A_51 = tpu.memref_squeeze %dma_wait3A_50 : memref<1x128xi32, #tpu.memory_space<vmem>> -> memref<128xi32, #tpu.memory_space<vmem>>
      %dma_wait3A_52 = arith.constant 0 : i32
      %dma_wait3A_53 = arith.constant 0 : i32
      %dma_wait3A_54 = tpu.memref_slice %arg2[%dma_wait3A_52, %dma_wait3A_53] : memref<10240x16xf32, #tpu.memory_space<hbm>> -> memref<10240x16xf32, #tpu.memory_space<hbm>>
      tpu.wait_indirect_dma semaphore(%arg14 : memref<!tpu.dma_semaphore, #tpu.memory_space<semaphore_mem>>) src(%dma_wait3A_54 : memref<10240x16xf32, #tpu.memory_space<hbm>>) dst(%arg9 : memref<128x16xf32, #tpu.memory_space<vmem>>)
      "tpu.region"() ({
        %run_scoped3A = tpu.sem_alloc : memref<!tpu.dma_semaphore, #tpu.memory_space<semaphore_mem>>
        %dma_start3A_107 = arith.constant 0 : i32
        %dma_start3A_108 = tpu.memref_slice %arg8[%add3A_48, %dma_start3A_107] : memref<40x128xi32, #tpu.memory_space<vmem>> -> memref<1x128xi32, #tpu.memory_space<vmem>>
        %dma_start3A_109 = tpu.memref_squeeze %dma_start3A_108 : memref<1x128xi32, #tpu.memory_space<vmem>> -> memref<128xi32, #tpu.memory_space<vmem>>
        %dma_start3A_110 = arith.constant 0 : i32
        %dma_start3A_111 = arith.constant 0 : i32
        %dma_start3A_112 = tpu.memref_slice %arg13[%dma_start3A_110, %dma_start3A_111] : memref<10240x16xf32, #tpu.memory_space<vmem_shared>> -> memref<10240x16xf32, #tpu.memory_space<vmem_shared>>
        tpu.enqueue_indirect_dma source(%arg9 : memref<128x16xf32, #tpu.memory_space<vmem>>) target(%dma_start3A_112 : memref<10240x16xf32, #tpu.memory_space<vmem_shared>>) offsets(%dma_start3A_109 : memref<128xi32, #tpu.memory_space<vmem>>) semaphore(%run_scoped3A : memref<!tpu.dma_semaphore, #tpu.memory_space<semaphore_mem>>) {add = true}
        %dma_wait3A_113 = arith.constant 0 : i32
        %dma_wait3A_114 = tpu.memref_slice %arg8[%add3A_48, %dma_wait3A_113] : memref<40x128xi32, #tpu.memory_space<vmem>> -> memref<1x128xi32, #tpu.memory_space<vmem>>
        %dma_wait3A_115 = tpu.memref_squeeze %dma_wait3A_114 : memref<1x128xi32, #tpu.memory_space<vmem>> -> memref<128xi32, #tpu.memory_space<vmem>>
        %dma_wait3A_116 = arith.constant 0 : i32
        %dma_wait3A_117 = arith.constant 0 : i32
        %dma_wait3A_118 = tpu.memref_slice %arg13[%dma_wait3A_116, %dma_wait3A_117] : memref<10240x16xf32, #tpu.memory_space<vmem_shared>> -> memref<10240x16xf32, #tpu.memory_space<vmem_shared>>
        tpu.wait_indirect_dma semaphore(%run_scoped3A : memref<!tpu.dma_semaphore, #tpu.memory_space<semaphore_mem>>) src(%arg9 : memref<128x16xf32, #tpu.memory_space<vmem>>) dst(%dma_wait3A_118 : memref<10240x16xf32, #tpu.memory_space<vmem_shared>>)
        tpu.yield
      }) : () -> ()
      %add3A_55 = arith.constant 4 : i32
      %add3A_56 = arith.addi %add3A_48, %add3A_55 : i32
      %lt3A = arith.constant 40 : i32
      %lt3A_57 = arith.cmpi slt, %add3A_56, %lt3A : i32
      %convert_element_type3A = arith.extui %lt3A_57 : i1 to i32
      %cond3A = arith.constant 0 : i32
      %cond3A_58 = arith.cmpi ne, %convert_element_type3A, %cond3A : i32
      scf.if %cond3A_58 {
        %add3A_107 = arith.constant 4 : i32
        %add3A_108 = arith.addi %add3A_48, %add3A_107 : i32
        %dma_start3A_109 = arith.constant 0 : i32
        %dma_start3A_110 = tpu.memref_slice %arg7[%add3A_108, %dma_start3A_109] : memref<40x128xi32, #tpu.memory_space<vmem>> -> memref<1x128xi32, #tpu.memory_space<vmem>>
        %dma_start3A_111 = tpu.memref_squeeze %dma_start3A_110 : memref<1x128xi32, #tpu.memory_space<vmem>> -> memref<128xi32, #tpu.memory_space<vmem>>
        %dma_start3A_112 = arith.constant 0 : i32
        %dma_start3A_113 = arith.constant 0 : i32
        %dma_start3A_114 = tpu.memref_slice %arg2[%dma_start3A_112, %dma_start3A_113] : memref<10240x16xf32, #tpu.memory_space<hbm>> -> memref<10240x16xf32, #tpu.memory_space<hbm>>
        tpu.enqueue_indirect_dma source(%dma_start3A_114 : memref<10240x16xf32, #tpu.memory_space<hbm>>) target(%arg9 : memref<128x16xf32, #tpu.memory_space<vmem>>) offsets(%dma_start3A_111 : memref<128xi32, #tpu.memory_space<vmem>>) semaphore(%arg14 : memref<!tpu.dma_semaphore, #tpu.memory_space<semaphore_mem>>)
      } else {
      }
      %add3A_59 = arith.constant 1 : i32
      %add3A_60 = arith.addi %mul3A_46, %add3A_59 : i32
      %dma_wait3A_61 = arith.constant 1 : i32
      %dma_wait3A_62 = arith.constant 0 : i32
      %dma_wait3A_63 = tpu.memref_slice %arg7[%dma_wait3A_61, %dma_wait3A_62] : memref<40x128xi32, #tpu.memory_space<vmem>> -> memref<1x128xi32, #tpu.memory_space<vmem>>
      %dma_wait3A_64 = tpu.memref_squeeze %dma_wait3A_63 : memref<1x128xi32, #tpu.memory_space<vmem>> -> memref<128xi32, #tpu.memory_space<vmem>>
      %dma_wait3A_65 = arith.constant 0 : i32
      %dma_wait3A_66 = arith.constant 0 : i32
      %dma_wait3A_67 = tpu.memref_slice %arg2[%dma_wait3A_65, %dma_wait3A_66] : memref<10240x16xf32, #tpu.memory_space<hbm>> -> memref<10240x16xf32, #tpu.memory_space<hbm>>
      tpu.wait_indirect_dma semaphore(%arg15 : memref<!tpu.dma_semaphore, #tpu.memory_space<semaphore_mem>>) src(%dma_wait3A_67 : memref<10240x16xf32, #tpu.memory_space<hbm>>) dst(%arg10 : memref<128x16xf32, #tpu.memory_space<vmem>>)
      "tpu.region"() ({
        %run_scoped3A = tpu.sem_alloc : memref<!tpu.dma_semaphore, #tpu.memory_space<semaphore_mem>>
        %dma_start3A_107 = arith.constant 0 : i32
        %dma_start3A_108 = tpu.memref_slice %arg8[%add3A_60, %dma_start3A_107] : memref<40x128xi32, #tpu.memory_space<vmem>> -> memref<1x128xi32, #tpu.memory_space<vmem>>
        %dma_start3A_109 = tpu.memref_squeeze %dma_start3A_108 : memref<1x128xi32, #tpu.memory_space<vmem>> -> memref<128xi32, #tpu.memory_space<vmem>>
        %dma_start3A_110 = arith.constant 0 : i32
        %dma_start3A_111 = arith.constant 0 : i32
        %dma_start3A_112 = tpu.memref_slice %arg13[%dma_start3A_110, %dma_start3A_111] : memref<10240x16xf32, #tpu.memory_space<vmem_shared>> -> memref<10240x16xf32, #tpu.memory_space<vmem_shared>>
        tpu.enqueue_indirect_dma source(%arg10 : memref<128x16xf32, #tpu.memory_space<vmem>>) target(%dma_start3A_112 : memref<10240x16xf32, #tpu.memory_space<vmem_shared>>) offsets(%dma_start3A_109 : memref<128xi32, #tpu.memory_space<vmem>>) semaphore(%run_scoped3A : memref<!tpu.dma_semaphore, #tpu.memory_space<semaphore_mem>>) {add = true}
        %dma_wait3A_113 = arith.constant 0 : i32
        %dma_wait3A_114 = tpu.memref_slice %arg8[%add3A_60, %dma_wait3A_113] : memref<40x128xi32, #tpu.memory_space<vmem>> -> memref<1x128xi32, #tpu.memory_space<vmem>>
        %dma_wait3A_115 = tpu.memref_squeeze %dma_wait3A_114 : memref<1x128xi32, #tpu.memory_space<vmem>> -> memref<128xi32, #tpu.memory_space<vmem>>
        %dma_wait3A_116 = arith.constant 0 : i32
        %dma_wait3A_117 = arith.constant 0 : i32
        %dma_wait3A_118 = tpu.memref_slice %arg13[%dma_wait3A_116, %dma_wait3A_117] : memref<10240x16xf32, #tpu.memory_space<vmem_shared>> -> memref<10240x16xf32, #tpu.memory_space<vmem_shared>>
        tpu.wait_indirect_dma semaphore(%run_scoped3A : memref<!tpu.dma_semaphore, #tpu.memory_space<semaphore_mem>>) src(%arg10 : memref<128x16xf32, #tpu.memory_space<vmem>>) dst(%dma_wait3A_118 : memref<10240x16xf32, #tpu.memory_space<vmem_shared>>)
        tpu.yield
      }) : () -> ()
      %add3A_68 = arith.constant 4 : i32
      %add3A_69 = arith.addi %add3A_60, %add3A_68 : i32
      %lt3A_70 = arith.constant 40 : i32
      %lt3A_71 = arith.cmpi slt, %add3A_69, %lt3A_70 : i32
      %convert_element_type3A_72 = arith.extui %lt3A_71 : i1 to i32
      %cond3A_73 = arith.constant 0 : i32
      %cond3A_74 = arith.cmpi ne, %convert_element_type3A_72, %cond3A_73 : i32
      scf.if %cond3A_74 {
        %add3A_107 = arith.constant 4 : i32
        %add3A_108 = arith.addi %add3A_60, %add3A_107 : i32
        %dma_start3A_109 = arith.constant 0 : i32
        %dma_start3A_110 = tpu.memref_slice %arg7[%add3A_108, %dma_start3A_109] : memref<40x128xi32, #tpu.memory_space<vmem>> -> memref<1x128xi32, #tpu.memory_space<vmem>>
        %dma_start3A_111 = tpu.memref_squeeze %dma_start3A_110 : memref<1x128xi32, #tpu.memory_space<vmem>> -> memref<128xi32, #tpu.memory_space<vmem>>
        %dma_start3A_112 = arith.constant 0 : i32
        %dma_start3A_113 = arith.constant 0 : i32
        %dma_start3A_114 = tpu.memref_slice %arg2[%dma_start3A_112, %dma_start3A_113] : memref<10240x16xf32, #tpu.memory_space<hbm>> -> memref<10240x16xf32, #tpu.memory_space<hbm>>
        tpu.enqueue_indirect_dma source(%dma_start3A_114 : memref<10240x16xf32, #tpu.memory_space<hbm>>) target(%arg10 : memref<128x16xf32, #tpu.memory_space<vmem>>) offsets(%dma_start3A_111 : memref<128xi32, #tpu.memory_space<vmem>>) semaphore(%arg15 : memref<!tpu.dma_semaphore, #tpu.memory_space<semaphore_mem>>)
      } else {
      }
      %add3A_75 = arith.constant 2 : i32
      %add3A_76 = arith.addi %mul3A_46, %add3A_75 : i32
      %dma_wait3A_77 = arith.constant 2 : i32
      %dma_wait3A_78 = arith.constant 0 : i32
      %dma_wait3A_79 = tpu.memref_slice %arg7[%dma_wait3A_77, %dma_wait3A_78] : memref<40x128xi32, #tpu.memory_space<vmem>> -> memref<1x128xi32, #tpu.memory_space<vmem>>
      %dma_wait3A_80 = tpu.memref_squeeze %dma_wait3A_79 : memref<1x128xi32, #tpu.memory_space<vmem>> -> memref<128xi32, #tpu.memory_space<vmem>>
      %dma_wait3A_81 = arith.constant 0 : i32
      %dma_wait3A_82 = arith.constant 0 : i32
      %dma_wait3A_83 = tpu.memref_slice %arg2[%dma_wait3A_81, %dma_wait3A_82] : memref<10240x16xf32, #tpu.memory_space<hbm>> -> memref<10240x16xf32, #tpu.memory_space<hbm>>
      tpu.wait_indirect_dma semaphore(%arg16 : memref<!tpu.dma_semaphore, #tpu.memory_space<semaphore_mem>>) src(%dma_wait3A_83 : memref<10240x16xf32, #tpu.memory_space<hbm>>) dst(%arg11 : memref<128x16xf32, #tpu.memory_space<vmem>>)
      "tpu.region"() ({
        %run_scoped3A = tpu.sem_alloc : memref<!tpu.dma_semaphore, #tpu.memory_space<semaphore_mem>>
        %dma_start3A_107 = arith.constant 0 : i32
        %dma_start3A_108 = tpu.memref_slice %arg8[%add3A_76, %dma_start3A_107] : memref<40x128xi32, #tpu.memory_space<vmem>> -> memref<1x128xi32, #tpu.memory_space<vmem>>
        %dma_start3A_109 = tpu.memref_squeeze %dma_start3A_108 : memref<1x128xi32, #tpu.memory_space<vmem>> -> memref<128xi32, #tpu.memory_space<vmem>>
        %dma_start3A_110 = arith.constant 0 : i32
        %dma_start3A_111 = arith.constant 0 : i32
        %dma_start3A_112 = tpu.memref_slice %arg13[%dma_start3A_110, %dma_start3A_111] : memref<10240x16xf32, #tpu.memory_space<vmem_shared>> -> memref<10240x16xf32, #tpu.memory_space<vmem_shared>>
        tpu.enqueue_indirect_dma source(%arg11 : memref<128x16xf32, #tpu.memory_space<vmem>>) target(%dma_start3A_112 : memref<10240x16xf32, #tpu.memory_space<vmem_shared>>) offsets(%dma_start3A_109 : memref<128xi32, #tpu.memory_space<vmem>>) semaphore(%run_scoped3A : memref<!tpu.dma_semaphore, #tpu.memory_space<semaphore_mem>>) {add = true}
        %dma_wait3A_113 = arith.constant 0 : i32
        %dma_wait3A_114 = tpu.memref_slice %arg8[%add3A_76, %dma_wait3A_113] : memref<40x128xi32, #tpu.memory_space<vmem>> -> memref<1x128xi32, #tpu.memory_space<vmem>>
        %dma_wait3A_115 = tpu.memref_squeeze %dma_wait3A_114 : memref<1x128xi32, #tpu.memory_space<vmem>> -> memref<128xi32, #tpu.memory_space<vmem>>
        %dma_wait3A_116 = arith.constant 0 : i32
        %dma_wait3A_117 = arith.constant 0 : i32
        %dma_wait3A_118 = tpu.memref_slice %arg13[%dma_wait3A_116, %dma_wait3A_117] : memref<10240x16xf32, #tpu.memory_space<vmem_shared>> -> memref<10240x16xf32, #tpu.memory_space<vmem_shared>>
        tpu.wait_indirect_dma semaphore(%run_scoped3A : memref<!tpu.dma_semaphore, #tpu.memory_space<semaphore_mem>>) src(%arg11 : memref<128x16xf32, #tpu.memory_space<vmem>>) dst(%dma_wait3A_118 : memref<10240x16xf32, #tpu.memory_space<vmem_shared>>)
        tpu.yield
      }) : () -> ()
      %add3A_84 = arith.constant 4 : i32
      %add3A_85 = arith.addi %add3A_76, %add3A_84 : i32
      %lt3A_86 = arith.constant 40 : i32
      %lt3A_87 = arith.cmpi slt, %add3A_85, %lt3A_86 : i32
      %convert_element_type3A_88 = arith.extui %lt3A_87 : i1 to i32
      %cond3A_89 = arith.constant 0 : i32
      %cond3A_90 = arith.cmpi ne, %convert_element_type3A_88, %cond3A_89 : i32
      scf.if %cond3A_90 {
        %add3A_107 = arith.constant 4 : i32
        %add3A_108 = arith.addi %add3A_76, %add3A_107 : i32
        %dma_start3A_109 = arith.constant 0 : i32
        %dma_start3A_110 = tpu.memref_slice %arg7[%add3A_108, %dma_start3A_109] : memref<40x128xi32, #tpu.memory_space<vmem>> -> memref<1x128xi32, #tpu.memory_space<vmem>>
        %dma_start3A_111 = tpu.memref_squeeze %dma_start3A_110 : memref<1x128xi32, #tpu.memory_space<vmem>> -> memref<128xi32, #tpu.memory_space<vmem>>
        %dma_start3A_112 = arith.constant 0 : i32
        %dma_start3A_113 = arith.constant 0 : i32
        %dma_start3A_114 = tpu.memref_slice %arg2[%dma_start3A_112, %dma_start3A_113] : memref<10240x16xf32, #tpu.memory_space<hbm>> -> memref<10240x16xf32, #tpu.memory_space<hbm>>
        tpu.enqueue_indirect_dma source(%dma_start3A_114 : memref<10240x16xf32, #tpu.memory_space<hbm>>) target(%arg11 : memref<128x16xf32, #tpu.memory_space<vmem>>) offsets(%dma_start3A_111 : memref<128xi32, #tpu.memory_space<vmem>>) semaphore(%arg16 : memref<!tpu.dma_semaphore, #tpu.memory_space<semaphore_mem>>)
      } else {
      }
      %add3A_91 = arith.constant 3 : i32
      %add3A_92 = arith.addi %mul3A_46, %add3A_91 : i32
      %dma_wait3A_93 = arith.constant 3 : i32
      %dma_wait3A_94 = arith.constant 0 : i32
      %dma_wait3A_95 = tpu.memref_slice %arg7[%dma_wait3A_93, %dma_wait3A_94] : memref<40x128xi32, #tpu.memory_space<vmem>> -> memref<1x128xi32, #tpu.memory_space<vmem>>
      %dma_wait3A_96 = tpu.memref_squeeze %dma_wait3A_95 : memref<1x128xi32, #tpu.memory_space<vmem>> -> memref<128xi32, #tpu.memory_space<vmem>>
      %dma_wait3A_97 = arith.constant 0 : i32
      %dma_wait3A_98 = arith.constant 0 : i32
      %dma_wait3A_99 = tpu.memref_slice %arg2[%dma_wait3A_97, %dma_wait3A_98] : memref<10240x16xf32, #tpu.memory_space<hbm>> -> memref<10240x16xf32, #tpu.memory_space<hbm>>
      tpu.wait_indirect_dma semaphore(%arg17 : memref<!tpu.dma_semaphore, #tpu.memory_space<semaphore_mem>>) src(%dma_wait3A_99 : memref<10240x16xf32, #tpu.memory_space<hbm>>) dst(%arg12 : memref<128x16xf32, #tpu.memory_space<vmem>>)
      "tpu.region"() ({
        %run_scoped3A = tpu.sem_alloc : memref<!tpu.dma_semaphore, #tpu.memory_space<semaphore_mem>>
        %dma_start3A_107 = arith.constant 0 : i32
        %dma_start3A_108 = tpu.memref_slice %arg8[%add3A_92, %dma_start3A_107] : memref<40x128xi32, #tpu.memory_space<vmem>> -> memref<1x128xi32, #tpu.memory_space<vmem>>
        %dma_start3A_109 = tpu.memref_squeeze %dma_start3A_108 : memref<1x128xi32, #tpu.memory_space<vmem>> -> memref<128xi32, #tpu.memory_space<vmem>>
        %dma_start3A_110 = arith.constant 0 : i32
        %dma_start3A_111 = arith.constant 0 : i32
        %dma_start3A_112 = tpu.memref_slice %arg13[%dma_start3A_110, %dma_start3A_111] : memref<10240x16xf32, #tpu.memory_space<vmem_shared>> -> memref<10240x16xf32, #tpu.memory_space<vmem_shared>>
        tpu.enqueue_indirect_dma source(%arg12 : memref<128x16xf32, #tpu.memory_space<vmem>>) target(%dma_start3A_112 : memref<10240x16xf32, #tpu.memory_space<vmem_shared>>) offsets(%dma_start3A_109 : memref<128xi32, #tpu.memory_space<vmem>>) semaphore(%run_scoped3A : memref<!tpu.dma_semaphore, #tpu.memory_space<semaphore_mem>>) {add = true}
        %dma_wait3A_113 = arith.constant 0 : i32
        %dma_wait3A_114 = tpu.memref_slice %arg8[%add3A_92, %dma_wait3A_113] : memref<40x128xi32, #tpu.memory_space<vmem>> -> memref<1x128xi32, #tpu.memory_space<vmem>>
        %dma_wait3A_115 = tpu.memref_squeeze %dma_wait3A_114 : memref<1x128xi32, #tpu.memory_space<vmem>> -> memref<128xi32, #tpu.memory_space<vmem>>
        %dma_wait3A_116 = arith.constant 0 : i32
        %dma_wait3A_117 = arith.constant 0 : i32
        %dma_wait3A_118 = tpu.memref_slice %arg13[%dma_wait3A_116, %dma_wait3A_117] : memref<10240x16xf32, #tpu.memory_space<vmem_shared>> -> memref<10240x16xf32, #tpu.memory_space<vmem_shared>>
        tpu.wait_indirect_dma semaphore(%run_scoped3A : memref<!tpu.dma_semaphore, #tpu.memory_space<semaphore_mem>>) src(%arg12 : memref<128x16xf32, #tpu.memory_space<vmem>>) dst(%dma_wait3A_118 : memref<10240x16xf32, #tpu.memory_space<vmem_shared>>)
        tpu.yield
      }) : () -> ()
      %add3A_100 = arith.constant 4 : i32
      %add3A_101 = arith.addi %add3A_92, %add3A_100 : i32
      %lt3A_102 = arith.constant 40 : i32
      %lt3A_103 = arith.cmpi slt, %add3A_101, %lt3A_102 : i32
      %convert_element_type3A_104 = arith.extui %lt3A_103 : i1 to i32
      %cond3A_105 = arith.constant 0 : i32
      %cond3A_106 = arith.cmpi ne, %convert_element_type3A_104, %cond3A_105 : i32
      scf.if %cond3A_106 {
        %add3A_107 = arith.constant 4 : i32
        %add3A_108 = arith.addi %add3A_92, %add3A_107 : i32
        %dma_start3A_109 = arith.constant 0 : i32
        %dma_start3A_110 = tpu.memref_slice %arg7[%add3A_108, %dma_start3A_109] : memref<40x128xi32, #tpu.memory_space<vmem>> -> memref<1x128xi32, #tpu.memory_space<vmem>>
        %dma_start3A_111 = tpu.memref_squeeze %dma_start3A_110 : memref<1x128xi32, #tpu.memory_space<vmem>> -> memref<128xi32, #tpu.memory_space<vmem>>
        %dma_start3A_112 = arith.constant 0 : i32
        %dma_start3A_113 = arith.constant 0 : i32
        %dma_start3A_114 = tpu.memref_slice %arg2[%dma_start3A_112, %dma_start3A_113] : memref<10240x16xf32, #tpu.memory_space<hbm>> -> memref<10240x16xf32, #tpu.memory_space<hbm>>
        tpu.enqueue_indirect_dma source(%dma_start3A_114 : memref<10240x16xf32, #tpu.memory_space<hbm>>) target(%arg12 : memref<128x16xf32, #tpu.memory_space<vmem>>) offsets(%dma_start3A_111 : memref<128xi32, #tpu.memory_space<vmem>>) semaphore(%arg17 : memref<!tpu.dma_semaphore, #tpu.memory_space<semaphore_mem>>)
      } else {
      }
    }
    %scan3A_38 = arith.constant 10 : i32
    %barrier3A_39 = arith.constant 0 : index
    tpu.barrier barrier_id(%barrier3A_39)
    %mul3A_40 = arith.constant 640 : i32
    %mul3A_41 = arith.muli %arg1, %mul3A_40 : i32
    %mul3A_42 = arith.constant 640 : i32
    %mul3A_43 = arith.muli %arg1, %mul3A_42 : i32
    "tpu.region"() ({
      %run_scoped3A = tpu.sem_alloc : memref<!tpu.dma_semaphore, #tpu.memory_space<semaphore_mem>>
      %dma_start3A_44 = arith.constant 0 : i32
      %dma_start3A_45 = arith.constant 0 : i32
      %dma_start3A_46 = tpu.memref_slice %arg6[%arg0, %dma_start3A_44, %dma_start3A_45] : memref<2x10240x16xf32, #tpu.memory_space<hbm>> -> memref<1x10240x16xf32, #tpu.memory_space<hbm>>
      %dma_start3A_47 = tpu.memref_squeeze %dma_start3A_46 : memref<1x10240x16xf32, #tpu.memory_space<hbm>> -> memref<10240x16xf32, #tpu.memory_space<hbm>>
      %dma_start3A_48 = arith.constant 0 : i32
      %dma_start3A_49 = tpu.memref_slice %dma_start3A_47[%mul3A_43, %dma_start3A_48] : memref<10240x16xf32, #tpu.memory_space<hbm>> -> memref<640x16xf32, #tpu.memory_space<hbm>>
      %dma_start3A_50 = arith.constant 0 : i32
      %dma_start3A_51 = tpu.memref_slice %arg13[%mul3A_41, %dma_start3A_50] : memref<10240x16xf32, #tpu.memory_space<vmem_shared>> -> memref<640x16xf32, #tpu.memory_space<vmem_shared>>
      tpu.enqueue_dma source(%dma_start3A_51 : memref<640x16xf32, #tpu.memory_space<vmem_shared>>) target(%dma_start3A_49 : memref<640x16xf32, #tpu.memory_space<hbm>>) target_semaphore(%run_scoped3A : memref<!tpu.dma_semaphore, #tpu.memory_space<semaphore_mem>>)
      %dma_wait3A = arith.constant 0 : i32
      %dma_wait3A_52 = arith.constant 0 : i32
      %dma_wait3A_53 = tpu.memref_slice %arg6[%arg0, %dma_wait3A, %dma_wait3A_52] : memref<2x10240x16xf32, #tpu.memory_space<hbm>> -> memref<1x10240x16xf32, #tpu.memory_space<hbm>>
      %dma_wait3A_54 = tpu.memref_squeeze %dma_wait3A_53 : memref<1x10240x16xf32, #tpu.memory_space<hbm>> -> memref<10240x16xf32, #tpu.memory_space<hbm>>
      %dma_wait3A_55 = arith.constant 0 : i32
      %dma_wait3A_56 = tpu.memref_slice %dma_wait3A_54[%mul3A_43, %dma_wait3A_55] : memref<10240x16xf32, #tpu.memory_space<hbm>> -> memref<640x16xf32, #tpu.memory_space<hbm>>
      %dma_wait3A_57 = arith.constant 0 : i32
      %dma_wait3A_58 = tpu.memref_slice %arg13[%mul3A_41, %dma_wait3A_57] : memref<10240x16xf32, #tpu.memory_space<vmem_shared>> -> memref<640x16xf32, #tpu.memory_space<vmem_shared>>
      tpu.wait_dma2 semaphore(%run_scoped3A : memref<!tpu.dma_semaphore, #tpu.memory_space<semaphore_mem>>) src(%dma_wait3A_58 : memref<640x16xf32, #tpu.memory_space<vmem_shared>>) dst(%dma_wait3A_56 : memref<640x16xf32, #tpu.memory_space<hbm>>)
      tpu.yield
    }) : () -> ()
    return
  }
}

#map = affine_map<(d0, d1) -> (0, 0)>
#map1 = affine_map<(d0, d1) -> (0, 0, 0)>
module attributes {stable_mosaic.version = 14 : i64} {
  func.func @agg(%arg0: i32, %arg1: i32, %arg2: memref<10240x128xf32, #tpu.memory_space<hbm>>, %arg3: memref<1280x128xi32, #tpu.memory_space<hbm>>, %arg4: memref<1280x128xi32, #tpu.memory_space<hbm>>, %arg5: memref<10240x128xf32, #tpu.memory_space<hbm>>, %arg6: memref<2x10240x128xf32, #tpu.memory_space<hbm>>, %arg7: memref<40x128xi32, #tpu.memory_space<vmem>>, %arg8: memref<40x128xi32, #tpu.memory_space<vmem>>, %arg9: memref<128x128xf32, #tpu.memory_space<vmem>>, %arg10: memref<128x128xf32, #tpu.memory_space<vmem>>, %arg11: memref<10240x128xf32, #tpu.memory_space<vmem_shared>>, %arg12: memref<!tpu.dma_semaphore, #tpu.memory_space<semaphore_mem>>, %arg13: memref<!tpu.dma_semaphore, #tpu.memory_space<semaphore_mem>>) attributes {dimension_semantics = [#tpu.dimension_semantics<core_parallel>, #tpu.dimension_semantics<subcore_parallel>], iteration_bounds = array<i64: 2, 16>, scalar_prefetch = 0 : i64, scratch_operands = 7 : i64, tpu.core_type = #tpu.core_type<sc_vector_subcore>, window_params = [{transform_indices = #map}, {transform_indices = #map}, {transform_indices = #map}, {transform_indices = #map}, {transform_indices = #map1}]} {
    %mul3A = arith.constant 2 : i32
    %mul3A_0 = arith.muli %arg1, %mul3A : i32
    %add3A = arith.addi %mul3A_0, %arg0 : i32
    %mul3A_1 = arith.constant 640 : i32
    %mul3A_2 = arith.muli %arg1, %mul3A_1 : i32
    %mul3A_3 = arith.constant 640 : i32
    %mul3A_4 = arith.muli %arg1, %mul3A_3 : i32
    "tpu.region"() ({
      %run_scoped3A = tpu.sem_alloc : memref<!tpu.dma_semaphore, #tpu.memory_space<semaphore_mem>>
      %dma_start3A_30 = arith.constant 0 : i32
      %dma_start3A_31 = tpu.memref_slice %arg11[%mul3A_4, %dma_start3A_30] : memref<10240x128xf32, #tpu.memory_space<vmem_shared>> -> memref<640x128xf32, #tpu.memory_space<vmem_shared>>
      %dma_start3A_32 = arith.constant 0 : i32
      %dma_start3A_33 = tpu.memref_slice %arg5[%mul3A_2, %dma_start3A_32] : memref<10240x128xf32, #tpu.memory_space<hbm>> -> memref<640x128xf32, #tpu.memory_space<hbm>>
      tpu.enqueue_dma source(%dma_start3A_33 : memref<640x128xf32, #tpu.memory_space<hbm>>) target(%dma_start3A_31 : memref<640x128xf32, #tpu.memory_space<vmem_shared>>) target_semaphore(%run_scoped3A : memref<!tpu.dma_semaphore, #tpu.memory_space<semaphore_mem>>)
      %dma_wait3A = arith.constant 0 : i32
      %dma_wait3A_34 = tpu.memref_slice %arg11[%mul3A_4, %dma_wait3A] : memref<10240x128xf32, #tpu.memory_space<vmem_shared>> -> memref<640x128xf32, #tpu.memory_space<vmem_shared>>
      %dma_wait3A_35 = arith.constant 0 : i32
      %dma_wait3A_36 = tpu.memref_slice %arg5[%mul3A_2, %dma_wait3A_35] : memref<10240x128xf32, #tpu.memory_space<hbm>> -> memref<640x128xf32, #tpu.memory_space<hbm>>
      tpu.wait_dma2 semaphore(%run_scoped3A : memref<!tpu.dma_semaphore, #tpu.memory_space<semaphore_mem>>) src(%dma_wait3A_36 : memref<640x128xf32, #tpu.memory_space<hbm>>) dst(%dma_wait3A_34 : memref<640x128xf32, #tpu.memory_space<vmem_shared>>)
      tpu.yield
    }) : () -> ()
    %barrier3A = arith.constant 0 : index
    tpu.barrier barrier_id(%barrier3A)
    %mul3A_5 = arith.constant 40 : i32
    %mul3A_6 = arith.muli %add3A, %mul3A_5 : i32
    "tpu.region"() ({
      %run_scoped3A = tpu.sem_alloc : memref<!tpu.dma_semaphore, #tpu.memory_space<semaphore_mem>>
      %dma_start3A_30 = arith.constant 0 : i32
      %dma_start3A_31 = tpu.memref_slice %arg3[%mul3A_6, %dma_start3A_30] : memref<1280x128xi32, #tpu.memory_space<hbm>> -> memref<40x128xi32, #tpu.memory_space<hbm>>
      %dma_start3A_32 = arith.constant 0 : i32
      %dma_start3A_33 = tpu.memref_slice %arg3[%mul3A_6, %dma_start3A_32] : memref<1280x128xi32, #tpu.memory_space<hbm>> -> memref<40x128xi32, #tpu.memory_space<hbm>>
      tpu.enqueue_dma source(%dma_start3A_33 : memref<40x128xi32, #tpu.memory_space<hbm>>) target(%arg7 : memref<40x128xi32, #tpu.memory_space<vmem>>) target_semaphore(%run_scoped3A : memref<!tpu.dma_semaphore, #tpu.memory_space<semaphore_mem>>)
      %dma_wait3A = arith.constant 0 : i32
      %dma_wait3A_34 = tpu.memref_slice %arg3[%mul3A_6, %dma_wait3A] : memref<1280x128xi32, #tpu.memory_space<hbm>> -> memref<40x128xi32, #tpu.memory_space<hbm>>
      %dma_wait3A_35 = arith.constant 0 : i32
      %dma_wait3A_36 = tpu.memref_slice %arg3[%mul3A_6, %dma_wait3A_35] : memref<1280x128xi32, #tpu.memory_space<hbm>> -> memref<40x128xi32, #tpu.memory_space<hbm>>
      tpu.wait_dma2 semaphore(%run_scoped3A : memref<!tpu.dma_semaphore, #tpu.memory_space<semaphore_mem>>) src(%dma_wait3A_36 : memref<40x128xi32, #tpu.memory_space<hbm>>) dst(%arg7 : memref<40x128xi32, #tpu.memory_space<vmem>>)
      tpu.yield
    }) : () -> ()
    "tpu.region"() ({
      %run_scoped3A = tpu.sem_alloc : memref<!tpu.dma_semaphore, #tpu.memory_space<semaphore_mem>>
      %dma_start3A_30 = arith.constant 0 : i32
      %dma_start3A_31 = tpu.memref_slice %arg4[%mul3A_6, %dma_start3A_30] : memref<1280x128xi32, #tpu.memory_space<hbm>> -> memref<40x128xi32, #tpu.memory_space<hbm>>
      %dma_start3A_32 = arith.constant 0 : i32
      %dma_start3A_33 = tpu.memref_slice %arg4[%mul3A_6, %dma_start3A_32] : memref<1280x128xi32, #tpu.memory_space<hbm>> -> memref<40x128xi32, #tpu.memory_space<hbm>>
      tpu.enqueue_dma source(%dma_start3A_33 : memref<40x128xi32, #tpu.memory_space<hbm>>) target(%arg8 : memref<40x128xi32, #tpu.memory_space<vmem>>) target_semaphore(%run_scoped3A : memref<!tpu.dma_semaphore, #tpu.memory_space<semaphore_mem>>)
      %dma_wait3A = arith.constant 0 : i32
      %dma_wait3A_34 = tpu.memref_slice %arg4[%mul3A_6, %dma_wait3A] : memref<1280x128xi32, #tpu.memory_space<hbm>> -> memref<40x128xi32, #tpu.memory_space<hbm>>
      %dma_wait3A_35 = arith.constant 0 : i32
      %dma_wait3A_36 = tpu.memref_slice %arg4[%mul3A_6, %dma_wait3A_35] : memref<1280x128xi32, #tpu.memory_space<hbm>> -> memref<40x128xi32, #tpu.memory_space<hbm>>
      tpu.wait_dma2 semaphore(%run_scoped3A : memref<!tpu.dma_semaphore, #tpu.memory_space<semaphore_mem>>) src(%dma_wait3A_36 : memref<40x128xi32, #tpu.memory_space<hbm>>) dst(%arg8 : memref<40x128xi32, #tpu.memory_space<vmem>>)
      tpu.yield
    }) : () -> ()
    %dma_start3A = arith.constant 0 : i32
    %dma_start3A_7 = arith.constant 0 : i32
    %dma_start3A_8 = tpu.memref_slice %arg7[%dma_start3A, %dma_start3A_7] : memref<40x128xi32, #tpu.memory_space<vmem>> -> memref<1x128xi32, #tpu.memory_space<vmem>>
    %dma_start3A_9 = tpu.memref_squeeze %dma_start3A_8 : memref<1x128xi32, #tpu.memory_space<vmem>> -> memref<128xi32, #tpu.memory_space<vmem>>
    %dma_start3A_10 = arith.constant 0 : i32
    %dma_start3A_11 = arith.constant 0 : i32
    %dma_start3A_12 = tpu.memref_slice %arg2[%dma_start3A_10, %dma_start3A_11] : memref<10240x128xf32, #tpu.memory_space<hbm>> -> memref<10240x128xf32, #tpu.memory_space<hbm>>
    tpu.enqueue_indirect_dma source(%dma_start3A_12 : memref<10240x128xf32, #tpu.memory_space<hbm>>) target(%arg9 : memref<128x128xf32, #tpu.memory_space<vmem>>) offsets(%dma_start3A_9 : memref<128xi32, #tpu.memory_space<vmem>>) semaphore(%arg12 : memref<!tpu.dma_semaphore, #tpu.memory_space<semaphore_mem>>)
    %dma_start3A_13 = arith.constant 1 : i32
    %dma_start3A_14 = arith.constant 0 : i32
    %dma_start3A_15 = tpu.memref_slice %arg7[%dma_start3A_13, %dma_start3A_14] : memref<40x128xi32, #tpu.memory_space<vmem>> -> memref<1x128xi32, #tpu.memory_space<vmem>>
    %dma_start3A_16 = tpu.memref_squeeze %dma_start3A_15 : memref<1x128xi32, #tpu.memory_space<vmem>> -> memref<128xi32, #tpu.memory_space<vmem>>
    %dma_start3A_17 = arith.constant 0 : i32
    %dma_start3A_18 = arith.constant 0 : i32
    %dma_start3A_19 = tpu.memref_slice %arg2[%dma_start3A_17, %dma_start3A_18] : memref<10240x128xf32, #tpu.memory_space<hbm>> -> memref<10240x128xf32, #tpu.memory_space<hbm>>
    tpu.enqueue_indirect_dma source(%dma_start3A_19 : memref<10240x128xf32, #tpu.memory_space<hbm>>) target(%arg10 : memref<128x128xf32, #tpu.memory_space<vmem>>) offsets(%dma_start3A_16 : memref<128xi32, #tpu.memory_space<vmem>>) semaphore(%arg13 : memref<!tpu.dma_semaphore, #tpu.memory_space<semaphore_mem>>)
    %scan3A = arith.constant 0 : i32
    %scan3A_20 = arith.constant 0 : i32
    %scan3A_21 = arith.constant 20 : i32
    %scan3A_22 = arith.addi %scan3A_20, %scan3A_21 : i32
    %scan3A_23 = arith.constant 1 : i32
    scf.for %scan3A_30 = %scan3A_20 to %scan3A_22 step %scan3A_23  : i32 {
      %mul3A_31 = arith.constant 2 : i32
      %mul3A_32 = arith.muli %mul3A_31, %scan3A_30 : i32
      %add3A_33 = arith.constant 0 : i32
      %add3A_34 = arith.addi %mul3A_32, %add3A_33 : i32
      %dma_wait3A = arith.constant 0 : i32
      %dma_wait3A_35 = arith.constant 0 : i32
      %dma_wait3A_36 = tpu.memref_slice %arg7[%dma_wait3A, %dma_wait3A_35] : memref<40x128xi32, #tpu.memory_space<vmem>> -> memref<1x128xi32, #tpu.memory_space<vmem>>
      %dma_wait3A_37 = tpu.memref_squeeze %dma_wait3A_36 : memref<1x128xi32, #tpu.memory_space<vmem>> -> memref<128xi32, #tpu.memory_space<vmem>>
      %dma_wait3A_38 = arith.constant 0 : i32
      %dma_wait3A_39 = arith.constant 0 : i32
      %dma_wait3A_40 = tpu.memref_slice %arg2[%dma_wait3A_38, %dma_wait3A_39] : memref<10240x128xf32, #tpu.memory_space<hbm>> -> memref<10240x128xf32, #tpu.memory_space<hbm>>
      tpu.wait_indirect_dma semaphore(%arg12 : memref<!tpu.dma_semaphore, #tpu.memory_space<semaphore_mem>>) src(%dma_wait3A_40 : memref<10240x128xf32, #tpu.memory_space<hbm>>) dst(%arg9 : memref<128x128xf32, #tpu.memory_space<vmem>>)
      "tpu.region"() ({
        %run_scoped3A = tpu.sem_alloc : memref<!tpu.dma_semaphore, #tpu.memory_space<semaphore_mem>>
        %dma_start3A_61 = arith.constant 0 : i32
        %dma_start3A_62 = tpu.memref_slice %arg8[%add3A_34, %dma_start3A_61] : memref<40x128xi32, #tpu.memory_space<vmem>> -> memref<1x128xi32, #tpu.memory_space<vmem>>
        %dma_start3A_63 = tpu.memref_squeeze %dma_start3A_62 : memref<1x128xi32, #tpu.memory_space<vmem>> -> memref<128xi32, #tpu.memory_space<vmem>>
        %dma_start3A_64 = arith.constant 0 : i32
        %dma_start3A_65 = arith.constant 0 : i32
        %dma_start3A_66 = tpu.memref_slice %arg11[%dma_start3A_64, %dma_start3A_65] : memref<10240x128xf32, #tpu.memory_space<vmem_shared>> -> memref<10240x128xf32, #tpu.memory_space<vmem_shared>>
        tpu.enqueue_indirect_dma source(%arg9 : memref<128x128xf32, #tpu.memory_space<vmem>>) target(%dma_start3A_66 : memref<10240x128xf32, #tpu.memory_space<vmem_shared>>) offsets(%dma_start3A_63 : memref<128xi32, #tpu.memory_space<vmem>>) semaphore(%run_scoped3A : memref<!tpu.dma_semaphore, #tpu.memory_space<semaphore_mem>>) {add = true}
        %dma_wait3A_67 = arith.constant 0 : i32
        %dma_wait3A_68 = tpu.memref_slice %arg8[%add3A_34, %dma_wait3A_67] : memref<40x128xi32, #tpu.memory_space<vmem>> -> memref<1x128xi32, #tpu.memory_space<vmem>>
        %dma_wait3A_69 = tpu.memref_squeeze %dma_wait3A_68 : memref<1x128xi32, #tpu.memory_space<vmem>> -> memref<128xi32, #tpu.memory_space<vmem>>
        %dma_wait3A_70 = arith.constant 0 : i32
        %dma_wait3A_71 = arith.constant 0 : i32
        %dma_wait3A_72 = tpu.memref_slice %arg11[%dma_wait3A_70, %dma_wait3A_71] : memref<10240x128xf32, #tpu.memory_space<vmem_shared>> -> memref<10240x128xf32, #tpu.memory_space<vmem_shared>>
        tpu.wait_indirect_dma semaphore(%run_scoped3A : memref<!tpu.dma_semaphore, #tpu.memory_space<semaphore_mem>>) src(%arg9 : memref<128x128xf32, #tpu.memory_space<vmem>>) dst(%dma_wait3A_72 : memref<10240x128xf32, #tpu.memory_space<vmem_shared>>)
        tpu.yield
      }) : () -> ()
      %add3A_41 = arith.constant 2 : i32
      %add3A_42 = arith.addi %add3A_34, %add3A_41 : i32
      %lt3A = arith.constant 40 : i32
      %lt3A_43 = arith.cmpi slt, %add3A_42, %lt3A : i32
      %convert_element_type3A = arith.extui %lt3A_43 : i1 to i32
      %cond3A = arith.constant 0 : i32
      %cond3A_44 = arith.cmpi ne, %convert_element_type3A, %cond3A : i32
      scf.if %cond3A_44 {
        %add3A_61 = arith.constant 2 : i32
        %add3A_62 = arith.addi %add3A_34, %add3A_61 : i32
        %dma_start3A_63 = arith.constant 0 : i32
        %dma_start3A_64 = tpu.memref_slice %arg7[%add3A_62, %dma_start3A_63] : memref<40x128xi32, #tpu.memory_space<vmem>> -> memref<1x128xi32, #tpu.memory_space<vmem>>
        %dma_start3A_65 = tpu.memref_squeeze %dma_start3A_64 : memref<1x128xi32, #tpu.memory_space<vmem>> -> memref<128xi32, #tpu.memory_space<vmem>>
        %dma_start3A_66 = arith.constant 0 : i32
        %dma_start3A_67 = arith.constant 0 : i32
        %dma_start3A_68 = tpu.memref_slice %arg2[%dma_start3A_66, %dma_start3A_67] : memref<10240x128xf32, #tpu.memory_space<hbm>> -> memref<10240x128xf32, #tpu.memory_space<hbm>>
        tpu.enqueue_indirect_dma source(%dma_start3A_68 : memref<10240x128xf32, #tpu.memory_space<hbm>>) target(%arg9 : memref<128x128xf32, #tpu.memory_space<vmem>>) offsets(%dma_start3A_65 : memref<128xi32, #tpu.memory_space<vmem>>) semaphore(%arg12 : memref<!tpu.dma_semaphore, #tpu.memory_space<semaphore_mem>>)
      } else {
      }
      %add3A_45 = arith.constant 1 : i32
      %add3A_46 = arith.addi %mul3A_32, %add3A_45 : i32
      %dma_wait3A_47 = arith.constant 1 : i32
      %dma_wait3A_48 = arith.constant 0 : i32
      %dma_wait3A_49 = tpu.memref_slice %arg7[%dma_wait3A_47, %dma_wait3A_48] : memref<40x128xi32, #tpu.memory_space<vmem>> -> memref<1x128xi32, #tpu.memory_space<vmem>>
      %dma_wait3A_50 = tpu.memref_squeeze %dma_wait3A_49 : memref<1x128xi32, #tpu.memory_space<vmem>> -> memref<128xi32, #tpu.memory_space<vmem>>
      %dma_wait3A_51 = arith.constant 0 : i32
      %dma_wait3A_52 = arith.constant 0 : i32
      %dma_wait3A_53 = tpu.memref_slice %arg2[%dma_wait3A_51, %dma_wait3A_52] : memref<10240x128xf32, #tpu.memory_space<hbm>> -> memref<10240x128xf32, #tpu.memory_space<hbm>>
      tpu.wait_indirect_dma semaphore(%arg13 : memref<!tpu.dma_semaphore, #tpu.memory_space<semaphore_mem>>) src(%dma_wait3A_53 : memref<10240x128xf32, #tpu.memory_space<hbm>>) dst(%arg10 : memref<128x128xf32, #tpu.memory_space<vmem>>)
      "tpu.region"() ({
        %run_scoped3A = tpu.sem_alloc : memref<!tpu.dma_semaphore, #tpu.memory_space<semaphore_mem>>
        %dma_start3A_61 = arith.constant 0 : i32
        %dma_start3A_62 = tpu.memref_slice %arg8[%add3A_46, %dma_start3A_61] : memref<40x128xi32, #tpu.memory_space<vmem>> -> memref<1x128xi32, #tpu.memory_space<vmem>>
        %dma_start3A_63 = tpu.memref_squeeze %dma_start3A_62 : memref<1x128xi32, #tpu.memory_space<vmem>> -> memref<128xi32, #tpu.memory_space<vmem>>
        %dma_start3A_64 = arith.constant 0 : i32
        %dma_start3A_65 = arith.constant 0 : i32
        %dma_start3A_66 = tpu.memref_slice %arg11[%dma_start3A_64, %dma_start3A_65] : memref<10240x128xf32, #tpu.memory_space<vmem_shared>> -> memref<10240x128xf32, #tpu.memory_space<vmem_shared>>
        tpu.enqueue_indirect_dma source(%arg10 : memref<128x128xf32, #tpu.memory_space<vmem>>) target(%dma_start3A_66 : memref<10240x128xf32, #tpu.memory_space<vmem_shared>>) offsets(%dma_start3A_63 : memref<128xi32, #tpu.memory_space<vmem>>) semaphore(%run_scoped3A : memref<!tpu.dma_semaphore, #tpu.memory_space<semaphore_mem>>) {add = true}
        %dma_wait3A_67 = arith.constant 0 : i32
        %dma_wait3A_68 = tpu.memref_slice %arg8[%add3A_46, %dma_wait3A_67] : memref<40x128xi32, #tpu.memory_space<vmem>> -> memref<1x128xi32, #tpu.memory_space<vmem>>
        %dma_wait3A_69 = tpu.memref_squeeze %dma_wait3A_68 : memref<1x128xi32, #tpu.memory_space<vmem>> -> memref<128xi32, #tpu.memory_space<vmem>>
        %dma_wait3A_70 = arith.constant 0 : i32
        %dma_wait3A_71 = arith.constant 0 : i32
        %dma_wait3A_72 = tpu.memref_slice %arg11[%dma_wait3A_70, %dma_wait3A_71] : memref<10240x128xf32, #tpu.memory_space<vmem_shared>> -> memref<10240x128xf32, #tpu.memory_space<vmem_shared>>
        tpu.wait_indirect_dma semaphore(%run_scoped3A : memref<!tpu.dma_semaphore, #tpu.memory_space<semaphore_mem>>) src(%arg10 : memref<128x128xf32, #tpu.memory_space<vmem>>) dst(%dma_wait3A_72 : memref<10240x128xf32, #tpu.memory_space<vmem_shared>>)
        tpu.yield
      }) : () -> ()
      %add3A_54 = arith.constant 2 : i32
      %add3A_55 = arith.addi %add3A_46, %add3A_54 : i32
      %lt3A_56 = arith.constant 40 : i32
      %lt3A_57 = arith.cmpi slt, %add3A_55, %lt3A_56 : i32
      %convert_element_type3A_58 = arith.extui %lt3A_57 : i1 to i32
      %cond3A_59 = arith.constant 0 : i32
      %cond3A_60 = arith.cmpi ne, %convert_element_type3A_58, %cond3A_59 : i32
      scf.if %cond3A_60 {
        %add3A_61 = arith.constant 2 : i32
        %add3A_62 = arith.addi %add3A_46, %add3A_61 : i32
        %dma_start3A_63 = arith.constant 0 : i32
        %dma_start3A_64 = tpu.memref_slice %arg7[%add3A_62, %dma_start3A_63] : memref<40x128xi32, #tpu.memory_space<vmem>> -> memref<1x128xi32, #tpu.memory_space<vmem>>
        %dma_start3A_65 = tpu.memref_squeeze %dma_start3A_64 : memref<1x128xi32, #tpu.memory_space<vmem>> -> memref<128xi32, #tpu.memory_space<vmem>>
        %dma_start3A_66 = arith.constant 0 : i32
        %dma_start3A_67 = arith.constant 0 : i32
        %dma_start3A_68 = tpu.memref_slice %arg2[%dma_start3A_66, %dma_start3A_67] : memref<10240x128xf32, #tpu.memory_space<hbm>> -> memref<10240x128xf32, #tpu.memory_space<hbm>>
        tpu.enqueue_indirect_dma source(%dma_start3A_68 : memref<10240x128xf32, #tpu.memory_space<hbm>>) target(%arg10 : memref<128x128xf32, #tpu.memory_space<vmem>>) offsets(%dma_start3A_65 : memref<128xi32, #tpu.memory_space<vmem>>) semaphore(%arg13 : memref<!tpu.dma_semaphore, #tpu.memory_space<semaphore_mem>>)
      } else {
      }
    }
    %scan3A_24 = arith.constant 20 : i32
    %barrier3A_25 = arith.constant 0 : index
    tpu.barrier barrier_id(%barrier3A_25)
    %mul3A_26 = arith.constant 640 : i32
    %mul3A_27 = arith.muli %arg1, %mul3A_26 : i32
    %mul3A_28 = arith.constant 640 : i32
    %mul3A_29 = arith.muli %arg1, %mul3A_28 : i32
    "tpu.region"() ({
      %run_scoped3A = tpu.sem_alloc : memref<!tpu.dma_semaphore, #tpu.memory_space<semaphore_mem>>
      %dma_start3A_30 = arith.constant 0 : i32
      %dma_start3A_31 = arith.constant 0 : i32
      %dma_start3A_32 = tpu.memref_slice %arg6[%arg0, %dma_start3A_30, %dma_start3A_31] : memref<2x10240x128xf32, #tpu.memory_space<hbm>> -> memref<1x10240x128xf32, #tpu.memory_space<hbm>>
      %dma_start3A_33 = tpu.memref_squeeze %dma_start3A_32 : memref<1x10240x128xf32, #tpu.memory_space<hbm>> -> memref<10240x128xf32, #tpu.memory_space<hbm>>
      %dma_start3A_34 = arith.constant 0 : i32
      %dma_start3A_35 = tpu.memref_slice %dma_start3A_33[%mul3A_29, %dma_start3A_34] : memref<10240x128xf32, #tpu.memory_space<hbm>> -> memref<640x128xf32, #tpu.memory_space<hbm>>
      %dma_start3A_36 = arith.constant 0 : i32
      %dma_start3A_37 = tpu.memref_slice %arg11[%mul3A_27, %dma_start3A_36] : memref<10240x128xf32, #tpu.memory_space<vmem_shared>> -> memref<640x128xf32, #tpu.memory_space<vmem_shared>>
      tpu.enqueue_dma source(%dma_start3A_37 : memref<640x128xf32, #tpu.memory_space<vmem_shared>>) target(%dma_start3A_35 : memref<640x128xf32, #tpu.memory_space<hbm>>) target_semaphore(%run_scoped3A : memref<!tpu.dma_semaphore, #tpu.memory_space<semaphore_mem>>)
      %dma_wait3A = arith.constant 0 : i32
      %dma_wait3A_38 = arith.constant 0 : i32
      %dma_wait3A_39 = tpu.memref_slice %arg6[%arg0, %dma_wait3A, %dma_wait3A_38] : memref<2x10240x128xf32, #tpu.memory_space<hbm>> -> memref<1x10240x128xf32, #tpu.memory_space<hbm>>
      %dma_wait3A_40 = tpu.memref_squeeze %dma_wait3A_39 : memref<1x10240x128xf32, #tpu.memory_space<hbm>> -> memref<10240x128xf32, #tpu.memory_space<hbm>>
      %dma_wait3A_41 = arith.constant 0 : i32
      %dma_wait3A_42 = tpu.memref_slice %dma_wait3A_40[%mul3A_29, %dma_wait3A_41] : memref<10240x128xf32, #tpu.memory_space<hbm>> -> memref<640x128xf32, #tpu.memory_space<hbm>>
      %dma_wait3A_43 = arith.constant 0 : i32
      %dma_wait3A_44 = tpu.memref_slice %arg11[%mul3A_27, %dma_wait3A_43] : memref<10240x128xf32, #tpu.memory_space<vmem_shared>> -> memref<640x128xf32, #tpu.memory_space<vmem_shared>>
      tpu.wait_dma2 semaphore(%run_scoped3A : memref<!tpu.dma_semaphore, #tpu.memory_space<semaphore_mem>>) src(%dma_wait3A_44 : memref<640x128xf32, #tpu.memory_space<vmem_shared>>) dst(%dma_wait3A_42 : memref<640x128xf32, #tpu.memory_space<hbm>>)
      tpu.yield
    }) : () -> ()
    return
  }
}

#map = affine_map<(d0, d1) -> (0, 0)>
#map1 = affine_map<(d0, d1) -> (0, 0, 0)>
module attributes {stable_mosaic.version = 14 : i64} {
  func.func @agg(%arg0: i32, %arg1: i32, %arg2: memref<10240x16xf32, #tpu.memory_space<hbm>>, %arg3: memref<1280x128xi32, #tpu.memory_space<hbm>>, %arg4: memref<1280x128xi32, #tpu.memory_space<hbm>>, %arg5: memref<10240x16xf32, #tpu.memory_space<hbm>>, %arg6: memref<2x10240x16xf32, #tpu.memory_space<hbm>>, %arg7: memref<40x128xi32, #tpu.memory_space<vmem>>, %arg8: memref<40x128xi32, #tpu.memory_space<vmem>>, %arg9: memref<128x16xf32, #tpu.memory_space<vmem>>, %arg10: memref<128x16xf32, #tpu.memory_space<vmem>>, %arg11: memref<128x16xf32, #tpu.memory_space<vmem>>, %arg12: memref<128x16xf32, #tpu.memory_space<vmem>>, %arg13: memref<10240x16xf32, #tpu.memory_space<vmem_shared>>, %arg14: memref<!tpu.dma_semaphore, #tpu.memory_space<semaphore_mem>>, %arg15: memref<!tpu.dma_semaphore, #tpu.memory_space<semaphore_mem>>, %arg16: memref<!tpu.dma_semaphore, #tpu.memory_space<semaphore_mem>>, %arg17: memref<!tpu.dma_semaphore, #tpu.memory_space<semaphore_mem>>) attributes {dimension_semantics = [#tpu.dimension_semantics<core_parallel>, #tpu.dimension_semantics<subcore_parallel>], iteration_bounds = array<i64: 2, 16>, scalar_prefetch = 0 : i64, scratch_operands = 11 : i64, tpu.core_type = #tpu.core_type<sc_vector_subcore>, window_params = [{transform_indices = #map}, {transform_indices = #map}, {transform_indices = #map}, {transform_indices = #map}, {transform_indices = #map1}]} {
    %mul3A = arith.constant 2 : i32
    %mul3A_0 = arith.muli %arg1, %mul3A : i32
    %add3A = arith.addi %mul3A_0, %arg0 : i32
    %mul3A_1 = arith.constant 640 : i32
    %mul3A_2 = arith.muli %arg1, %mul3A_1 : i32
    %mul3A_3 = arith.constant 640 : i32
    %mul3A_4 = arith.muli %arg1, %mul3A_3 : i32
    "tpu.region"() ({
      %run_scoped3A = tpu.sem_alloc : memref<!tpu.dma_semaphore, #tpu.memory_space<semaphore_mem>>
      %dma_start3A_44 = arith.constant 0 : i32
      %dma_start3A_45 = tpu.memref_slice %arg13[%mul3A_4, %dma_start3A_44] : memref<10240x16xf32, #tpu.memory_space<vmem_shared>> -> memref<640x16xf32, #tpu.memory_space<vmem_shared>>
      %dma_start3A_46 = arith.constant 0 : i32
      %dma_start3A_47 = tpu.memref_slice %arg5[%mul3A_2, %dma_start3A_46] : memref<10240x16xf32, #tpu.memory_space<hbm>> -> memref<640x16xf32, #tpu.memory_space<hbm>>
      tpu.enqueue_dma source(%dma_start3A_47 : memref<640x16xf32, #tpu.memory_space<hbm>>) target(%dma_start3A_45 : memref<640x16xf32, #tpu.memory_space<vmem_shared>>) target_semaphore(%run_scoped3A : memref<!tpu.dma_semaphore, #tpu.memory_space<semaphore_mem>>)
      %dma_wait3A = arith.constant 0 : i32
      %dma_wait3A_48 = tpu.memref_slice %arg13[%mul3A_4, %dma_wait3A] : memref<10240x16xf32, #tpu.memory_space<vmem_shared>> -> memref<640x16xf32, #tpu.memory_space<vmem_shared>>
      %dma_wait3A_49 = arith.constant 0 : i32
      %dma_wait3A_50 = tpu.memref_slice %arg5[%mul3A_2, %dma_wait3A_49] : memref<10240x16xf32, #tpu.memory_space<hbm>> -> memref<640x16xf32, #tpu.memory_space<hbm>>
      tpu.wait_dma2 semaphore(%run_scoped3A : memref<!tpu.dma_semaphore, #tpu.memory_space<semaphore_mem>>) src(%dma_wait3A_50 : memref<640x16xf32, #tpu.memory_space<hbm>>) dst(%dma_wait3A_48 : memref<640x16xf32, #tpu.memory_space<vmem_shared>>)
      tpu.yield
    }) : () -> ()
    %barrier3A = arith.constant 0 : index
    tpu.barrier barrier_id(%barrier3A)
    %mul3A_5 = arith.constant 40 : i32
    %mul3A_6 = arith.muli %add3A, %mul3A_5 : i32
    "tpu.region"() ({
      %run_scoped3A = tpu.sem_alloc : memref<!tpu.dma_semaphore, #tpu.memory_space<semaphore_mem>>
      %dma_start3A_44 = arith.constant 0 : i32
      %dma_start3A_45 = tpu.memref_slice %arg3[%mul3A_6, %dma_start3A_44] : memref<1280x128xi32, #tpu.memory_space<hbm>> -> memref<40x128xi32, #tpu.memory_space<hbm>>
      %dma_start3A_46 = arith.constant 0 : i32
      %dma_start3A_47 = tpu.memref_slice %arg3[%mul3A_6, %dma_start3A_46] : memref<1280x128xi32, #tpu.memory_space<hbm>> -> memref<40x128xi32, #tpu.memory_space<hbm>>
      tpu.enqueue_dma source(%dma_start3A_47 : memref<40x128xi32, #tpu.memory_space<hbm>>) target(%arg7 : memref<40x128xi32, #tpu.memory_space<vmem>>) target_semaphore(%run_scoped3A : memref<!tpu.dma_semaphore, #tpu.memory_space<semaphore_mem>>)
      %dma_wait3A = arith.constant 0 : i32
      %dma_wait3A_48 = tpu.memref_slice %arg3[%mul3A_6, %dma_wait3A] : memref<1280x128xi32, #tpu.memory_space<hbm>> -> memref<40x128xi32, #tpu.memory_space<hbm>>
      %dma_wait3A_49 = arith.constant 0 : i32
      %dma_wait3A_50 = tpu.memref_slice %arg3[%mul3A_6, %dma_wait3A_49] : memref<1280x128xi32, #tpu.memory_space<hbm>> -> memref<40x128xi32, #tpu.memory_space<hbm>>
      tpu.wait_dma2 semaphore(%run_scoped3A : memref<!tpu.dma_semaphore, #tpu.memory_space<semaphore_mem>>) src(%dma_wait3A_50 : memref<40x128xi32, #tpu.memory_space<hbm>>) dst(%arg7 : memref<40x128xi32, #tpu.memory_space<vmem>>)
      tpu.yield
    }) : () -> ()
    "tpu.region"() ({
      %run_scoped3A = tpu.sem_alloc : memref<!tpu.dma_semaphore, #tpu.memory_space<semaphore_mem>>
      %dma_start3A_44 = arith.constant 0 : i32
      %dma_start3A_45 = tpu.memref_slice %arg4[%mul3A_6, %dma_start3A_44] : memref<1280x128xi32, #tpu.memory_space<hbm>> -> memref<40x128xi32, #tpu.memory_space<hbm>>
      %dma_start3A_46 = arith.constant 0 : i32
      %dma_start3A_47 = tpu.memref_slice %arg4[%mul3A_6, %dma_start3A_46] : memref<1280x128xi32, #tpu.memory_space<hbm>> -> memref<40x128xi32, #tpu.memory_space<hbm>>
      tpu.enqueue_dma source(%dma_start3A_47 : memref<40x128xi32, #tpu.memory_space<hbm>>) target(%arg8 : memref<40x128xi32, #tpu.memory_space<vmem>>) target_semaphore(%run_scoped3A : memref<!tpu.dma_semaphore, #tpu.memory_space<semaphore_mem>>)
      %dma_wait3A = arith.constant 0 : i32
      %dma_wait3A_48 = tpu.memref_slice %arg4[%mul3A_6, %dma_wait3A] : memref<1280x128xi32, #tpu.memory_space<hbm>> -> memref<40x128xi32, #tpu.memory_space<hbm>>
      %dma_wait3A_49 = arith.constant 0 : i32
      %dma_wait3A_50 = tpu.memref_slice %arg4[%mul3A_6, %dma_wait3A_49] : memref<1280x128xi32, #tpu.memory_space<hbm>> -> memref<40x128xi32, #tpu.memory_space<hbm>>
      tpu.wait_dma2 semaphore(%run_scoped3A : memref<!tpu.dma_semaphore, #tpu.memory_space<semaphore_mem>>) src(%dma_wait3A_50 : memref<40x128xi32, #tpu.memory_space<hbm>>) dst(%arg8 : memref<40x128xi32, #tpu.memory_space<vmem>>)
      tpu.yield
    }) : () -> ()
    %dma_start3A = arith.constant 0 : i32
    %dma_start3A_7 = arith.constant 0 : i32
    %dma_start3A_8 = tpu.memref_slice %arg7[%dma_start3A, %dma_start3A_7] : memref<40x128xi32, #tpu.memory_space<vmem>> -> memref<1x128xi32, #tpu.memory_space<vmem>>
    %dma_start3A_9 = tpu.memref_squeeze %dma_start3A_8 : memref<1x128xi32, #tpu.memory_space<vmem>> -> memref<128xi32, #tpu.memory_space<vmem>>
    %dma_start3A_10 = arith.constant 0 : i32
    %dma_start3A_11 = arith.constant 0 : i32
    %dma_start3A_12 = tpu.memref_slice %arg2[%dma_start3A_10, %dma_start3A_11] : memref<10240x16xf32, #tpu.memory_space<hbm>> -> memref<10240x16xf32, #tpu.memory_space<hbm>>
    tpu.enqueue_indirect_dma source(%dma_start3A_12 : memref<10240x16xf32, #tpu.memory_space<hbm>>) target(%arg9 : memref<128x16xf32, #tpu.memory_space<vmem>>) offsets(%dma_start3A_9 : memref<128xi32, #tpu.memory_space<vmem>>) semaphore(%arg14 : memref<!tpu.dma_semaphore, #tpu.memory_space<semaphore_mem>>)
    %dma_start3A_13 = arith.constant 1 : i32
    %dma_start3A_14 = arith.constant 0 : i32
    %dma_start3A_15 = tpu.memref_slice %arg7[%dma_start3A_13, %dma_start3A_14] : memref<40x128xi32, #tpu.memory_space<vmem>> -> memref<1x128xi32, #tpu.memory_space<vmem>>
    %dma_start3A_16 = tpu.memref_squeeze %dma_start3A_15 : memref<1x128xi32, #tpu.memory_space<vmem>> -> memref<128xi32, #tpu.memory_space<vmem>>
    %dma_start3A_17 = arith.constant 0 : i32
    %dma_start3A_18 = arith.constant 0 : i32
    %dma_start3A_19 = tpu.memref_slice %arg2[%dma_start3A_17, %dma_start3A_18] : memref<10240x16xf32, #tpu.memory_space<hbm>> -> memref<10240x16xf32, #tpu.memory_space<hbm>>
    tpu.enqueue_indirect_dma source(%dma_start3A_19 : memref<10240x16xf32, #tpu.memory_space<hbm>>) target(%arg10 : memref<128x16xf32, #tpu.memory_space<vmem>>) offsets(%dma_start3A_16 : memref<128xi32, #tpu.memory_space<vmem>>) semaphore(%arg15 : memref<!tpu.dma_semaphore, #tpu.memory_space<semaphore_mem>>)
    %dma_start3A_20 = arith.constant 2 : i32
    %dma_start3A_21 = arith.constant 0 : i32
    %dma_start3A_22 = tpu.memref_slice %arg7[%dma_start3A_20, %dma_start3A_21] : memref<40x128xi32, #tpu.memory_space<vmem>> -> memref<1x128xi32, #tpu.memory_space<vmem>>
    %dma_start3A_23 = tpu.memref_squeeze %dma_start3A_22 : memref<1x128xi32, #tpu.memory_space<vmem>> -> memref<128xi32, #tpu.memory_space<vmem>>
    %dma_start3A_24 = arith.constant 0 : i32
    %dma_start3A_25 = arith.constant 0 : i32
    %dma_start3A_26 = tpu.memref_slice %arg2[%dma_start3A_24, %dma_start3A_25] : memref<10240x16xf32, #tpu.memory_space<hbm>> -> memref<10240x16xf32, #tpu.memory_space<hbm>>
    tpu.enqueue_indirect_dma source(%dma_start3A_26 : memref<10240x16xf32, #tpu.memory_space<hbm>>) target(%arg11 : memref<128x16xf32, #tpu.memory_space<vmem>>) offsets(%dma_start3A_23 : memref<128xi32, #tpu.memory_space<vmem>>) semaphore(%arg16 : memref<!tpu.dma_semaphore, #tpu.memory_space<semaphore_mem>>)
    %dma_start3A_27 = arith.constant 3 : i32
    %dma_start3A_28 = arith.constant 0 : i32
    %dma_start3A_29 = tpu.memref_slice %arg7[%dma_start3A_27, %dma_start3A_28] : memref<40x128xi32, #tpu.memory_space<vmem>> -> memref<1x128xi32, #tpu.memory_space<vmem>>
    %dma_start3A_30 = tpu.memref_squeeze %dma_start3A_29 : memref<1x128xi32, #tpu.memory_space<vmem>> -> memref<128xi32, #tpu.memory_space<vmem>>
    %dma_start3A_31 = arith.constant 0 : i32
    %dma_start3A_32 = arith.constant 0 : i32
    %dma_start3A_33 = tpu.memref_slice %arg2[%dma_start3A_31, %dma_start3A_32] : memref<10240x16xf32, #tpu.memory_space<hbm>> -> memref<10240x16xf32, #tpu.memory_space<hbm>>
    tpu.enqueue_indirect_dma source(%dma_start3A_33 : memref<10240x16xf32, #tpu.memory_space<hbm>>) target(%arg12 : memref<128x16xf32, #tpu.memory_space<vmem>>) offsets(%dma_start3A_30 : memref<128xi32, #tpu.memory_space<vmem>>) semaphore(%arg17 : memref<!tpu.dma_semaphore, #tpu.memory_space<semaphore_mem>>)
    %scan3A = arith.constant 0 : i32
    %scan3A_34 = arith.constant 0 : i32
    %scan3A_35 = arith.constant 10 : i32
    %scan3A_36 = arith.addi %scan3A_34, %scan3A_35 : i32
    %scan3A_37 = arith.constant 1 : i32
    scf.for %scan3A_44 = %scan3A_34 to %scan3A_36 step %scan3A_37  : i32 {
      %mul3A_45 = arith.constant 4 : i32
      %mul3A_46 = arith.muli %mul3A_45, %scan3A_44 : i32
      %add3A_47 = arith.constant 0 : i32
      %add3A_48 = arith.addi %mul3A_46, %add3A_47 : i32
      %dma_wait3A = arith.constant 0 : i32
      %dma_wait3A_49 = arith.constant 0 : i32
      %dma_wait3A_50 = tpu.memref_slice %arg7[%dma_wait3A, %dma_wait3A_49] : memref<40x128xi32, #tpu.memory_space<vmem>> -> memref<1x128xi32, #tpu.memory_space<vmem>>
      %dma_wait3A_51 = tpu.memref_squeeze %dma_wait3A_50 : memref<1x128xi32, #tpu.memory_space<vmem>> -> memref<128xi32, #tpu.memory_space<vmem>>
      %dma_wait3A_52 = arith.constant 0 : i32
      %dma_wait3A_53 = arith.constant 0 : i32
      %dma_wait3A_54 = tpu.memref_slice %arg2[%dma_wait3A_52, %dma_wait3A_53] : memref<10240x16xf32, #tpu.memory_space<hbm>> -> memref<10240x16xf32, #tpu.memory_space<hbm>>
      tpu.wait_indirect_dma semaphore(%arg14 : memref<!tpu.dma_semaphore, #tpu.memory_space<semaphore_mem>>) src(%dma_wait3A_54 : memref<10240x16xf32, #tpu.memory_space<hbm>>) dst(%arg9 : memref<128x16xf32, #tpu.memory_space<vmem>>)
      "tpu.region"() ({
        %run_scoped3A = tpu.sem_alloc : memref<!tpu.dma_semaphore, #tpu.memory_space<semaphore_mem>>
        %dma_start3A_107 = arith.constant 0 : i32
        %dma_start3A_108 = tpu.memref_slice %arg8[%add3A_48, %dma_start3A_107] : memref<40x128xi32, #tpu.memory_space<vmem>> -> memref<1x128xi32, #tpu.memory_space<vmem>>
        %dma_start3A_109 = tpu.memref_squeeze %dma_start3A_108 : memref<1x128xi32, #tpu.memory_space<vmem>> -> memref<128xi32, #tpu.memory_space<vmem>>
        %dma_start3A_110 = arith.constant 0 : i32
        %dma_start3A_111 = arith.constant 0 : i32
        %dma_start3A_112 = tpu.memref_slice %arg13[%dma_start3A_110, %dma_start3A_111] : memref<10240x16xf32, #tpu.memory_space<vmem_shared>> -> memref<10240x16xf32, #tpu.memory_space<vmem_shared>>
        tpu.enqueue_indirect_dma source(%arg9 : memref<128x16xf32, #tpu.memory_space<vmem>>) target(%dma_start3A_112 : memref<10240x16xf32, #tpu.memory_space<vmem_shared>>) offsets(%dma_start3A_109 : memref<128xi32, #tpu.memory_space<vmem>>) semaphore(%run_scoped3A : memref<!tpu.dma_semaphore, #tpu.memory_space<semaphore_mem>>) {add = true}
        %dma_wait3A_113 = arith.constant 0 : i32
        %dma_wait3A_114 = tpu.memref_slice %arg8[%add3A_48, %dma_wait3A_113] : memref<40x128xi32, #tpu.memory_space<vmem>> -> memref<1x128xi32, #tpu.memory_space<vmem>>
        %dma_wait3A_115 = tpu.memref_squeeze %dma_wait3A_114 : memref<1x128xi32, #tpu.memory_space<vmem>> -> memref<128xi32, #tpu.memory_space<vmem>>
        %dma_wait3A_116 = arith.constant 0 : i32
        %dma_wait3A_117 = arith.constant 0 : i32
        %dma_wait3A_118 = tpu.memref_slice %arg13[%dma_wait3A_116, %dma_wait3A_117] : memref<10240x16xf32, #tpu.memory_space<vmem_shared>> -> memref<10240x16xf32, #tpu.memory_space<vmem_shared>>
        tpu.wait_indirect_dma semaphore(%run_scoped3A : memref<!tpu.dma_semaphore, #tpu.memory_space<semaphore_mem>>) src(%arg9 : memref<128x16xf32, #tpu.memory_space<vmem>>) dst(%dma_wait3A_118 : memref<10240x16xf32, #tpu.memory_space<vmem_shared>>)
        tpu.yield
      }) : () -> ()
      %add3A_55 = arith.constant 4 : i32
      %add3A_56 = arith.addi %add3A_48, %add3A_55 : i32
      %lt3A = arith.constant 40 : i32
      %lt3A_57 = arith.cmpi slt, %add3A_56, %lt3A : i32
      %convert_element_type3A = arith.extui %lt3A_57 : i1 to i32
      %cond3A = arith.constant 0 : i32
      %cond3A_58 = arith.cmpi ne, %convert_element_type3A, %cond3A : i32
      scf.if %cond3A_58 {
        %add3A_107 = arith.constant 4 : i32
        %add3A_108 = arith.addi %add3A_48, %add3A_107 : i32
        %dma_start3A_109 = arith.constant 0 : i32
        %dma_start3A_110 = tpu.memref_slice %arg7[%add3A_108, %dma_start3A_109] : memref<40x128xi32, #tpu.memory_space<vmem>> -> memref<1x128xi32, #tpu.memory_space<vmem>>
        %dma_start3A_111 = tpu.memref_squeeze %dma_start3A_110 : memref<1x128xi32, #tpu.memory_space<vmem>> -> memref<128xi32, #tpu.memory_space<vmem>>
        %dma_start3A_112 = arith.constant 0 : i32
        %dma_start3A_113 = arith.constant 0 : i32
        %dma_start3A_114 = tpu.memref_slice %arg2[%dma_start3A_112, %dma_start3A_113] : memref<10240x16xf32, #tpu.memory_space<hbm>> -> memref<10240x16xf32, #tpu.memory_space<hbm>>
        tpu.enqueue_indirect_dma source(%dma_start3A_114 : memref<10240x16xf32, #tpu.memory_space<hbm>>) target(%arg9 : memref<128x16xf32, #tpu.memory_space<vmem>>) offsets(%dma_start3A_111 : memref<128xi32, #tpu.memory_space<vmem>>) semaphore(%arg14 : memref<!tpu.dma_semaphore, #tpu.memory_space<semaphore_mem>>)
      } else {
      }
      %add3A_59 = arith.constant 1 : i32
      %add3A_60 = arith.addi %mul3A_46, %add3A_59 : i32
      %dma_wait3A_61 = arith.constant 1 : i32
      %dma_wait3A_62 = arith.constant 0 : i32
      %dma_wait3A_63 = tpu.memref_slice %arg7[%dma_wait3A_61, %dma_wait3A_62] : memref<40x128xi32, #tpu.memory_space<vmem>> -> memref<1x128xi32, #tpu.memory_space<vmem>>
      %dma_wait3A_64 = tpu.memref_squeeze %dma_wait3A_63 : memref<1x128xi32, #tpu.memory_space<vmem>> -> memref<128xi32, #tpu.memory_space<vmem>>
      %dma_wait3A_65 = arith.constant 0 : i32
      %dma_wait3A_66 = arith.constant 0 : i32
      %dma_wait3A_67 = tpu.memref_slice %arg2[%dma_wait3A_65, %dma_wait3A_66] : memref<10240x16xf32, #tpu.memory_space<hbm>> -> memref<10240x16xf32, #tpu.memory_space<hbm>>
      tpu.wait_indirect_dma semaphore(%arg15 : memref<!tpu.dma_semaphore, #tpu.memory_space<semaphore_mem>>) src(%dma_wait3A_67 : memref<10240x16xf32, #tpu.memory_space<hbm>>) dst(%arg10 : memref<128x16xf32, #tpu.memory_space<vmem>>)
      "tpu.region"() ({
        %run_scoped3A = tpu.sem_alloc : memref<!tpu.dma_semaphore, #tpu.memory_space<semaphore_mem>>
        %dma_start3A_107 = arith.constant 0 : i32
        %dma_start3A_108 = tpu.memref_slice %arg8[%add3A_60, %dma_start3A_107] : memref<40x128xi32, #tpu.memory_space<vmem>> -> memref<1x128xi32, #tpu.memory_space<vmem>>
        %dma_start3A_109 = tpu.memref_squeeze %dma_start3A_108 : memref<1x128xi32, #tpu.memory_space<vmem>> -> memref<128xi32, #tpu.memory_space<vmem>>
        %dma_start3A_110 = arith.constant 0 : i32
        %dma_start3A_111 = arith.constant 0 : i32
        %dma_start3A_112 = tpu.memref_slice %arg13[%dma_start3A_110, %dma_start3A_111] : memref<10240x16xf32, #tpu.memory_space<vmem_shared>> -> memref<10240x16xf32, #tpu.memory_space<vmem_shared>>
        tpu.enqueue_indirect_dma source(%arg10 : memref<128x16xf32, #tpu.memory_space<vmem>>) target(%dma_start3A_112 : memref<10240x16xf32, #tpu.memory_space<vmem_shared>>) offsets(%dma_start3A_109 : memref<128xi32, #tpu.memory_space<vmem>>) semaphore(%run_scoped3A : memref<!tpu.dma_semaphore, #tpu.memory_space<semaphore_mem>>) {add = true}
        %dma_wait3A_113 = arith.constant 0 : i32
        %dma_wait3A_114 = tpu.memref_slice %arg8[%add3A_60, %dma_wait3A_113] : memref<40x128xi32, #tpu.memory_space<vmem>> -> memref<1x128xi32, #tpu.memory_space<vmem>>
        %dma_wait3A_115 = tpu.memref_squeeze %dma_wait3A_114 : memref<1x128xi32, #tpu.memory_space<vmem>> -> memref<128xi32, #tpu.memory_space<vmem>>
        %dma_wait3A_116 = arith.constant 0 : i32
        %dma_wait3A_117 = arith.constant 0 : i32
        %dma_wait3A_118 = tpu.memref_slice %arg13[%dma_wait3A_116, %dma_wait3A_117] : memref<10240x16xf32, #tpu.memory_space<vmem_shared>> -> memref<10240x16xf32, #tpu.memory_space<vmem_shared>>
        tpu.wait_indirect_dma semaphore(%run_scoped3A : memref<!tpu.dma_semaphore, #tpu.memory_space<semaphore_mem>>) src(%arg10 : memref<128x16xf32, #tpu.memory_space<vmem>>) dst(%dma_wait3A_118 : memref<10240x16xf32, #tpu.memory_space<vmem_shared>>)
        tpu.yield
      }) : () -> ()
      %add3A_68 = arith.constant 4 : i32
      %add3A_69 = arith.addi %add3A_60, %add3A_68 : i32
      %lt3A_70 = arith.constant 40 : i32
      %lt3A_71 = arith.cmpi slt, %add3A_69, %lt3A_70 : i32
      %convert_element_type3A_72 = arith.extui %lt3A_71 : i1 to i32
      %cond3A_73 = arith.constant 0 : i32
      %cond3A_74 = arith.cmpi ne, %convert_element_type3A_72, %cond3A_73 : i32
      scf.if %cond3A_74 {
        %add3A_107 = arith.constant 4 : i32
        %add3A_108 = arith.addi %add3A_60, %add3A_107 : i32
        %dma_start3A_109 = arith.constant 0 : i32
        %dma_start3A_110 = tpu.memref_slice %arg7[%add3A_108, %dma_start3A_109] : memref<40x128xi32, #tpu.memory_space<vmem>> -> memref<1x128xi32, #tpu.memory_space<vmem>>
        %dma_start3A_111 = tpu.memref_squeeze %dma_start3A_110 : memref<1x128xi32, #tpu.memory_space<vmem>> -> memref<128xi32, #tpu.memory_space<vmem>>
        %dma_start3A_112 = arith.constant 0 : i32
        %dma_start3A_113 = arith.constant 0 : i32
        %dma_start3A_114 = tpu.memref_slice %arg2[%dma_start3A_112, %dma_start3A_113] : memref<10240x16xf32, #tpu.memory_space<hbm>> -> memref<10240x16xf32, #tpu.memory_space<hbm>>
        tpu.enqueue_indirect_dma source(%dma_start3A_114 : memref<10240x16xf32, #tpu.memory_space<hbm>>) target(%arg10 : memref<128x16xf32, #tpu.memory_space<vmem>>) offsets(%dma_start3A_111 : memref<128xi32, #tpu.memory_space<vmem>>) semaphore(%arg15 : memref<!tpu.dma_semaphore, #tpu.memory_space<semaphore_mem>>)
      } else {
      }
      %add3A_75 = arith.constant 2 : i32
      %add3A_76 = arith.addi %mul3A_46, %add3A_75 : i32
      %dma_wait3A_77 = arith.constant 2 : i32
      %dma_wait3A_78 = arith.constant 0 : i32
      %dma_wait3A_79 = tpu.memref_slice %arg7[%dma_wait3A_77, %dma_wait3A_78] : memref<40x128xi32, #tpu.memory_space<vmem>> -> memref<1x128xi32, #tpu.memory_space<vmem>>
      %dma_wait3A_80 = tpu.memref_squeeze %dma_wait3A_79 : memref<1x128xi32, #tpu.memory_space<vmem>> -> memref<128xi32, #tpu.memory_space<vmem>>
      %dma_wait3A_81 = arith.constant 0 : i32
      %dma_wait3A_82 = arith.constant 0 : i32
      %dma_wait3A_83 = tpu.memref_slice %arg2[%dma_wait3A_81, %dma_wait3A_82] : memref<10240x16xf32, #tpu.memory_space<hbm>> -> memref<10240x16xf32, #tpu.memory_space<hbm>>
      tpu.wait_indirect_dma semaphore(%arg16 : memref<!tpu.dma_semaphore, #tpu.memory_space<semaphore_mem>>) src(%dma_wait3A_83 : memref<10240x16xf32, #tpu.memory_space<hbm>>) dst(%arg11 : memref<128x16xf32, #tpu.memory_space<vmem>>)
      "tpu.region"() ({
        %run_scoped3A = tpu.sem_alloc : memref<!tpu.dma_semaphore, #tpu.memory_space<semaphore_mem>>
        %dma_start3A_107 = arith.constant 0 : i32
        %dma_start3A_108 = tpu.memref_slice %arg8[%add3A_76, %dma_start3A_107] : memref<40x128xi32, #tpu.memory_space<vmem>> -> memref<1x128xi32, #tpu.memory_space<vmem>>
        %dma_start3A_109 = tpu.memref_squeeze %dma_start3A_108 : memref<1x128xi32, #tpu.memory_space<vmem>> -> memref<128xi32, #tpu.memory_space<vmem>>
        %dma_start3A_110 = arith.constant 0 : i32
        %dma_start3A_111 = arith.constant 0 : i32
        %dma_start3A_112 = tpu.memref_slice %arg13[%dma_start3A_110, %dma_start3A_111] : memref<10240x16xf32, #tpu.memory_space<vmem_shared>> -> memref<10240x16xf32, #tpu.memory_space<vmem_shared>>
        tpu.enqueue_indirect_dma source(%arg11 : memref<128x16xf32, #tpu.memory_space<vmem>>) target(%dma_start3A_112 : memref<10240x16xf32, #tpu.memory_space<vmem_shared>>) offsets(%dma_start3A_109 : memref<128xi32, #tpu.memory_space<vmem>>) semaphore(%run_scoped3A : memref<!tpu.dma_semaphore, #tpu.memory_space<semaphore_mem>>) {add = true}
        %dma_wait3A_113 = arith.constant 0 : i32
        %dma_wait3A_114 = tpu.memref_slice %arg8[%add3A_76, %dma_wait3A_113] : memref<40x128xi32, #tpu.memory_space<vmem>> -> memref<1x128xi32, #tpu.memory_space<vmem>>
        %dma_wait3A_115 = tpu.memref_squeeze %dma_wait3A_114 : memref<1x128xi32, #tpu.memory_space<vmem>> -> memref<128xi32, #tpu.memory_space<vmem>>
        %dma_wait3A_116 = arith.constant 0 : i32
        %dma_wait3A_117 = arith.constant 0 : i32
        %dma_wait3A_118 = tpu.memref_slice %arg13[%dma_wait3A_116, %dma_wait3A_117] : memref<10240x16xf32, #tpu.memory_space<vmem_shared>> -> memref<10240x16xf32, #tpu.memory_space<vmem_shared>>
        tpu.wait_indirect_dma semaphore(%run_scoped3A : memref<!tpu.dma_semaphore, #tpu.memory_space<semaphore_mem>>) src(%arg11 : memref<128x16xf32, #tpu.memory_space<vmem>>) dst(%dma_wait3A_118 : memref<10240x16xf32, #tpu.memory_space<vmem_shared>>)
        tpu.yield
      }) : () -> ()
      %add3A_84 = arith.constant 4 : i32
      %add3A_85 = arith.addi %add3A_76, %add3A_84 : i32
      %lt3A_86 = arith.constant 40 : i32
      %lt3A_87 = arith.cmpi slt, %add3A_85, %lt3A_86 : i32
      %convert_element_type3A_88 = arith.extui %lt3A_87 : i1 to i32
      %cond3A_89 = arith.constant 0 : i32
      %cond3A_90 = arith.cmpi ne, %convert_element_type3A_88, %cond3A_89 : i32
      scf.if %cond3A_90 {
        %add3A_107 = arith.constant 4 : i32
        %add3A_108 = arith.addi %add3A_76, %add3A_107 : i32
        %dma_start3A_109 = arith.constant 0 : i32
        %dma_start3A_110 = tpu.memref_slice %arg7[%add3A_108, %dma_start3A_109] : memref<40x128xi32, #tpu.memory_space<vmem>> -> memref<1x128xi32, #tpu.memory_space<vmem>>
        %dma_start3A_111 = tpu.memref_squeeze %dma_start3A_110 : memref<1x128xi32, #tpu.memory_space<vmem>> -> memref<128xi32, #tpu.memory_space<vmem>>
        %dma_start3A_112 = arith.constant 0 : i32
        %dma_start3A_113 = arith.constant 0 : i32
        %dma_start3A_114 = tpu.memref_slice %arg2[%dma_start3A_112, %dma_start3A_113] : memref<10240x16xf32, #tpu.memory_space<hbm>> -> memref<10240x16xf32, #tpu.memory_space<hbm>>
        tpu.enqueue_indirect_dma source(%dma_start3A_114 : memref<10240x16xf32, #tpu.memory_space<hbm>>) target(%arg11 : memref<128x16xf32, #tpu.memory_space<vmem>>) offsets(%dma_start3A_111 : memref<128xi32, #tpu.memory_space<vmem>>) semaphore(%arg16 : memref<!tpu.dma_semaphore, #tpu.memory_space<semaphore_mem>>)
      } else {
      }
      %add3A_91 = arith.constant 3 : i32
      %add3A_92 = arith.addi %mul3A_46, %add3A_91 : i32
      %dma_wait3A_93 = arith.constant 3 : i32
      %dma_wait3A_94 = arith.constant 0 : i32
      %dma_wait3A_95 = tpu.memref_slice %arg7[%dma_wait3A_93, %dma_wait3A_94] : memref<40x128xi32, #tpu.memory_space<vmem>> -> memref<1x128xi32, #tpu.memory_space<vmem>>
      %dma_wait3A_96 = tpu.memref_squeeze %dma_wait3A_95 : memref<1x128xi32, #tpu.memory_space<vmem>> -> memref<128xi32, #tpu.memory_space<vmem>>
      %dma_wait3A_97 = arith.constant 0 : i32
      %dma_wait3A_98 = arith.constant 0 : i32
      %dma_wait3A_99 = tpu.memref_slice %arg2[%dma_wait3A_97, %dma_wait3A_98] : memref<10240x16xf32, #tpu.memory_space<hbm>> -> memref<10240x16xf32, #tpu.memory_space<hbm>>
      tpu.wait_indirect_dma semaphore(%arg17 : memref<!tpu.dma_semaphore, #tpu.memory_space<semaphore_mem>>) src(%dma_wait3A_99 : memref<10240x16xf32, #tpu.memory_space<hbm>>) dst(%arg12 : memref<128x16xf32, #tpu.memory_space<vmem>>)
      "tpu.region"() ({
        %run_scoped3A = tpu.sem_alloc : memref<!tpu.dma_semaphore, #tpu.memory_space<semaphore_mem>>
        %dma_start3A_107 = arith.constant 0 : i32
        %dma_start3A_108 = tpu.memref_slice %arg8[%add3A_92, %dma_start3A_107] : memref<40x128xi32, #tpu.memory_space<vmem>> -> memref<1x128xi32, #tpu.memory_space<vmem>>
        %dma_start3A_109 = tpu.memref_squeeze %dma_start3A_108 : memref<1x128xi32, #tpu.memory_space<vmem>> -> memref<128xi32, #tpu.memory_space<vmem>>
        %dma_start3A_110 = arith.constant 0 : i32
        %dma_start3A_111 = arith.constant 0 : i32
        %dma_start3A_112 = tpu.memref_slice %arg13[%dma_start3A_110, %dma_start3A_111] : memref<10240x16xf32, #tpu.memory_space<vmem_shared>> -> memref<10240x16xf32, #tpu.memory_space<vmem_shared>>
        tpu.enqueue_indirect_dma source(%arg12 : memref<128x16xf32, #tpu.memory_space<vmem>>) target(%dma_start3A_112 : memref<10240x16xf32, #tpu.memory_space<vmem_shared>>) offsets(%dma_start3A_109 : memref<128xi32, #tpu.memory_space<vmem>>) semaphore(%run_scoped3A : memref<!tpu.dma_semaphore, #tpu.memory_space<semaphore_mem>>) {add = true}
        %dma_wait3A_113 = arith.constant 0 : i32
        %dma_wait3A_114 = tpu.memref_slice %arg8[%add3A_92, %dma_wait3A_113] : memref<40x128xi32, #tpu.memory_space<vmem>> -> memref<1x128xi32, #tpu.memory_space<vmem>>
        %dma_wait3A_115 = tpu.memref_squeeze %dma_wait3A_114 : memref<1x128xi32, #tpu.memory_space<vmem>> -> memref<128xi32, #tpu.memory_space<vmem>>
        %dma_wait3A_116 = arith.constant 0 : i32
        %dma_wait3A_117 = arith.constant 0 : i32
        %dma_wait3A_118 = tpu.memref_slice %arg13[%dma_wait3A_116, %dma_wait3A_117] : memref<10240x16xf32, #tpu.memory_space<vmem_shared>> -> memref<10240x16xf32, #tpu.memory_space<vmem_shared>>
        tpu.wait_indirect_dma semaphore(%run_scoped3A : memref<!tpu.dma_semaphore, #tpu.memory_space<semaphore_mem>>) src(%arg12 : memref<128x16xf32, #tpu.memory_space<vmem>>) dst(%dma_wait3A_118 : memref<10240x16xf32, #tpu.memory_space<vmem_shared>>)
        tpu.yield
      }) : () -> ()
      %add3A_100 = arith.constant 4 : i32
      %add3A_101 = arith.addi %add3A_92, %add3A_100 : i32
      %lt3A_102 = arith.constant 40 : i32
      %lt3A_103 = arith.cmpi slt, %add3A_101, %lt3A_102 : i32
      %convert_element_type3A_104 = arith.extui %lt3A_103 : i1 to i32
      %cond3A_105 = arith.constant 0 : i32
      %cond3A_106 = arith.cmpi ne, %convert_element_type3A_104, %cond3A_105 : i32
      scf.if %cond3A_106 {
        %add3A_107 = arith.constant 4 : i32
        %add3A_108 = arith.addi %add3A_92, %add3A_107 : i32
        %dma_start3A_109 = arith.constant 0 : i32
        %dma_start3A_110 = tpu.memref_slice %arg7[%add3A_108, %dma_start3A_109] : memref<40x128xi32, #tpu.memory_space<vmem>> -> memref<1x128xi32, #tpu.memory_space<vmem>>
        %dma_start3A_111 = tpu.memref_squeeze %dma_start3A_110 : memref<1x128xi32, #tpu.memory_space<vmem>> -> memref<128xi32, #tpu.memory_space<vmem>>
        %dma_start3A_112 = arith.constant 0 : i32
        %dma_start3A_113 = arith.constant 0 : i32
        %dma_start3A_114 = tpu.memref_slice %arg2[%dma_start3A_112, %dma_start3A_113] : memref<10240x16xf32, #tpu.memory_space<hbm>> -> memref<10240x16xf32, #tpu.memory_space<hbm>>
        tpu.enqueue_indirect_dma source(%dma_start3A_114 : memref<10240x16xf32, #tpu.memory_space<hbm>>) target(%arg12 : memref<128x16xf32, #tpu.memory_space<vmem>>) offsets(%dma_start3A_111 : memref<128xi32, #tpu.memory_space<vmem>>) semaphore(%arg17 : memref<!tpu.dma_semaphore, #tpu.memory_space<semaphore_mem>>)
      } else {
      }
    }
    %scan3A_38 = arith.constant 10 : i32
    %barrier3A_39 = arith.constant 0 : index
    tpu.barrier barrier_id(%barrier3A_39)
    %mul3A_40 = arith.constant 640 : i32
    %mul3A_41 = arith.muli %arg1, %mul3A_40 : i32
    %mul3A_42 = arith.constant 640 : i32
    %mul3A_43 = arith.muli %arg1, %mul3A_42 : i32
    "tpu.region"() ({
      %run_scoped3A = tpu.sem_alloc : memref<!tpu.dma_semaphore, #tpu.memory_space<semaphore_mem>>
      %dma_start3A_44 = arith.constant 0 : i32
      %dma_start3A_45 = arith.constant 0 : i32
      %dma_start3A_46 = tpu.memref_slice %arg6[%arg0, %dma_start3A_44, %dma_start3A_45] : memref<2x10240x16xf32, #tpu.memory_space<hbm>> -> memref<1x10240x16xf32, #tpu.memory_space<hbm>>
      %dma_start3A_47 = tpu.memref_squeeze %dma_start3A_46 : memref<1x10240x16xf32, #tpu.memory_space<hbm>> -> memref<10240x16xf32, #tpu.memory_space<hbm>>
      %dma_start3A_48 = arith.constant 0 : i32
      %dma_start3A_49 = tpu.memref_slice %dma_start3A_47[%mul3A_43, %dma_start3A_48] : memref<10240x16xf32, #tpu.memory_space<hbm>> -> memref<640x16xf32, #tpu.memory_space<hbm>>
      %dma_start3A_50 = arith.constant 0 : i32
      %dma_start3A_51 = tpu.memref_slice %arg13[%mul3A_41, %dma_start3A_50] : memref<10240x16xf32, #tpu.memory_space<vmem_shared>> -> memref<640x16xf32, #tpu.memory_space<vmem_shared>>
      tpu.enqueue_dma source(%dma_start3A_51 : memref<640x16xf32, #tpu.memory_space<vmem_shared>>) target(%dma_start3A_49 : memref<640x16xf32, #tpu.memory_space<hbm>>) target_semaphore(%run_scoped3A : memref<!tpu.dma_semaphore, #tpu.memory_space<semaphore_mem>>)
      %dma_wait3A = arith.constant 0 : i32
      %dma_wait3A_52 = arith.constant 0 : i32
      %dma_wait3A_53 = tpu.memref_slice %arg6[%arg0, %dma_wait3A, %dma_wait3A_52] : memref<2x10240x16xf32, #tpu.memory_space<hbm>> -> memref<1x10240x16xf32, #tpu.memory_space<hbm>>
      %dma_wait3A_54 = tpu.memref_squeeze %dma_wait3A_53 : memref<1x10240x16xf32, #tpu.memory_space<hbm>> -> memref<10240x16xf32, #tpu.memory_space<hbm>>
      %dma_wait3A_55 = arith.constant 0 : i32
      %dma_wait3A_56 = tpu.memref_slice %dma_wait3A_54[%mul3A_43, %dma_wait3A_55] : memref<10240x16xf32, #tpu.memory_space<hbm>> -> memref<640x16xf32, #tpu.memory_space<hbm>>
      %dma_wait3A_57 = arith.constant 0 : i32
      %dma_wait3A_58 = tpu.memref_slice %arg13[%mul3A_41, %dma_wait3A_57] : memref<10240x16xf32, #tpu.memory_space<vmem_shared>> -> memref<640x16xf32, #tpu.memory_space<vmem_shared>>
      tpu.wait_dma2 semaphore(%run_scoped3A : memref<!tpu.dma_semaphore, #tpu.memory_space<semaphore_mem>>) src(%dma_wait3A_58 : memref<640x16xf32, #tpu.memory_space<vmem_shared>>) dst(%dma_wait3A_56 : memref<640x16xf32, #tpu.memory_space<hbm>>)
      tpu.yield
    }) : () -> ()
    return
  }
}

#map = affine_map<(d0, d1) -> (0, 0)>
#map1 = affine_map<(d0, d1) -> (0, 0, 0)>
module attributes {stable_mosaic.version = 14 : i64} {
  func.func @agg(%arg0: i32, %arg1: i32, %arg2: memref<10240x64xf32, #tpu.memory_space<hbm>>, %arg3: memref<1280x128xi32, #tpu.memory_space<hbm>>, %arg4: memref<1280x128xi32, #tpu.memory_space<hbm>>, %arg5: memref<10240x64xf32, #tpu.memory_space<hbm>>, %arg6: memref<2x10240x64xf32, #tpu.memory_space<hbm>>, %arg7: memref<40x128xi32, #tpu.memory_space<vmem>>, %arg8: memref<40x128xi32, #tpu.memory_space<vmem>>, %arg9: memref<128x64xf32, #tpu.memory_space<vmem>>, %arg10: memref<128x64xf32, #tpu.memory_space<vmem>>, %arg11: memref<128x64xf32, #tpu.memory_space<vmem>>, %arg12: memref<128x64xf32, #tpu.memory_space<vmem>>, %arg13: memref<10240x64xf32, #tpu.memory_space<vmem_shared>>, %arg14: memref<!tpu.dma_semaphore, #tpu.memory_space<semaphore_mem>>, %arg15: memref<!tpu.dma_semaphore, #tpu.memory_space<semaphore_mem>>, %arg16: memref<!tpu.dma_semaphore, #tpu.memory_space<semaphore_mem>>, %arg17: memref<!tpu.dma_semaphore, #tpu.memory_space<semaphore_mem>>) attributes {dimension_semantics = [#tpu.dimension_semantics<core_parallel>, #tpu.dimension_semantics<subcore_parallel>], iteration_bounds = array<i64: 2, 16>, scalar_prefetch = 0 : i64, scratch_operands = 11 : i64, tpu.core_type = #tpu.core_type<sc_vector_subcore>, window_params = [{transform_indices = #map}, {transform_indices = #map}, {transform_indices = #map}, {transform_indices = #map}, {transform_indices = #map1}]} {
    %mul3A = arith.constant 2 : i32
    %mul3A_0 = arith.muli %arg1, %mul3A : i32
    %add3A = arith.addi %mul3A_0, %arg0 : i32
    %mul3A_1 = arith.constant 640 : i32
    %mul3A_2 = arith.muli %arg1, %mul3A_1 : i32
    %mul3A_3 = arith.constant 640 : i32
    %mul3A_4 = arith.muli %arg1, %mul3A_3 : i32
    "tpu.region"() ({
      %run_scoped3A = tpu.sem_alloc : memref<!tpu.dma_semaphore, #tpu.memory_space<semaphore_mem>>
      %dma_start3A_44 = arith.constant 0 : i32
      %dma_start3A_45 = tpu.memref_slice %arg13[%mul3A_4, %dma_start3A_44] : memref<10240x64xf32, #tpu.memory_space<vmem_shared>> -> memref<640x64xf32, #tpu.memory_space<vmem_shared>>
      %dma_start3A_46 = arith.constant 0 : i32
      %dma_start3A_47 = tpu.memref_slice %arg5[%mul3A_2, %dma_start3A_46] : memref<10240x64xf32, #tpu.memory_space<hbm>> -> memref<640x64xf32, #tpu.memory_space<hbm>>
      tpu.enqueue_dma source(%dma_start3A_47 : memref<640x64xf32, #tpu.memory_space<hbm>>) target(%dma_start3A_45 : memref<640x64xf32, #tpu.memory_space<vmem_shared>>) target_semaphore(%run_scoped3A : memref<!tpu.dma_semaphore, #tpu.memory_space<semaphore_mem>>)
      %dma_wait3A = arith.constant 0 : i32
      %dma_wait3A_48 = tpu.memref_slice %arg13[%mul3A_4, %dma_wait3A] : memref<10240x64xf32, #tpu.memory_space<vmem_shared>> -> memref<640x64xf32, #tpu.memory_space<vmem_shared>>
      %dma_wait3A_49 = arith.constant 0 : i32
      %dma_wait3A_50 = tpu.memref_slice %arg5[%mul3A_2, %dma_wait3A_49] : memref<10240x64xf32, #tpu.memory_space<hbm>> -> memref<640x64xf32, #tpu.memory_space<hbm>>
      tpu.wait_dma2 semaphore(%run_scoped3A : memref<!tpu.dma_semaphore, #tpu.memory_space<semaphore_mem>>) src(%dma_wait3A_50 : memref<640x64xf32, #tpu.memory_space<hbm>>) dst(%dma_wait3A_48 : memref<640x64xf32, #tpu.memory_space<vmem_shared>>)
      tpu.yield
    }) : () -> ()
    %barrier3A = arith.constant 0 : index
    tpu.barrier barrier_id(%barrier3A)
    %mul3A_5 = arith.constant 40 : i32
    %mul3A_6 = arith.muli %add3A, %mul3A_5 : i32
    "tpu.region"() ({
      %run_scoped3A = tpu.sem_alloc : memref<!tpu.dma_semaphore, #tpu.memory_space<semaphore_mem>>
      %dma_start3A_44 = arith.constant 0 : i32
      %dma_start3A_45 = tpu.memref_slice %arg3[%mul3A_6, %dma_start3A_44] : memref<1280x128xi32, #tpu.memory_space<hbm>> -> memref<40x128xi32, #tpu.memory_space<hbm>>
      %dma_start3A_46 = arith.constant 0 : i32
      %dma_start3A_47 = tpu.memref_slice %arg3[%mul3A_6, %dma_start3A_46] : memref<1280x128xi32, #tpu.memory_space<hbm>> -> memref<40x128xi32, #tpu.memory_space<hbm>>
      tpu.enqueue_dma source(%dma_start3A_47 : memref<40x128xi32, #tpu.memory_space<hbm>>) target(%arg7 : memref<40x128xi32, #tpu.memory_space<vmem>>) target_semaphore(%run_scoped3A : memref<!tpu.dma_semaphore, #tpu.memory_space<semaphore_mem>>)
      %dma_wait3A = arith.constant 0 : i32
      %dma_wait3A_48 = tpu.memref_slice %arg3[%mul3A_6, %dma_wait3A] : memref<1280x128xi32, #tpu.memory_space<hbm>> -> memref<40x128xi32, #tpu.memory_space<hbm>>
      %dma_wait3A_49 = arith.constant 0 : i32
      %dma_wait3A_50 = tpu.memref_slice %arg3[%mul3A_6, %dma_wait3A_49] : memref<1280x128xi32, #tpu.memory_space<hbm>> -> memref<40x128xi32, #tpu.memory_space<hbm>>
      tpu.wait_dma2 semaphore(%run_scoped3A : memref<!tpu.dma_semaphore, #tpu.memory_space<semaphore_mem>>) src(%dma_wait3A_50 : memref<40x128xi32, #tpu.memory_space<hbm>>) dst(%arg7 : memref<40x128xi32, #tpu.memory_space<vmem>>)
      tpu.yield
    }) : () -> ()
    "tpu.region"() ({
      %run_scoped3A = tpu.sem_alloc : memref<!tpu.dma_semaphore, #tpu.memory_space<semaphore_mem>>
      %dma_start3A_44 = arith.constant 0 : i32
      %dma_start3A_45 = tpu.memref_slice %arg4[%mul3A_6, %dma_start3A_44] : memref<1280x128xi32, #tpu.memory_space<hbm>> -> memref<40x128xi32, #tpu.memory_space<hbm>>
      %dma_start3A_46 = arith.constant 0 : i32
      %dma_start3A_47 = tpu.memref_slice %arg4[%mul3A_6, %dma_start3A_46] : memref<1280x128xi32, #tpu.memory_space<hbm>> -> memref<40x128xi32, #tpu.memory_space<hbm>>
      tpu.enqueue_dma source(%dma_start3A_47 : memref<40x128xi32, #tpu.memory_space<hbm>>) target(%arg8 : memref<40x128xi32, #tpu.memory_space<vmem>>) target_semaphore(%run_scoped3A : memref<!tpu.dma_semaphore, #tpu.memory_space<semaphore_mem>>)
      %dma_wait3A = arith.constant 0 : i32
      %dma_wait3A_48 = tpu.memref_slice %arg4[%mul3A_6, %dma_wait3A] : memref<1280x128xi32, #tpu.memory_space<hbm>> -> memref<40x128xi32, #tpu.memory_space<hbm>>
      %dma_wait3A_49 = arith.constant 0 : i32
      %dma_wait3A_50 = tpu.memref_slice %arg4[%mul3A_6, %dma_wait3A_49] : memref<1280x128xi32, #tpu.memory_space<hbm>> -> memref<40x128xi32, #tpu.memory_space<hbm>>
      tpu.wait_dma2 semaphore(%run_scoped3A : memref<!tpu.dma_semaphore, #tpu.memory_space<semaphore_mem>>) src(%dma_wait3A_50 : memref<40x128xi32, #tpu.memory_space<hbm>>) dst(%arg8 : memref<40x128xi32, #tpu.memory_space<vmem>>)
      tpu.yield
    }) : () -> ()
    %dma_start3A = arith.constant 0 : i32
    %dma_start3A_7 = arith.constant 0 : i32
    %dma_start3A_8 = tpu.memref_slice %arg7[%dma_start3A, %dma_start3A_7] : memref<40x128xi32, #tpu.memory_space<vmem>> -> memref<1x128xi32, #tpu.memory_space<vmem>>
    %dma_start3A_9 = tpu.memref_squeeze %dma_start3A_8 : memref<1x128xi32, #tpu.memory_space<vmem>> -> memref<128xi32, #tpu.memory_space<vmem>>
    %dma_start3A_10 = arith.constant 0 : i32
    %dma_start3A_11 = arith.constant 0 : i32
    %dma_start3A_12 = tpu.memref_slice %arg2[%dma_start3A_10, %dma_start3A_11] : memref<10240x64xf32, #tpu.memory_space<hbm>> -> memref<10240x64xf32, #tpu.memory_space<hbm>>
    tpu.enqueue_indirect_dma source(%dma_start3A_12 : memref<10240x64xf32, #tpu.memory_space<hbm>>) target(%arg9 : memref<128x64xf32, #tpu.memory_space<vmem>>) offsets(%dma_start3A_9 : memref<128xi32, #tpu.memory_space<vmem>>) semaphore(%arg14 : memref<!tpu.dma_semaphore, #tpu.memory_space<semaphore_mem>>)
    %dma_start3A_13 = arith.constant 1 : i32
    %dma_start3A_14 = arith.constant 0 : i32
    %dma_start3A_15 = tpu.memref_slice %arg7[%dma_start3A_13, %dma_start3A_14] : memref<40x128xi32, #tpu.memory_space<vmem>> -> memref<1x128xi32, #tpu.memory_space<vmem>>
    %dma_start3A_16 = tpu.memref_squeeze %dma_start3A_15 : memref<1x128xi32, #tpu.memory_space<vmem>> -> memref<128xi32, #tpu.memory_space<vmem>>
    %dma_start3A_17 = arith.constant 0 : i32
    %dma_start3A_18 = arith.constant 0 : i32
    %dma_start3A_19 = tpu.memref_slice %arg2[%dma_start3A_17, %dma_start3A_18] : memref<10240x64xf32, #tpu.memory_space<hbm>> -> memref<10240x64xf32, #tpu.memory_space<hbm>>
    tpu.enqueue_indirect_dma source(%dma_start3A_19 : memref<10240x64xf32, #tpu.memory_space<hbm>>) target(%arg10 : memref<128x64xf32, #tpu.memory_space<vmem>>) offsets(%dma_start3A_16 : memref<128xi32, #tpu.memory_space<vmem>>) semaphore(%arg15 : memref<!tpu.dma_semaphore, #tpu.memory_space<semaphore_mem>>)
    %dma_start3A_20 = arith.constant 2 : i32
    %dma_start3A_21 = arith.constant 0 : i32
    %dma_start3A_22 = tpu.memref_slice %arg7[%dma_start3A_20, %dma_start3A_21] : memref<40x128xi32, #tpu.memory_space<vmem>> -> memref<1x128xi32, #tpu.memory_space<vmem>>
    %dma_start3A_23 = tpu.memref_squeeze %dma_start3A_22 : memref<1x128xi32, #tpu.memory_space<vmem>> -> memref<128xi32, #tpu.memory_space<vmem>>
    %dma_start3A_24 = arith.constant 0 : i32
    %dma_start3A_25 = arith.constant 0 : i32
    %dma_start3A_26 = tpu.memref_slice %arg2[%dma_start3A_24, %dma_start3A_25] : memref<10240x64xf32, #tpu.memory_space<hbm>> -> memref<10240x64xf32, #tpu.memory_space<hbm>>
    tpu.enqueue_indirect_dma source(%dma_start3A_26 : memref<10240x64xf32, #tpu.memory_space<hbm>>) target(%arg11 : memref<128x64xf32, #tpu.memory_space<vmem>>) offsets(%dma_start3A_23 : memref<128xi32, #tpu.memory_space<vmem>>) semaphore(%arg16 : memref<!tpu.dma_semaphore, #tpu.memory_space<semaphore_mem>>)
    %dma_start3A_27 = arith.constant 3 : i32
    %dma_start3A_28 = arith.constant 0 : i32
    %dma_start3A_29 = tpu.memref_slice %arg7[%dma_start3A_27, %dma_start3A_28] : memref<40x128xi32, #tpu.memory_space<vmem>> -> memref<1x128xi32, #tpu.memory_space<vmem>>
    %dma_start3A_30 = tpu.memref_squeeze %dma_start3A_29 : memref<1x128xi32, #tpu.memory_space<vmem>> -> memref<128xi32, #tpu.memory_space<vmem>>
    %dma_start3A_31 = arith.constant 0 : i32
    %dma_start3A_32 = arith.constant 0 : i32
    %dma_start3A_33 = tpu.memref_slice %arg2[%dma_start3A_31, %dma_start3A_32] : memref<10240x64xf32, #tpu.memory_space<hbm>> -> memref<10240x64xf32, #tpu.memory_space<hbm>>
    tpu.enqueue_indirect_dma source(%dma_start3A_33 : memref<10240x64xf32, #tpu.memory_space<hbm>>) target(%arg12 : memref<128x64xf32, #tpu.memory_space<vmem>>) offsets(%dma_start3A_30 : memref<128xi32, #tpu.memory_space<vmem>>) semaphore(%arg17 : memref<!tpu.dma_semaphore, #tpu.memory_space<semaphore_mem>>)
    %scan3A = arith.constant 0 : i32
    %scan3A_34 = arith.constant 0 : i32
    %scan3A_35 = arith.constant 10 : i32
    %scan3A_36 = arith.addi %scan3A_34, %scan3A_35 : i32
    %scan3A_37 = arith.constant 1 : i32
    scf.for %scan3A_44 = %scan3A_34 to %scan3A_36 step %scan3A_37  : i32 {
      %mul3A_45 = arith.constant 4 : i32
      %mul3A_46 = arith.muli %mul3A_45, %scan3A_44 : i32
      %add3A_47 = arith.constant 0 : i32
      %add3A_48 = arith.addi %mul3A_46, %add3A_47 : i32
      %dma_wait3A = arith.constant 0 : i32
      %dma_wait3A_49 = arith.constant 0 : i32
      %dma_wait3A_50 = tpu.memref_slice %arg7[%dma_wait3A, %dma_wait3A_49] : memref<40x128xi32, #tpu.memory_space<vmem>> -> memref<1x128xi32, #tpu.memory_space<vmem>>
      %dma_wait3A_51 = tpu.memref_squeeze %dma_wait3A_50 : memref<1x128xi32, #tpu.memory_space<vmem>> -> memref<128xi32, #tpu.memory_space<vmem>>
      %dma_wait3A_52 = arith.constant 0 : i32
      %dma_wait3A_53 = arith.constant 0 : i32
      %dma_wait3A_54 = tpu.memref_slice %arg2[%dma_wait3A_52, %dma_wait3A_53] : memref<10240x64xf32, #tpu.memory_space<hbm>> -> memref<10240x64xf32, #tpu.memory_space<hbm>>
      tpu.wait_indirect_dma semaphore(%arg14 : memref<!tpu.dma_semaphore, #tpu.memory_space<semaphore_mem>>) src(%dma_wait3A_54 : memref<10240x64xf32, #tpu.memory_space<hbm>>) dst(%arg9 : memref<128x64xf32, #tpu.memory_space<vmem>>)
      "tpu.region"() ({
        %run_scoped3A = tpu.sem_alloc : memref<!tpu.dma_semaphore, #tpu.memory_space<semaphore_mem>>
        %dma_start3A_107 = arith.constant 0 : i32
        %dma_start3A_108 = tpu.memref_slice %arg8[%add3A_48, %dma_start3A_107] : memref<40x128xi32, #tpu.memory_space<vmem>> -> memref<1x128xi32, #tpu.memory_space<vmem>>
        %dma_start3A_109 = tpu.memref_squeeze %dma_start3A_108 : memref<1x128xi32, #tpu.memory_space<vmem>> -> memref<128xi32, #tpu.memory_space<vmem>>
        %dma_start3A_110 = arith.constant 0 : i32
        %dma_start3A_111 = arith.constant 0 : i32
        %dma_start3A_112 = tpu.memref_slice %arg13[%dma_start3A_110, %dma_start3A_111] : memref<10240x64xf32, #tpu.memory_space<vmem_shared>> -> memref<10240x64xf32, #tpu.memory_space<vmem_shared>>
        tpu.enqueue_indirect_dma source(%arg9 : memref<128x64xf32, #tpu.memory_space<vmem>>) target(%dma_start3A_112 : memref<10240x64xf32, #tpu.memory_space<vmem_shared>>) offsets(%dma_start3A_109 : memref<128xi32, #tpu.memory_space<vmem>>) semaphore(%run_scoped3A : memref<!tpu.dma_semaphore, #tpu.memory_space<semaphore_mem>>) {add = true}
        %dma_wait3A_113 = arith.constant 0 : i32
        %dma_wait3A_114 = tpu.memref_slice %arg8[%add3A_48, %dma_wait3A_113] : memref<40x128xi32, #tpu.memory_space<vmem>> -> memref<1x128xi32, #tpu.memory_space<vmem>>
        %dma_wait3A_115 = tpu.memref_squeeze %dma_wait3A_114 : memref<1x128xi32, #tpu.memory_space<vmem>> -> memref<128xi32, #tpu.memory_space<vmem>>
        %dma_wait3A_116 = arith.constant 0 : i32
        %dma_wait3A_117 = arith.constant 0 : i32
        %dma_wait3A_118 = tpu.memref_slice %arg13[%dma_wait3A_116, %dma_wait3A_117] : memref<10240x64xf32, #tpu.memory_space<vmem_shared>> -> memref<10240x64xf32, #tpu.memory_space<vmem_shared>>
        tpu.wait_indirect_dma semaphore(%run_scoped3A : memref<!tpu.dma_semaphore, #tpu.memory_space<semaphore_mem>>) src(%arg9 : memref<128x64xf32, #tpu.memory_space<vmem>>) dst(%dma_wait3A_118 : memref<10240x64xf32, #tpu.memory_space<vmem_shared>>)
        tpu.yield
      }) : () -> ()
      %add3A_55 = arith.constant 4 : i32
      %add3A_56 = arith.addi %add3A_48, %add3A_55 : i32
      %lt3A = arith.constant 40 : i32
      %lt3A_57 = arith.cmpi slt, %add3A_56, %lt3A : i32
      %convert_element_type3A = arith.extui %lt3A_57 : i1 to i32
      %cond3A = arith.constant 0 : i32
      %cond3A_58 = arith.cmpi ne, %convert_element_type3A, %cond3A : i32
      scf.if %cond3A_58 {
        %add3A_107 = arith.constant 4 : i32
        %add3A_108 = arith.addi %add3A_48, %add3A_107 : i32
        %dma_start3A_109 = arith.constant 0 : i32
        %dma_start3A_110 = tpu.memref_slice %arg7[%add3A_108, %dma_start3A_109] : memref<40x128xi32, #tpu.memory_space<vmem>> -> memref<1x128xi32, #tpu.memory_space<vmem>>
        %dma_start3A_111 = tpu.memref_squeeze %dma_start3A_110 : memref<1x128xi32, #tpu.memory_space<vmem>> -> memref<128xi32, #tpu.memory_space<vmem>>
        %dma_start3A_112 = arith.constant 0 : i32
        %dma_start3A_113 = arith.constant 0 : i32
        %dma_start3A_114 = tpu.memref_slice %arg2[%dma_start3A_112, %dma_start3A_113] : memref<10240x64xf32, #tpu.memory_space<hbm>> -> memref<10240x64xf32, #tpu.memory_space<hbm>>
        tpu.enqueue_indirect_dma source(%dma_start3A_114 : memref<10240x64xf32, #tpu.memory_space<hbm>>) target(%arg9 : memref<128x64xf32, #tpu.memory_space<vmem>>) offsets(%dma_start3A_111 : memref<128xi32, #tpu.memory_space<vmem>>) semaphore(%arg14 : memref<!tpu.dma_semaphore, #tpu.memory_space<semaphore_mem>>)
      } else {
      }
      %add3A_59 = arith.constant 1 : i32
      %add3A_60 = arith.addi %mul3A_46, %add3A_59 : i32
      %dma_wait3A_61 = arith.constant 1 : i32
      %dma_wait3A_62 = arith.constant 0 : i32
      %dma_wait3A_63 = tpu.memref_slice %arg7[%dma_wait3A_61, %dma_wait3A_62] : memref<40x128xi32, #tpu.memory_space<vmem>> -> memref<1x128xi32, #tpu.memory_space<vmem>>
      %dma_wait3A_64 = tpu.memref_squeeze %dma_wait3A_63 : memref<1x128xi32, #tpu.memory_space<vmem>> -> memref<128xi32, #tpu.memory_space<vmem>>
      %dma_wait3A_65 = arith.constant 0 : i32
      %dma_wait3A_66 = arith.constant 0 : i32
      %dma_wait3A_67 = tpu.memref_slice %arg2[%dma_wait3A_65, %dma_wait3A_66] : memref<10240x64xf32, #tpu.memory_space<hbm>> -> memref<10240x64xf32, #tpu.memory_space<hbm>>
      tpu.wait_indirect_dma semaphore(%arg15 : memref<!tpu.dma_semaphore, #tpu.memory_space<semaphore_mem>>) src(%dma_wait3A_67 : memref<10240x64xf32, #tpu.memory_space<hbm>>) dst(%arg10 : memref<128x64xf32, #tpu.memory_space<vmem>>)
      "tpu.region"() ({
        %run_scoped3A = tpu.sem_alloc : memref<!tpu.dma_semaphore, #tpu.memory_space<semaphore_mem>>
        %dma_start3A_107 = arith.constant 0 : i32
        %dma_start3A_108 = tpu.memref_slice %arg8[%add3A_60, %dma_start3A_107] : memref<40x128xi32, #tpu.memory_space<vmem>> -> memref<1x128xi32, #tpu.memory_space<vmem>>
        %dma_start3A_109 = tpu.memref_squeeze %dma_start3A_108 : memref<1x128xi32, #tpu.memory_space<vmem>> -> memref<128xi32, #tpu.memory_space<vmem>>
        %dma_start3A_110 = arith.constant 0 : i32
        %dma_start3A_111 = arith.constant 0 : i32
        %dma_start3A_112 = tpu.memref_slice %arg13[%dma_start3A_110, %dma_start3A_111] : memref<10240x64xf32, #tpu.memory_space<vmem_shared>> -> memref<10240x64xf32, #tpu.memory_space<vmem_shared>>
        tpu.enqueue_indirect_dma source(%arg10 : memref<128x64xf32, #tpu.memory_space<vmem>>) target(%dma_start3A_112 : memref<10240x64xf32, #tpu.memory_space<vmem_shared>>) offsets(%dma_start3A_109 : memref<128xi32, #tpu.memory_space<vmem>>) semaphore(%run_scoped3A : memref<!tpu.dma_semaphore, #tpu.memory_space<semaphore_mem>>) {add = true}
        %dma_wait3A_113 = arith.constant 0 : i32
        %dma_wait3A_114 = tpu.memref_slice %arg8[%add3A_60, %dma_wait3A_113] : memref<40x128xi32, #tpu.memory_space<vmem>> -> memref<1x128xi32, #tpu.memory_space<vmem>>
        %dma_wait3A_115 = tpu.memref_squeeze %dma_wait3A_114 : memref<1x128xi32, #tpu.memory_space<vmem>> -> memref<128xi32, #tpu.memory_space<vmem>>
        %dma_wait3A_116 = arith.constant 0 : i32
        %dma_wait3A_117 = arith.constant 0 : i32
        %dma_wait3A_118 = tpu.memref_slice %arg13[%dma_wait3A_116, %dma_wait3A_117] : memref<10240x64xf32, #tpu.memory_space<vmem_shared>> -> memref<10240x64xf32, #tpu.memory_space<vmem_shared>>
        tpu.wait_indirect_dma semaphore(%run_scoped3A : memref<!tpu.dma_semaphore, #tpu.memory_space<semaphore_mem>>) src(%arg10 : memref<128x64xf32, #tpu.memory_space<vmem>>) dst(%dma_wait3A_118 : memref<10240x64xf32, #tpu.memory_space<vmem_shared>>)
        tpu.yield
      }) : () -> ()
      %add3A_68 = arith.constant 4 : i32
      %add3A_69 = arith.addi %add3A_60, %add3A_68 : i32
      %lt3A_70 = arith.constant 40 : i32
      %lt3A_71 = arith.cmpi slt, %add3A_69, %lt3A_70 : i32
      %convert_element_type3A_72 = arith.extui %lt3A_71 : i1 to i32
      %cond3A_73 = arith.constant 0 : i32
      %cond3A_74 = arith.cmpi ne, %convert_element_type3A_72, %cond3A_73 : i32
      scf.if %cond3A_74 {
        %add3A_107 = arith.constant 4 : i32
        %add3A_108 = arith.addi %add3A_60, %add3A_107 : i32
        %dma_start3A_109 = arith.constant 0 : i32
        %dma_start3A_110 = tpu.memref_slice %arg7[%add3A_108, %dma_start3A_109] : memref<40x128xi32, #tpu.memory_space<vmem>> -> memref<1x128xi32, #tpu.memory_space<vmem>>
        %dma_start3A_111 = tpu.memref_squeeze %dma_start3A_110 : memref<1x128xi32, #tpu.memory_space<vmem>> -> memref<128xi32, #tpu.memory_space<vmem>>
        %dma_start3A_112 = arith.constant 0 : i32
        %dma_start3A_113 = arith.constant 0 : i32
        %dma_start3A_114 = tpu.memref_slice %arg2[%dma_start3A_112, %dma_start3A_113] : memref<10240x64xf32, #tpu.memory_space<hbm>> -> memref<10240x64xf32, #tpu.memory_space<hbm>>
        tpu.enqueue_indirect_dma source(%dma_start3A_114 : memref<10240x64xf32, #tpu.memory_space<hbm>>) target(%arg10 : memref<128x64xf32, #tpu.memory_space<vmem>>) offsets(%dma_start3A_111 : memref<128xi32, #tpu.memory_space<vmem>>) semaphore(%arg15 : memref<!tpu.dma_semaphore, #tpu.memory_space<semaphore_mem>>)
      } else {
      }
      %add3A_75 = arith.constant 2 : i32
      %add3A_76 = arith.addi %mul3A_46, %add3A_75 : i32
      %dma_wait3A_77 = arith.constant 2 : i32
      %dma_wait3A_78 = arith.constant 0 : i32
      %dma_wait3A_79 = tpu.memref_slice %arg7[%dma_wait3A_77, %dma_wait3A_78] : memref<40x128xi32, #tpu.memory_space<vmem>> -> memref<1x128xi32, #tpu.memory_space<vmem>>
      %dma_wait3A_80 = tpu.memref_squeeze %dma_wait3A_79 : memref<1x128xi32, #tpu.memory_space<vmem>> -> memref<128xi32, #tpu.memory_space<vmem>>
      %dma_wait3A_81 = arith.constant 0 : i32
      %dma_wait3A_82 = arith.constant 0 : i32
      %dma_wait3A_83 = tpu.memref_slice %arg2[%dma_wait3A_81, %dma_wait3A_82] : memref<10240x64xf32, #tpu.memory_space<hbm>> -> memref<10240x64xf32, #tpu.memory_space<hbm>>
      tpu.wait_indirect_dma semaphore(%arg16 : memref<!tpu.dma_semaphore, #tpu.memory_space<semaphore_mem>>) src(%dma_wait3A_83 : memref<10240x64xf32, #tpu.memory_space<hbm>>) dst(%arg11 : memref<128x64xf32, #tpu.memory_space<vmem>>)
      "tpu.region"() ({
        %run_scoped3A = tpu.sem_alloc : memref<!tpu.dma_semaphore, #tpu.memory_space<semaphore_mem>>
        %dma_start3A_107 = arith.constant 0 : i32
        %dma_start3A_108 = tpu.memref_slice %arg8[%add3A_76, %dma_start3A_107] : memref<40x128xi32, #tpu.memory_space<vmem>> -> memref<1x128xi32, #tpu.memory_space<vmem>>
        %dma_start3A_109 = tpu.memref_squeeze %dma_start3A_108 : memref<1x128xi32, #tpu.memory_space<vmem>> -> memref<128xi32, #tpu.memory_space<vmem>>
        %dma_start3A_110 = arith.constant 0 : i32
        %dma_start3A_111 = arith.constant 0 : i32
        %dma_start3A_112 = tpu.memref_slice %arg13[%dma_start3A_110, %dma_start3A_111] : memref<10240x64xf32, #tpu.memory_space<vmem_shared>> -> memref<10240x64xf32, #tpu.memory_space<vmem_shared>>
        tpu.enqueue_indirect_dma source(%arg11 : memref<128x64xf32, #tpu.memory_space<vmem>>) target(%dma_start3A_112 : memref<10240x64xf32, #tpu.memory_space<vmem_shared>>) offsets(%dma_start3A_109 : memref<128xi32, #tpu.memory_space<vmem>>) semaphore(%run_scoped3A : memref<!tpu.dma_semaphore, #tpu.memory_space<semaphore_mem>>) {add = true}
        %dma_wait3A_113 = arith.constant 0 : i32
        %dma_wait3A_114 = tpu.memref_slice %arg8[%add3A_76, %dma_wait3A_113] : memref<40x128xi32, #tpu.memory_space<vmem>> -> memref<1x128xi32, #tpu.memory_space<vmem>>
        %dma_wait3A_115 = tpu.memref_squeeze %dma_wait3A_114 : memref<1x128xi32, #tpu.memory_space<vmem>> -> memref<128xi32, #tpu.memory_space<vmem>>
        %dma_wait3A_116 = arith.constant 0 : i32
        %dma_wait3A_117 = arith.constant 0 : i32
        %dma_wait3A_118 = tpu.memref_slice %arg13[%dma_wait3A_116, %dma_wait3A_117] : memref<10240x64xf32, #tpu.memory_space<vmem_shared>> -> memref<10240x64xf32, #tpu.memory_space<vmem_shared>>
        tpu.wait_indirect_dma semaphore(%run_scoped3A : memref<!tpu.dma_semaphore, #tpu.memory_space<semaphore_mem>>) src(%arg11 : memref<128x64xf32, #tpu.memory_space<vmem>>) dst(%dma_wait3A_118 : memref<10240x64xf32, #tpu.memory_space<vmem_shared>>)
        tpu.yield
      }) : () -> ()
      %add3A_84 = arith.constant 4 : i32
      %add3A_85 = arith.addi %add3A_76, %add3A_84 : i32
      %lt3A_86 = arith.constant 40 : i32
      %lt3A_87 = arith.cmpi slt, %add3A_85, %lt3A_86 : i32
      %convert_element_type3A_88 = arith.extui %lt3A_87 : i1 to i32
      %cond3A_89 = arith.constant 0 : i32
      %cond3A_90 = arith.cmpi ne, %convert_element_type3A_88, %cond3A_89 : i32
      scf.if %cond3A_90 {
        %add3A_107 = arith.constant 4 : i32
        %add3A_108 = arith.addi %add3A_76, %add3A_107 : i32
        %dma_start3A_109 = arith.constant 0 : i32
        %dma_start3A_110 = tpu.memref_slice %arg7[%add3A_108, %dma_start3A_109] : memref<40x128xi32, #tpu.memory_space<vmem>> -> memref<1x128xi32, #tpu.memory_space<vmem>>
        %dma_start3A_111 = tpu.memref_squeeze %dma_start3A_110 : memref<1x128xi32, #tpu.memory_space<vmem>> -> memref<128xi32, #tpu.memory_space<vmem>>
        %dma_start3A_112 = arith.constant 0 : i32
        %dma_start3A_113 = arith.constant 0 : i32
        %dma_start3A_114 = tpu.memref_slice %arg2[%dma_start3A_112, %dma_start3A_113] : memref<10240x64xf32, #tpu.memory_space<hbm>> -> memref<10240x64xf32, #tpu.memory_space<hbm>>
        tpu.enqueue_indirect_dma source(%dma_start3A_114 : memref<10240x64xf32, #tpu.memory_space<hbm>>) target(%arg11 : memref<128x64xf32, #tpu.memory_space<vmem>>) offsets(%dma_start3A_111 : memref<128xi32, #tpu.memory_space<vmem>>) semaphore(%arg16 : memref<!tpu.dma_semaphore, #tpu.memory_space<semaphore_mem>>)
      } else {
      }
      %add3A_91 = arith.constant 3 : i32
      %add3A_92 = arith.addi %mul3A_46, %add3A_91 : i32
      %dma_wait3A_93 = arith.constant 3 : i32
      %dma_wait3A_94 = arith.constant 0 : i32
      %dma_wait3A_95 = tpu.memref_slice %arg7[%dma_wait3A_93, %dma_wait3A_94] : memref<40x128xi32, #tpu.memory_space<vmem>> -> memref<1x128xi32, #tpu.memory_space<vmem>>
      %dma_wait3A_96 = tpu.memref_squeeze %dma_wait3A_95 : memref<1x128xi32, #tpu.memory_space<vmem>> -> memref<128xi32, #tpu.memory_space<vmem>>
      %dma_wait3A_97 = arith.constant 0 : i32
      %dma_wait3A_98 = arith.constant 0 : i32
      %dma_wait3A_99 = tpu.memref_slice %arg2[%dma_wait3A_97, %dma_wait3A_98] : memref<10240x64xf32, #tpu.memory_space<hbm>> -> memref<10240x64xf32, #tpu.memory_space<hbm>>
      tpu.wait_indirect_dma semaphore(%arg17 : memref<!tpu.dma_semaphore, #tpu.memory_space<semaphore_mem>>) src(%dma_wait3A_99 : memref<10240x64xf32, #tpu.memory_space<hbm>>) dst(%arg12 : memref<128x64xf32, #tpu.memory_space<vmem>>)
      "tpu.region"() ({
        %run_scoped3A = tpu.sem_alloc : memref<!tpu.dma_semaphore, #tpu.memory_space<semaphore_mem>>
        %dma_start3A_107 = arith.constant 0 : i32
        %dma_start3A_108 = tpu.memref_slice %arg8[%add3A_92, %dma_start3A_107] : memref<40x128xi32, #tpu.memory_space<vmem>> -> memref<1x128xi32, #tpu.memory_space<vmem>>
        %dma_start3A_109 = tpu.memref_squeeze %dma_start3A_108 : memref<1x128xi32, #tpu.memory_space<vmem>> -> memref<128xi32, #tpu.memory_space<vmem>>
        %dma_start3A_110 = arith.constant 0 : i32
        %dma_start3A_111 = arith.constant 0 : i32
        %dma_start3A_112 = tpu.memref_slice %arg13[%dma_start3A_110, %dma_start3A_111] : memref<10240x64xf32, #tpu.memory_space<vmem_shared>> -> memref<10240x64xf32, #tpu.memory_space<vmem_shared>>
        tpu.enqueue_indirect_dma source(%arg12 : memref<128x64xf32, #tpu.memory_space<vmem>>) target(%dma_start3A_112 : memref<10240x64xf32, #tpu.memory_space<vmem_shared>>) offsets(%dma_start3A_109 : memref<128xi32, #tpu.memory_space<vmem>>) semaphore(%run_scoped3A : memref<!tpu.dma_semaphore, #tpu.memory_space<semaphore_mem>>) {add = true}
        %dma_wait3A_113 = arith.constant 0 : i32
        %dma_wait3A_114 = tpu.memref_slice %arg8[%add3A_92, %dma_wait3A_113] : memref<40x128xi32, #tpu.memory_space<vmem>> -> memref<1x128xi32, #tpu.memory_space<vmem>>
        %dma_wait3A_115 = tpu.memref_squeeze %dma_wait3A_114 : memref<1x128xi32, #tpu.memory_space<vmem>> -> memref<128xi32, #tpu.memory_space<vmem>>
        %dma_wait3A_116 = arith.constant 0 : i32
        %dma_wait3A_117 = arith.constant 0 : i32
        %dma_wait3A_118 = tpu.memref_slice %arg13[%dma_wait3A_116, %dma_wait3A_117] : memref<10240x64xf32, #tpu.memory_space<vmem_shared>> -> memref<10240x64xf32, #tpu.memory_space<vmem_shared>>
        tpu.wait_indirect_dma semaphore(%run_scoped3A : memref<!tpu.dma_semaphore, #tpu.memory_space<semaphore_mem>>) src(%arg12 : memref<128x64xf32, #tpu.memory_space<vmem>>) dst(%dma_wait3A_118 : memref<10240x64xf32, #tpu.memory_space<vmem_shared>>)
        tpu.yield
      }) : () -> ()
      %add3A_100 = arith.constant 4 : i32
      %add3A_101 = arith.addi %add3A_92, %add3A_100 : i32
      %lt3A_102 = arith.constant 40 : i32
      %lt3A_103 = arith.cmpi slt, %add3A_101, %lt3A_102 : i32
      %convert_element_type3A_104 = arith.extui %lt3A_103 : i1 to i32
      %cond3A_105 = arith.constant 0 : i32
      %cond3A_106 = arith.cmpi ne, %convert_element_type3A_104, %cond3A_105 : i32
      scf.if %cond3A_106 {
        %add3A_107 = arith.constant 4 : i32
        %add3A_108 = arith.addi %add3A_92, %add3A_107 : i32
        %dma_start3A_109 = arith.constant 0 : i32
        %dma_start3A_110 = tpu.memref_slice %arg7[%add3A_108, %dma_start3A_109] : memref<40x128xi32, #tpu.memory_space<vmem>> -> memref<1x128xi32, #tpu.memory_space<vmem>>
        %dma_start3A_111 = tpu.memref_squeeze %dma_start3A_110 : memref<1x128xi32, #tpu.memory_space<vmem>> -> memref<128xi32, #tpu.memory_space<vmem>>
        %dma_start3A_112 = arith.constant 0 : i32
        %dma_start3A_113 = arith.constant 0 : i32
        %dma_start3A_114 = tpu.memref_slice %arg2[%dma_start3A_112, %dma_start3A_113] : memref<10240x64xf32, #tpu.memory_space<hbm>> -> memref<10240x64xf32, #tpu.memory_space<hbm>>
        tpu.enqueue_indirect_dma source(%dma_start3A_114 : memref<10240x64xf32, #tpu.memory_space<hbm>>) target(%arg12 : memref<128x64xf32, #tpu.memory_space<vmem>>) offsets(%dma_start3A_111 : memref<128xi32, #tpu.memory_space<vmem>>) semaphore(%arg17 : memref<!tpu.dma_semaphore, #tpu.memory_space<semaphore_mem>>)
      } else {
      }
    }
    %scan3A_38 = arith.constant 10 : i32
    %barrier3A_39 = arith.constant 0 : index
    tpu.barrier barrier_id(%barrier3A_39)
    %mul3A_40 = arith.constant 640 : i32
    %mul3A_41 = arith.muli %arg1, %mul3A_40 : i32
    %mul3A_42 = arith.constant 640 : i32
    %mul3A_43 = arith.muli %arg1, %mul3A_42 : i32
    "tpu.region"() ({
      %run_scoped3A = tpu.sem_alloc : memref<!tpu.dma_semaphore, #tpu.memory_space<semaphore_mem>>
      %dma_start3A_44 = arith.constant 0 : i32
      %dma_start3A_45 = arith.constant 0 : i32
      %dma_start3A_46 = tpu.memref_slice %arg6[%arg0, %dma_start3A_44, %dma_start3A_45] : memref<2x10240x64xf32, #tpu.memory_space<hbm>> -> memref<1x10240x64xf32, #tpu.memory_space<hbm>>
      %dma_start3A_47 = tpu.memref_squeeze %dma_start3A_46 : memref<1x10240x64xf32, #tpu.memory_space<hbm>> -> memref<10240x64xf32, #tpu.memory_space<hbm>>
      %dma_start3A_48 = arith.constant 0 : i32
      %dma_start3A_49 = tpu.memref_slice %dma_start3A_47[%mul3A_43, %dma_start3A_48] : memref<10240x64xf32, #tpu.memory_space<hbm>> -> memref<640x64xf32, #tpu.memory_space<hbm>>
      %dma_start3A_50 = arith.constant 0 : i32
      %dma_start3A_51 = tpu.memref_slice %arg13[%mul3A_41, %dma_start3A_50] : memref<10240x64xf32, #tpu.memory_space<vmem_shared>> -> memref<640x64xf32, #tpu.memory_space<vmem_shared>>
      tpu.enqueue_dma source(%dma_start3A_51 : memref<640x64xf32, #tpu.memory_space<vmem_shared>>) target(%dma_start3A_49 : memref<640x64xf32, #tpu.memory_space<hbm>>) target_semaphore(%run_scoped3A : memref<!tpu.dma_semaphore, #tpu.memory_space<semaphore_mem>>)
      %dma_wait3A = arith.constant 0 : i32
      %dma_wait3A_52 = arith.constant 0 : i32
      %dma_wait3A_53 = tpu.memref_slice %arg6[%arg0, %dma_wait3A, %dma_wait3A_52] : memref<2x10240x64xf32, #tpu.memory_space<hbm>> -> memref<1x10240x64xf32, #tpu.memory_space<hbm>>
      %dma_wait3A_54 = tpu.memref_squeeze %dma_wait3A_53 : memref<1x10240x64xf32, #tpu.memory_space<hbm>> -> memref<10240x64xf32, #tpu.memory_space<hbm>>
      %dma_wait3A_55 = arith.constant 0 : i32
      %dma_wait3A_56 = tpu.memref_slice %dma_wait3A_54[%mul3A_43, %dma_wait3A_55] : memref<10240x64xf32, #tpu.memory_space<hbm>> -> memref<640x64xf32, #tpu.memory_space<hbm>>
      %dma_wait3A_57 = arith.constant 0 : i32
      %dma_wait3A_58 = tpu.memref_slice %arg13[%mul3A_41, %dma_wait3A_57] : memref<10240x64xf32, #tpu.memory_space<vmem_shared>> -> memref<640x64xf32, #tpu.memory_space<vmem_shared>>
      tpu.wait_dma2 semaphore(%run_scoped3A : memref<!tpu.dma_semaphore, #tpu.memory_space<semaphore_mem>>) src(%dma_wait3A_58 : memref<640x64xf32, #tpu.memory_space<vmem_shared>>) dst(%dma_wait3A_56 : memref<640x64xf32, #tpu.memory_space<hbm>>)
      tpu.yield
    }) : () -> ()
    return
  }
}

#map = affine_map<(d0, d1) -> (0, 0)>
#map1 = affine_map<(d0, d1) -> (0, 0, 0)>
module attributes {stable_mosaic.version = 14 : i64} {
  func.func @agg(%arg0: i32, %arg1: i32, %arg2: memref<10240x16xf32, #tpu.memory_space<hbm>>, %arg3: memref<1280x128xi32, #tpu.memory_space<hbm>>, %arg4: memref<1280x128xi32, #tpu.memory_space<hbm>>, %arg5: memref<10240x16xf32, #tpu.memory_space<hbm>>, %arg6: memref<2x10240x16xf32, #tpu.memory_space<hbm>>, %arg7: memref<40x128xi32, #tpu.memory_space<vmem>>, %arg8: memref<40x128xi32, #tpu.memory_space<vmem>>, %arg9: memref<128x16xf32, #tpu.memory_space<vmem>>, %arg10: memref<128x16xf32, #tpu.memory_space<vmem>>, %arg11: memref<128x16xf32, #tpu.memory_space<vmem>>, %arg12: memref<128x16xf32, #tpu.memory_space<vmem>>, %arg13: memref<10240x16xf32, #tpu.memory_space<vmem_shared>>, %arg14: memref<!tpu.dma_semaphore, #tpu.memory_space<semaphore_mem>>, %arg15: memref<!tpu.dma_semaphore, #tpu.memory_space<semaphore_mem>>, %arg16: memref<!tpu.dma_semaphore, #tpu.memory_space<semaphore_mem>>, %arg17: memref<!tpu.dma_semaphore, #tpu.memory_space<semaphore_mem>>) attributes {dimension_semantics = [#tpu.dimension_semantics<core_parallel>, #tpu.dimension_semantics<subcore_parallel>], iteration_bounds = array<i64: 2, 16>, scalar_prefetch = 0 : i64, scratch_operands = 11 : i64, tpu.core_type = #tpu.core_type<sc_vector_subcore>, window_params = [{transform_indices = #map}, {transform_indices = #map}, {transform_indices = #map}, {transform_indices = #map}, {transform_indices = #map1}]} {
    %mul3A = arith.constant 2 : i32
    %mul3A_0 = arith.muli %arg1, %mul3A : i32
    %add3A = arith.addi %mul3A_0, %arg0 : i32
    %mul3A_1 = arith.constant 640 : i32
    %mul3A_2 = arith.muli %arg1, %mul3A_1 : i32
    %mul3A_3 = arith.constant 640 : i32
    %mul3A_4 = arith.muli %arg1, %mul3A_3 : i32
    "tpu.region"() ({
      %run_scoped3A = tpu.sem_alloc : memref<!tpu.dma_semaphore, #tpu.memory_space<semaphore_mem>>
      %dma_start3A_44 = arith.constant 0 : i32
      %dma_start3A_45 = tpu.memref_slice %arg13[%mul3A_4, %dma_start3A_44] : memref<10240x16xf32, #tpu.memory_space<vmem_shared>> -> memref<640x16xf32, #tpu.memory_space<vmem_shared>>
      %dma_start3A_46 = arith.constant 0 : i32
      %dma_start3A_47 = tpu.memref_slice %arg5[%mul3A_2, %dma_start3A_46] : memref<10240x16xf32, #tpu.memory_space<hbm>> -> memref<640x16xf32, #tpu.memory_space<hbm>>
      tpu.enqueue_dma source(%dma_start3A_47 : memref<640x16xf32, #tpu.memory_space<hbm>>) target(%dma_start3A_45 : memref<640x16xf32, #tpu.memory_space<vmem_shared>>) target_semaphore(%run_scoped3A : memref<!tpu.dma_semaphore, #tpu.memory_space<semaphore_mem>>)
      %dma_wait3A = arith.constant 0 : i32
      %dma_wait3A_48 = tpu.memref_slice %arg13[%mul3A_4, %dma_wait3A] : memref<10240x16xf32, #tpu.memory_space<vmem_shared>> -> memref<640x16xf32, #tpu.memory_space<vmem_shared>>
      %dma_wait3A_49 = arith.constant 0 : i32
      %dma_wait3A_50 = tpu.memref_slice %arg5[%mul3A_2, %dma_wait3A_49] : memref<10240x16xf32, #tpu.memory_space<hbm>> -> memref<640x16xf32, #tpu.memory_space<hbm>>
      tpu.wait_dma2 semaphore(%run_scoped3A : memref<!tpu.dma_semaphore, #tpu.memory_space<semaphore_mem>>) src(%dma_wait3A_50 : memref<640x16xf32, #tpu.memory_space<hbm>>) dst(%dma_wait3A_48 : memref<640x16xf32, #tpu.memory_space<vmem_shared>>)
      tpu.yield
    }) : () -> ()
    %barrier3A = arith.constant 0 : index
    tpu.barrier barrier_id(%barrier3A)
    %mul3A_5 = arith.constant 40 : i32
    %mul3A_6 = arith.muli %add3A, %mul3A_5 : i32
    "tpu.region"() ({
      %run_scoped3A = tpu.sem_alloc : memref<!tpu.dma_semaphore, #tpu.memory_space<semaphore_mem>>
      %dma_start3A_44 = arith.constant 0 : i32
      %dma_start3A_45 = tpu.memref_slice %arg3[%mul3A_6, %dma_start3A_44] : memref<1280x128xi32, #tpu.memory_space<hbm>> -> memref<40x128xi32, #tpu.memory_space<hbm>>
      %dma_start3A_46 = arith.constant 0 : i32
      %dma_start3A_47 = tpu.memref_slice %arg3[%mul3A_6, %dma_start3A_46] : memref<1280x128xi32, #tpu.memory_space<hbm>> -> memref<40x128xi32, #tpu.memory_space<hbm>>
      tpu.enqueue_dma source(%dma_start3A_47 : memref<40x128xi32, #tpu.memory_space<hbm>>) target(%arg7 : memref<40x128xi32, #tpu.memory_space<vmem>>) target_semaphore(%run_scoped3A : memref<!tpu.dma_semaphore, #tpu.memory_space<semaphore_mem>>)
      %dma_wait3A = arith.constant 0 : i32
      %dma_wait3A_48 = tpu.memref_slice %arg3[%mul3A_6, %dma_wait3A] : memref<1280x128xi32, #tpu.memory_space<hbm>> -> memref<40x128xi32, #tpu.memory_space<hbm>>
      %dma_wait3A_49 = arith.constant 0 : i32
      %dma_wait3A_50 = tpu.memref_slice %arg3[%mul3A_6, %dma_wait3A_49] : memref<1280x128xi32, #tpu.memory_space<hbm>> -> memref<40x128xi32, #tpu.memory_space<hbm>>
      tpu.wait_dma2 semaphore(%run_scoped3A : memref<!tpu.dma_semaphore, #tpu.memory_space<semaphore_mem>>) src(%dma_wait3A_50 : memref<40x128xi32, #tpu.memory_space<hbm>>) dst(%arg7 : memref<40x128xi32, #tpu.memory_space<vmem>>)
      tpu.yield
    }) : () -> ()
    "tpu.region"() ({
      %run_scoped3A = tpu.sem_alloc : memref<!tpu.dma_semaphore, #tpu.memory_space<semaphore_mem>>
      %dma_start3A_44 = arith.constant 0 : i32
      %dma_start3A_45 = tpu.memref_slice %arg4[%mul3A_6, %dma_start3A_44] : memref<1280x128xi32, #tpu.memory_space<hbm>> -> memref<40x128xi32, #tpu.memory_space<hbm>>
      %dma_start3A_46 = arith.constant 0 : i32
      %dma_start3A_47 = tpu.memref_slice %arg4[%mul3A_6, %dma_start3A_46] : memref<1280x128xi32, #tpu.memory_space<hbm>> -> memref<40x128xi32, #tpu.memory_space<hbm>>
      tpu.enqueue_dma source(%dma_start3A_47 : memref<40x128xi32, #tpu.memory_space<hbm>>) target(%arg8 : memref<40x128xi32, #tpu.memory_space<vmem>>) target_semaphore(%run_scoped3A : memref<!tpu.dma_semaphore, #tpu.memory_space<semaphore_mem>>)
      %dma_wait3A = arith.constant 0 : i32
      %dma_wait3A_48 = tpu.memref_slice %arg4[%mul3A_6, %dma_wait3A] : memref<1280x128xi32, #tpu.memory_space<hbm>> -> memref<40x128xi32, #tpu.memory_space<hbm>>
      %dma_wait3A_49 = arith.constant 0 : i32
      %dma_wait3A_50 = tpu.memref_slice %arg4[%mul3A_6, %dma_wait3A_49] : memref<1280x128xi32, #tpu.memory_space<hbm>> -> memref<40x128xi32, #tpu.memory_space<hbm>>
      tpu.wait_dma2 semaphore(%run_scoped3A : memref<!tpu.dma_semaphore, #tpu.memory_space<semaphore_mem>>) src(%dma_wait3A_50 : memref<40x128xi32, #tpu.memory_space<hbm>>) dst(%arg8 : memref<40x128xi32, #tpu.memory_space<vmem>>)
      tpu.yield
    }) : () -> ()
    %dma_start3A = arith.constant 0 : i32
    %dma_start3A_7 = arith.constant 0 : i32
    %dma_start3A_8 = tpu.memref_slice %arg7[%dma_start3A, %dma_start3A_7] : memref<40x128xi32, #tpu.memory_space<vmem>> -> memref<1x128xi32, #tpu.memory_space<vmem>>
    %dma_start3A_9 = tpu.memref_squeeze %dma_start3A_8 : memref<1x128xi32, #tpu.memory_space<vmem>> -> memref<128xi32, #tpu.memory_space<vmem>>
    %dma_start3A_10 = arith.constant 0 : i32
    %dma_start3A_11 = arith.constant 0 : i32
    %dma_start3A_12 = tpu.memref_slice %arg2[%dma_start3A_10, %dma_start3A_11] : memref<10240x16xf32, #tpu.memory_space<hbm>> -> memref<10240x16xf32, #tpu.memory_space<hbm>>
    tpu.enqueue_indirect_dma source(%dma_start3A_12 : memref<10240x16xf32, #tpu.memory_space<hbm>>) target(%arg9 : memref<128x16xf32, #tpu.memory_space<vmem>>) offsets(%dma_start3A_9 : memref<128xi32, #tpu.memory_space<vmem>>) semaphore(%arg14 : memref<!tpu.dma_semaphore, #tpu.memory_space<semaphore_mem>>)
    %dma_start3A_13 = arith.constant 1 : i32
    %dma_start3A_14 = arith.constant 0 : i32
    %dma_start3A_15 = tpu.memref_slice %arg7[%dma_start3A_13, %dma_start3A_14] : memref<40x128xi32, #tpu.memory_space<vmem>> -> memref<1x128xi32, #tpu.memory_space<vmem>>
    %dma_start3A_16 = tpu.memref_squeeze %dma_start3A_15 : memref<1x128xi32, #tpu.memory_space<vmem>> -> memref<128xi32, #tpu.memory_space<vmem>>
    %dma_start3A_17 = arith.constant 0 : i32
    %dma_start3A_18 = arith.constant 0 : i32
    %dma_start3A_19 = tpu.memref_slice %arg2[%dma_start3A_17, %dma_start3A_18] : memref<10240x16xf32, #tpu.memory_space<hbm>> -> memref<10240x16xf32, #tpu.memory_space<hbm>>
    tpu.enqueue_indirect_dma source(%dma_start3A_19 : memref<10240x16xf32, #tpu.memory_space<hbm>>) target(%arg10 : memref<128x16xf32, #tpu.memory_space<vmem>>) offsets(%dma_start3A_16 : memref<128xi32, #tpu.memory_space<vmem>>) semaphore(%arg15 : memref<!tpu.dma_semaphore, #tpu.memory_space<semaphore_mem>>)
    %dma_start3A_20 = arith.constant 2 : i32
    %dma_start3A_21 = arith.constant 0 : i32
    %dma_start3A_22 = tpu.memref_slice %arg7[%dma_start3A_20, %dma_start3A_21] : memref<40x128xi32, #tpu.memory_space<vmem>> -> memref<1x128xi32, #tpu.memory_space<vmem>>
    %dma_start3A_23 = tpu.memref_squeeze %dma_start3A_22 : memref<1x128xi32, #tpu.memory_space<vmem>> -> memref<128xi32, #tpu.memory_space<vmem>>
    %dma_start3A_24 = arith.constant 0 : i32
    %dma_start3A_25 = arith.constant 0 : i32
    %dma_start3A_26 = tpu.memref_slice %arg2[%dma_start3A_24, %dma_start3A_25] : memref<10240x16xf32, #tpu.memory_space<hbm>> -> memref<10240x16xf32, #tpu.memory_space<hbm>>
    tpu.enqueue_indirect_dma source(%dma_start3A_26 : memref<10240x16xf32, #tpu.memory_space<hbm>>) target(%arg11 : memref<128x16xf32, #tpu.memory_space<vmem>>) offsets(%dma_start3A_23 : memref<128xi32, #tpu.memory_space<vmem>>) semaphore(%arg16 : memref<!tpu.dma_semaphore, #tpu.memory_space<semaphore_mem>>)
    %dma_start3A_27 = arith.constant 3 : i32
    %dma_start3A_28 = arith.constant 0 : i32
    %dma_start3A_29 = tpu.memref_slice %arg7[%dma_start3A_27, %dma_start3A_28] : memref<40x128xi32, #tpu.memory_space<vmem>> -> memref<1x128xi32, #tpu.memory_space<vmem>>
    %dma_start3A_30 = tpu.memref_squeeze %dma_start3A_29 : memref<1x128xi32, #tpu.memory_space<vmem>> -> memref<128xi32, #tpu.memory_space<vmem>>
    %dma_start3A_31 = arith.constant 0 : i32
    %dma_start3A_32 = arith.constant 0 : i32
    %dma_start3A_33 = tpu.memref_slice %arg2[%dma_start3A_31, %dma_start3A_32] : memref<10240x16xf32, #tpu.memory_space<hbm>> -> memref<10240x16xf32, #tpu.memory_space<hbm>>
    tpu.enqueue_indirect_dma source(%dma_start3A_33 : memref<10240x16xf32, #tpu.memory_space<hbm>>) target(%arg12 : memref<128x16xf32, #tpu.memory_space<vmem>>) offsets(%dma_start3A_30 : memref<128xi32, #tpu.memory_space<vmem>>) semaphore(%arg17 : memref<!tpu.dma_semaphore, #tpu.memory_space<semaphore_mem>>)
    %scan3A = arith.constant 0 : i32
    %scan3A_34 = arith.constant 0 : i32
    %scan3A_35 = arith.constant 10 : i32
    %scan3A_36 = arith.addi %scan3A_34, %scan3A_35 : i32
    %scan3A_37 = arith.constant 1 : i32
    scf.for %scan3A_44 = %scan3A_34 to %scan3A_36 step %scan3A_37  : i32 {
      %mul3A_45 = arith.constant 4 : i32
      %mul3A_46 = arith.muli %mul3A_45, %scan3A_44 : i32
      %add3A_47 = arith.constant 0 : i32
      %add3A_48 = arith.addi %mul3A_46, %add3A_47 : i32
      %dma_wait3A = arith.constant 0 : i32
      %dma_wait3A_49 = arith.constant 0 : i32
      %dma_wait3A_50 = tpu.memref_slice %arg7[%dma_wait3A, %dma_wait3A_49] : memref<40x128xi32, #tpu.memory_space<vmem>> -> memref<1x128xi32, #tpu.memory_space<vmem>>
      %dma_wait3A_51 = tpu.memref_squeeze %dma_wait3A_50 : memref<1x128xi32, #tpu.memory_space<vmem>> -> memref<128xi32, #tpu.memory_space<vmem>>
      %dma_wait3A_52 = arith.constant 0 : i32
      %dma_wait3A_53 = arith.constant 0 : i32
      %dma_wait3A_54 = tpu.memref_slice %arg2[%dma_wait3A_52, %dma_wait3A_53] : memref<10240x16xf32, #tpu.memory_space<hbm>> -> memref<10240x16xf32, #tpu.memory_space<hbm>>
      tpu.wait_indirect_dma semaphore(%arg14 : memref<!tpu.dma_semaphore, #tpu.memory_space<semaphore_mem>>) src(%dma_wait3A_54 : memref<10240x16xf32, #tpu.memory_space<hbm>>) dst(%arg9 : memref<128x16xf32, #tpu.memory_space<vmem>>)
      "tpu.region"() ({
        %run_scoped3A = tpu.sem_alloc : memref<!tpu.dma_semaphore, #tpu.memory_space<semaphore_mem>>
        %dma_start3A_107 = arith.constant 0 : i32
        %dma_start3A_108 = tpu.memref_slice %arg8[%add3A_48, %dma_start3A_107] : memref<40x128xi32, #tpu.memory_space<vmem>> -> memref<1x128xi32, #tpu.memory_space<vmem>>
        %dma_start3A_109 = tpu.memref_squeeze %dma_start3A_108 : memref<1x128xi32, #tpu.memory_space<vmem>> -> memref<128xi32, #tpu.memory_space<vmem>>
        %dma_start3A_110 = arith.constant 0 : i32
        %dma_start3A_111 = arith.constant 0 : i32
        %dma_start3A_112 = tpu.memref_slice %arg13[%dma_start3A_110, %dma_start3A_111] : memref<10240x16xf32, #tpu.memory_space<vmem_shared>> -> memref<10240x16xf32, #tpu.memory_space<vmem_shared>>
        tpu.enqueue_indirect_dma source(%arg9 : memref<128x16xf32, #tpu.memory_space<vmem>>) target(%dma_start3A_112 : memref<10240x16xf32, #tpu.memory_space<vmem_shared>>) offsets(%dma_start3A_109 : memref<128xi32, #tpu.memory_space<vmem>>) semaphore(%run_scoped3A : memref<!tpu.dma_semaphore, #tpu.memory_space<semaphore_mem>>) {add = true}
        %dma_wait3A_113 = arith.constant 0 : i32
        %dma_wait3A_114 = tpu.memref_slice %arg8[%add3A_48, %dma_wait3A_113] : memref<40x128xi32, #tpu.memory_space<vmem>> -> memref<1x128xi32, #tpu.memory_space<vmem>>
        %dma_wait3A_115 = tpu.memref_squeeze %dma_wait3A_114 : memref<1x128xi32, #tpu.memory_space<vmem>> -> memref<128xi32, #tpu.memory_space<vmem>>
        %dma_wait3A_116 = arith.constant 0 : i32
        %dma_wait3A_117 = arith.constant 0 : i32
        %dma_wait3A_118 = tpu.memref_slice %arg13[%dma_wait3A_116, %dma_wait3A_117] : memref<10240x16xf32, #tpu.memory_space<vmem_shared>> -> memref<10240x16xf32, #tpu.memory_space<vmem_shared>>
        tpu.wait_indirect_dma semaphore(%run_scoped3A : memref<!tpu.dma_semaphore, #tpu.memory_space<semaphore_mem>>) src(%arg9 : memref<128x16xf32, #tpu.memory_space<vmem>>) dst(%dma_wait3A_118 : memref<10240x16xf32, #tpu.memory_space<vmem_shared>>)
        tpu.yield
      }) : () -> ()
      %add3A_55 = arith.constant 4 : i32
      %add3A_56 = arith.addi %add3A_48, %add3A_55 : i32
      %lt3A = arith.constant 40 : i32
      %lt3A_57 = arith.cmpi slt, %add3A_56, %lt3A : i32
      %convert_element_type3A = arith.extui %lt3A_57 : i1 to i32
      %cond3A = arith.constant 0 : i32
      %cond3A_58 = arith.cmpi ne, %convert_element_type3A, %cond3A : i32
      scf.if %cond3A_58 {
        %add3A_107 = arith.constant 4 : i32
        %add3A_108 = arith.addi %add3A_48, %add3A_107 : i32
        %dma_start3A_109 = arith.constant 0 : i32
        %dma_start3A_110 = tpu.memref_slice %arg7[%add3A_108, %dma_start3A_109] : memref<40x128xi32, #tpu.memory_space<vmem>> -> memref<1x128xi32, #tpu.memory_space<vmem>>
        %dma_start3A_111 = tpu.memref_squeeze %dma_start3A_110 : memref<1x128xi32, #tpu.memory_space<vmem>> -> memref<128xi32, #tpu.memory_space<vmem>>
        %dma_start3A_112 = arith.constant 0 : i32
        %dma_start3A_113 = arith.constant 0 : i32
        %dma_start3A_114 = tpu.memref_slice %arg2[%dma_start3A_112, %dma_start3A_113] : memref<10240x16xf32, #tpu.memory_space<hbm>> -> memref<10240x16xf32, #tpu.memory_space<hbm>>
        tpu.enqueue_indirect_dma source(%dma_start3A_114 : memref<10240x16xf32, #tpu.memory_space<hbm>>) target(%arg9 : memref<128x16xf32, #tpu.memory_space<vmem>>) offsets(%dma_start3A_111 : memref<128xi32, #tpu.memory_space<vmem>>) semaphore(%arg14 : memref<!tpu.dma_semaphore, #tpu.memory_space<semaphore_mem>>)
      } else {
      }
      %add3A_59 = arith.constant 1 : i32
      %add3A_60 = arith.addi %mul3A_46, %add3A_59 : i32
      %dma_wait3A_61 = arith.constant 1 : i32
      %dma_wait3A_62 = arith.constant 0 : i32
      %dma_wait3A_63 = tpu.memref_slice %arg7[%dma_wait3A_61, %dma_wait3A_62] : memref<40x128xi32, #tpu.memory_space<vmem>> -> memref<1x128xi32, #tpu.memory_space<vmem>>
      %dma_wait3A_64 = tpu.memref_squeeze %dma_wait3A_63 : memref<1x128xi32, #tpu.memory_space<vmem>> -> memref<128xi32, #tpu.memory_space<vmem>>
      %dma_wait3A_65 = arith.constant 0 : i32
      %dma_wait3A_66 = arith.constant 0 : i32
      %dma_wait3A_67 = tpu.memref_slice %arg2[%dma_wait3A_65, %dma_wait3A_66] : memref<10240x16xf32, #tpu.memory_space<hbm>> -> memref<10240x16xf32, #tpu.memory_space<hbm>>
      tpu.wait_indirect_dma semaphore(%arg15 : memref<!tpu.dma_semaphore, #tpu.memory_space<semaphore_mem>>) src(%dma_wait3A_67 : memref<10240x16xf32, #tpu.memory_space<hbm>>) dst(%arg10 : memref<128x16xf32, #tpu.memory_space<vmem>>)
      "tpu.region"() ({
        %run_scoped3A = tpu.sem_alloc : memref<!tpu.dma_semaphore, #tpu.memory_space<semaphore_mem>>
        %dma_start3A_107 = arith.constant 0 : i32
        %dma_start3A_108 = tpu.memref_slice %arg8[%add3A_60, %dma_start3A_107] : memref<40x128xi32, #tpu.memory_space<vmem>> -> memref<1x128xi32, #tpu.memory_space<vmem>>
        %dma_start3A_109 = tpu.memref_squeeze %dma_start3A_108 : memref<1x128xi32, #tpu.memory_space<vmem>> -> memref<128xi32, #tpu.memory_space<vmem>>
        %dma_start3A_110 = arith.constant 0 : i32
        %dma_start3A_111 = arith.constant 0 : i32
        %dma_start3A_112 = tpu.memref_slice %arg13[%dma_start3A_110, %dma_start3A_111] : memref<10240x16xf32, #tpu.memory_space<vmem_shared>> -> memref<10240x16xf32, #tpu.memory_space<vmem_shared>>
        tpu.enqueue_indirect_dma source(%arg10 : memref<128x16xf32, #tpu.memory_space<vmem>>) target(%dma_start3A_112 : memref<10240x16xf32, #tpu.memory_space<vmem_shared>>) offsets(%dma_start3A_109 : memref<128xi32, #tpu.memory_space<vmem>>) semaphore(%run_scoped3A : memref<!tpu.dma_semaphore, #tpu.memory_space<semaphore_mem>>) {add = true}
        %dma_wait3A_113 = arith.constant 0 : i32
        %dma_wait3A_114 = tpu.memref_slice %arg8[%add3A_60, %dma_wait3A_113] : memref<40x128xi32, #tpu.memory_space<vmem>> -> memref<1x128xi32, #tpu.memory_space<vmem>>
        %dma_wait3A_115 = tpu.memref_squeeze %dma_wait3A_114 : memref<1x128xi32, #tpu.memory_space<vmem>> -> memref<128xi32, #tpu.memory_space<vmem>>
        %dma_wait3A_116 = arith.constant 0 : i32
        %dma_wait3A_117 = arith.constant 0 : i32
        %dma_wait3A_118 = tpu.memref_slice %arg13[%dma_wait3A_116, %dma_wait3A_117] : memref<10240x16xf32, #tpu.memory_space<vmem_shared>> -> memref<10240x16xf32, #tpu.memory_space<vmem_shared>>
        tpu.wait_indirect_dma semaphore(%run_scoped3A : memref<!tpu.dma_semaphore, #tpu.memory_space<semaphore_mem>>) src(%arg10 : memref<128x16xf32, #tpu.memory_space<vmem>>) dst(%dma_wait3A_118 : memref<10240x16xf32, #tpu.memory_space<vmem_shared>>)
        tpu.yield
      }) : () -> ()
      %add3A_68 = arith.constant 4 : i32
      %add3A_69 = arith.addi %add3A_60, %add3A_68 : i32
      %lt3A_70 = arith.constant 40 : i32
      %lt3A_71 = arith.cmpi slt, %add3A_69, %lt3A_70 : i32
      %convert_element_type3A_72 = arith.extui %lt3A_71 : i1 to i32
      %cond3A_73 = arith.constant 0 : i32
      %cond3A_74 = arith.cmpi ne, %convert_element_type3A_72, %cond3A_73 : i32
      scf.if %cond3A_74 {
        %add3A_107 = arith.constant 4 : i32
        %add3A_108 = arith.addi %add3A_60, %add3A_107 : i32
        %dma_start3A_109 = arith.constant 0 : i32
        %dma_start3A_110 = tpu.memref_slice %arg7[%add3A_108, %dma_start3A_109] : memref<40x128xi32, #tpu.memory_space<vmem>> -> memref<1x128xi32, #tpu.memory_space<vmem>>
        %dma_start3A_111 = tpu.memref_squeeze %dma_start3A_110 : memref<1x128xi32, #tpu.memory_space<vmem>> -> memref<128xi32, #tpu.memory_space<vmem>>
        %dma_start3A_112 = arith.constant 0 : i32
        %dma_start3A_113 = arith.constant 0 : i32
        %dma_start3A_114 = tpu.memref_slice %arg2[%dma_start3A_112, %dma_start3A_113] : memref<10240x16xf32, #tpu.memory_space<hbm>> -> memref<10240x16xf32, #tpu.memory_space<hbm>>
        tpu.enqueue_indirect_dma source(%dma_start3A_114 : memref<10240x16xf32, #tpu.memory_space<hbm>>) target(%arg10 : memref<128x16xf32, #tpu.memory_space<vmem>>) offsets(%dma_start3A_111 : memref<128xi32, #tpu.memory_space<vmem>>) semaphore(%arg15 : memref<!tpu.dma_semaphore, #tpu.memory_space<semaphore_mem>>)
      } else {
      }
      %add3A_75 = arith.constant 2 : i32
      %add3A_76 = arith.addi %mul3A_46, %add3A_75 : i32
      %dma_wait3A_77 = arith.constant 2 : i32
      %dma_wait3A_78 = arith.constant 0 : i32
      %dma_wait3A_79 = tpu.memref_slice %arg7[%dma_wait3A_77, %dma_wait3A_78] : memref<40x128xi32, #tpu.memory_space<vmem>> -> memref<1x128xi32, #tpu.memory_space<vmem>>
      %dma_wait3A_80 = tpu.memref_squeeze %dma_wait3A_79 : memref<1x128xi32, #tpu.memory_space<vmem>> -> memref<128xi32, #tpu.memory_space<vmem>>
      %dma_wait3A_81 = arith.constant 0 : i32
      %dma_wait3A_82 = arith.constant 0 : i32
      %dma_wait3A_83 = tpu.memref_slice %arg2[%dma_wait3A_81, %dma_wait3A_82] : memref<10240x16xf32, #tpu.memory_space<hbm>> -> memref<10240x16xf32, #tpu.memory_space<hbm>>
      tpu.wait_indirect_dma semaphore(%arg16 : memref<!tpu.dma_semaphore, #tpu.memory_space<semaphore_mem>>) src(%dma_wait3A_83 : memref<10240x16xf32, #tpu.memory_space<hbm>>) dst(%arg11 : memref<128x16xf32, #tpu.memory_space<vmem>>)
      "tpu.region"() ({
        %run_scoped3A = tpu.sem_alloc : memref<!tpu.dma_semaphore, #tpu.memory_space<semaphore_mem>>
        %dma_start3A_107 = arith.constant 0 : i32
        %dma_start3A_108 = tpu.memref_slice %arg8[%add3A_76, %dma_start3A_107] : memref<40x128xi32, #tpu.memory_space<vmem>> -> memref<1x128xi32, #tpu.memory_space<vmem>>
        %dma_start3A_109 = tpu.memref_squeeze %dma_start3A_108 : memref<1x128xi32, #tpu.memory_space<vmem>> -> memref<128xi32, #tpu.memory_space<vmem>>
        %dma_start3A_110 = arith.constant 0 : i32
        %dma_start3A_111 = arith.constant 0 : i32
        %dma_start3A_112 = tpu.memref_slice %arg13[%dma_start3A_110, %dma_start3A_111] : memref<10240x16xf32, #tpu.memory_space<vmem_shared>> -> memref<10240x16xf32, #tpu.memory_space<vmem_shared>>
        tpu.enqueue_indirect_dma source(%arg11 : memref<128x16xf32, #tpu.memory_space<vmem>>) target(%dma_start3A_112 : memref<10240x16xf32, #tpu.memory_space<vmem_shared>>) offsets(%dma_start3A_109 : memref<128xi32, #tpu.memory_space<vmem>>) semaphore(%run_scoped3A : memref<!tpu.dma_semaphore, #tpu.memory_space<semaphore_mem>>) {add = true}
        %dma_wait3A_113 = arith.constant 0 : i32
        %dma_wait3A_114 = tpu.memref_slice %arg8[%add3A_76, %dma_wait3A_113] : memref<40x128xi32, #tpu.memory_space<vmem>> -> memref<1x128xi32, #tpu.memory_space<vmem>>
        %dma_wait3A_115 = tpu.memref_squeeze %dma_wait3A_114 : memref<1x128xi32, #tpu.memory_space<vmem>> -> memref<128xi32, #tpu.memory_space<vmem>>
        %dma_wait3A_116 = arith.constant 0 : i32
        %dma_wait3A_117 = arith.constant 0 : i32
        %dma_wait3A_118 = tpu.memref_slice %arg13[%dma_wait3A_116, %dma_wait3A_117] : memref<10240x16xf32, #tpu.memory_space<vmem_shared>> -> memref<10240x16xf32, #tpu.memory_space<vmem_shared>>
        tpu.wait_indirect_dma semaphore(%run_scoped3A : memref<!tpu.dma_semaphore, #tpu.memory_space<semaphore_mem>>) src(%arg11 : memref<128x16xf32, #tpu.memory_space<vmem>>) dst(%dma_wait3A_118 : memref<10240x16xf32, #tpu.memory_space<vmem_shared>>)
        tpu.yield
      }) : () -> ()
      %add3A_84 = arith.constant 4 : i32
      %add3A_85 = arith.addi %add3A_76, %add3A_84 : i32
      %lt3A_86 = arith.constant 40 : i32
      %lt3A_87 = arith.cmpi slt, %add3A_85, %lt3A_86 : i32
      %convert_element_type3A_88 = arith.extui %lt3A_87 : i1 to i32
      %cond3A_89 = arith.constant 0 : i32
      %cond3A_90 = arith.cmpi ne, %convert_element_type3A_88, %cond3A_89 : i32
      scf.if %cond3A_90 {
        %add3A_107 = arith.constant 4 : i32
        %add3A_108 = arith.addi %add3A_76, %add3A_107 : i32
        %dma_start3A_109 = arith.constant 0 : i32
        %dma_start3A_110 = tpu.memref_slice %arg7[%add3A_108, %dma_start3A_109] : memref<40x128xi32, #tpu.memory_space<vmem>> -> memref<1x128xi32, #tpu.memory_space<vmem>>
        %dma_start3A_111 = tpu.memref_squeeze %dma_start3A_110 : memref<1x128xi32, #tpu.memory_space<vmem>> -> memref<128xi32, #tpu.memory_space<vmem>>
        %dma_start3A_112 = arith.constant 0 : i32
        %dma_start3A_113 = arith.constant 0 : i32
        %dma_start3A_114 = tpu.memref_slice %arg2[%dma_start3A_112, %dma_start3A_113] : memref<10240x16xf32, #tpu.memory_space<hbm>> -> memref<10240x16xf32, #tpu.memory_space<hbm>>
        tpu.enqueue_indirect_dma source(%dma_start3A_114 : memref<10240x16xf32, #tpu.memory_space<hbm>>) target(%arg11 : memref<128x16xf32, #tpu.memory_space<vmem>>) offsets(%dma_start3A_111 : memref<128xi32, #tpu.memory_space<vmem>>) semaphore(%arg16 : memref<!tpu.dma_semaphore, #tpu.memory_space<semaphore_mem>>)
      } else {
      }
      %add3A_91 = arith.constant 3 : i32
      %add3A_92 = arith.addi %mul3A_46, %add3A_91 : i32
      %dma_wait3A_93 = arith.constant 3 : i32
      %dma_wait3A_94 = arith.constant 0 : i32
      %dma_wait3A_95 = tpu.memref_slice %arg7[%dma_wait3A_93, %dma_wait3A_94] : memref<40x128xi32, #tpu.memory_space<vmem>> -> memref<1x128xi32, #tpu.memory_space<vmem>>
      %dma_wait3A_96 = tpu.memref_squeeze %dma_wait3A_95 : memref<1x128xi32, #tpu.memory_space<vmem>> -> memref<128xi32, #tpu.memory_space<vmem>>
      %dma_wait3A_97 = arith.constant 0 : i32
      %dma_wait3A_98 = arith.constant 0 : i32
      %dma_wait3A_99 = tpu.memref_slice %arg2[%dma_wait3A_97, %dma_wait3A_98] : memref<10240x16xf32, #tpu.memory_space<hbm>> -> memref<10240x16xf32, #tpu.memory_space<hbm>>
      tpu.wait_indirect_dma semaphore(%arg17 : memref<!tpu.dma_semaphore, #tpu.memory_space<semaphore_mem>>) src(%dma_wait3A_99 : memref<10240x16xf32, #tpu.memory_space<hbm>>) dst(%arg12 : memref<128x16xf32, #tpu.memory_space<vmem>>)
      "tpu.region"() ({
        %run_scoped3A = tpu.sem_alloc : memref<!tpu.dma_semaphore, #tpu.memory_space<semaphore_mem>>
        %dma_start3A_107 = arith.constant 0 : i32
        %dma_start3A_108 = tpu.memref_slice %arg8[%add3A_92, %dma_start3A_107] : memref<40x128xi32, #tpu.memory_space<vmem>> -> memref<1x128xi32, #tpu.memory_space<vmem>>
        %dma_start3A_109 = tpu.memref_squeeze %dma_start3A_108 : memref<1x128xi32, #tpu.memory_space<vmem>> -> memref<128xi32, #tpu.memory_space<vmem>>
        %dma_start3A_110 = arith.constant 0 : i32
        %dma_start3A_111 = arith.constant 0 : i32
        %dma_start3A_112 = tpu.memref_slice %arg13[%dma_start3A_110, %dma_start3A_111] : memref<10240x16xf32, #tpu.memory_space<vmem_shared>> -> memref<10240x16xf32, #tpu.memory_space<vmem_shared>>
        tpu.enqueue_indirect_dma source(%arg12 : memref<128x16xf32, #tpu.memory_space<vmem>>) target(%dma_start3A_112 : memref<10240x16xf32, #tpu.memory_space<vmem_shared>>) offsets(%dma_start3A_109 : memref<128xi32, #tpu.memory_space<vmem>>) semaphore(%run_scoped3A : memref<!tpu.dma_semaphore, #tpu.memory_space<semaphore_mem>>) {add = true}
        %dma_wait3A_113 = arith.constant 0 : i32
        %dma_wait3A_114 = tpu.memref_slice %arg8[%add3A_92, %dma_wait3A_113] : memref<40x128xi32, #tpu.memory_space<vmem>> -> memref<1x128xi32, #tpu.memory_space<vmem>>
        %dma_wait3A_115 = tpu.memref_squeeze %dma_wait3A_114 : memref<1x128xi32, #tpu.memory_space<vmem>> -> memref<128xi32, #tpu.memory_space<vmem>>
        %dma_wait3A_116 = arith.constant 0 : i32
        %dma_wait3A_117 = arith.constant 0 : i32
        %dma_wait3A_118 = tpu.memref_slice %arg13[%dma_wait3A_116, %dma_wait3A_117] : memref<10240x16xf32, #tpu.memory_space<vmem_shared>> -> memref<10240x16xf32, #tpu.memory_space<vmem_shared>>
        tpu.wait_indirect_dma semaphore(%run_scoped3A : memref<!tpu.dma_semaphore, #tpu.memory_space<semaphore_mem>>) src(%arg12 : memref<128x16xf32, #tpu.memory_space<vmem>>) dst(%dma_wait3A_118 : memref<10240x16xf32, #tpu.memory_space<vmem_shared>>)
        tpu.yield
      }) : () -> ()
      %add3A_100 = arith.constant 4 : i32
      %add3A_101 = arith.addi %add3A_92, %add3A_100 : i32
      %lt3A_102 = arith.constant 40 : i32
      %lt3A_103 = arith.cmpi slt, %add3A_101, %lt3A_102 : i32
      %convert_element_type3A_104 = arith.extui %lt3A_103 : i1 to i32
      %cond3A_105 = arith.constant 0 : i32
      %cond3A_106 = arith.cmpi ne, %convert_element_type3A_104, %cond3A_105 : i32
      scf.if %cond3A_106 {
        %add3A_107 = arith.constant 4 : i32
        %add3A_108 = arith.addi %add3A_92, %add3A_107 : i32
        %dma_start3A_109 = arith.constant 0 : i32
        %dma_start3A_110 = tpu.memref_slice %arg7[%add3A_108, %dma_start3A_109] : memref<40x128xi32, #tpu.memory_space<vmem>> -> memref<1x128xi32, #tpu.memory_space<vmem>>
        %dma_start3A_111 = tpu.memref_squeeze %dma_start3A_110 : memref<1x128xi32, #tpu.memory_space<vmem>> -> memref<128xi32, #tpu.memory_space<vmem>>
        %dma_start3A_112 = arith.constant 0 : i32
        %dma_start3A_113 = arith.constant 0 : i32
        %dma_start3A_114 = tpu.memref_slice %arg2[%dma_start3A_112, %dma_start3A_113] : memref<10240x16xf32, #tpu.memory_space<hbm>> -> memref<10240x16xf32, #tpu.memory_space<hbm>>
        tpu.enqueue_indirect_dma source(%dma_start3A_114 : memref<10240x16xf32, #tpu.memory_space<hbm>>) target(%arg12 : memref<128x16xf32, #tpu.memory_space<vmem>>) offsets(%dma_start3A_111 : memref<128xi32, #tpu.memory_space<vmem>>) semaphore(%arg17 : memref<!tpu.dma_semaphore, #tpu.memory_space<semaphore_mem>>)
      } else {
      }
    }
    %scan3A_38 = arith.constant 10 : i32
    %barrier3A_39 = arith.constant 0 : index
    tpu.barrier barrier_id(%barrier3A_39)
    %mul3A_40 = arith.constant 640 : i32
    %mul3A_41 = arith.muli %arg1, %mul3A_40 : i32
    %mul3A_42 = arith.constant 640 : i32
    %mul3A_43 = arith.muli %arg1, %mul3A_42 : i32
    "tpu.region"() ({
      %run_scoped3A = tpu.sem_alloc : memref<!tpu.dma_semaphore, #tpu.memory_space<semaphore_mem>>
      %dma_start3A_44 = arith.constant 0 : i32
      %dma_start3A_45 = arith.constant 0 : i32
      %dma_start3A_46 = tpu.memref_slice %arg6[%arg0, %dma_start3A_44, %dma_start3A_45] : memref<2x10240x16xf32, #tpu.memory_space<hbm>> -> memref<1x10240x16xf32, #tpu.memory_space<hbm>>
      %dma_start3A_47 = tpu.memref_squeeze %dma_start3A_46 : memref<1x10240x16xf32, #tpu.memory_space<hbm>> -> memref<10240x16xf32, #tpu.memory_space<hbm>>
      %dma_start3A_48 = arith.constant 0 : i32
      %dma_start3A_49 = tpu.memref_slice %dma_start3A_47[%mul3A_43, %dma_start3A_48] : memref<10240x16xf32, #tpu.memory_space<hbm>> -> memref<640x16xf32, #tpu.memory_space<hbm>>
      %dma_start3A_50 = arith.constant 0 : i32
      %dma_start3A_51 = tpu.memref_slice %arg13[%mul3A_41, %dma_start3A_50] : memref<10240x16xf32, #tpu.memory_space<vmem_shared>> -> memref<640x16xf32, #tpu.memory_space<vmem_shared>>
      tpu.enqueue_dma source(%dma_start3A_51 : memref<640x16xf32, #tpu.memory_space<vmem_shared>>) target(%dma_start3A_49 : memref<640x16xf32, #tpu.memory_space<hbm>>) target_semaphore(%run_scoped3A : memref<!tpu.dma_semaphore, #tpu.memory_space<semaphore_mem>>)
      %dma_wait3A = arith.constant 0 : i32
      %dma_wait3A_52 = arith.constant 0 : i32
      %dma_wait3A_53 = tpu.memref_slice %arg6[%arg0, %dma_wait3A, %dma_wait3A_52] : memref<2x10240x16xf32, #tpu.memory_space<hbm>> -> memref<1x10240x16xf32, #tpu.memory_space<hbm>>
      %dma_wait3A_54 = tpu.memref_squeeze %dma_wait3A_53 : memref<1x10240x16xf32, #tpu.memory_space<hbm>> -> memref<10240x16xf32, #tpu.memory_space<hbm>>
      %dma_wait3A_55 = arith.constant 0 : i32
      %dma_wait3A_56 = tpu.memref_slice %dma_wait3A_54[%mul3A_43, %dma_wait3A_55] : memref<10240x16xf32, #tpu.memory_space<hbm>> -> memref<640x16xf32, #tpu.memory_space<hbm>>
      %dma_wait3A_57 = arith.constant 0 : i32
      %dma_wait3A_58 = tpu.memref_slice %arg13[%mul3A_41, %dma_wait3A_57] : memref<10240x16xf32, #tpu.memory_space<vmem_shared>> -> memref<640x16xf32, #tpu.memory_space<vmem_shared>>
      tpu.wait_dma2 semaphore(%run_scoped3A : memref<!tpu.dma_semaphore, #tpu.memory_space<semaphore_mem>>) src(%dma_wait3A_58 : memref<640x16xf32, #tpu.memory_space<vmem_shared>>) dst(%dma_wait3A_56 : memref<640x16xf32, #tpu.memory_space<hbm>>)
      tpu.yield
    }) : () -> ()
    return
  }
}

#map = affine_map<(d0, d1) -> (0, 0)>
#map1 = affine_map<(d0, d1) -> (0, 0, 0)>
module attributes {stable_mosaic.version = 14 : i64} {
  func.func @agg(%arg0: i32, %arg1: i32, %arg2: memref<10240x128xf32, #tpu.memory_space<hbm>>, %arg3: memref<1280x128xi32, #tpu.memory_space<hbm>>, %arg4: memref<1280x128xi32, #tpu.memory_space<hbm>>, %arg5: memref<10240x128xf32, #tpu.memory_space<hbm>>, %arg6: memref<2x10240x128xf32, #tpu.memory_space<hbm>>, %arg7: memref<40x128xi32, #tpu.memory_space<vmem>>, %arg8: memref<40x128xi32, #tpu.memory_space<vmem>>, %arg9: memref<128x128xf32, #tpu.memory_space<vmem>>, %arg10: memref<128x128xf32, #tpu.memory_space<vmem>>, %arg11: memref<10240x128xf32, #tpu.memory_space<vmem_shared>>, %arg12: memref<!tpu.dma_semaphore, #tpu.memory_space<semaphore_mem>>, %arg13: memref<!tpu.dma_semaphore, #tpu.memory_space<semaphore_mem>>) attributes {dimension_semantics = [#tpu.dimension_semantics<core_parallel>, #tpu.dimension_semantics<subcore_parallel>], iteration_bounds = array<i64: 2, 16>, scalar_prefetch = 0 : i64, scratch_operands = 7 : i64, tpu.core_type = #tpu.core_type<sc_vector_subcore>, window_params = [{transform_indices = #map}, {transform_indices = #map}, {transform_indices = #map}, {transform_indices = #map}, {transform_indices = #map1}]} {
    %mul3A = arith.constant 2 : i32
    %mul3A_0 = arith.muli %arg1, %mul3A : i32
    %add3A = arith.addi %mul3A_0, %arg0 : i32
    %mul3A_1 = arith.constant 640 : i32
    %mul3A_2 = arith.muli %arg1, %mul3A_1 : i32
    %mul3A_3 = arith.constant 640 : i32
    %mul3A_4 = arith.muli %arg1, %mul3A_3 : i32
    "tpu.region"() ({
      %run_scoped3A = tpu.sem_alloc : memref<!tpu.dma_semaphore, #tpu.memory_space<semaphore_mem>>
      %dma_start3A_30 = arith.constant 0 : i32
      %dma_start3A_31 = tpu.memref_slice %arg11[%mul3A_4, %dma_start3A_30] : memref<10240x128xf32, #tpu.memory_space<vmem_shared>> -> memref<640x128xf32, #tpu.memory_space<vmem_shared>>
      %dma_start3A_32 = arith.constant 0 : i32
      %dma_start3A_33 = tpu.memref_slice %arg5[%mul3A_2, %dma_start3A_32] : memref<10240x128xf32, #tpu.memory_space<hbm>> -> memref<640x128xf32, #tpu.memory_space<hbm>>
      tpu.enqueue_dma source(%dma_start3A_33 : memref<640x128xf32, #tpu.memory_space<hbm>>) target(%dma_start3A_31 : memref<640x128xf32, #tpu.memory_space<vmem_shared>>) target_semaphore(%run_scoped3A : memref<!tpu.dma_semaphore, #tpu.memory_space<semaphore_mem>>)
      %dma_wait3A = arith.constant 0 : i32
      %dma_wait3A_34 = tpu.memref_slice %arg11[%mul3A_4, %dma_wait3A] : memref<10240x128xf32, #tpu.memory_space<vmem_shared>> -> memref<640x128xf32, #tpu.memory_space<vmem_shared>>
      %dma_wait3A_35 = arith.constant 0 : i32
      %dma_wait3A_36 = tpu.memref_slice %arg5[%mul3A_2, %dma_wait3A_35] : memref<10240x128xf32, #tpu.memory_space<hbm>> -> memref<640x128xf32, #tpu.memory_space<hbm>>
      tpu.wait_dma2 semaphore(%run_scoped3A : memref<!tpu.dma_semaphore, #tpu.memory_space<semaphore_mem>>) src(%dma_wait3A_36 : memref<640x128xf32, #tpu.memory_space<hbm>>) dst(%dma_wait3A_34 : memref<640x128xf32, #tpu.memory_space<vmem_shared>>)
      tpu.yield
    }) : () -> ()
    %barrier3A = arith.constant 0 : index
    tpu.barrier barrier_id(%barrier3A)
    %mul3A_5 = arith.constant 40 : i32
    %mul3A_6 = arith.muli %add3A, %mul3A_5 : i32
    "tpu.region"() ({
      %run_scoped3A = tpu.sem_alloc : memref<!tpu.dma_semaphore, #tpu.memory_space<semaphore_mem>>
      %dma_start3A_30 = arith.constant 0 : i32
      %dma_start3A_31 = tpu.memref_slice %arg3[%mul3A_6, %dma_start3A_30] : memref<1280x128xi32, #tpu.memory_space<hbm>> -> memref<40x128xi32, #tpu.memory_space<hbm>>
      %dma_start3A_32 = arith.constant 0 : i32
      %dma_start3A_33 = tpu.memref_slice %arg3[%mul3A_6, %dma_start3A_32] : memref<1280x128xi32, #tpu.memory_space<hbm>> -> memref<40x128xi32, #tpu.memory_space<hbm>>
      tpu.enqueue_dma source(%dma_start3A_33 : memref<40x128xi32, #tpu.memory_space<hbm>>) target(%arg7 : memref<40x128xi32, #tpu.memory_space<vmem>>) target_semaphore(%run_scoped3A : memref<!tpu.dma_semaphore, #tpu.memory_space<semaphore_mem>>)
      %dma_wait3A = arith.constant 0 : i32
      %dma_wait3A_34 = tpu.memref_slice %arg3[%mul3A_6, %dma_wait3A] : memref<1280x128xi32, #tpu.memory_space<hbm>> -> memref<40x128xi32, #tpu.memory_space<hbm>>
      %dma_wait3A_35 = arith.constant 0 : i32
      %dma_wait3A_36 = tpu.memref_slice %arg3[%mul3A_6, %dma_wait3A_35] : memref<1280x128xi32, #tpu.memory_space<hbm>> -> memref<40x128xi32, #tpu.memory_space<hbm>>
      tpu.wait_dma2 semaphore(%run_scoped3A : memref<!tpu.dma_semaphore, #tpu.memory_space<semaphore_mem>>) src(%dma_wait3A_36 : memref<40x128xi32, #tpu.memory_space<hbm>>) dst(%arg7 : memref<40x128xi32, #tpu.memory_space<vmem>>)
      tpu.yield
    }) : () -> ()
    "tpu.region"() ({
      %run_scoped3A = tpu.sem_alloc : memref<!tpu.dma_semaphore, #tpu.memory_space<semaphore_mem>>
      %dma_start3A_30 = arith.constant 0 : i32
      %dma_start3A_31 = tpu.memref_slice %arg4[%mul3A_6, %dma_start3A_30] : memref<1280x128xi32, #tpu.memory_space<hbm>> -> memref<40x128xi32, #tpu.memory_space<hbm>>
      %dma_start3A_32 = arith.constant 0 : i32
      %dma_start3A_33 = tpu.memref_slice %arg4[%mul3A_6, %dma_start3A_32] : memref<1280x128xi32, #tpu.memory_space<hbm>> -> memref<40x128xi32, #tpu.memory_space<hbm>>
      tpu.enqueue_dma source(%dma_start3A_33 : memref<40x128xi32, #tpu.memory_space<hbm>>) target(%arg8 : memref<40x128xi32, #tpu.memory_space<vmem>>) target_semaphore(%run_scoped3A : memref<!tpu.dma_semaphore, #tpu.memory_space<semaphore_mem>>)
      %dma_wait3A = arith.constant 0 : i32
      %dma_wait3A_34 = tpu.memref_slice %arg4[%mul3A_6, %dma_wait3A] : memref<1280x128xi32, #tpu.memory_space<hbm>> -> memref<40x128xi32, #tpu.memory_space<hbm>>
      %dma_wait3A_35 = arith.constant 0 : i32
      %dma_wait3A_36 = tpu.memref_slice %arg4[%mul3A_6, %dma_wait3A_35] : memref<1280x128xi32, #tpu.memory_space<hbm>> -> memref<40x128xi32, #tpu.memory_space<hbm>>
      tpu.wait_dma2 semaphore(%run_scoped3A : memref<!tpu.dma_semaphore, #tpu.memory_space<semaphore_mem>>) src(%dma_wait3A_36 : memref<40x128xi32, #tpu.memory_space<hbm>>) dst(%arg8 : memref<40x128xi32, #tpu.memory_space<vmem>>)
      tpu.yield
    }) : () -> ()
    %dma_start3A = arith.constant 0 : i32
    %dma_start3A_7 = arith.constant 0 : i32
    %dma_start3A_8 = tpu.memref_slice %arg7[%dma_start3A, %dma_start3A_7] : memref<40x128xi32, #tpu.memory_space<vmem>> -> memref<1x128xi32, #tpu.memory_space<vmem>>
    %dma_start3A_9 = tpu.memref_squeeze %dma_start3A_8 : memref<1x128xi32, #tpu.memory_space<vmem>> -> memref<128xi32, #tpu.memory_space<vmem>>
    %dma_start3A_10 = arith.constant 0 : i32
    %dma_start3A_11 = arith.constant 0 : i32
    %dma_start3A_12 = tpu.memref_slice %arg2[%dma_start3A_10, %dma_start3A_11] : memref<10240x128xf32, #tpu.memory_space<hbm>> -> memref<10240x128xf32, #tpu.memory_space<hbm>>
    tpu.enqueue_indirect_dma source(%dma_start3A_12 : memref<10240x128xf32, #tpu.memory_space<hbm>>) target(%arg9 : memref<128x128xf32, #tpu.memory_space<vmem>>) offsets(%dma_start3A_9 : memref<128xi32, #tpu.memory_space<vmem>>) semaphore(%arg12 : memref<!tpu.dma_semaphore, #tpu.memory_space<semaphore_mem>>)
    %dma_start3A_13 = arith.constant 1 : i32
    %dma_start3A_14 = arith.constant 0 : i32
    %dma_start3A_15 = tpu.memref_slice %arg7[%dma_start3A_13, %dma_start3A_14] : memref<40x128xi32, #tpu.memory_space<vmem>> -> memref<1x128xi32, #tpu.memory_space<vmem>>
    %dma_start3A_16 = tpu.memref_squeeze %dma_start3A_15 : memref<1x128xi32, #tpu.memory_space<vmem>> -> memref<128xi32, #tpu.memory_space<vmem>>
    %dma_start3A_17 = arith.constant 0 : i32
    %dma_start3A_18 = arith.constant 0 : i32
    %dma_start3A_19 = tpu.memref_slice %arg2[%dma_start3A_17, %dma_start3A_18] : memref<10240x128xf32, #tpu.memory_space<hbm>> -> memref<10240x128xf32, #tpu.memory_space<hbm>>
    tpu.enqueue_indirect_dma source(%dma_start3A_19 : memref<10240x128xf32, #tpu.memory_space<hbm>>) target(%arg10 : memref<128x128xf32, #tpu.memory_space<vmem>>) offsets(%dma_start3A_16 : memref<128xi32, #tpu.memory_space<vmem>>) semaphore(%arg13 : memref<!tpu.dma_semaphore, #tpu.memory_space<semaphore_mem>>)
    %scan3A = arith.constant 0 : i32
    %scan3A_20 = arith.constant 0 : i32
    %scan3A_21 = arith.constant 20 : i32
    %scan3A_22 = arith.addi %scan3A_20, %scan3A_21 : i32
    %scan3A_23 = arith.constant 1 : i32
    scf.for %scan3A_30 = %scan3A_20 to %scan3A_22 step %scan3A_23  : i32 {
      %mul3A_31 = arith.constant 2 : i32
      %mul3A_32 = arith.muli %mul3A_31, %scan3A_30 : i32
      %add3A_33 = arith.constant 0 : i32
      %add3A_34 = arith.addi %mul3A_32, %add3A_33 : i32
      %dma_wait3A = arith.constant 0 : i32
      %dma_wait3A_35 = arith.constant 0 : i32
      %dma_wait3A_36 = tpu.memref_slice %arg7[%dma_wait3A, %dma_wait3A_35] : memref<40x128xi32, #tpu.memory_space<vmem>> -> memref<1x128xi32, #tpu.memory_space<vmem>>
      %dma_wait3A_37 = tpu.memref_squeeze %dma_wait3A_36 : memref<1x128xi32, #tpu.memory_space<vmem>> -> memref<128xi32, #tpu.memory_space<vmem>>
      %dma_wait3A_38 = arith.constant 0 : i32
      %dma_wait3A_39 = arith.constant 0 : i32
      %dma_wait3A_40 = tpu.memref_slice %arg2[%dma_wait3A_38, %dma_wait3A_39] : memref<10240x128xf32, #tpu.memory_space<hbm>> -> memref<10240x128xf32, #tpu.memory_space<hbm>>
      tpu.wait_indirect_dma semaphore(%arg12 : memref<!tpu.dma_semaphore, #tpu.memory_space<semaphore_mem>>) src(%dma_wait3A_40 : memref<10240x128xf32, #tpu.memory_space<hbm>>) dst(%arg9 : memref<128x128xf32, #tpu.memory_space<vmem>>)
      "tpu.region"() ({
        %run_scoped3A = tpu.sem_alloc : memref<!tpu.dma_semaphore, #tpu.memory_space<semaphore_mem>>
        %dma_start3A_61 = arith.constant 0 : i32
        %dma_start3A_62 = tpu.memref_slice %arg8[%add3A_34, %dma_start3A_61] : memref<40x128xi32, #tpu.memory_space<vmem>> -> memref<1x128xi32, #tpu.memory_space<vmem>>
        %dma_start3A_63 = tpu.memref_squeeze %dma_start3A_62 : memref<1x128xi32, #tpu.memory_space<vmem>> -> memref<128xi32, #tpu.memory_space<vmem>>
        %dma_start3A_64 = arith.constant 0 : i32
        %dma_start3A_65 = arith.constant 0 : i32
        %dma_start3A_66 = tpu.memref_slice %arg11[%dma_start3A_64, %dma_start3A_65] : memref<10240x128xf32, #tpu.memory_space<vmem_shared>> -> memref<10240x128xf32, #tpu.memory_space<vmem_shared>>
        tpu.enqueue_indirect_dma source(%arg9 : memref<128x128xf32, #tpu.memory_space<vmem>>) target(%dma_start3A_66 : memref<10240x128xf32, #tpu.memory_space<vmem_shared>>) offsets(%dma_start3A_63 : memref<128xi32, #tpu.memory_space<vmem>>) semaphore(%run_scoped3A : memref<!tpu.dma_semaphore, #tpu.memory_space<semaphore_mem>>) {add = true}
        %dma_wait3A_67 = arith.constant 0 : i32
        %dma_wait3A_68 = tpu.memref_slice %arg8[%add3A_34, %dma_wait3A_67] : memref<40x128xi32, #tpu.memory_space<vmem>> -> memref<1x128xi32, #tpu.memory_space<vmem>>
        %dma_wait3A_69 = tpu.memref_squeeze %dma_wait3A_68 : memref<1x128xi32, #tpu.memory_space<vmem>> -> memref<128xi32, #tpu.memory_space<vmem>>
        %dma_wait3A_70 = arith.constant 0 : i32
        %dma_wait3A_71 = arith.constant 0 : i32
        %dma_wait3A_72 = tpu.memref_slice %arg11[%dma_wait3A_70, %dma_wait3A_71] : memref<10240x128xf32, #tpu.memory_space<vmem_shared>> -> memref<10240x128xf32, #tpu.memory_space<vmem_shared>>
        tpu.wait_indirect_dma semaphore(%run_scoped3A : memref<!tpu.dma_semaphore, #tpu.memory_space<semaphore_mem>>) src(%arg9 : memref<128x128xf32, #tpu.memory_space<vmem>>) dst(%dma_wait3A_72 : memref<10240x128xf32, #tpu.memory_space<vmem_shared>>)
        tpu.yield
      }) : () -> ()
      %add3A_41 = arith.constant 2 : i32
      %add3A_42 = arith.addi %add3A_34, %add3A_41 : i32
      %lt3A = arith.constant 40 : i32
      %lt3A_43 = arith.cmpi slt, %add3A_42, %lt3A : i32
      %convert_element_type3A = arith.extui %lt3A_43 : i1 to i32
      %cond3A = arith.constant 0 : i32
      %cond3A_44 = arith.cmpi ne, %convert_element_type3A, %cond3A : i32
      scf.if %cond3A_44 {
        %add3A_61 = arith.constant 2 : i32
        %add3A_62 = arith.addi %add3A_34, %add3A_61 : i32
        %dma_start3A_63 = arith.constant 0 : i32
        %dma_start3A_64 = tpu.memref_slice %arg7[%add3A_62, %dma_start3A_63] : memref<40x128xi32, #tpu.memory_space<vmem>> -> memref<1x128xi32, #tpu.memory_space<vmem>>
        %dma_start3A_65 = tpu.memref_squeeze %dma_start3A_64 : memref<1x128xi32, #tpu.memory_space<vmem>> -> memref<128xi32, #tpu.memory_space<vmem>>
        %dma_start3A_66 = arith.constant 0 : i32
        %dma_start3A_67 = arith.constant 0 : i32
        %dma_start3A_68 = tpu.memref_slice %arg2[%dma_start3A_66, %dma_start3A_67] : memref<10240x128xf32, #tpu.memory_space<hbm>> -> memref<10240x128xf32, #tpu.memory_space<hbm>>
        tpu.enqueue_indirect_dma source(%dma_start3A_68 : memref<10240x128xf32, #tpu.memory_space<hbm>>) target(%arg9 : memref<128x128xf32, #tpu.memory_space<vmem>>) offsets(%dma_start3A_65 : memref<128xi32, #tpu.memory_space<vmem>>) semaphore(%arg12 : memref<!tpu.dma_semaphore, #tpu.memory_space<semaphore_mem>>)
      } else {
      }
      %add3A_45 = arith.constant 1 : i32
      %add3A_46 = arith.addi %mul3A_32, %add3A_45 : i32
      %dma_wait3A_47 = arith.constant 1 : i32
      %dma_wait3A_48 = arith.constant 0 : i32
      %dma_wait3A_49 = tpu.memref_slice %arg7[%dma_wait3A_47, %dma_wait3A_48] : memref<40x128xi32, #tpu.memory_space<vmem>> -> memref<1x128xi32, #tpu.memory_space<vmem>>
      %dma_wait3A_50 = tpu.memref_squeeze %dma_wait3A_49 : memref<1x128xi32, #tpu.memory_space<vmem>> -> memref<128xi32, #tpu.memory_space<vmem>>
      %dma_wait3A_51 = arith.constant 0 : i32
      %dma_wait3A_52 = arith.constant 0 : i32
      %dma_wait3A_53 = tpu.memref_slice %arg2[%dma_wait3A_51, %dma_wait3A_52] : memref<10240x128xf32, #tpu.memory_space<hbm>> -> memref<10240x128xf32, #tpu.memory_space<hbm>>
      tpu.wait_indirect_dma semaphore(%arg13 : memref<!tpu.dma_semaphore, #tpu.memory_space<semaphore_mem>>) src(%dma_wait3A_53 : memref<10240x128xf32, #tpu.memory_space<hbm>>) dst(%arg10 : memref<128x128xf32, #tpu.memory_space<vmem>>)
      "tpu.region"() ({
        %run_scoped3A = tpu.sem_alloc : memref<!tpu.dma_semaphore, #tpu.memory_space<semaphore_mem>>
        %dma_start3A_61 = arith.constant 0 : i32
        %dma_start3A_62 = tpu.memref_slice %arg8[%add3A_46, %dma_start3A_61] : memref<40x128xi32, #tpu.memory_space<vmem>> -> memref<1x128xi32, #tpu.memory_space<vmem>>
        %dma_start3A_63 = tpu.memref_squeeze %dma_start3A_62 : memref<1x128xi32, #tpu.memory_space<vmem>> -> memref<128xi32, #tpu.memory_space<vmem>>
        %dma_start3A_64 = arith.constant 0 : i32
        %dma_start3A_65 = arith.constant 0 : i32
        %dma_start3A_66 = tpu.memref_slice %arg11[%dma_start3A_64, %dma_start3A_65] : memref<10240x128xf32, #tpu.memory_space<vmem_shared>> -> memref<10240x128xf32, #tpu.memory_space<vmem_shared>>
        tpu.enqueue_indirect_dma source(%arg10 : memref<128x128xf32, #tpu.memory_space<vmem>>) target(%dma_start3A_66 : memref<10240x128xf32, #tpu.memory_space<vmem_shared>>) offsets(%dma_start3A_63 : memref<128xi32, #tpu.memory_space<vmem>>) semaphore(%run_scoped3A : memref<!tpu.dma_semaphore, #tpu.memory_space<semaphore_mem>>) {add = true}
        %dma_wait3A_67 = arith.constant 0 : i32
        %dma_wait3A_68 = tpu.memref_slice %arg8[%add3A_46, %dma_wait3A_67] : memref<40x128xi32, #tpu.memory_space<vmem>> -> memref<1x128xi32, #tpu.memory_space<vmem>>
        %dma_wait3A_69 = tpu.memref_squeeze %dma_wait3A_68 : memref<1x128xi32, #tpu.memory_space<vmem>> -> memref<128xi32, #tpu.memory_space<vmem>>
        %dma_wait3A_70 = arith.constant 0 : i32
        %dma_wait3A_71 = arith.constant 0 : i32
        %dma_wait3A_72 = tpu.memref_slice %arg11[%dma_wait3A_70, %dma_wait3A_71] : memref<10240x128xf32, #tpu.memory_space<vmem_shared>> -> memref<10240x128xf32, #tpu.memory_space<vmem_shared>>
        tpu.wait_indirect_dma semaphore(%run_scoped3A : memref<!tpu.dma_semaphore, #tpu.memory_space<semaphore_mem>>) src(%arg10 : memref<128x128xf32, #tpu.memory_space<vmem>>) dst(%dma_wait3A_72 : memref<10240x128xf32, #tpu.memory_space<vmem_shared>>)
        tpu.yield
      }) : () -> ()
      %add3A_54 = arith.constant 2 : i32
      %add3A_55 = arith.addi %add3A_46, %add3A_54 : i32
      %lt3A_56 = arith.constant 40 : i32
      %lt3A_57 = arith.cmpi slt, %add3A_55, %lt3A_56 : i32
      %convert_element_type3A_58 = arith.extui %lt3A_57 : i1 to i32
      %cond3A_59 = arith.constant 0 : i32
      %cond3A_60 = arith.cmpi ne, %convert_element_type3A_58, %cond3A_59 : i32
      scf.if %cond3A_60 {
        %add3A_61 = arith.constant 2 : i32
        %add3A_62 = arith.addi %add3A_46, %add3A_61 : i32
        %dma_start3A_63 = arith.constant 0 : i32
        %dma_start3A_64 = tpu.memref_slice %arg7[%add3A_62, %dma_start3A_63] : memref<40x128xi32, #tpu.memory_space<vmem>> -> memref<1x128xi32, #tpu.memory_space<vmem>>
        %dma_start3A_65 = tpu.memref_squeeze %dma_start3A_64 : memref<1x128xi32, #tpu.memory_space<vmem>> -> memref<128xi32, #tpu.memory_space<vmem>>
        %dma_start3A_66 = arith.constant 0 : i32
        %dma_start3A_67 = arith.constant 0 : i32
        %dma_start3A_68 = tpu.memref_slice %arg2[%dma_start3A_66, %dma_start3A_67] : memref<10240x128xf32, #tpu.memory_space<hbm>> -> memref<10240x128xf32, #tpu.memory_space<hbm>>
        tpu.enqueue_indirect_dma source(%dma_start3A_68 : memref<10240x128xf32, #tpu.memory_space<hbm>>) target(%arg10 : memref<128x128xf32, #tpu.memory_space<vmem>>) offsets(%dma_start3A_65 : memref<128xi32, #tpu.memory_space<vmem>>) semaphore(%arg13 : memref<!tpu.dma_semaphore, #tpu.memory_space<semaphore_mem>>)
      } else {
      }
    }
    %scan3A_24 = arith.constant 20 : i32
    %barrier3A_25 = arith.constant 0 : index
    tpu.barrier barrier_id(%barrier3A_25)
    %mul3A_26 = arith.constant 640 : i32
    %mul3A_27 = arith.muli %arg1, %mul3A_26 : i32
    %mul3A_28 = arith.constant 640 : i32
    %mul3A_29 = arith.muli %arg1, %mul3A_28 : i32
    "tpu.region"() ({
      %run_scoped3A = tpu.sem_alloc : memref<!tpu.dma_semaphore, #tpu.memory_space<semaphore_mem>>
      %dma_start3A_30 = arith.constant 0 : i32
      %dma_start3A_31 = arith.constant 0 : i32
      %dma_start3A_32 = tpu.memref_slice %arg6[%arg0, %dma_start3A_30, %dma_start3A_31] : memref<2x10240x128xf32, #tpu.memory_space<hbm>> -> memref<1x10240x128xf32, #tpu.memory_space<hbm>>
      %dma_start3A_33 = tpu.memref_squeeze %dma_start3A_32 : memref<1x10240x128xf32, #tpu.memory_space<hbm>> -> memref<10240x128xf32, #tpu.memory_space<hbm>>
      %dma_start3A_34 = arith.constant 0 : i32
      %dma_start3A_35 = tpu.memref_slice %dma_start3A_33[%mul3A_29, %dma_start3A_34] : memref<10240x128xf32, #tpu.memory_space<hbm>> -> memref<640x128xf32, #tpu.memory_space<hbm>>
      %dma_start3A_36 = arith.constant 0 : i32
      %dma_start3A_37 = tpu.memref_slice %arg11[%mul3A_27, %dma_start3A_36] : memref<10240x128xf32, #tpu.memory_space<vmem_shared>> -> memref<640x128xf32, #tpu.memory_space<vmem_shared>>
      tpu.enqueue_dma source(%dma_start3A_37 : memref<640x128xf32, #tpu.memory_space<vmem_shared>>) target(%dma_start3A_35 : memref<640x128xf32, #tpu.memory_space<hbm>>) target_semaphore(%run_scoped3A : memref<!tpu.dma_semaphore, #tpu.memory_space<semaphore_mem>>)
      %dma_wait3A = arith.constant 0 : i32
      %dma_wait3A_38 = arith.constant 0 : i32
      %dma_wait3A_39 = tpu.memref_slice %arg6[%arg0, %dma_wait3A, %dma_wait3A_38] : memref<2x10240x128xf32, #tpu.memory_space<hbm>> -> memref<1x10240x128xf32, #tpu.memory_space<hbm>>
      %dma_wait3A_40 = tpu.memref_squeeze %dma_wait3A_39 : memref<1x10240x128xf32, #tpu.memory_space<hbm>> -> memref<10240x128xf32, #tpu.memory_space<hbm>>
      %dma_wait3A_41 = arith.constant 0 : i32
      %dma_wait3A_42 = tpu.memref_slice %dma_wait3A_40[%mul3A_29, %dma_wait3A_41] : memref<10240x128xf32, #tpu.memory_space<hbm>> -> memref<640x128xf32, #tpu.memory_space<hbm>>
      %dma_wait3A_43 = arith.constant 0 : i32
      %dma_wait3A_44 = tpu.memref_slice %arg11[%mul3A_27, %dma_wait3A_43] : memref<10240x128xf32, #tpu.memory_space<vmem_shared>> -> memref<640x128xf32, #tpu.memory_space<vmem_shared>>
      tpu.wait_dma2 semaphore(%run_scoped3A : memref<!tpu.dma_semaphore, #tpu.memory_space<semaphore_mem>>) src(%dma_wait3A_44 : memref<640x128xf32, #tpu.memory_space<vmem_shared>>) dst(%dma_wait3A_42 : memref<640x128xf32, #tpu.memory_space<hbm>>)
      tpu.yield
    }) : () -> ()
    return
  }
}

#map = affine_map<(d0, d1) -> (0, 0)>
#map1 = affine_map<(d0, d1) -> (0, 0, 0)>
module attributes {stable_mosaic.version = 14 : i64} {
  func.func @agg(%arg0: i32, %arg1: i32, %arg2: memref<10240x128xf32, #tpu.memory_space<hbm>>, %arg3: memref<1280x128xi32, #tpu.memory_space<hbm>>, %arg4: memref<1280x128xi32, #tpu.memory_space<hbm>>, %arg5: memref<10240x128xf32, #tpu.memory_space<hbm>>, %arg6: memref<2x10240x128xf32, #tpu.memory_space<hbm>>, %arg7: memref<40x128xi32, #tpu.memory_space<vmem>>, %arg8: memref<40x128xi32, #tpu.memory_space<vmem>>, %arg9: memref<128x128xf32, #tpu.memory_space<vmem>>, %arg10: memref<128x128xf32, #tpu.memory_space<vmem>>, %arg11: memref<10240x128xf32, #tpu.memory_space<vmem_shared>>, %arg12: memref<!tpu.dma_semaphore, #tpu.memory_space<semaphore_mem>>, %arg13: memref<!tpu.dma_semaphore, #tpu.memory_space<semaphore_mem>>) attributes {dimension_semantics = [#tpu.dimension_semantics<core_parallel>, #tpu.dimension_semantics<subcore_parallel>], iteration_bounds = array<i64: 2, 16>, scalar_prefetch = 0 : i64, scratch_operands = 7 : i64, tpu.core_type = #tpu.core_type<sc_vector_subcore>, window_params = [{transform_indices = #map}, {transform_indices = #map}, {transform_indices = #map}, {transform_indices = #map}, {transform_indices = #map1}]} {
    %mul3A = arith.constant 2 : i32
    %mul3A_0 = arith.muli %arg1, %mul3A : i32
    %add3A = arith.addi %mul3A_0, %arg0 : i32
    %mul3A_1 = arith.constant 640 : i32
    %mul3A_2 = arith.muli %arg1, %mul3A_1 : i32
    %mul3A_3 = arith.constant 640 : i32
    %mul3A_4 = arith.muli %arg1, %mul3A_3 : i32
    "tpu.region"() ({
      %run_scoped3A = tpu.sem_alloc : memref<!tpu.dma_semaphore, #tpu.memory_space<semaphore_mem>>
      %dma_start3A_30 = arith.constant 0 : i32
      %dma_start3A_31 = tpu.memref_slice %arg11[%mul3A_4, %dma_start3A_30] : memref<10240x128xf32, #tpu.memory_space<vmem_shared>> -> memref<640x128xf32, #tpu.memory_space<vmem_shared>>
      %dma_start3A_32 = arith.constant 0 : i32
      %dma_start3A_33 = tpu.memref_slice %arg5[%mul3A_2, %dma_start3A_32] : memref<10240x128xf32, #tpu.memory_space<hbm>> -> memref<640x128xf32, #tpu.memory_space<hbm>>
      tpu.enqueue_dma source(%dma_start3A_33 : memref<640x128xf32, #tpu.memory_space<hbm>>) target(%dma_start3A_31 : memref<640x128xf32, #tpu.memory_space<vmem_shared>>) target_semaphore(%run_scoped3A : memref<!tpu.dma_semaphore, #tpu.memory_space<semaphore_mem>>)
      %dma_wait3A = arith.constant 0 : i32
      %dma_wait3A_34 = tpu.memref_slice %arg11[%mul3A_4, %dma_wait3A] : memref<10240x128xf32, #tpu.memory_space<vmem_shared>> -> memref<640x128xf32, #tpu.memory_space<vmem_shared>>
      %dma_wait3A_35 = arith.constant 0 : i32
      %dma_wait3A_36 = tpu.memref_slice %arg5[%mul3A_2, %dma_wait3A_35] : memref<10240x128xf32, #tpu.memory_space<hbm>> -> memref<640x128xf32, #tpu.memory_space<hbm>>
      tpu.wait_dma2 semaphore(%run_scoped3A : memref<!tpu.dma_semaphore, #tpu.memory_space<semaphore_mem>>) src(%dma_wait3A_36 : memref<640x128xf32, #tpu.memory_space<hbm>>) dst(%dma_wait3A_34 : memref<640x128xf32, #tpu.memory_space<vmem_shared>>)
      tpu.yield
    }) : () -> ()
    %barrier3A = arith.constant 0 : index
    tpu.barrier barrier_id(%barrier3A)
    %mul3A_5 = arith.constant 40 : i32
    %mul3A_6 = arith.muli %add3A, %mul3A_5 : i32
    "tpu.region"() ({
      %run_scoped3A = tpu.sem_alloc : memref<!tpu.dma_semaphore, #tpu.memory_space<semaphore_mem>>
      %dma_start3A_30 = arith.constant 0 : i32
      %dma_start3A_31 = tpu.memref_slice %arg3[%mul3A_6, %dma_start3A_30] : memref<1280x128xi32, #tpu.memory_space<hbm>> -> memref<40x128xi32, #tpu.memory_space<hbm>>
      %dma_start3A_32 = arith.constant 0 : i32
      %dma_start3A_33 = tpu.memref_slice %arg3[%mul3A_6, %dma_start3A_32] : memref<1280x128xi32, #tpu.memory_space<hbm>> -> memref<40x128xi32, #tpu.memory_space<hbm>>
      tpu.enqueue_dma source(%dma_start3A_33 : memref<40x128xi32, #tpu.memory_space<hbm>>) target(%arg7 : memref<40x128xi32, #tpu.memory_space<vmem>>) target_semaphore(%run_scoped3A : memref<!tpu.dma_semaphore, #tpu.memory_space<semaphore_mem>>)
      %dma_wait3A = arith.constant 0 : i32
      %dma_wait3A_34 = tpu.memref_slice %arg3[%mul3A_6, %dma_wait3A] : memref<1280x128xi32, #tpu.memory_space<hbm>> -> memref<40x128xi32, #tpu.memory_space<hbm>>
      %dma_wait3A_35 = arith.constant 0 : i32
      %dma_wait3A_36 = tpu.memref_slice %arg3[%mul3A_6, %dma_wait3A_35] : memref<1280x128xi32, #tpu.memory_space<hbm>> -> memref<40x128xi32, #tpu.memory_space<hbm>>
      tpu.wait_dma2 semaphore(%run_scoped3A : memref<!tpu.dma_semaphore, #tpu.memory_space<semaphore_mem>>) src(%dma_wait3A_36 : memref<40x128xi32, #tpu.memory_space<hbm>>) dst(%arg7 : memref<40x128xi32, #tpu.memory_space<vmem>>)
      tpu.yield
    }) : () -> ()
    "tpu.region"() ({
      %run_scoped3A = tpu.sem_alloc : memref<!tpu.dma_semaphore, #tpu.memory_space<semaphore_mem>>
      %dma_start3A_30 = arith.constant 0 : i32
      %dma_start3A_31 = tpu.memref_slice %arg4[%mul3A_6, %dma_start3A_30] : memref<1280x128xi32, #tpu.memory_space<hbm>> -> memref<40x128xi32, #tpu.memory_space<hbm>>
      %dma_start3A_32 = arith.constant 0 : i32
      %dma_start3A_33 = tpu.memref_slice %arg4[%mul3A_6, %dma_start3A_32] : memref<1280x128xi32, #tpu.memory_space<hbm>> -> memref<40x128xi32, #tpu.memory_space<hbm>>
      tpu.enqueue_dma source(%dma_start3A_33 : memref<40x128xi32, #tpu.memory_space<hbm>>) target(%arg8 : memref<40x128xi32, #tpu.memory_space<vmem>>) target_semaphore(%run_scoped3A : memref<!tpu.dma_semaphore, #tpu.memory_space<semaphore_mem>>)
      %dma_wait3A = arith.constant 0 : i32
      %dma_wait3A_34 = tpu.memref_slice %arg4[%mul3A_6, %dma_wait3A] : memref<1280x128xi32, #tpu.memory_space<hbm>> -> memref<40x128xi32, #tpu.memory_space<hbm>>
      %dma_wait3A_35 = arith.constant 0 : i32
      %dma_wait3A_36 = tpu.memref_slice %arg4[%mul3A_6, %dma_wait3A_35] : memref<1280x128xi32, #tpu.memory_space<hbm>> -> memref<40x128xi32, #tpu.memory_space<hbm>>
      tpu.wait_dma2 semaphore(%run_scoped3A : memref<!tpu.dma_semaphore, #tpu.memory_space<semaphore_mem>>) src(%dma_wait3A_36 : memref<40x128xi32, #tpu.memory_space<hbm>>) dst(%arg8 : memref<40x128xi32, #tpu.memory_space<vmem>>)
      tpu.yield
    }) : () -> ()
    %dma_start3A = arith.constant 0 : i32
    %dma_start3A_7 = arith.constant 0 : i32
    %dma_start3A_8 = tpu.memref_slice %arg7[%dma_start3A, %dma_start3A_7] : memref<40x128xi32, #tpu.memory_space<vmem>> -> memref<1x128xi32, #tpu.memory_space<vmem>>
    %dma_start3A_9 = tpu.memref_squeeze %dma_start3A_8 : memref<1x128xi32, #tpu.memory_space<vmem>> -> memref<128xi32, #tpu.memory_space<vmem>>
    %dma_start3A_10 = arith.constant 0 : i32
    %dma_start3A_11 = arith.constant 0 : i32
    %dma_start3A_12 = tpu.memref_slice %arg2[%dma_start3A_10, %dma_start3A_11] : memref<10240x128xf32, #tpu.memory_space<hbm>> -> memref<10240x128xf32, #tpu.memory_space<hbm>>
    tpu.enqueue_indirect_dma source(%dma_start3A_12 : memref<10240x128xf32, #tpu.memory_space<hbm>>) target(%arg9 : memref<128x128xf32, #tpu.memory_space<vmem>>) offsets(%dma_start3A_9 : memref<128xi32, #tpu.memory_space<vmem>>) semaphore(%arg12 : memref<!tpu.dma_semaphore, #tpu.memory_space<semaphore_mem>>)
    %dma_start3A_13 = arith.constant 1 : i32
    %dma_start3A_14 = arith.constant 0 : i32
    %dma_start3A_15 = tpu.memref_slice %arg7[%dma_start3A_13, %dma_start3A_14] : memref<40x128xi32, #tpu.memory_space<vmem>> -> memref<1x128xi32, #tpu.memory_space<vmem>>
    %dma_start3A_16 = tpu.memref_squeeze %dma_start3A_15 : memref<1x128xi32, #tpu.memory_space<vmem>> -> memref<128xi32, #tpu.memory_space<vmem>>
    %dma_start3A_17 = arith.constant 0 : i32
    %dma_start3A_18 = arith.constant 0 : i32
    %dma_start3A_19 = tpu.memref_slice %arg2[%dma_start3A_17, %dma_start3A_18] : memref<10240x128xf32, #tpu.memory_space<hbm>> -> memref<10240x128xf32, #tpu.memory_space<hbm>>
    tpu.enqueue_indirect_dma source(%dma_start3A_19 : memref<10240x128xf32, #tpu.memory_space<hbm>>) target(%arg10 : memref<128x128xf32, #tpu.memory_space<vmem>>) offsets(%dma_start3A_16 : memref<128xi32, #tpu.memory_space<vmem>>) semaphore(%arg13 : memref<!tpu.dma_semaphore, #tpu.memory_space<semaphore_mem>>)
    %scan3A = arith.constant 0 : i32
    %scan3A_20 = arith.constant 0 : i32
    %scan3A_21 = arith.constant 20 : i32
    %scan3A_22 = arith.addi %scan3A_20, %scan3A_21 : i32
    %scan3A_23 = arith.constant 1 : i32
    scf.for %scan3A_30 = %scan3A_20 to %scan3A_22 step %scan3A_23  : i32 {
      %mul3A_31 = arith.constant 2 : i32
      %mul3A_32 = arith.muli %mul3A_31, %scan3A_30 : i32
      %add3A_33 = arith.constant 0 : i32
      %add3A_34 = arith.addi %mul3A_32, %add3A_33 : i32
      %dma_wait3A = arith.constant 0 : i32
      %dma_wait3A_35 = arith.constant 0 : i32
      %dma_wait3A_36 = tpu.memref_slice %arg7[%dma_wait3A, %dma_wait3A_35] : memref<40x128xi32, #tpu.memory_space<vmem>> -> memref<1x128xi32, #tpu.memory_space<vmem>>
      %dma_wait3A_37 = tpu.memref_squeeze %dma_wait3A_36 : memref<1x128xi32, #tpu.memory_space<vmem>> -> memref<128xi32, #tpu.memory_space<vmem>>
      %dma_wait3A_38 = arith.constant 0 : i32
      %dma_wait3A_39 = arith.constant 0 : i32
      %dma_wait3A_40 = tpu.memref_slice %arg2[%dma_wait3A_38, %dma_wait3A_39] : memref<10240x128xf32, #tpu.memory_space<hbm>> -> memref<10240x128xf32, #tpu.memory_space<hbm>>
      tpu.wait_indirect_dma semaphore(%arg12 : memref<!tpu.dma_semaphore, #tpu.memory_space<semaphore_mem>>) src(%dma_wait3A_40 : memref<10240x128xf32, #tpu.memory_space<hbm>>) dst(%arg9 : memref<128x128xf32, #tpu.memory_space<vmem>>)
      "tpu.region"() ({
        %run_scoped3A = tpu.sem_alloc : memref<!tpu.dma_semaphore, #tpu.memory_space<semaphore_mem>>
        %dma_start3A_61 = arith.constant 0 : i32
        %dma_start3A_62 = tpu.memref_slice %arg8[%add3A_34, %dma_start3A_61] : memref<40x128xi32, #tpu.memory_space<vmem>> -> memref<1x128xi32, #tpu.memory_space<vmem>>
        %dma_start3A_63 = tpu.memref_squeeze %dma_start3A_62 : memref<1x128xi32, #tpu.memory_space<vmem>> -> memref<128xi32, #tpu.memory_space<vmem>>
        %dma_start3A_64 = arith.constant 0 : i32
        %dma_start3A_65 = arith.constant 0 : i32
        %dma_start3A_66 = tpu.memref_slice %arg11[%dma_start3A_64, %dma_start3A_65] : memref<10240x128xf32, #tpu.memory_space<vmem_shared>> -> memref<10240x128xf32, #tpu.memory_space<vmem_shared>>
        tpu.enqueue_indirect_dma source(%arg9 : memref<128x128xf32, #tpu.memory_space<vmem>>) target(%dma_start3A_66 : memref<10240x128xf32, #tpu.memory_space<vmem_shared>>) offsets(%dma_start3A_63 : memref<128xi32, #tpu.memory_space<vmem>>) semaphore(%run_scoped3A : memref<!tpu.dma_semaphore, #tpu.memory_space<semaphore_mem>>) {add = true}
        %dma_wait3A_67 = arith.constant 0 : i32
        %dma_wait3A_68 = tpu.memref_slice %arg8[%add3A_34, %dma_wait3A_67] : memref<40x128xi32, #tpu.memory_space<vmem>> -> memref<1x128xi32, #tpu.memory_space<vmem>>
        %dma_wait3A_69 = tpu.memref_squeeze %dma_wait3A_68 : memref<1x128xi32, #tpu.memory_space<vmem>> -> memref<128xi32, #tpu.memory_space<vmem>>
        %dma_wait3A_70 = arith.constant 0 : i32
        %dma_wait3A_71 = arith.constant 0 : i32
        %dma_wait3A_72 = tpu.memref_slice %arg11[%dma_wait3A_70, %dma_wait3A_71] : memref<10240x128xf32, #tpu.memory_space<vmem_shared>> -> memref<10240x128xf32, #tpu.memory_space<vmem_shared>>
        tpu.wait_indirect_dma semaphore(%run_scoped3A : memref<!tpu.dma_semaphore, #tpu.memory_space<semaphore_mem>>) src(%arg9 : memref<128x128xf32, #tpu.memory_space<vmem>>) dst(%dma_wait3A_72 : memref<10240x128xf32, #tpu.memory_space<vmem_shared>>)
        tpu.yield
      }) : () -> ()
      %add3A_41 = arith.constant 2 : i32
      %add3A_42 = arith.addi %add3A_34, %add3A_41 : i32
      %lt3A = arith.constant 40 : i32
      %lt3A_43 = arith.cmpi slt, %add3A_42, %lt3A : i32
      %convert_element_type3A = arith.extui %lt3A_43 : i1 to i32
      %cond3A = arith.constant 0 : i32
      %cond3A_44 = arith.cmpi ne, %convert_element_type3A, %cond3A : i32
      scf.if %cond3A_44 {
        %add3A_61 = arith.constant 2 : i32
        %add3A_62 = arith.addi %add3A_34, %add3A_61 : i32
        %dma_start3A_63 = arith.constant 0 : i32
        %dma_start3A_64 = tpu.memref_slice %arg7[%add3A_62, %dma_start3A_63] : memref<40x128xi32, #tpu.memory_space<vmem>> -> memref<1x128xi32, #tpu.memory_space<vmem>>
        %dma_start3A_65 = tpu.memref_squeeze %dma_start3A_64 : memref<1x128xi32, #tpu.memory_space<vmem>> -> memref<128xi32, #tpu.memory_space<vmem>>
        %dma_start3A_66 = arith.constant 0 : i32
        %dma_start3A_67 = arith.constant 0 : i32
        %dma_start3A_68 = tpu.memref_slice %arg2[%dma_start3A_66, %dma_start3A_67] : memref<10240x128xf32, #tpu.memory_space<hbm>> -> memref<10240x128xf32, #tpu.memory_space<hbm>>
        tpu.enqueue_indirect_dma source(%dma_start3A_68 : memref<10240x128xf32, #tpu.memory_space<hbm>>) target(%arg9 : memref<128x128xf32, #tpu.memory_space<vmem>>) offsets(%dma_start3A_65 : memref<128xi32, #tpu.memory_space<vmem>>) semaphore(%arg12 : memref<!tpu.dma_semaphore, #tpu.memory_space<semaphore_mem>>)
      } else {
      }
      %add3A_45 = arith.constant 1 : i32
      %add3A_46 = arith.addi %mul3A_32, %add3A_45 : i32
      %dma_wait3A_47 = arith.constant 1 : i32
      %dma_wait3A_48 = arith.constant 0 : i32
      %dma_wait3A_49 = tpu.memref_slice %arg7[%dma_wait3A_47, %dma_wait3A_48] : memref<40x128xi32, #tpu.memory_space<vmem>> -> memref<1x128xi32, #tpu.memory_space<vmem>>
      %dma_wait3A_50 = tpu.memref_squeeze %dma_wait3A_49 : memref<1x128xi32, #tpu.memory_space<vmem>> -> memref<128xi32, #tpu.memory_space<vmem>>
      %dma_wait3A_51 = arith.constant 0 : i32
      %dma_wait3A_52 = arith.constant 0 : i32
      %dma_wait3A_53 = tpu.memref_slice %arg2[%dma_wait3A_51, %dma_wait3A_52] : memref<10240x128xf32, #tpu.memory_space<hbm>> -> memref<10240x128xf32, #tpu.memory_space<hbm>>
      tpu.wait_indirect_dma semaphore(%arg13 : memref<!tpu.dma_semaphore, #tpu.memory_space<semaphore_mem>>) src(%dma_wait3A_53 : memref<10240x128xf32, #tpu.memory_space<hbm>>) dst(%arg10 : memref<128x128xf32, #tpu.memory_space<vmem>>)
      "tpu.region"() ({
        %run_scoped3A = tpu.sem_alloc : memref<!tpu.dma_semaphore, #tpu.memory_space<semaphore_mem>>
        %dma_start3A_61 = arith.constant 0 : i32
        %dma_start3A_62 = tpu.memref_slice %arg8[%add3A_46, %dma_start3A_61] : memref<40x128xi32, #tpu.memory_space<vmem>> -> memref<1x128xi32, #tpu.memory_space<vmem>>
        %dma_start3A_63 = tpu.memref_squeeze %dma_start3A_62 : memref<1x128xi32, #tpu.memory_space<vmem>> -> memref<128xi32, #tpu.memory_space<vmem>>
        %dma_start3A_64 = arith.constant 0 : i32
        %dma_start3A_65 = arith.constant 0 : i32
        %dma_start3A_66 = tpu.memref_slice %arg11[%dma_start3A_64, %dma_start3A_65] : memref<10240x128xf32, #tpu.memory_space<vmem_shared>> -> memref<10240x128xf32, #tpu.memory_space<vmem_shared>>
        tpu.enqueue_indirect_dma source(%arg10 : memref<128x128xf32, #tpu.memory_space<vmem>>) target(%dma_start3A_66 : memref<10240x128xf32, #tpu.memory_space<vmem_shared>>) offsets(%dma_start3A_63 : memref<128xi32, #tpu.memory_space<vmem>>) semaphore(%run_scoped3A : memref<!tpu.dma_semaphore, #tpu.memory_space<semaphore_mem>>) {add = true}
        %dma_wait3A_67 = arith.constant 0 : i32
        %dma_wait3A_68 = tpu.memref_slice %arg8[%add3A_46, %dma_wait3A_67] : memref<40x128xi32, #tpu.memory_space<vmem>> -> memref<1x128xi32, #tpu.memory_space<vmem>>
        %dma_wait3A_69 = tpu.memref_squeeze %dma_wait3A_68 : memref<1x128xi32, #tpu.memory_space<vmem>> -> memref<128xi32, #tpu.memory_space<vmem>>
        %dma_wait3A_70 = arith.constant 0 : i32
        %dma_wait3A_71 = arith.constant 0 : i32
        %dma_wait3A_72 = tpu.memref_slice %arg11[%dma_wait3A_70, %dma_wait3A_71] : memref<10240x128xf32, #tpu.memory_space<vmem_shared>> -> memref<10240x128xf32, #tpu.memory_space<vmem_shared>>
        tpu.wait_indirect_dma semaphore(%run_scoped3A : memref<!tpu.dma_semaphore, #tpu.memory_space<semaphore_mem>>) src(%arg10 : memref<128x128xf32, #tpu.memory_space<vmem>>) dst(%dma_wait3A_72 : memref<10240x128xf32, #tpu.memory_space<vmem_shared>>)
        tpu.yield
      }) : () -> ()
      %add3A_54 = arith.constant 2 : i32
      %add3A_55 = arith.addi %add3A_46, %add3A_54 : i32
      %lt3A_56 = arith.constant 40 : i32
      %lt3A_57 = arith.cmpi slt, %add3A_55, %lt3A_56 : i32
      %convert_element_type3A_58 = arith.extui %lt3A_57 : i1 to i32
      %cond3A_59 = arith.constant 0 : i32
      %cond3A_60 = arith.cmpi ne, %convert_element_type3A_58, %cond3A_59 : i32
      scf.if %cond3A_60 {
        %add3A_61 = arith.constant 2 : i32
        %add3A_62 = arith.addi %add3A_46, %add3A_61 : i32
        %dma_start3A_63 = arith.constant 0 : i32
        %dma_start3A_64 = tpu.memref_slice %arg7[%add3A_62, %dma_start3A_63] : memref<40x128xi32, #tpu.memory_space<vmem>> -> memref<1x128xi32, #tpu.memory_space<vmem>>
        %dma_start3A_65 = tpu.memref_squeeze %dma_start3A_64 : memref<1x128xi32, #tpu.memory_space<vmem>> -> memref<128xi32, #tpu.memory_space<vmem>>
        %dma_start3A_66 = arith.constant 0 : i32
        %dma_start3A_67 = arith.constant 0 : i32
        %dma_start3A_68 = tpu.memref_slice %arg2[%dma_start3A_66, %dma_start3A_67] : memref<10240x128xf32, #tpu.memory_space<hbm>> -> memref<10240x128xf32, #tpu.memory_space<hbm>>
        tpu.enqueue_indirect_dma source(%dma_start3A_68 : memref<10240x128xf32, #tpu.memory_space<hbm>>) target(%arg10 : memref<128x128xf32, #tpu.memory_space<vmem>>) offsets(%dma_start3A_65 : memref<128xi32, #tpu.memory_space<vmem>>) semaphore(%arg13 : memref<!tpu.dma_semaphore, #tpu.memory_space<semaphore_mem>>)
      } else {
      }
    }
    %scan3A_24 = arith.constant 20 : i32
    %barrier3A_25 = arith.constant 0 : index
    tpu.barrier barrier_id(%barrier3A_25)
    %mul3A_26 = arith.constant 640 : i32
    %mul3A_27 = arith.muli %arg1, %mul3A_26 : i32
    %mul3A_28 = arith.constant 640 : i32
    %mul3A_29 = arith.muli %arg1, %mul3A_28 : i32
    "tpu.region"() ({
      %run_scoped3A = tpu.sem_alloc : memref<!tpu.dma_semaphore, #tpu.memory_space<semaphore_mem>>
      %dma_start3A_30 = arith.constant 0 : i32
      %dma_start3A_31 = arith.constant 0 : i32
      %dma_start3A_32 = tpu.memref_slice %arg6[%arg0, %dma_start3A_30, %dma_start3A_31] : memref<2x10240x128xf32, #tpu.memory_space<hbm>> -> memref<1x10240x128xf32, #tpu.memory_space<hbm>>
      %dma_start3A_33 = tpu.memref_squeeze %dma_start3A_32 : memref<1x10240x128xf32, #tpu.memory_space<hbm>> -> memref<10240x128xf32, #tpu.memory_space<hbm>>
      %dma_start3A_34 = arith.constant 0 : i32
      %dma_start3A_35 = tpu.memref_slice %dma_start3A_33[%mul3A_29, %dma_start3A_34] : memref<10240x128xf32, #tpu.memory_space<hbm>> -> memref<640x128xf32, #tpu.memory_space<hbm>>
      %dma_start3A_36 = arith.constant 0 : i32
      %dma_start3A_37 = tpu.memref_slice %arg11[%mul3A_27, %dma_start3A_36] : memref<10240x128xf32, #tpu.memory_space<vmem_shared>> -> memref<640x128xf32, #tpu.memory_space<vmem_shared>>
      tpu.enqueue_dma source(%dma_start3A_37 : memref<640x128xf32, #tpu.memory_space<vmem_shared>>) target(%dma_start3A_35 : memref<640x128xf32, #tpu.memory_space<hbm>>) target_semaphore(%run_scoped3A : memref<!tpu.dma_semaphore, #tpu.memory_space<semaphore_mem>>)
      %dma_wait3A = arith.constant 0 : i32
      %dma_wait3A_38 = arith.constant 0 : i32
      %dma_wait3A_39 = tpu.memref_slice %arg6[%arg0, %dma_wait3A, %dma_wait3A_38] : memref<2x10240x128xf32, #tpu.memory_space<hbm>> -> memref<1x10240x128xf32, #tpu.memory_space<hbm>>
      %dma_wait3A_40 = tpu.memref_squeeze %dma_wait3A_39 : memref<1x10240x128xf32, #tpu.memory_space<hbm>> -> memref<10240x128xf32, #tpu.memory_space<hbm>>
      %dma_wait3A_41 = arith.constant 0 : i32
      %dma_wait3A_42 = tpu.memref_slice %dma_wait3A_40[%mul3A_29, %dma_wait3A_41] : memref<10240x128xf32, #tpu.memory_space<hbm>> -> memref<640x128xf32, #tpu.memory_space<hbm>>
      %dma_wait3A_43 = arith.constant 0 : i32
      %dma_wait3A_44 = tpu.memref_slice %arg11[%mul3A_27, %dma_wait3A_43] : memref<10240x128xf32, #tpu.memory_space<vmem_shared>> -> memref<640x128xf32, #tpu.memory_space<vmem_shared>>
      tpu.wait_dma2 semaphore(%run_scoped3A : memref<!tpu.dma_semaphore, #tpu.memory_space<semaphore_mem>>) src(%dma_wait3A_44 : memref<640x128xf32, #tpu.memory_space<vmem_shared>>) dst(%dma_wait3A_42 : memref<640x128xf32, #tpu.memory_space<hbm>>)
      tpu.yield
    }) : () -> ()
    return
  }
}

#map = affine_map<(d0, d1) -> (0, 0)>
#map1 = affine_map<(d0, d1) -> (0, 0, 0)>
module attributes {stable_mosaic.version = 14 : i64} {
  func.func @agg(%arg0: i32, %arg1: i32, %arg2: memref<10240x128xf32, #tpu.memory_space<hbm>>, %arg3: memref<1280x128xi32, #tpu.memory_space<hbm>>, %arg4: memref<1280x128xi32, #tpu.memory_space<hbm>>, %arg5: memref<10240x128xf32, #tpu.memory_space<hbm>>, %arg6: memref<2x10240x128xf32, #tpu.memory_space<hbm>>, %arg7: memref<40x128xi32, #tpu.memory_space<vmem>>, %arg8: memref<40x128xi32, #tpu.memory_space<vmem>>, %arg9: memref<128x128xf32, #tpu.memory_space<vmem>>, %arg10: memref<128x128xf32, #tpu.memory_space<vmem>>, %arg11: memref<10240x128xf32, #tpu.memory_space<vmem_shared>>, %arg12: memref<!tpu.dma_semaphore, #tpu.memory_space<semaphore_mem>>, %arg13: memref<!tpu.dma_semaphore, #tpu.memory_space<semaphore_mem>>) attributes {dimension_semantics = [#tpu.dimension_semantics<core_parallel>, #tpu.dimension_semantics<subcore_parallel>], iteration_bounds = array<i64: 2, 16>, scalar_prefetch = 0 : i64, scratch_operands = 7 : i64, tpu.core_type = #tpu.core_type<sc_vector_subcore>, window_params = [{transform_indices = #map}, {transform_indices = #map}, {transform_indices = #map}, {transform_indices = #map}, {transform_indices = #map1}]} {
    %mul3A = arith.constant 2 : i32
    %mul3A_0 = arith.muli %arg1, %mul3A : i32
    %add3A = arith.addi %mul3A_0, %arg0 : i32
    %mul3A_1 = arith.constant 640 : i32
    %mul3A_2 = arith.muli %arg1, %mul3A_1 : i32
    %mul3A_3 = arith.constant 640 : i32
    %mul3A_4 = arith.muli %arg1, %mul3A_3 : i32
    "tpu.region"() ({
      %run_scoped3A = tpu.sem_alloc : memref<!tpu.dma_semaphore, #tpu.memory_space<semaphore_mem>>
      %dma_start3A_30 = arith.constant 0 : i32
      %dma_start3A_31 = tpu.memref_slice %arg11[%mul3A_4, %dma_start3A_30] : memref<10240x128xf32, #tpu.memory_space<vmem_shared>> -> memref<640x128xf32, #tpu.memory_space<vmem_shared>>
      %dma_start3A_32 = arith.constant 0 : i32
      %dma_start3A_33 = tpu.memref_slice %arg5[%mul3A_2, %dma_start3A_32] : memref<10240x128xf32, #tpu.memory_space<hbm>> -> memref<640x128xf32, #tpu.memory_space<hbm>>
      tpu.enqueue_dma source(%dma_start3A_33 : memref<640x128xf32, #tpu.memory_space<hbm>>) target(%dma_start3A_31 : memref<640x128xf32, #tpu.memory_space<vmem_shared>>) target_semaphore(%run_scoped3A : memref<!tpu.dma_semaphore, #tpu.memory_space<semaphore_mem>>)
      %dma_wait3A = arith.constant 0 : i32
      %dma_wait3A_34 = tpu.memref_slice %arg11[%mul3A_4, %dma_wait3A] : memref<10240x128xf32, #tpu.memory_space<vmem_shared>> -> memref<640x128xf32, #tpu.memory_space<vmem_shared>>
      %dma_wait3A_35 = arith.constant 0 : i32
      %dma_wait3A_36 = tpu.memref_slice %arg5[%mul3A_2, %dma_wait3A_35] : memref<10240x128xf32, #tpu.memory_space<hbm>> -> memref<640x128xf32, #tpu.memory_space<hbm>>
      tpu.wait_dma2 semaphore(%run_scoped3A : memref<!tpu.dma_semaphore, #tpu.memory_space<semaphore_mem>>) src(%dma_wait3A_36 : memref<640x128xf32, #tpu.memory_space<hbm>>) dst(%dma_wait3A_34 : memref<640x128xf32, #tpu.memory_space<vmem_shared>>)
      tpu.yield
    }) : () -> ()
    %barrier3A = arith.constant 0 : index
    tpu.barrier barrier_id(%barrier3A)
    %mul3A_5 = arith.constant 40 : i32
    %mul3A_6 = arith.muli %add3A, %mul3A_5 : i32
    "tpu.region"() ({
      %run_scoped3A = tpu.sem_alloc : memref<!tpu.dma_semaphore, #tpu.memory_space<semaphore_mem>>
      %dma_start3A_30 = arith.constant 0 : i32
      %dma_start3A_31 = tpu.memref_slice %arg3[%mul3A_6, %dma_start3A_30] : memref<1280x128xi32, #tpu.memory_space<hbm>> -> memref<40x128xi32, #tpu.memory_space<hbm>>
      %dma_start3A_32 = arith.constant 0 : i32
      %dma_start3A_33 = tpu.memref_slice %arg3[%mul3A_6, %dma_start3A_32] : memref<1280x128xi32, #tpu.memory_space<hbm>> -> memref<40x128xi32, #tpu.memory_space<hbm>>
      tpu.enqueue_dma source(%dma_start3A_33 : memref<40x128xi32, #tpu.memory_space<hbm>>) target(%arg7 : memref<40x128xi32, #tpu.memory_space<vmem>>) target_semaphore(%run_scoped3A : memref<!tpu.dma_semaphore, #tpu.memory_space<semaphore_mem>>)
      %dma_wait3A = arith.constant 0 : i32
      %dma_wait3A_34 = tpu.memref_slice %arg3[%mul3A_6, %dma_wait3A] : memref<1280x128xi32, #tpu.memory_space<hbm>> -> memref<40x128xi32, #tpu.memory_space<hbm>>
      %dma_wait3A_35 = arith.constant 0 : i32
      %dma_wait3A_36 = tpu.memref_slice %arg3[%mul3A_6, %dma_wait3A_35] : memref<1280x128xi32, #tpu.memory_space<hbm>> -> memref<40x128xi32, #tpu.memory_space<hbm>>
      tpu.wait_dma2 semaphore(%run_scoped3A : memref<!tpu.dma_semaphore, #tpu.memory_space<semaphore_mem>>) src(%dma_wait3A_36 : memref<40x128xi32, #tpu.memory_space<hbm>>) dst(%arg7 : memref<40x128xi32, #tpu.memory_space<vmem>>)
      tpu.yield
    }) : () -> ()
    "tpu.region"() ({
      %run_scoped3A = tpu.sem_alloc : memref<!tpu.dma_semaphore, #tpu.memory_space<semaphore_mem>>
      %dma_start3A_30 = arith.constant 0 : i32
      %dma_start3A_31 = tpu.memref_slice %arg4[%mul3A_6, %dma_start3A_30] : memref<1280x128xi32, #tpu.memory_space<hbm>> -> memref<40x128xi32, #tpu.memory_space<hbm>>
      %dma_start3A_32 = arith.constant 0 : i32
      %dma_start3A_33 = tpu.memref_slice %arg4[%mul3A_6, %dma_start3A_32] : memref<1280x128xi32, #tpu.memory_space<hbm>> -> memref<40x128xi32, #tpu.memory_space<hbm>>
      tpu.enqueue_dma source(%dma_start3A_33 : memref<40x128xi32, #tpu.memory_space<hbm>>) target(%arg8 : memref<40x128xi32, #tpu.memory_space<vmem>>) target_semaphore(%run_scoped3A : memref<!tpu.dma_semaphore, #tpu.memory_space<semaphore_mem>>)
      %dma_wait3A = arith.constant 0 : i32
      %dma_wait3A_34 = tpu.memref_slice %arg4[%mul3A_6, %dma_wait3A] : memref<1280x128xi32, #tpu.memory_space<hbm>> -> memref<40x128xi32, #tpu.memory_space<hbm>>
      %dma_wait3A_35 = arith.constant 0 : i32
      %dma_wait3A_36 = tpu.memref_slice %arg4[%mul3A_6, %dma_wait3A_35] : memref<1280x128xi32, #tpu.memory_space<hbm>> -> memref<40x128xi32, #tpu.memory_space<hbm>>
      tpu.wait_dma2 semaphore(%run_scoped3A : memref<!tpu.dma_semaphore, #tpu.memory_space<semaphore_mem>>) src(%dma_wait3A_36 : memref<40x128xi32, #tpu.memory_space<hbm>>) dst(%arg8 : memref<40x128xi32, #tpu.memory_space<vmem>>)
      tpu.yield
    }) : () -> ()
    %dma_start3A = arith.constant 0 : i32
    %dma_start3A_7 = arith.constant 0 : i32
    %dma_start3A_8 = tpu.memref_slice %arg7[%dma_start3A, %dma_start3A_7] : memref<40x128xi32, #tpu.memory_space<vmem>> -> memref<1x128xi32, #tpu.memory_space<vmem>>
    %dma_start3A_9 = tpu.memref_squeeze %dma_start3A_8 : memref<1x128xi32, #tpu.memory_space<vmem>> -> memref<128xi32, #tpu.memory_space<vmem>>
    %dma_start3A_10 = arith.constant 0 : i32
    %dma_start3A_11 = arith.constant 0 : i32
    %dma_start3A_12 = tpu.memref_slice %arg2[%dma_start3A_10, %dma_start3A_11] : memref<10240x128xf32, #tpu.memory_space<hbm>> -> memref<10240x128xf32, #tpu.memory_space<hbm>>
    tpu.enqueue_indirect_dma source(%dma_start3A_12 : memref<10240x128xf32, #tpu.memory_space<hbm>>) target(%arg9 : memref<128x128xf32, #tpu.memory_space<vmem>>) offsets(%dma_start3A_9 : memref<128xi32, #tpu.memory_space<vmem>>) semaphore(%arg12 : memref<!tpu.dma_semaphore, #tpu.memory_space<semaphore_mem>>)
    %dma_start3A_13 = arith.constant 1 : i32
    %dma_start3A_14 = arith.constant 0 : i32
    %dma_start3A_15 = tpu.memref_slice %arg7[%dma_start3A_13, %dma_start3A_14] : memref<40x128xi32, #tpu.memory_space<vmem>> -> memref<1x128xi32, #tpu.memory_space<vmem>>
    %dma_start3A_16 = tpu.memref_squeeze %dma_start3A_15 : memref<1x128xi32, #tpu.memory_space<vmem>> -> memref<128xi32, #tpu.memory_space<vmem>>
    %dma_start3A_17 = arith.constant 0 : i32
    %dma_start3A_18 = arith.constant 0 : i32
    %dma_start3A_19 = tpu.memref_slice %arg2[%dma_start3A_17, %dma_start3A_18] : memref<10240x128xf32, #tpu.memory_space<hbm>> -> memref<10240x128xf32, #tpu.memory_space<hbm>>
    tpu.enqueue_indirect_dma source(%dma_start3A_19 : memref<10240x128xf32, #tpu.memory_space<hbm>>) target(%arg10 : memref<128x128xf32, #tpu.memory_space<vmem>>) offsets(%dma_start3A_16 : memref<128xi32, #tpu.memory_space<vmem>>) semaphore(%arg13 : memref<!tpu.dma_semaphore, #tpu.memory_space<semaphore_mem>>)
    %scan3A = arith.constant 0 : i32
    %scan3A_20 = arith.constant 0 : i32
    %scan3A_21 = arith.constant 20 : i32
    %scan3A_22 = arith.addi %scan3A_20, %scan3A_21 : i32
    %scan3A_23 = arith.constant 1 : i32
    scf.for %scan3A_30 = %scan3A_20 to %scan3A_22 step %scan3A_23  : i32 {
      %mul3A_31 = arith.constant 2 : i32
      %mul3A_32 = arith.muli %mul3A_31, %scan3A_30 : i32
      %add3A_33 = arith.constant 0 : i32
      %add3A_34 = arith.addi %mul3A_32, %add3A_33 : i32
      %dma_wait3A = arith.constant 0 : i32
      %dma_wait3A_35 = arith.constant 0 : i32
      %dma_wait3A_36 = tpu.memref_slice %arg7[%dma_wait3A, %dma_wait3A_35] : memref<40x128xi32, #tpu.memory_space<vmem>> -> memref<1x128xi32, #tpu.memory_space<vmem>>
      %dma_wait3A_37 = tpu.memref_squeeze %dma_wait3A_36 : memref<1x128xi32, #tpu.memory_space<vmem>> -> memref<128xi32, #tpu.memory_space<vmem>>
      %dma_wait3A_38 = arith.constant 0 : i32
      %dma_wait3A_39 = arith.constant 0 : i32
      %dma_wait3A_40 = tpu.memref_slice %arg2[%dma_wait3A_38, %dma_wait3A_39] : memref<10240x128xf32, #tpu.memory_space<hbm>> -> memref<10240x128xf32, #tpu.memory_space<hbm>>
      tpu.wait_indirect_dma semaphore(%arg12 : memref<!tpu.dma_semaphore, #tpu.memory_space<semaphore_mem>>) src(%dma_wait3A_40 : memref<10240x128xf32, #tpu.memory_space<hbm>>) dst(%arg9 : memref<128x128xf32, #tpu.memory_space<vmem>>)
      "tpu.region"() ({
        %run_scoped3A = tpu.sem_alloc : memref<!tpu.dma_semaphore, #tpu.memory_space<semaphore_mem>>
        %dma_start3A_61 = arith.constant 0 : i32
        %dma_start3A_62 = tpu.memref_slice %arg8[%add3A_34, %dma_start3A_61] : memref<40x128xi32, #tpu.memory_space<vmem>> -> memref<1x128xi32, #tpu.memory_space<vmem>>
        %dma_start3A_63 = tpu.memref_squeeze %dma_start3A_62 : memref<1x128xi32, #tpu.memory_space<vmem>> -> memref<128xi32, #tpu.memory_space<vmem>>
        %dma_start3A_64 = arith.constant 0 : i32
        %dma_start3A_65 = arith.constant 0 : i32
        %dma_start3A_66 = tpu.memref_slice %arg11[%dma_start3A_64, %dma_start3A_65] : memref<10240x128xf32, #tpu.memory_space<vmem_shared>> -> memref<10240x128xf32, #tpu.memory_space<vmem_shared>>
        tpu.enqueue_indirect_dma source(%arg9 : memref<128x128xf32, #tpu.memory_space<vmem>>) target(%dma_start3A_66 : memref<10240x128xf32, #tpu.memory_space<vmem_shared>>) offsets(%dma_start3A_63 : memref<128xi32, #tpu.memory_space<vmem>>) semaphore(%run_scoped3A : memref<!tpu.dma_semaphore, #tpu.memory_space<semaphore_mem>>) {add = true}
        %dma_wait3A_67 = arith.constant 0 : i32
        %dma_wait3A_68 = tpu.memref_slice %arg8[%add3A_34, %dma_wait3A_67] : memref<40x128xi32, #tpu.memory_space<vmem>> -> memref<1x128xi32, #tpu.memory_space<vmem>>
        %dma_wait3A_69 = tpu.memref_squeeze %dma_wait3A_68 : memref<1x128xi32, #tpu.memory_space<vmem>> -> memref<128xi32, #tpu.memory_space<vmem>>
        %dma_wait3A_70 = arith.constant 0 : i32
        %dma_wait3A_71 = arith.constant 0 : i32
        %dma_wait3A_72 = tpu.memref_slice %arg11[%dma_wait3A_70, %dma_wait3A_71] : memref<10240x128xf32, #tpu.memory_space<vmem_shared>> -> memref<10240x128xf32, #tpu.memory_space<vmem_shared>>
        tpu.wait_indirect_dma semaphore(%run_scoped3A : memref<!tpu.dma_semaphore, #tpu.memory_space<semaphore_mem>>) src(%arg9 : memref<128x128xf32, #tpu.memory_space<vmem>>) dst(%dma_wait3A_72 : memref<10240x128xf32, #tpu.memory_space<vmem_shared>>)
        tpu.yield
      }) : () -> ()
      %add3A_41 = arith.constant 2 : i32
      %add3A_42 = arith.addi %add3A_34, %add3A_41 : i32
      %lt3A = arith.constant 40 : i32
      %lt3A_43 = arith.cmpi slt, %add3A_42, %lt3A : i32
      %convert_element_type3A = arith.extui %lt3A_43 : i1 to i32
      %cond3A = arith.constant 0 : i32
      %cond3A_44 = arith.cmpi ne, %convert_element_type3A, %cond3A : i32
      scf.if %cond3A_44 {
        %add3A_61 = arith.constant 2 : i32
        %add3A_62 = arith.addi %add3A_34, %add3A_61 : i32
        %dma_start3A_63 = arith.constant 0 : i32
        %dma_start3A_64 = tpu.memref_slice %arg7[%add3A_62, %dma_start3A_63] : memref<40x128xi32, #tpu.memory_space<vmem>> -> memref<1x128xi32, #tpu.memory_space<vmem>>
        %dma_start3A_65 = tpu.memref_squeeze %dma_start3A_64 : memref<1x128xi32, #tpu.memory_space<vmem>> -> memref<128xi32, #tpu.memory_space<vmem>>
        %dma_start3A_66 = arith.constant 0 : i32
        %dma_start3A_67 = arith.constant 0 : i32
        %dma_start3A_68 = tpu.memref_slice %arg2[%dma_start3A_66, %dma_start3A_67] : memref<10240x128xf32, #tpu.memory_space<hbm>> -> memref<10240x128xf32, #tpu.memory_space<hbm>>
        tpu.enqueue_indirect_dma source(%dma_start3A_68 : memref<10240x128xf32, #tpu.memory_space<hbm>>) target(%arg9 : memref<128x128xf32, #tpu.memory_space<vmem>>) offsets(%dma_start3A_65 : memref<128xi32, #tpu.memory_space<vmem>>) semaphore(%arg12 : memref<!tpu.dma_semaphore, #tpu.memory_space<semaphore_mem>>)
      } else {
      }
      %add3A_45 = arith.constant 1 : i32
      %add3A_46 = arith.addi %mul3A_32, %add3A_45 : i32
      %dma_wait3A_47 = arith.constant 1 : i32
      %dma_wait3A_48 = arith.constant 0 : i32
      %dma_wait3A_49 = tpu.memref_slice %arg7[%dma_wait3A_47, %dma_wait3A_48] : memref<40x128xi32, #tpu.memory_space<vmem>> -> memref<1x128xi32, #tpu.memory_space<vmem>>
      %dma_wait3A_50 = tpu.memref_squeeze %dma_wait3A_49 : memref<1x128xi32, #tpu.memory_space<vmem>> -> memref<128xi32, #tpu.memory_space<vmem>>
      %dma_wait3A_51 = arith.constant 0 : i32
      %dma_wait3A_52 = arith.constant 0 : i32
      %dma_wait3A_53 = tpu.memref_slice %arg2[%dma_wait3A_51, %dma_wait3A_52] : memref<10240x128xf32, #tpu.memory_space<hbm>> -> memref<10240x128xf32, #tpu.memory_space<hbm>>
      tpu.wait_indirect_dma semaphore(%arg13 : memref<!tpu.dma_semaphore, #tpu.memory_space<semaphore_mem>>) src(%dma_wait3A_53 : memref<10240x128xf32, #tpu.memory_space<hbm>>) dst(%arg10 : memref<128x128xf32, #tpu.memory_space<vmem>>)
      "tpu.region"() ({
        %run_scoped3A = tpu.sem_alloc : memref<!tpu.dma_semaphore, #tpu.memory_space<semaphore_mem>>
        %dma_start3A_61 = arith.constant 0 : i32
        %dma_start3A_62 = tpu.memref_slice %arg8[%add3A_46, %dma_start3A_61] : memref<40x128xi32, #tpu.memory_space<vmem>> -> memref<1x128xi32, #tpu.memory_space<vmem>>
        %dma_start3A_63 = tpu.memref_squeeze %dma_start3A_62 : memref<1x128xi32, #tpu.memory_space<vmem>> -> memref<128xi32, #tpu.memory_space<vmem>>
        %dma_start3A_64 = arith.constant 0 : i32
        %dma_start3A_65 = arith.constant 0 : i32
        %dma_start3A_66 = tpu.memref_slice %arg11[%dma_start3A_64, %dma_start3A_65] : memref<10240x128xf32, #tpu.memory_space<vmem_shared>> -> memref<10240x128xf32, #tpu.memory_space<vmem_shared>>
        tpu.enqueue_indirect_dma source(%arg10 : memref<128x128xf32, #tpu.memory_space<vmem>>) target(%dma_start3A_66 : memref<10240x128xf32, #tpu.memory_space<vmem_shared>>) offsets(%dma_start3A_63 : memref<128xi32, #tpu.memory_space<vmem>>) semaphore(%run_scoped3A : memref<!tpu.dma_semaphore, #tpu.memory_space<semaphore_mem>>) {add = true}
        %dma_wait3A_67 = arith.constant 0 : i32
        %dma_wait3A_68 = tpu.memref_slice %arg8[%add3A_46, %dma_wait3A_67] : memref<40x128xi32, #tpu.memory_space<vmem>> -> memref<1x128xi32, #tpu.memory_space<vmem>>
        %dma_wait3A_69 = tpu.memref_squeeze %dma_wait3A_68 : memref<1x128xi32, #tpu.memory_space<vmem>> -> memref<128xi32, #tpu.memory_space<vmem>>
        %dma_wait3A_70 = arith.constant 0 : i32
        %dma_wait3A_71 = arith.constant 0 : i32
        %dma_wait3A_72 = tpu.memref_slice %arg11[%dma_wait3A_70, %dma_wait3A_71] : memref<10240x128xf32, #tpu.memory_space<vmem_shared>> -> memref<10240x128xf32, #tpu.memory_space<vmem_shared>>
        tpu.wait_indirect_dma semaphore(%run_scoped3A : memref<!tpu.dma_semaphore, #tpu.memory_space<semaphore_mem>>) src(%arg10 : memref<128x128xf32, #tpu.memory_space<vmem>>) dst(%dma_wait3A_72 : memref<10240x128xf32, #tpu.memory_space<vmem_shared>>)
        tpu.yield
      }) : () -> ()
      %add3A_54 = arith.constant 2 : i32
      %add3A_55 = arith.addi %add3A_46, %add3A_54 : i32
      %lt3A_56 = arith.constant 40 : i32
      %lt3A_57 = arith.cmpi slt, %add3A_55, %lt3A_56 : i32
      %convert_element_type3A_58 = arith.extui %lt3A_57 : i1 to i32
      %cond3A_59 = arith.constant 0 : i32
      %cond3A_60 = arith.cmpi ne, %convert_element_type3A_58, %cond3A_59 : i32
      scf.if %cond3A_60 {
        %add3A_61 = arith.constant 2 : i32
        %add3A_62 = arith.addi %add3A_46, %add3A_61 : i32
        %dma_start3A_63 = arith.constant 0 : i32
        %dma_start3A_64 = tpu.memref_slice %arg7[%add3A_62, %dma_start3A_63] : memref<40x128xi32, #tpu.memory_space<vmem>> -> memref<1x128xi32, #tpu.memory_space<vmem>>
        %dma_start3A_65 = tpu.memref_squeeze %dma_start3A_64 : memref<1x128xi32, #tpu.memory_space<vmem>> -> memref<128xi32, #tpu.memory_space<vmem>>
        %dma_start3A_66 = arith.constant 0 : i32
        %dma_start3A_67 = arith.constant 0 : i32
        %dma_start3A_68 = tpu.memref_slice %arg2[%dma_start3A_66, %dma_start3A_67] : memref<10240x128xf32, #tpu.memory_space<hbm>> -> memref<10240x128xf32, #tpu.memory_space<hbm>>
        tpu.enqueue_indirect_dma source(%dma_start3A_68 : memref<10240x128xf32, #tpu.memory_space<hbm>>) target(%arg10 : memref<128x128xf32, #tpu.memory_space<vmem>>) offsets(%dma_start3A_65 : memref<128xi32, #tpu.memory_space<vmem>>) semaphore(%arg13 : memref<!tpu.dma_semaphore, #tpu.memory_space<semaphore_mem>>)
      } else {
      }
    }
    %scan3A_24 = arith.constant 20 : i32
    %barrier3A_25 = arith.constant 0 : index
    tpu.barrier barrier_id(%barrier3A_25)
    %mul3A_26 = arith.constant 640 : i32
    %mul3A_27 = arith.muli %arg1, %mul3A_26 : i32
    %mul3A_28 = arith.constant 640 : i32
    %mul3A_29 = arith.muli %arg1, %mul3A_28 : i32
    "tpu.region"() ({
      %run_scoped3A = tpu.sem_alloc : memref<!tpu.dma_semaphore, #tpu.memory_space<semaphore_mem>>
      %dma_start3A_30 = arith.constant 0 : i32
      %dma_start3A_31 = arith.constant 0 : i32
      %dma_start3A_32 = tpu.memref_slice %arg6[%arg0, %dma_start3A_30, %dma_start3A_31] : memref<2x10240x128xf32, #tpu.memory_space<hbm>> -> memref<1x10240x128xf32, #tpu.memory_space<hbm>>
      %dma_start3A_33 = tpu.memref_squeeze %dma_start3A_32 : memref<1x10240x128xf32, #tpu.memory_space<hbm>> -> memref<10240x128xf32, #tpu.memory_space<hbm>>
      %dma_start3A_34 = arith.constant 0 : i32
      %dma_start3A_35 = tpu.memref_slice %dma_start3A_33[%mul3A_29, %dma_start3A_34] : memref<10240x128xf32, #tpu.memory_space<hbm>> -> memref<640x128xf32, #tpu.memory_space<hbm>>
      %dma_start3A_36 = arith.constant 0 : i32
      %dma_start3A_37 = tpu.memref_slice %arg11[%mul3A_27, %dma_start3A_36] : memref<10240x128xf32, #tpu.memory_space<vmem_shared>> -> memref<640x128xf32, #tpu.memory_space<vmem_shared>>
      tpu.enqueue_dma source(%dma_start3A_37 : memref<640x128xf32, #tpu.memory_space<vmem_shared>>) target(%dma_start3A_35 : memref<640x128xf32, #tpu.memory_space<hbm>>) target_semaphore(%run_scoped3A : memref<!tpu.dma_semaphore, #tpu.memory_space<semaphore_mem>>)
      %dma_wait3A = arith.constant 0 : i32
      %dma_wait3A_38 = arith.constant 0 : i32
      %dma_wait3A_39 = tpu.memref_slice %arg6[%arg0, %dma_wait3A, %dma_wait3A_38] : memref<2x10240x128xf32, #tpu.memory_space<hbm>> -> memref<1x10240x128xf32, #tpu.memory_space<hbm>>
      %dma_wait3A_40 = tpu.memref_squeeze %dma_wait3A_39 : memref<1x10240x128xf32, #tpu.memory_space<hbm>> -> memref<10240x128xf32, #tpu.memory_space<hbm>>
      %dma_wait3A_41 = arith.constant 0 : i32
      %dma_wait3A_42 = tpu.memref_slice %dma_wait3A_40[%mul3A_29, %dma_wait3A_41] : memref<10240x128xf32, #tpu.memory_space<hbm>> -> memref<640x128xf32, #tpu.memory_space<hbm>>
      %dma_wait3A_43 = arith.constant 0 : i32
      %dma_wait3A_44 = tpu.memref_slice %arg11[%mul3A_27, %dma_wait3A_43] : memref<10240x128xf32, #tpu.memory_space<vmem_shared>> -> memref<640x128xf32, #tpu.memory_space<vmem_shared>>
      tpu.wait_dma2 semaphore(%run_scoped3A : memref<!tpu.dma_semaphore, #tpu.memory_space<semaphore_mem>>) src(%dma_wait3A_44 : memref<640x128xf32, #tpu.memory_space<vmem_shared>>) dst(%dma_wait3A_42 : memref<640x128xf32, #tpu.memory_space<hbm>>)
      tpu.yield
    }) : () -> ()
    return
  }
}

#map = affine_map<(d0, d1) -> (0, 0)>
#map1 = affine_map<(d0, d1) -> (0, 0, 0)>
module attributes {stable_mosaic.version = 14 : i64} {
  func.func @agg(%arg0: i32, %arg1: i32, %arg2: memref<10240x64xf32, #tpu.memory_space<hbm>>, %arg3: memref<1280x128xi32, #tpu.memory_space<hbm>>, %arg4: memref<1280x128xi32, #tpu.memory_space<hbm>>, %arg5: memref<10240x64xf32, #tpu.memory_space<hbm>>, %arg6: memref<2x10240x64xf32, #tpu.memory_space<hbm>>, %arg7: memref<40x128xi32, #tpu.memory_space<vmem>>, %arg8: memref<40x128xi32, #tpu.memory_space<vmem>>, %arg9: memref<128x64xf32, #tpu.memory_space<vmem>>, %arg10: memref<128x64xf32, #tpu.memory_space<vmem>>, %arg11: memref<128x64xf32, #tpu.memory_space<vmem>>, %arg12: memref<128x64xf32, #tpu.memory_space<vmem>>, %arg13: memref<10240x64xf32, #tpu.memory_space<vmem_shared>>, %arg14: memref<!tpu.dma_semaphore, #tpu.memory_space<semaphore_mem>>, %arg15: memref<!tpu.dma_semaphore, #tpu.memory_space<semaphore_mem>>, %arg16: memref<!tpu.dma_semaphore, #tpu.memory_space<semaphore_mem>>, %arg17: memref<!tpu.dma_semaphore, #tpu.memory_space<semaphore_mem>>) attributes {dimension_semantics = [#tpu.dimension_semantics<core_parallel>, #tpu.dimension_semantics<subcore_parallel>], iteration_bounds = array<i64: 2, 16>, scalar_prefetch = 0 : i64, scratch_operands = 11 : i64, tpu.core_type = #tpu.core_type<sc_vector_subcore>, window_params = [{transform_indices = #map}, {transform_indices = #map}, {transform_indices = #map}, {transform_indices = #map}, {transform_indices = #map1}]} {
    %mul3A = arith.constant 2 : i32
    %mul3A_0 = arith.muli %arg1, %mul3A : i32
    %add3A = arith.addi %mul3A_0, %arg0 : i32
    %mul3A_1 = arith.constant 640 : i32
    %mul3A_2 = arith.muli %arg1, %mul3A_1 : i32
    %mul3A_3 = arith.constant 640 : i32
    %mul3A_4 = arith.muli %arg1, %mul3A_3 : i32
    "tpu.region"() ({
      %run_scoped3A = tpu.sem_alloc : memref<!tpu.dma_semaphore, #tpu.memory_space<semaphore_mem>>
      %dma_start3A_44 = arith.constant 0 : i32
      %dma_start3A_45 = tpu.memref_slice %arg13[%mul3A_4, %dma_start3A_44] : memref<10240x64xf32, #tpu.memory_space<vmem_shared>> -> memref<640x64xf32, #tpu.memory_space<vmem_shared>>
      %dma_start3A_46 = arith.constant 0 : i32
      %dma_start3A_47 = tpu.memref_slice %arg5[%mul3A_2, %dma_start3A_46] : memref<10240x64xf32, #tpu.memory_space<hbm>> -> memref<640x64xf32, #tpu.memory_space<hbm>>
      tpu.enqueue_dma source(%dma_start3A_47 : memref<640x64xf32, #tpu.memory_space<hbm>>) target(%dma_start3A_45 : memref<640x64xf32, #tpu.memory_space<vmem_shared>>) target_semaphore(%run_scoped3A : memref<!tpu.dma_semaphore, #tpu.memory_space<semaphore_mem>>)
      %dma_wait3A = arith.constant 0 : i32
      %dma_wait3A_48 = tpu.memref_slice %arg13[%mul3A_4, %dma_wait3A] : memref<10240x64xf32, #tpu.memory_space<vmem_shared>> -> memref<640x64xf32, #tpu.memory_space<vmem_shared>>
      %dma_wait3A_49 = arith.constant 0 : i32
      %dma_wait3A_50 = tpu.memref_slice %arg5[%mul3A_2, %dma_wait3A_49] : memref<10240x64xf32, #tpu.memory_space<hbm>> -> memref<640x64xf32, #tpu.memory_space<hbm>>
      tpu.wait_dma2 semaphore(%run_scoped3A : memref<!tpu.dma_semaphore, #tpu.memory_space<semaphore_mem>>) src(%dma_wait3A_50 : memref<640x64xf32, #tpu.memory_space<hbm>>) dst(%dma_wait3A_48 : memref<640x64xf32, #tpu.memory_space<vmem_shared>>)
      tpu.yield
    }) : () -> ()
    %barrier3A = arith.constant 0 : index
    tpu.barrier barrier_id(%barrier3A)
    %mul3A_5 = arith.constant 40 : i32
    %mul3A_6 = arith.muli %add3A, %mul3A_5 : i32
    "tpu.region"() ({
      %run_scoped3A = tpu.sem_alloc : memref<!tpu.dma_semaphore, #tpu.memory_space<semaphore_mem>>
      %dma_start3A_44 = arith.constant 0 : i32
      %dma_start3A_45 = tpu.memref_slice %arg3[%mul3A_6, %dma_start3A_44] : memref<1280x128xi32, #tpu.memory_space<hbm>> -> memref<40x128xi32, #tpu.memory_space<hbm>>
      %dma_start3A_46 = arith.constant 0 : i32
      %dma_start3A_47 = tpu.memref_slice %arg3[%mul3A_6, %dma_start3A_46] : memref<1280x128xi32, #tpu.memory_space<hbm>> -> memref<40x128xi32, #tpu.memory_space<hbm>>
      tpu.enqueue_dma source(%dma_start3A_47 : memref<40x128xi32, #tpu.memory_space<hbm>>) target(%arg7 : memref<40x128xi32, #tpu.memory_space<vmem>>) target_semaphore(%run_scoped3A : memref<!tpu.dma_semaphore, #tpu.memory_space<semaphore_mem>>)
      %dma_wait3A = arith.constant 0 : i32
      %dma_wait3A_48 = tpu.memref_slice %arg3[%mul3A_6, %dma_wait3A] : memref<1280x128xi32, #tpu.memory_space<hbm>> -> memref<40x128xi32, #tpu.memory_space<hbm>>
      %dma_wait3A_49 = arith.constant 0 : i32
      %dma_wait3A_50 = tpu.memref_slice %arg3[%mul3A_6, %dma_wait3A_49] : memref<1280x128xi32, #tpu.memory_space<hbm>> -> memref<40x128xi32, #tpu.memory_space<hbm>>
      tpu.wait_dma2 semaphore(%run_scoped3A : memref<!tpu.dma_semaphore, #tpu.memory_space<semaphore_mem>>) src(%dma_wait3A_50 : memref<40x128xi32, #tpu.memory_space<hbm>>) dst(%arg7 : memref<40x128xi32, #tpu.memory_space<vmem>>)
      tpu.yield
    }) : () -> ()
    "tpu.region"() ({
      %run_scoped3A = tpu.sem_alloc : memref<!tpu.dma_semaphore, #tpu.memory_space<semaphore_mem>>
      %dma_start3A_44 = arith.constant 0 : i32
      %dma_start3A_45 = tpu.memref_slice %arg4[%mul3A_6, %dma_start3A_44] : memref<1280x128xi32, #tpu.memory_space<hbm>> -> memref<40x128xi32, #tpu.memory_space<hbm>>
      %dma_start3A_46 = arith.constant 0 : i32
      %dma_start3A_47 = tpu.memref_slice %arg4[%mul3A_6, %dma_start3A_46] : memref<1280x128xi32, #tpu.memory_space<hbm>> -> memref<40x128xi32, #tpu.memory_space<hbm>>
      tpu.enqueue_dma source(%dma_start3A_47 : memref<40x128xi32, #tpu.memory_space<hbm>>) target(%arg8 : memref<40x128xi32, #tpu.memory_space<vmem>>) target_semaphore(%run_scoped3A : memref<!tpu.dma_semaphore, #tpu.memory_space<semaphore_mem>>)
      %dma_wait3A = arith.constant 0 : i32
      %dma_wait3A_48 = tpu.memref_slice %arg4[%mul3A_6, %dma_wait3A] : memref<1280x128xi32, #tpu.memory_space<hbm>> -> memref<40x128xi32, #tpu.memory_space<hbm>>
      %dma_wait3A_49 = arith.constant 0 : i32
      %dma_wait3A_50 = tpu.memref_slice %arg4[%mul3A_6, %dma_wait3A_49] : memref<1280x128xi32, #tpu.memory_space<hbm>> -> memref<40x128xi32, #tpu.memory_space<hbm>>
      tpu.wait_dma2 semaphore(%run_scoped3A : memref<!tpu.dma_semaphore, #tpu.memory_space<semaphore_mem>>) src(%dma_wait3A_50 : memref<40x128xi32, #tpu.memory_space<hbm>>) dst(%arg8 : memref<40x128xi32, #tpu.memory_space<vmem>>)
      tpu.yield
    }) : () -> ()
    %dma_start3A = arith.constant 0 : i32
    %dma_start3A_7 = arith.constant 0 : i32
    %dma_start3A_8 = tpu.memref_slice %arg7[%dma_start3A, %dma_start3A_7] : memref<40x128xi32, #tpu.memory_space<vmem>> -> memref<1x128xi32, #tpu.memory_space<vmem>>
    %dma_start3A_9 = tpu.memref_squeeze %dma_start3A_8 : memref<1x128xi32, #tpu.memory_space<vmem>> -> memref<128xi32, #tpu.memory_space<vmem>>
    %dma_start3A_10 = arith.constant 0 : i32
    %dma_start3A_11 = arith.constant 0 : i32
    %dma_start3A_12 = tpu.memref_slice %arg2[%dma_start3A_10, %dma_start3A_11] : memref<10240x64xf32, #tpu.memory_space<hbm>> -> memref<10240x64xf32, #tpu.memory_space<hbm>>
    tpu.enqueue_indirect_dma source(%dma_start3A_12 : memref<10240x64xf32, #tpu.memory_space<hbm>>) target(%arg9 : memref<128x64xf32, #tpu.memory_space<vmem>>) offsets(%dma_start3A_9 : memref<128xi32, #tpu.memory_space<vmem>>) semaphore(%arg14 : memref<!tpu.dma_semaphore, #tpu.memory_space<semaphore_mem>>)
    %dma_start3A_13 = arith.constant 1 : i32
    %dma_start3A_14 = arith.constant 0 : i32
    %dma_start3A_15 = tpu.memref_slice %arg7[%dma_start3A_13, %dma_start3A_14] : memref<40x128xi32, #tpu.memory_space<vmem>> -> memref<1x128xi32, #tpu.memory_space<vmem>>
    %dma_start3A_16 = tpu.memref_squeeze %dma_start3A_15 : memref<1x128xi32, #tpu.memory_space<vmem>> -> memref<128xi32, #tpu.memory_space<vmem>>
    %dma_start3A_17 = arith.constant 0 : i32
    %dma_start3A_18 = arith.constant 0 : i32
    %dma_start3A_19 = tpu.memref_slice %arg2[%dma_start3A_17, %dma_start3A_18] : memref<10240x64xf32, #tpu.memory_space<hbm>> -> memref<10240x64xf32, #tpu.memory_space<hbm>>
    tpu.enqueue_indirect_dma source(%dma_start3A_19 : memref<10240x64xf32, #tpu.memory_space<hbm>>) target(%arg10 : memref<128x64xf32, #tpu.memory_space<vmem>>) offsets(%dma_start3A_16 : memref<128xi32, #tpu.memory_space<vmem>>) semaphore(%arg15 : memref<!tpu.dma_semaphore, #tpu.memory_space<semaphore_mem>>)
    %dma_start3A_20 = arith.constant 2 : i32
    %dma_start3A_21 = arith.constant 0 : i32
    %dma_start3A_22 = tpu.memref_slice %arg7[%dma_start3A_20, %dma_start3A_21] : memref<40x128xi32, #tpu.memory_space<vmem>> -> memref<1x128xi32, #tpu.memory_space<vmem>>
    %dma_start3A_23 = tpu.memref_squeeze %dma_start3A_22 : memref<1x128xi32, #tpu.memory_space<vmem>> -> memref<128xi32, #tpu.memory_space<vmem>>
    %dma_start3A_24 = arith.constant 0 : i32
    %dma_start3A_25 = arith.constant 0 : i32
    %dma_start3A_26 = tpu.memref_slice %arg2[%dma_start3A_24, %dma_start3A_25] : memref<10240x64xf32, #tpu.memory_space<hbm>> -> memref<10240x64xf32, #tpu.memory_space<hbm>>
    tpu.enqueue_indirect_dma source(%dma_start3A_26 : memref<10240x64xf32, #tpu.memory_space<hbm>>) target(%arg11 : memref<128x64xf32, #tpu.memory_space<vmem>>) offsets(%dma_start3A_23 : memref<128xi32, #tpu.memory_space<vmem>>) semaphore(%arg16 : memref<!tpu.dma_semaphore, #tpu.memory_space<semaphore_mem>>)
    %dma_start3A_27 = arith.constant 3 : i32
    %dma_start3A_28 = arith.constant 0 : i32
    %dma_start3A_29 = tpu.memref_slice %arg7[%dma_start3A_27, %dma_start3A_28] : memref<40x128xi32, #tpu.memory_space<vmem>> -> memref<1x128xi32, #tpu.memory_space<vmem>>
    %dma_start3A_30 = tpu.memref_squeeze %dma_start3A_29 : memref<1x128xi32, #tpu.memory_space<vmem>> -> memref<128xi32, #tpu.memory_space<vmem>>
    %dma_start3A_31 = arith.constant 0 : i32
    %dma_start3A_32 = arith.constant 0 : i32
    %dma_start3A_33 = tpu.memref_slice %arg2[%dma_start3A_31, %dma_start3A_32] : memref<10240x64xf32, #tpu.memory_space<hbm>> -> memref<10240x64xf32, #tpu.memory_space<hbm>>
    tpu.enqueue_indirect_dma source(%dma_start3A_33 : memref<10240x64xf32, #tpu.memory_space<hbm>>) target(%arg12 : memref<128x64xf32, #tpu.memory_space<vmem>>) offsets(%dma_start3A_30 : memref<128xi32, #tpu.memory_space<vmem>>) semaphore(%arg17 : memref<!tpu.dma_semaphore, #tpu.memory_space<semaphore_mem>>)
    %scan3A = arith.constant 0 : i32
    %scan3A_34 = arith.constant 0 : i32
    %scan3A_35 = arith.constant 10 : i32
    %scan3A_36 = arith.addi %scan3A_34, %scan3A_35 : i32
    %scan3A_37 = arith.constant 1 : i32
    scf.for %scan3A_44 = %scan3A_34 to %scan3A_36 step %scan3A_37  : i32 {
      %mul3A_45 = arith.constant 4 : i32
      %mul3A_46 = arith.muli %mul3A_45, %scan3A_44 : i32
      %add3A_47 = arith.constant 0 : i32
      %add3A_48 = arith.addi %mul3A_46, %add3A_47 : i32
      %dma_wait3A = arith.constant 0 : i32
      %dma_wait3A_49 = arith.constant 0 : i32
      %dma_wait3A_50 = tpu.memref_slice %arg7[%dma_wait3A, %dma_wait3A_49] : memref<40x128xi32, #tpu.memory_space<vmem>> -> memref<1x128xi32, #tpu.memory_space<vmem>>
      %dma_wait3A_51 = tpu.memref_squeeze %dma_wait3A_50 : memref<1x128xi32, #tpu.memory_space<vmem>> -> memref<128xi32, #tpu.memory_space<vmem>>
      %dma_wait3A_52 = arith.constant 0 : i32
      %dma_wait3A_53 = arith.constant 0 : i32
      %dma_wait3A_54 = tpu.memref_slice %arg2[%dma_wait3A_52, %dma_wait3A_53] : memref<10240x64xf32, #tpu.memory_space<hbm>> -> memref<10240x64xf32, #tpu.memory_space<hbm>>
      tpu.wait_indirect_dma semaphore(%arg14 : memref<!tpu.dma_semaphore, #tpu.memory_space<semaphore_mem>>) src(%dma_wait3A_54 : memref<10240x64xf32, #tpu.memory_space<hbm>>) dst(%arg9 : memref<128x64xf32, #tpu.memory_space<vmem>>)
      "tpu.region"() ({
        %run_scoped3A = tpu.sem_alloc : memref<!tpu.dma_semaphore, #tpu.memory_space<semaphore_mem>>
        %dma_start3A_107 = arith.constant 0 : i32
        %dma_start3A_108 = tpu.memref_slice %arg8[%add3A_48, %dma_start3A_107] : memref<40x128xi32, #tpu.memory_space<vmem>> -> memref<1x128xi32, #tpu.memory_space<vmem>>
        %dma_start3A_109 = tpu.memref_squeeze %dma_start3A_108 : memref<1x128xi32, #tpu.memory_space<vmem>> -> memref<128xi32, #tpu.memory_space<vmem>>
        %dma_start3A_110 = arith.constant 0 : i32
        %dma_start3A_111 = arith.constant 0 : i32
        %dma_start3A_112 = tpu.memref_slice %arg13[%dma_start3A_110, %dma_start3A_111] : memref<10240x64xf32, #tpu.memory_space<vmem_shared>> -> memref<10240x64xf32, #tpu.memory_space<vmem_shared>>
        tpu.enqueue_indirect_dma source(%arg9 : memref<128x64xf32, #tpu.memory_space<vmem>>) target(%dma_start3A_112 : memref<10240x64xf32, #tpu.memory_space<vmem_shared>>) offsets(%dma_start3A_109 : memref<128xi32, #tpu.memory_space<vmem>>) semaphore(%run_scoped3A : memref<!tpu.dma_semaphore, #tpu.memory_space<semaphore_mem>>) {add = true}
        %dma_wait3A_113 = arith.constant 0 : i32
        %dma_wait3A_114 = tpu.memref_slice %arg8[%add3A_48, %dma_wait3A_113] : memref<40x128xi32, #tpu.memory_space<vmem>> -> memref<1x128xi32, #tpu.memory_space<vmem>>
        %dma_wait3A_115 = tpu.memref_squeeze %dma_wait3A_114 : memref<1x128xi32, #tpu.memory_space<vmem>> -> memref<128xi32, #tpu.memory_space<vmem>>
        %dma_wait3A_116 = arith.constant 0 : i32
        %dma_wait3A_117 = arith.constant 0 : i32
        %dma_wait3A_118 = tpu.memref_slice %arg13[%dma_wait3A_116, %dma_wait3A_117] : memref<10240x64xf32, #tpu.memory_space<vmem_shared>> -> memref<10240x64xf32, #tpu.memory_space<vmem_shared>>
        tpu.wait_indirect_dma semaphore(%run_scoped3A : memref<!tpu.dma_semaphore, #tpu.memory_space<semaphore_mem>>) src(%arg9 : memref<128x64xf32, #tpu.memory_space<vmem>>) dst(%dma_wait3A_118 : memref<10240x64xf32, #tpu.memory_space<vmem_shared>>)
        tpu.yield
      }) : () -> ()
      %add3A_55 = arith.constant 4 : i32
      %add3A_56 = arith.addi %add3A_48, %add3A_55 : i32
      %lt3A = arith.constant 40 : i32
      %lt3A_57 = arith.cmpi slt, %add3A_56, %lt3A : i32
      %convert_element_type3A = arith.extui %lt3A_57 : i1 to i32
      %cond3A = arith.constant 0 : i32
      %cond3A_58 = arith.cmpi ne, %convert_element_type3A, %cond3A : i32
      scf.if %cond3A_58 {
        %add3A_107 = arith.constant 4 : i32
        %add3A_108 = arith.addi %add3A_48, %add3A_107 : i32
        %dma_start3A_109 = arith.constant 0 : i32
        %dma_start3A_110 = tpu.memref_slice %arg7[%add3A_108, %dma_start3A_109] : memref<40x128xi32, #tpu.memory_space<vmem>> -> memref<1x128xi32, #tpu.memory_space<vmem>>
        %dma_start3A_111 = tpu.memref_squeeze %dma_start3A_110 : memref<1x128xi32, #tpu.memory_space<vmem>> -> memref<128xi32, #tpu.memory_space<vmem>>
        %dma_start3A_112 = arith.constant 0 : i32
        %dma_start3A_113 = arith.constant 0 : i32
        %dma_start3A_114 = tpu.memref_slice %arg2[%dma_start3A_112, %dma_start3A_113] : memref<10240x64xf32, #tpu.memory_space<hbm>> -> memref<10240x64xf32, #tpu.memory_space<hbm>>
        tpu.enqueue_indirect_dma source(%dma_start3A_114 : memref<10240x64xf32, #tpu.memory_space<hbm>>) target(%arg9 : memref<128x64xf32, #tpu.memory_space<vmem>>) offsets(%dma_start3A_111 : memref<128xi32, #tpu.memory_space<vmem>>) semaphore(%arg14 : memref<!tpu.dma_semaphore, #tpu.memory_space<semaphore_mem>>)
      } else {
      }
      %add3A_59 = arith.constant 1 : i32
      %add3A_60 = arith.addi %mul3A_46, %add3A_59 : i32
      %dma_wait3A_61 = arith.constant 1 : i32
      %dma_wait3A_62 = arith.constant 0 : i32
      %dma_wait3A_63 = tpu.memref_slice %arg7[%dma_wait3A_61, %dma_wait3A_62] : memref<40x128xi32, #tpu.memory_space<vmem>> -> memref<1x128xi32, #tpu.memory_space<vmem>>
      %dma_wait3A_64 = tpu.memref_squeeze %dma_wait3A_63 : memref<1x128xi32, #tpu.memory_space<vmem>> -> memref<128xi32, #tpu.memory_space<vmem>>
      %dma_wait3A_65 = arith.constant 0 : i32
      %dma_wait3A_66 = arith.constant 0 : i32
      %dma_wait3A_67 = tpu.memref_slice %arg2[%dma_wait3A_65, %dma_wait3A_66] : memref<10240x64xf32, #tpu.memory_space<hbm>> -> memref<10240x64xf32, #tpu.memory_space<hbm>>
      tpu.wait_indirect_dma semaphore(%arg15 : memref<!tpu.dma_semaphore, #tpu.memory_space<semaphore_mem>>) src(%dma_wait3A_67 : memref<10240x64xf32, #tpu.memory_space<hbm>>) dst(%arg10 : memref<128x64xf32, #tpu.memory_space<vmem>>)
      "tpu.region"() ({
        %run_scoped3A = tpu.sem_alloc : memref<!tpu.dma_semaphore, #tpu.memory_space<semaphore_mem>>
        %dma_start3A_107 = arith.constant 0 : i32
        %dma_start3A_108 = tpu.memref_slice %arg8[%add3A_60, %dma_start3A_107] : memref<40x128xi32, #tpu.memory_space<vmem>> -> memref<1x128xi32, #tpu.memory_space<vmem>>
        %dma_start3A_109 = tpu.memref_squeeze %dma_start3A_108 : memref<1x128xi32, #tpu.memory_space<vmem>> -> memref<128xi32, #tpu.memory_space<vmem>>
        %dma_start3A_110 = arith.constant 0 : i32
        %dma_start3A_111 = arith.constant 0 : i32
        %dma_start3A_112 = tpu.memref_slice %arg13[%dma_start3A_110, %dma_start3A_111] : memref<10240x64xf32, #tpu.memory_space<vmem_shared>> -> memref<10240x64xf32, #tpu.memory_space<vmem_shared>>
        tpu.enqueue_indirect_dma source(%arg10 : memref<128x64xf32, #tpu.memory_space<vmem>>) target(%dma_start3A_112 : memref<10240x64xf32, #tpu.memory_space<vmem_shared>>) offsets(%dma_start3A_109 : memref<128xi32, #tpu.memory_space<vmem>>) semaphore(%run_scoped3A : memref<!tpu.dma_semaphore, #tpu.memory_space<semaphore_mem>>) {add = true}
        %dma_wait3A_113 = arith.constant 0 : i32
        %dma_wait3A_114 = tpu.memref_slice %arg8[%add3A_60, %dma_wait3A_113] : memref<40x128xi32, #tpu.memory_space<vmem>> -> memref<1x128xi32, #tpu.memory_space<vmem>>
        %dma_wait3A_115 = tpu.memref_squeeze %dma_wait3A_114 : memref<1x128xi32, #tpu.memory_space<vmem>> -> memref<128xi32, #tpu.memory_space<vmem>>
        %dma_wait3A_116 = arith.constant 0 : i32
        %dma_wait3A_117 = arith.constant 0 : i32
        %dma_wait3A_118 = tpu.memref_slice %arg13[%dma_wait3A_116, %dma_wait3A_117] : memref<10240x64xf32, #tpu.memory_space<vmem_shared>> -> memref<10240x64xf32, #tpu.memory_space<vmem_shared>>
        tpu.wait_indirect_dma semaphore(%run_scoped3A : memref<!tpu.dma_semaphore, #tpu.memory_space<semaphore_mem>>) src(%arg10 : memref<128x64xf32, #tpu.memory_space<vmem>>) dst(%dma_wait3A_118 : memref<10240x64xf32, #tpu.memory_space<vmem_shared>>)
        tpu.yield
      }) : () -> ()
      %add3A_68 = arith.constant 4 : i32
      %add3A_69 = arith.addi %add3A_60, %add3A_68 : i32
      %lt3A_70 = arith.constant 40 : i32
      %lt3A_71 = arith.cmpi slt, %add3A_69, %lt3A_70 : i32
      %convert_element_type3A_72 = arith.extui %lt3A_71 : i1 to i32
      %cond3A_73 = arith.constant 0 : i32
      %cond3A_74 = arith.cmpi ne, %convert_element_type3A_72, %cond3A_73 : i32
      scf.if %cond3A_74 {
        %add3A_107 = arith.constant 4 : i32
        %add3A_108 = arith.addi %add3A_60, %add3A_107 : i32
        %dma_start3A_109 = arith.constant 0 : i32
        %dma_start3A_110 = tpu.memref_slice %arg7[%add3A_108, %dma_start3A_109] : memref<40x128xi32, #tpu.memory_space<vmem>> -> memref<1x128xi32, #tpu.memory_space<vmem>>
        %dma_start3A_111 = tpu.memref_squeeze %dma_start3A_110 : memref<1x128xi32, #tpu.memory_space<vmem>> -> memref<128xi32, #tpu.memory_space<vmem>>
        %dma_start3A_112 = arith.constant 0 : i32
        %dma_start3A_113 = arith.constant 0 : i32
        %dma_start3A_114 = tpu.memref_slice %arg2[%dma_start3A_112, %dma_start3A_113] : memref<10240x64xf32, #tpu.memory_space<hbm>> -> memref<10240x64xf32, #tpu.memory_space<hbm>>
        tpu.enqueue_indirect_dma source(%dma_start3A_114 : memref<10240x64xf32, #tpu.memory_space<hbm>>) target(%arg10 : memref<128x64xf32, #tpu.memory_space<vmem>>) offsets(%dma_start3A_111 : memref<128xi32, #tpu.memory_space<vmem>>) semaphore(%arg15 : memref<!tpu.dma_semaphore, #tpu.memory_space<semaphore_mem>>)
      } else {
      }
      %add3A_75 = arith.constant 2 : i32
      %add3A_76 = arith.addi %mul3A_46, %add3A_75 : i32
      %dma_wait3A_77 = arith.constant 2 : i32
      %dma_wait3A_78 = arith.constant 0 : i32
      %dma_wait3A_79 = tpu.memref_slice %arg7[%dma_wait3A_77, %dma_wait3A_78] : memref<40x128xi32, #tpu.memory_space<vmem>> -> memref<1x128xi32, #tpu.memory_space<vmem>>
      %dma_wait3A_80 = tpu.memref_squeeze %dma_wait3A_79 : memref<1x128xi32, #tpu.memory_space<vmem>> -> memref<128xi32, #tpu.memory_space<vmem>>
      %dma_wait3A_81 = arith.constant 0 : i32
      %dma_wait3A_82 = arith.constant 0 : i32
      %dma_wait3A_83 = tpu.memref_slice %arg2[%dma_wait3A_81, %dma_wait3A_82] : memref<10240x64xf32, #tpu.memory_space<hbm>> -> memref<10240x64xf32, #tpu.memory_space<hbm>>
      tpu.wait_indirect_dma semaphore(%arg16 : memref<!tpu.dma_semaphore, #tpu.memory_space<semaphore_mem>>) src(%dma_wait3A_83 : memref<10240x64xf32, #tpu.memory_space<hbm>>) dst(%arg11 : memref<128x64xf32, #tpu.memory_space<vmem>>)
      "tpu.region"() ({
        %run_scoped3A = tpu.sem_alloc : memref<!tpu.dma_semaphore, #tpu.memory_space<semaphore_mem>>
        %dma_start3A_107 = arith.constant 0 : i32
        %dma_start3A_108 = tpu.memref_slice %arg8[%add3A_76, %dma_start3A_107] : memref<40x128xi32, #tpu.memory_space<vmem>> -> memref<1x128xi32, #tpu.memory_space<vmem>>
        %dma_start3A_109 = tpu.memref_squeeze %dma_start3A_108 : memref<1x128xi32, #tpu.memory_space<vmem>> -> memref<128xi32, #tpu.memory_space<vmem>>
        %dma_start3A_110 = arith.constant 0 : i32
        %dma_start3A_111 = arith.constant 0 : i32
        %dma_start3A_112 = tpu.memref_slice %arg13[%dma_start3A_110, %dma_start3A_111] : memref<10240x64xf32, #tpu.memory_space<vmem_shared>> -> memref<10240x64xf32, #tpu.memory_space<vmem_shared>>
        tpu.enqueue_indirect_dma source(%arg11 : memref<128x64xf32, #tpu.memory_space<vmem>>) target(%dma_start3A_112 : memref<10240x64xf32, #tpu.memory_space<vmem_shared>>) offsets(%dma_start3A_109 : memref<128xi32, #tpu.memory_space<vmem>>) semaphore(%run_scoped3A : memref<!tpu.dma_semaphore, #tpu.memory_space<semaphore_mem>>) {add = true}
        %dma_wait3A_113 = arith.constant 0 : i32
        %dma_wait3A_114 = tpu.memref_slice %arg8[%add3A_76, %dma_wait3A_113] : memref<40x128xi32, #tpu.memory_space<vmem>> -> memref<1x128xi32, #tpu.memory_space<vmem>>
        %dma_wait3A_115 = tpu.memref_squeeze %dma_wait3A_114 : memref<1x128xi32, #tpu.memory_space<vmem>> -> memref<128xi32, #tpu.memory_space<vmem>>
        %dma_wait3A_116 = arith.constant 0 : i32
        %dma_wait3A_117 = arith.constant 0 : i32
        %dma_wait3A_118 = tpu.memref_slice %arg13[%dma_wait3A_116, %dma_wait3A_117] : memref<10240x64xf32, #tpu.memory_space<vmem_shared>> -> memref<10240x64xf32, #tpu.memory_space<vmem_shared>>
        tpu.wait_indirect_dma semaphore(%run_scoped3A : memref<!tpu.dma_semaphore, #tpu.memory_space<semaphore_mem>>) src(%arg11 : memref<128x64xf32, #tpu.memory_space<vmem>>) dst(%dma_wait3A_118 : memref<10240x64xf32, #tpu.memory_space<vmem_shared>>)
        tpu.yield
      }) : () -> ()
      %add3A_84 = arith.constant 4 : i32
      %add3A_85 = arith.addi %add3A_76, %add3A_84 : i32
      %lt3A_86 = arith.constant 40 : i32
      %lt3A_87 = arith.cmpi slt, %add3A_85, %lt3A_86 : i32
      %convert_element_type3A_88 = arith.extui %lt3A_87 : i1 to i32
      %cond3A_89 = arith.constant 0 : i32
      %cond3A_90 = arith.cmpi ne, %convert_element_type3A_88, %cond3A_89 : i32
      scf.if %cond3A_90 {
        %add3A_107 = arith.constant 4 : i32
        %add3A_108 = arith.addi %add3A_76, %add3A_107 : i32
        %dma_start3A_109 = arith.constant 0 : i32
        %dma_start3A_110 = tpu.memref_slice %arg7[%add3A_108, %dma_start3A_109] : memref<40x128xi32, #tpu.memory_space<vmem>> -> memref<1x128xi32, #tpu.memory_space<vmem>>
        %dma_start3A_111 = tpu.memref_squeeze %dma_start3A_110 : memref<1x128xi32, #tpu.memory_space<vmem>> -> memref<128xi32, #tpu.memory_space<vmem>>
        %dma_start3A_112 = arith.constant 0 : i32
        %dma_start3A_113 = arith.constant 0 : i32
        %dma_start3A_114 = tpu.memref_slice %arg2[%dma_start3A_112, %dma_start3A_113] : memref<10240x64xf32, #tpu.memory_space<hbm>> -> memref<10240x64xf32, #tpu.memory_space<hbm>>
        tpu.enqueue_indirect_dma source(%dma_start3A_114 : memref<10240x64xf32, #tpu.memory_space<hbm>>) target(%arg11 : memref<128x64xf32, #tpu.memory_space<vmem>>) offsets(%dma_start3A_111 : memref<128xi32, #tpu.memory_space<vmem>>) semaphore(%arg16 : memref<!tpu.dma_semaphore, #tpu.memory_space<semaphore_mem>>)
      } else {
      }
      %add3A_91 = arith.constant 3 : i32
      %add3A_92 = arith.addi %mul3A_46, %add3A_91 : i32
      %dma_wait3A_93 = arith.constant 3 : i32
      %dma_wait3A_94 = arith.constant 0 : i32
      %dma_wait3A_95 = tpu.memref_slice %arg7[%dma_wait3A_93, %dma_wait3A_94] : memref<40x128xi32, #tpu.memory_space<vmem>> -> memref<1x128xi32, #tpu.memory_space<vmem>>
      %dma_wait3A_96 = tpu.memref_squeeze %dma_wait3A_95 : memref<1x128xi32, #tpu.memory_space<vmem>> -> memref<128xi32, #tpu.memory_space<vmem>>
      %dma_wait3A_97 = arith.constant 0 : i32
      %dma_wait3A_98 = arith.constant 0 : i32
      %dma_wait3A_99 = tpu.memref_slice %arg2[%dma_wait3A_97, %dma_wait3A_98] : memref<10240x64xf32, #tpu.memory_space<hbm>> -> memref<10240x64xf32, #tpu.memory_space<hbm>>
      tpu.wait_indirect_dma semaphore(%arg17 : memref<!tpu.dma_semaphore, #tpu.memory_space<semaphore_mem>>) src(%dma_wait3A_99 : memref<10240x64xf32, #tpu.memory_space<hbm>>) dst(%arg12 : memref<128x64xf32, #tpu.memory_space<vmem>>)
      "tpu.region"() ({
        %run_scoped3A = tpu.sem_alloc : memref<!tpu.dma_semaphore, #tpu.memory_space<semaphore_mem>>
        %dma_start3A_107 = arith.constant 0 : i32
        %dma_start3A_108 = tpu.memref_slice %arg8[%add3A_92, %dma_start3A_107] : memref<40x128xi32, #tpu.memory_space<vmem>> -> memref<1x128xi32, #tpu.memory_space<vmem>>
        %dma_start3A_109 = tpu.memref_squeeze %dma_start3A_108 : memref<1x128xi32, #tpu.memory_space<vmem>> -> memref<128xi32, #tpu.memory_space<vmem>>
        %dma_start3A_110 = arith.constant 0 : i32
        %dma_start3A_111 = arith.constant 0 : i32
        %dma_start3A_112 = tpu.memref_slice %arg13[%dma_start3A_110, %dma_start3A_111] : memref<10240x64xf32, #tpu.memory_space<vmem_shared>> -> memref<10240x64xf32, #tpu.memory_space<vmem_shared>>
        tpu.enqueue_indirect_dma source(%arg12 : memref<128x64xf32, #tpu.memory_space<vmem>>) target(%dma_start3A_112 : memref<10240x64xf32, #tpu.memory_space<vmem_shared>>) offsets(%dma_start3A_109 : memref<128xi32, #tpu.memory_space<vmem>>) semaphore(%run_scoped3A : memref<!tpu.dma_semaphore, #tpu.memory_space<semaphore_mem>>) {add = true}
        %dma_wait3A_113 = arith.constant 0 : i32
        %dma_wait3A_114 = tpu.memref_slice %arg8[%add3A_92, %dma_wait3A_113] : memref<40x128xi32, #tpu.memory_space<vmem>> -> memref<1x128xi32, #tpu.memory_space<vmem>>
        %dma_wait3A_115 = tpu.memref_squeeze %dma_wait3A_114 : memref<1x128xi32, #tpu.memory_space<vmem>> -> memref<128xi32, #tpu.memory_space<vmem>>
        %dma_wait3A_116 = arith.constant 0 : i32
        %dma_wait3A_117 = arith.constant 0 : i32
        %dma_wait3A_118 = tpu.memref_slice %arg13[%dma_wait3A_116, %dma_wait3A_117] : memref<10240x64xf32, #tpu.memory_space<vmem_shared>> -> memref<10240x64xf32, #tpu.memory_space<vmem_shared>>
        tpu.wait_indirect_dma semaphore(%run_scoped3A : memref<!tpu.dma_semaphore, #tpu.memory_space<semaphore_mem>>) src(%arg12 : memref<128x64xf32, #tpu.memory_space<vmem>>) dst(%dma_wait3A_118 : memref<10240x64xf32, #tpu.memory_space<vmem_shared>>)
        tpu.yield
      }) : () -> ()
      %add3A_100 = arith.constant 4 : i32
      %add3A_101 = arith.addi %add3A_92, %add3A_100 : i32
      %lt3A_102 = arith.constant 40 : i32
      %lt3A_103 = arith.cmpi slt, %add3A_101, %lt3A_102 : i32
      %convert_element_type3A_104 = arith.extui %lt3A_103 : i1 to i32
      %cond3A_105 = arith.constant 0 : i32
      %cond3A_106 = arith.cmpi ne, %convert_element_type3A_104, %cond3A_105 : i32
      scf.if %cond3A_106 {
        %add3A_107 = arith.constant 4 : i32
        %add3A_108 = arith.addi %add3A_92, %add3A_107 : i32
        %dma_start3A_109 = arith.constant 0 : i32
        %dma_start3A_110 = tpu.memref_slice %arg7[%add3A_108, %dma_start3A_109] : memref<40x128xi32, #tpu.memory_space<vmem>> -> memref<1x128xi32, #tpu.memory_space<vmem>>
        %dma_start3A_111 = tpu.memref_squeeze %dma_start3A_110 : memref<1x128xi32, #tpu.memory_space<vmem>> -> memref<128xi32, #tpu.memory_space<vmem>>
        %dma_start3A_112 = arith.constant 0 : i32
        %dma_start3A_113 = arith.constant 0 : i32
        %dma_start3A_114 = tpu.memref_slice %arg2[%dma_start3A_112, %dma_start3A_113] : memref<10240x64xf32, #tpu.memory_space<hbm>> -> memref<10240x64xf32, #tpu.memory_space<hbm>>
        tpu.enqueue_indirect_dma source(%dma_start3A_114 : memref<10240x64xf32, #tpu.memory_space<hbm>>) target(%arg12 : memref<128x64xf32, #tpu.memory_space<vmem>>) offsets(%dma_start3A_111 : memref<128xi32, #tpu.memory_space<vmem>>) semaphore(%arg17 : memref<!tpu.dma_semaphore, #tpu.memory_space<semaphore_mem>>)
      } else {
      }
    }
    %scan3A_38 = arith.constant 10 : i32
    %barrier3A_39 = arith.constant 0 : index
    tpu.barrier barrier_id(%barrier3A_39)
    %mul3A_40 = arith.constant 640 : i32
    %mul3A_41 = arith.muli %arg1, %mul3A_40 : i32
    %mul3A_42 = arith.constant 640 : i32
    %mul3A_43 = arith.muli %arg1, %mul3A_42 : i32
    "tpu.region"() ({
      %run_scoped3A = tpu.sem_alloc : memref<!tpu.dma_semaphore, #tpu.memory_space<semaphore_mem>>
      %dma_start3A_44 = arith.constant 0 : i32
      %dma_start3A_45 = arith.constant 0 : i32
      %dma_start3A_46 = tpu.memref_slice %arg6[%arg0, %dma_start3A_44, %dma_start3A_45] : memref<2x10240x64xf32, #tpu.memory_space<hbm>> -> memref<1x10240x64xf32, #tpu.memory_space<hbm>>
      %dma_start3A_47 = tpu.memref_squeeze %dma_start3A_46 : memref<1x10240x64xf32, #tpu.memory_space<hbm>> -> memref<10240x64xf32, #tpu.memory_space<hbm>>
      %dma_start3A_48 = arith.constant 0 : i32
      %dma_start3A_49 = tpu.memref_slice %dma_start3A_47[%mul3A_43, %dma_start3A_48] : memref<10240x64xf32, #tpu.memory_space<hbm>> -> memref<640x64xf32, #tpu.memory_space<hbm>>
      %dma_start3A_50 = arith.constant 0 : i32
      %dma_start3A_51 = tpu.memref_slice %arg13[%mul3A_41, %dma_start3A_50] : memref<10240x64xf32, #tpu.memory_space<vmem_shared>> -> memref<640x64xf32, #tpu.memory_space<vmem_shared>>
      tpu.enqueue_dma source(%dma_start3A_51 : memref<640x64xf32, #tpu.memory_space<vmem_shared>>) target(%dma_start3A_49 : memref<640x64xf32, #tpu.memory_space<hbm>>) target_semaphore(%run_scoped3A : memref<!tpu.dma_semaphore, #tpu.memory_space<semaphore_mem>>)
      %dma_wait3A = arith.constant 0 : i32
      %dma_wait3A_52 = arith.constant 0 : i32
      %dma_wait3A_53 = tpu.memref_slice %arg6[%arg0, %dma_wait3A, %dma_wait3A_52] : memref<2x10240x64xf32, #tpu.memory_space<hbm>> -> memref<1x10240x64xf32, #tpu.memory_space<hbm>>
      %dma_wait3A_54 = tpu.memref_squeeze %dma_wait3A_53 : memref<1x10240x64xf32, #tpu.memory_space<hbm>> -> memref<10240x64xf32, #tpu.memory_space<hbm>>
      %dma_wait3A_55 = arith.constant 0 : i32
      %dma_wait3A_56 = tpu.memref_slice %dma_wait3A_54[%mul3A_43, %dma_wait3A_55] : memref<10240x64xf32, #tpu.memory_space<hbm>> -> memref<640x64xf32, #tpu.memory_space<hbm>>
      %dma_wait3A_57 = arith.constant 0 : i32
      %dma_wait3A_58 = tpu.memref_slice %arg13[%mul3A_41, %dma_wait3A_57] : memref<10240x64xf32, #tpu.memory_space<vmem_shared>> -> memref<640x64xf32, #tpu.memory_space<vmem_shared>>
      tpu.wait_dma2 semaphore(%run_scoped3A : memref<!tpu.dma_semaphore, #tpu.memory_space<semaphore_mem>>) src(%dma_wait3A_58 : memref<640x64xf32, #tpu.memory_space<vmem_shared>>) dst(%dma_wait3A_56 : memref<640x64xf32, #tpu.memory_space<hbm>>)
      tpu.yield
    }) : () -> ()
    return
  }
}

module attributes {stable_mosaic.version = 14 : i64} {
  func.func @_prep_body(%arg0: i32, %arg1: memref<2560x16xf32, #tpu.memory_space<vmem>>, %arg2: memref<16x64xf32, #tpu.memory_space<vmem>>, %arg3: memref<2x2560x16xf32, #tpu.memory_space<vmem>>, %arg4: memref<2560x1xf32, #tpu.memory_space<vmem>>, %arg5: memref<2560x1xf32, #tpu.memory_space<vmem>>, %arg6: memref<2560x64xf32, #tpu.memory_space<vmem>>, %arg7: memref<2560x1xf32, #tpu.memory_space<vmem>>) attributes {dimension_semantics = [#tpu.dimension_semantics<arbitrary>], iteration_bounds = array<i64: 4>, scalar_prefetch = 0 : i64, scratch_operands = 0 : i64, tpu.core_type = #tpu.core_type<tc>, window_params = [{transform_indices = @transform_0, window_bounds = array<i64: 2560, 16>}, {pipeline_mode = #tpu.pipeline_mode<synchronous>, transform_indices = @transform_1, window_bounds = array<i64: 16, 64>}, {transform_indices = @transform_2, window_bounds = array<i64: 2, 2560, 16>}, {transform_indices = @transform_3, window_bounds = array<i64: 2560, 1>}, {transform_indices = @transform_4, window_bounds = array<i64: 2560, 1>}, {transform_indices = @transform_5, window_bounds = array<i64: 2560, 64>}, {transform_indices = @transform_6, window_bounds = array<i64: 2560, 1>}]} {
    %get3A = arith.constant 0 : index
    %get3A_0 = arith.constant 0 : index
    %get3A_1 = arith.constant 0 : index
    %get3A_2 = vector.load %arg3[%get3A, %get3A_0, %get3A_1] : memref<2x2560x16xf32, #tpu.memory_space<vmem>>, vector<1x2560x1xf32>
    %get3A_3 = vector.shape_cast %get3A_2 : vector<1x2560x1xf32> to vector<2560x1xf32>
    %get3A_4 = arith.constant 1 : index
    %get3A_5 = arith.constant 0 : index
    %get3A_6 = arith.constant 0 : index
    %get3A_7 = vector.load %arg3[%get3A_4, %get3A_5, %get3A_6] : memref<2x2560x16xf32, #tpu.memory_space<vmem>>, vector<1x2560x1xf32>
    %get3A_8 = vector.shape_cast %get3A_7 : vector<1x2560x1xf32> to vector<2560x1xf32>
    %add3A = arith.addf %get3A_3, %get3A_8 : vector<2560x1xf32>
    %add3A_9 = arith.constant 2.000000e+00 : f32
    %add3A_10 = vector.broadcast %add3A_9 : f32 to vector<2560x1xf32>
    %add3A_11 = arith.addf %add3A, %add3A_10 : vector<2560x1xf32>
    %rsqrt3A = math.rsqrt %add3A_11 : vector<2560x1xf32>
    %get3A_12 = arith.constant 0 : index
    %get3A_13 = arith.constant 0 : index
    %get3A_14 = vector.load %arg1[%get3A_12, %get3A_13] : memref<2560x16xf32, #tpu.memory_space<vmem>>, vector<2560x16xf32>
    %get3A_15 = arith.constant 0 : index
    %get3A_16 = arith.constant 0 : index
    %get3A_17 = vector.load %arg4[%get3A_15, %get3A_16] : memref<2560x1xf32, #tpu.memory_space<vmem>>, vector<2560x1xf32>
    %mul3A = vector.broadcast %get3A_17 : vector<2560x1xf32> to vector<2560x16xf32>
    %mul3A_18 = arith.mulf %get3A_14, %mul3A : vector<2560x16xf32>
    %get3A_19 = arith.constant 0 : index
    %get3A_20 = arith.constant 0 : index
    %get3A_21 = vector.load %arg2[%get3A_19, %get3A_20] : memref<16x64xf32, #tpu.memory_space<vmem>>, vector<16x64xf32>
    %dot_general3A = arith.constant dense<0.000000e+00> : vector<2560x64xf32>
    %dot_general3A_22 = tpu.matmul %mul3A_18, %get3A_21, %dot_general3A {dimension_numbers = #tpu.dot_dimension_numbers<[1], [0], [0], [1], [0, 0, 1, 1], [], []>, transpose_lhs_hint = false} : vector<2560x16xf32>, vector<16x64xf32>, vector<2560x64xf32> -> vector<2560x64xf32>
    %mul3A_23 = vector.broadcast %rsqrt3A : vector<2560x1xf32> to vector<2560x64xf32>
    %mul3A_24 = arith.mulf %dot_general3A_22, %mul3A_23 : vector<2560x64xf32>
    %get3A_25 = arith.constant 0 : index
    %get3A_26 = arith.constant 0 : index
    %get3A_27 = vector.load %arg5[%get3A_25, %get3A_26] : memref<2560x1xf32, #tpu.memory_space<vmem>>, vector<2560x1xf32>
    %mul3A_28 = vector.broadcast %get3A_27 : vector<2560x1xf32> to vector<2560x64xf32>
    %mul3A_29 = arith.mulf %mul3A_24, %mul3A_28 : vector<2560x64xf32>
    %swap3A = arith.constant 0 : index
    %swap3A_30 = arith.constant 0 : index
    %swap3A_31 = vector.load %arg6[%swap3A, %swap3A_30] : memref<2560x64xf32, #tpu.memory_space<vmem>>, vector<2560x64xf32>
    tpu.vector_store %arg6[%swap3A, %swap3A_30], %mul3A_29 {strides = array<i32>} : memref<2560x64xf32, #tpu.memory_space<vmem>>, vector<2560x64xf32>,
    %swap3A_32 = arith.constant 0 : index
    %swap3A_33 = arith.constant 0 : index
    %swap3A_34 = vector.load %arg7[%swap3A_32, %swap3A_33] : memref<2560x1xf32, #tpu.memory_space<vmem>>, vector<2560x1xf32>
    tpu.vector_store %arg7[%swap3A_32, %swap3A_33], %rsqrt3A {strides = array<i32>} : memref<2560x1xf32, #tpu.memory_space<vmem>>, vector<2560x1xf32>,
    return
  }
  func.func @transform_0(%arg0: i32) -> (i32, i32) {
    %c0_i32 = arith.constant 0 : i32
    %c0_i32_0 = arith.constant 0 : i32
    return %arg0, %c0_i32 : i32, i32
  }
  func.func @transform_1(%arg0: i32) -> (i32, i32) {
    %c0_i32 = arith.constant 0 : i32
    %c0_i32_0 = arith.constant 0 : i32
    %c0_i32_1 = arith.constant 0 : i32
    return %c0_i32, %c0_i32_0 : i32, i32
  }
  func.func @transform_2(%arg0: i32) -> (i32, i32, i32) {
    %c0_i32 = arith.constant 0 : i32
    %c0_i32_0 = arith.constant 0 : i32
    %c0_i32_1 = arith.constant 0 : i32
    return %c0_i32, %arg0, %c0_i32_0 : i32, i32, i32
  }
  func.func @transform_3(%arg0: i32) -> (i32, i32) {
    %c0_i32 = arith.constant 0 : i32
    %c0_i32_0 = arith.constant 0 : i32
    return %arg0, %c0_i32 : i32, i32
  }
  func.func @transform_4(%arg0: i32) -> (i32, i32) {
    %c0_i32 = arith.constant 0 : i32
    %c0_i32_0 = arith.constant 0 : i32
    return %arg0, %c0_i32 : i32, i32
  }
  func.func @transform_5(%arg0: i32) -> (i32, i32) {
    %c0_i32 = arith.constant 0 : i32
    %c0_i32_0 = arith.constant 0 : i32
    return %arg0, %c0_i32 : i32, i32
  }
  func.func @transform_6(%arg0: i32) -> (i32, i32) {
    %c0_i32 = arith.constant 0 : i32
    %c0_i32_0 = arith.constant 0 : i32
    return %arg0, %c0_i32 : i32, i32
  }
}

module attributes {stable_mosaic.version = 14 : i64} {
  func.func @_finish_body(%arg0: i32, %arg1: memref<2x2560x64xf32, #tpu.memory_space<vmem>>, %arg2: memref<2560x64xf32, #tpu.memory_space<vmem>>, %arg3: memref<2560x1xf32, #tpu.memory_space<vmem>>, %arg4: memref<1x64xf32, #tpu.memory_space<vmem>>, %arg5: memref<2560x1xf32, #tpu.memory_space<vmem>>, %arg6: memref<2560x64xf32, #tpu.memory_space<vmem>>) attributes {dimension_semantics = [#tpu.dimension_semantics<arbitrary>], iteration_bounds = array<i64: 4>, scalar_prefetch = 0 : i64, scratch_operands = 0 : i64, tpu.core_type = #tpu.core_type<tc>, window_params = [{transform_indices = @transform_0, window_bounds = array<i64: 2, 2560, 64>}, {transform_indices = @transform_1, window_bounds = array<i64: 2560, 64>}, {transform_indices = @transform_2, window_bounds = array<i64: 2560, 1>}, {pipeline_mode = #tpu.pipeline_mode<synchronous>, transform_indices = @transform_3, window_bounds = array<i64: 1, 64>}, {transform_indices = @transform_4, window_bounds = array<i64: 2560, 1>}, {transform_indices = @transform_5, window_bounds = array<i64: 2560, 64>}]} {
    %get3A = arith.constant 0 : index
    %get3A_0 = arith.constant 0 : index
    %get3A_1 = arith.constant 0 : index
    %get3A_2 = vector.load %arg1[%get3A, %get3A_0, %get3A_1] : memref<2x2560x64xf32, #tpu.memory_space<vmem>>, vector<1x2560x64xf32>
    %get3A_3 = vector.shape_cast %get3A_2 : vector<1x2560x64xf32> to vector<2560x64xf32>
    %get3A_4 = arith.constant 1 : index
    %get3A_5 = arith.constant 0 : index
    %get3A_6 = arith.constant 0 : index
    %get3A_7 = vector.load %arg1[%get3A_4, %get3A_5, %get3A_6] : memref<2x2560x64xf32, #tpu.memory_space<vmem>>, vector<1x2560x64xf32>
    %get3A_8 = vector.shape_cast %get3A_7 : vector<1x2560x64xf32> to vector<2560x64xf32>
    %add3A = arith.addf %get3A_3, %get3A_8 : vector<2560x64xf32>
    %get3A_9 = arith.constant 0 : index
    %get3A_10 = arith.constant 0 : index
    %get3A_11 = vector.load %arg3[%get3A_9, %get3A_10] : memref<2560x1xf32, #tpu.memory_space<vmem>>, vector<2560x1xf32>
    %mul3A = vector.broadcast %get3A_11 : vector<2560x1xf32> to vector<2560x64xf32>
    %mul3A_12 = arith.mulf %mul3A, %add3A : vector<2560x64xf32>
    %mul3A_13 = arith.constant 2.000000e+00 : f32
    %mul3A_14 = vector.broadcast %mul3A_13 : f32 to vector<2560x1xf32>
    %mul3A_15 = arith.mulf %mul3A_14, %get3A_11 : vector<2560x1xf32>
    %get3A_16 = arith.constant 0 : index
    %get3A_17 = arith.constant 0 : index
    %get3A_18 = vector.load %arg2[%get3A_16, %get3A_17] : memref<2560x64xf32, #tpu.memory_space<vmem>>, vector<2560x64xf32>
    %mul3A_19 = vector.broadcast %mul3A_15 : vector<2560x1xf32> to vector<2560x64xf32>
    %mul3A_20 = arith.mulf %mul3A_19, %get3A_18 : vector<2560x64xf32>
    %add3A_21 = arith.addf %mul3A_12, %mul3A_20 : vector<2560x64xf32>
    %get3A_22 = arith.constant 0 : index
    %get3A_23 = arith.constant 0 : index
    %get3A_24 = vector.load %arg4[%get3A_22, %get3A_23] : memref<1x64xf32, #tpu.memory_space<vmem>>, vector<1x64xf32>
    %add3A_25 = vector.broadcast %get3A_24 : vector<1x64xf32> to vector<2560x64xf32>
    %add3A_26 = arith.addf %add3A_21, %add3A_25 : vector<2560x64xf32>
    %max3A = arith.constant 0.000000e+00 : f32
    %max3A_27 = vector.broadcast %max3A : f32 to vector<2560x64xf32>
    %max3A_28 = arith.maximumf %add3A_26, %max3A_27 : vector<2560x64xf32>
    %get3A_29 = arith.constant 0 : index
    %get3A_30 = arith.constant 0 : index
    %get3A_31 = vector.load %arg5[%get3A_29, %get3A_30] : memref<2560x1xf32, #tpu.memory_space<vmem>>, vector<2560x1xf32>
    %mul3A_32 = vector.broadcast %get3A_31 : vector<2560x1xf32> to vector<2560x64xf32>
    %mul3A_33 = arith.mulf %max3A_28, %mul3A_32 : vector<2560x64xf32>
    %swap3A = arith.constant 0 : index
    %swap3A_34 = arith.constant 0 : index
    %swap3A_35 = vector.load %arg6[%swap3A, %swap3A_34] : memref<2560x64xf32, #tpu.memory_space<vmem>>, vector<2560x64xf32>
    tpu.vector_store %arg6[%swap3A, %swap3A_34], %mul3A_33 {strides = array<i32>} : memref<2560x64xf32, #tpu.memory_space<vmem>>, vector<2560x64xf32>,
    return
  }
  func.func @transform_0(%arg0: i32) -> (i32, i32, i32) {
    %c0_i32 = arith.constant 0 : i32
    %c0_i32_0 = arith.constant 0 : i32
    %c0_i32_1 = arith.constant 0 : i32
    return %c0_i32, %arg0, %c0_i32_0 : i32, i32, i32
  }
  func.func @transform_1(%arg0: i32) -> (i32, i32) {
    %c0_i32 = arith.constant 0 : i32
    %c0_i32_0 = arith.constant 0 : i32
    return %arg0, %c0_i32 : i32, i32
  }
  func.func @transform_2(%arg0: i32) -> (i32, i32) {
    %c0_i32 = arith.constant 0 : i32
    %c0_i32_0 = arith.constant 0 : i32
    return %arg0, %c0_i32 : i32, i32
  }
  func.func @transform_3(%arg0: i32) -> (i32, i32) {
    %c0_i32 = arith.constant 0 : i32
    %c0_i32_0 = arith.constant 0 : i32
    %c0_i32_1 = arith.constant 0 : i32
    return %c0_i32, %c0_i32_0 : i32, i32
  }
  func.func @transform_4(%arg0: i32) -> (i32, i32) {
    %c0_i32 = arith.constant 0 : i32
    %c0_i32_0 = arith.constant 0 : i32
    return %arg0, %c0_i32 : i32, i32
  }
  func.func @transform_5(%arg0: i32) -> (i32, i32) {
    %c0_i32 = arith.constant 0 : i32
    %c0_i32_0 = arith.constant 0 : i32
    return %arg0, %c0_i32 : i32, i32
  }
}

module attributes {stable_mosaic.version = 14 : i64} {
  func.func @_score_body(%arg0: memref<10240x64xf32, #tpu.memory_space<vmem>>, %arg1: memref<64x1xf32, #tpu.memory_space<vmem>>, %arg2: memref<10240x1xf32, #tpu.memory_space<vmem>>, %arg3: memref<10240x1xf32, #tpu.memory_space<vmem>>, %arg4: memref<10240x1xf32, #tpu.memory_space<vmem>>) attributes {dimension_semantics = [], scalar_prefetch = 0 : i64, scratch_operands = 0 : i64, tpu.core_type = #tpu.core_type<tc>} {
    %get3A = arith.constant 0 : index
    %get3A_0 = arith.constant 0 : index
    %get3A_1 = vector.load %arg1[%get3A, %get3A_0] : memref<64x1xf32, #tpu.memory_space<vmem>>, vector<64x1xf32>
    %mul3A = arith.mulf %get3A_1, %get3A_1 : vector<64x1xf32>
    %reduce_sum3A = vector.shape_cast %mul3A : vector<64x1xf32> to vector<1x64x1xf32>
    %reduce_sum3A_2 = arith.constant dense<0.000000e+00> : vector<1xf32>
    %reduce_sum3A_3 = vector.multi_reduction <add>, %reduce_sum3A, %reduce_sum3A_2 [1, 2] : vector<1x64x1xf32> to vector<1xf32>
    %reduce_sum3A_4 = vector.shape_cast %reduce_sum3A_3 : vector<1xf32> to vector<1x1x1xf32>
    %reduce_sum3A_5 = vector.extract %reduce_sum3A_4[0, 0, 0] : f32 from vector<1x1x1xf32>
    %sqrt3A = math.sqrt %reduce_sum3A_5 : f32
    %get3A_6 = arith.constant 0 : index
    %get3A_7 = arith.constant 0 : index
    %get3A_8 = vector.load %arg0[%get3A_6, %get3A_7] : memref<10240x64xf32, #tpu.memory_space<vmem>>, vector<10240x64xf32>
    %dot_general3A = arith.constant dense<0.000000e+00> : vector<10240x1xf32>
    %dot_general3A_9 = tpu.matmul %get3A_8, %get3A_1, %dot_general3A {dimension_numbers = #tpu.dot_dimension_numbers<[1], [0], [0], [1], [0, 0, 1, 1], [], []>, transpose_lhs_hint = false} : vector<10240x64xf32>, vector<64x1xf32>, vector<10240x1xf32> -> vector<10240x1xf32>
    %div3A = vector.broadcast %sqrt3A : f32 to vector<10240x1xf32>
    %div3A_10 = arith.divf %dot_general3A_9, %div3A : vector<10240x1xf32>
    %tanh3A = math.tanh %div3A_10 : vector<10240x1xf32>
    %get3A_11 = arith.constant 0 : index
    %get3A_12 = arith.constant 0 : index
    %get3A_13 = vector.load %arg2[%get3A_11, %get3A_12] : memref<10240x1xf32, #tpu.memory_space<vmem>>, vector<10240x1xf32>
    %gt3A = arith.constant 0.000000e+00 : f32
    %gt3A_14 = vector.broadcast %gt3A : f32 to vector<10240x1xf32>
    %gt3A_15 = arith.cmpf ogt, %get3A_13, %gt3A_14 : vector<10240x1xf32>
    %jit3A = arith.constant -3.000000e+00 : f32
    %broadcast_in_dim3A = vector.broadcast %jit3A : f32 to vector<10240x1xf32>
    %select_n3A = arith.select %gt3A_15, %tanh3A, %broadcast_in_dim3A : vector<10240x1xi1>, vector<10240x1xf32>
    %bitcast_convert_type3A = tpu.bitcast %select_n3A : vector<10240x1xf32> -> vector<10240x1xi32>
    %and3A = arith.constant 2147483647 : i32
    %and3A_16 = vector.broadcast %and3A : i32 to vector<10240x1xi32>
    %and3A_17 = arith.andi %bitcast_convert_type3A, %and3A_16 : vector<10240x1xi32>
    %ge3A = arith.constant 0 : i32
    %ge3A_18 = vector.broadcast %ge3A : i32 to vector<10240x1xi32>
    %ge3A_19 = arith.cmpi sge, %bitcast_convert_type3A, %ge3A_18 : vector<10240x1xi32>
    %neg3A = arith.constant 0 : i32
    %neg3A_20 = vector.broadcast %neg3A : i32 to vector<10240x1xi32>
    %neg3A_21 = arith.subi %neg3A_20, %and3A_17 : vector<10240x1xi32>
    %select_n3A_22 = arith.select %ge3A_19, %bitcast_convert_type3A, %neg3A_21 : vector<10240x1xi1>, vector<10240x1xi32>
    %scan3A = arith.constant 8.000000e+03 : f32
    %scan3A_23 = arith.constant -1077936129 : i32
    %scan3A_24 = arith.constant 1065353216 : i32
    %scan3A_25 = arith.constant 0 : i32
    %scan3A_26 = arith.constant 32 : i32
    %scan3A_27 = arith.addi %scan3A_25, %scan3A_26 : i32
    %scan3A_28 = arith.constant 1 : i32
    %scan3A_29:2 = scf.for %scan3A_63 = %scan3A_25 to %scan3A_27 step %scan3A_28 iter_args(%scan3A_64 = %scan3A_23, %scan3A_65 = %scan3A_24) -> (i32, i32)  : i32 {
      %sub3A_66 = arith.subi %scan3A_65, %scan3A_64 : i32
      %add3A = arith.constant 1 : i32
      %add3A_67 = arith.addi %sub3A_66, %add3A : i32
      %jit3A_68 = arith.constant 2 : i32
      %div3A_69 = arith.divsi %add3A_67, %jit3A_68 : i32
      %sign3A = arith.constant 0 : i32
      %sign3A_70 = arith.cmpi sgt, %add3A_67, %sign3A : i32
      %sign3A_71 = arith.extui %sign3A_70 : i1 to i32
      %sign3A_72 = arith.constant 0 : i32
      %sign3A_73 = arith.cmpi slt, %add3A_67, %sign3A_72 : i32
      %sign3A_74 = arith.extui %sign3A_73 : i1 to i32
      %sign3A_75 = arith.subi %sign3A_71, %sign3A_74 : i32
      %sign3A_76 = arith.constant 0 : i32
      %sign3A_77 = arith.cmpi sgt, %jit3A_68, %sign3A_76 : i32
      %sign3A_78 = arith.extui %sign3A_77 : i1 to i32
      %sign3A_79 = arith.constant 0 : i32
      %sign3A_80 = arith.cmpi slt, %jit3A_68, %sign3A_79 : i32
      %sign3A_81 = arith.extui %sign3A_80 : i1 to i32
      %sign3A_82 = arith.subi %sign3A_78, %sign3A_81 : i32
      %ne3A = arith.cmpi ne, %sign3A_75, %sign3A_82 : i32
      %rem3A = arith.remsi %add3A_67, %jit3A_68 : i32
      %ne3A_83 = arith.constant 0 : i32
      %ne3A_84 = arith.cmpi ne, %rem3A, %ne3A_83 : i32
      %and3A_85 = arith.andi %ne3A, %ne3A_84 : i1
      %sub3A_86 = arith.constant 1 : i32
      %sub3A_87 = arith.subi %div3A_69, %sub3A_86 : i32
      %select_n3A_88 = arith.select %and3A_85, %sub3A_87, %div3A_69 : i32
      %add3A_89 = arith.addi %scan3A_64, %select_n3A_88 : i32
      %ge3A_90 = vector.broadcast %add3A_89 : i32 to vector<10240x1xi32>
      %ge3A_91 = arith.cmpi sge, %select_n3A_22, %ge3A_90 : vector<10240x1xi32>
      %jit3A_92 = arith.constant 1.000000e+00 : f32
      %jit3A_93 = arith.constant 0.000000e+00 : f32
      %broadcast_in_dim3A_94 = vector.broadcast %jit3A_92 : f32 to vector<10240x1xf32>
      %broadcast_in_dim3A_95 = vector.broadcast %jit3A_93 : f32 to vector<10240x1xf32>
      %select_n3A_96 = arith.select %ge3A_91, %broadcast_in_dim3A_94, %broadcast_in_dim3A_95 : vector<10240x1xi1>, vector<10240x1xf32>
      %reduce_sum3A_97 = vector.shape_cast %select_n3A_96 : vector<10240x1xf32> to vector<1x10240x1xf32>
      %reduce_sum3A_98 = arith.constant dense<0.000000e+00> : vector<1xf32>
      %reduce_sum3A_99 = vector.multi_reduction <add>, %reduce_sum3A_97, %reduce_sum3A_98 [1, 2] : vector<1x10240x1xf32> to vector<1xf32>
      %reduce_sum3A_100 = vector.shape_cast %reduce_sum3A_99 : vector<1xf32> to vector<1x1x1xf32>
      %reduce_sum3A_101 = vector.extract %reduce_sum3A_100[0, 0, 0] : f32 from vector<1x1x1xf32>
      %ge3A_102 = arith.cmpf oge, %reduce_sum3A_101, %scan3A : f32
      %select_n3A_103 = arith.select %ge3A_102, %add3A_89, %scan3A_64 : i32
      %sub3A_104 = arith.constant 1 : i32
      %sub3A_105 = arith.subi %add3A_89, %sub3A_104 : i32
      %select_n3A_106 = arith.select %ge3A_102, %scan3A_65, %sub3A_105 : i32
      scf.yield %select_n3A_103, %select_n3A_106 : i32, i32
    }
    %gt3A_30 = vector.broadcast %scan3A_29#0 : i32 to vector<10240x1xi32>
    %gt3A_31 = arith.cmpi sgt, %select_n3A_22, %gt3A_30 : vector<10240x1xi32>
    %eq3A = vector.broadcast %scan3A_29#0 : i32 to vector<10240x1xi32>
    %eq3A_32 = arith.cmpi eq, %select_n3A_22, %eq3A : vector<10240x1xi32>
    %jit3A_33 = arith.constant 1.000000e+00 : f32
    %jit3A_34 = arith.constant 0.000000e+00 : f32
    %broadcast_in_dim3A_35 = vector.broadcast %jit3A_33 : f32 to vector<10240x1xf32>
    %broadcast_in_dim3A_36 = vector.broadcast %jit3A_34 : f32 to vector<10240x1xf32>
    %select_n3A_37 = arith.select %gt3A_31, %broadcast_in_dim3A_35, %broadcast_in_dim3A_36 : vector<10240x1xi1>, vector<10240x1xf32>
    %reduce_sum3A_38 = vector.shape_cast %select_n3A_37 : vector<10240x1xf32> to vector<1x10240x1xf32>
    %reduce_sum3A_39 = arith.constant dense<0.000000e+00> : vector<1xf32>
    %reduce_sum3A_40 = vector.multi_reduction <add>, %reduce_sum3A_38, %reduce_sum3A_39 [1, 2] : vector<1x10240x1xf32> to vector<1xf32>
    %reduce_sum3A_41 = vector.shape_cast %reduce_sum3A_40 : vector<1xf32> to vector<1x1x1xf32>
    %reduce_sum3A_42 = vector.extract %reduce_sum3A_41[0, 0, 0] : f32 from vector<1x1x1xf32>
    %sub3A = arith.constant 8.000000e+03 : f32
    %sub3A_43 = arith.subf %sub3A, %reduce_sum3A_42 : f32
    %iota3A = tpu.iota {dimensions = array<i32: 0>} : vector<10240x1xi32>
    %scan3A_44 = arith.constant 0 : i32
    %scan3A_45 = arith.constant 10240 : i32
    %scan3A_46 = arith.constant 0 : i32
    %scan3A_47 = arith.constant 16 : i32
    %scan3A_48 = arith.addi %scan3A_46, %scan3A_47 : i32
    %scan3A_49 = arith.constant 1 : i32
    %scan3A_50:2 = scf.for %scan3A_63 = %scan3A_46 to %scan3A_48 step %scan3A_49 iter_args(%scan3A_64 = %scan3A_44, %scan3A_65 = %scan3A_45) -> (i32, i32)  : i32 {
      %sub3A_66 = arith.subi %scan3A_65, %scan3A_64 : i32
      %add3A = arith.constant 1 : i32
      %add3A_67 = arith.addi %sub3A_66, %add3A : i32
      %jit3A_68 = arith.constant 2 : i32
      %div3A_69 = arith.divsi %add3A_67, %jit3A_68 : i32
      %sign3A = arith.constant 0 : i32
      %sign3A_70 = arith.cmpi sgt, %add3A_67, %sign3A : i32
      %sign3A_71 = arith.extui %sign3A_70 : i1 to i32
      %sign3A_72 = arith.constant 0 : i32
      %sign3A_73 = arith.cmpi slt, %add3A_67, %sign3A_72 : i32
      %sign3A_74 = arith.extui %sign3A_73 : i1 to i32
      %sign3A_75 = arith.subi %sign3A_71, %sign3A_74 : i32
      %sign3A_76 = arith.constant 0 : i32
      %sign3A_77 = arith.cmpi sgt, %jit3A_68, %sign3A_76 : i32
      %sign3A_78 = arith.extui %sign3A_77 : i1 to i32
      %sign3A_79 = arith.constant 0 : i32
      %sign3A_80 = arith.cmpi slt, %jit3A_68, %sign3A_79 : i32
      %sign3A_81 = arith.extui %sign3A_80 : i1 to i32
      %sign3A_82 = arith.subi %sign3A_78, %sign3A_81 : i32
      %ne3A = arith.cmpi ne, %sign3A_75, %sign3A_82 : i32
      %rem3A = arith.remsi %add3A_67, %jit3A_68 : i32
      %ne3A_83 = arith.constant 0 : i32
      %ne3A_84 = arith.cmpi ne, %rem3A, %ne3A_83 : i32
      %and3A_85 = arith.andi %ne3A, %ne3A_84 : i1
      %sub3A_86 = arith.constant 1 : i32
      %sub3A_87 = arith.subi %div3A_69, %sub3A_86 : i32
      %select_n3A_88 = arith.select %and3A_85, %sub3A_87, %div3A_69 : i32
      %add3A_89 = arith.addi %scan3A_64, %select_n3A_88 : i32
      %lt3A_90 = vector.broadcast %add3A_89 : i32 to vector<10240x1xi32>
      %lt3A_91 = arith.cmpi slt, %iota3A, %lt3A_90 : vector<10240x1xi32>
      %and3A_92 = arith.andi %eq3A_32, %lt3A_91 : vector<10240x1xi1>
      %jit3A_93 = arith.constant 1.000000e+00 : f32
      %jit3A_94 = arith.constant 0.000000e+00 : f32
      %broadcast_in_dim3A_95 = vector.broadcast %jit3A_93 : f32 to vector<10240x1xf32>
      %broadcast_in_dim3A_96 = vector.broadcast %jit3A_94 : f32 to vector<10240x1xf32>
      %select_n3A_97 = arith.select %and3A_92, %broadcast_in_dim3A_95, %broadcast_in_dim3A_96 : vector<10240x1xi1>, vector<10240x1xf32>
      %reduce_sum3A_98 = vector.shape_cast %select_n3A_97 : vector<10240x1xf32> to vector<1x10240x1xf32>
      %reduce_sum3A_99 = arith.constant dense<0.000000e+00> : vector<1xf32>
      %reduce_sum3A_100 = vector.multi_reduction <add>, %reduce_sum3A_98, %reduce_sum3A_99 [1, 2] : vector<1x10240x1xf32> to vector<1xf32>
      %reduce_sum3A_101 = vector.shape_cast %reduce_sum3A_100 : vector<1xf32> to vector<1x1x1xf32>
      %reduce_sum3A_102 = vector.extract %reduce_sum3A_101[0, 0, 0] : f32 from vector<1x1x1xf32>
      %le3A = arith.cmpf ole, %reduce_sum3A_102, %sub3A_43 : f32
      %select_n3A_103 = arith.select %le3A, %add3A_89, %scan3A_64 : i32
      %sub3A_104 = arith.constant 1 : i32
      %sub3A_105 = arith.subi %add3A_89, %sub3A_104 : i32
      %select_n3A_106 = arith.select %le3A, %scan3A_65, %sub3A_105 : i32
      scf.yield %select_n3A_103, %select_n3A_106 : i32, i32
    }
    %lt3A = vector.broadcast %scan3A_50#0 : i32 to vector<10240x1xi32>
    %lt3A_51 = arith.cmpi slt, %iota3A, %lt3A : vector<10240x1xi32>
    %and3A_52 = arith.andi %eq3A_32, %lt3A_51 : vector<10240x1xi1>
    %or3A = arith.ori %gt3A_31, %and3A_52 : vector<10240x1xi1>
    %jit3A_53 = arith.constant 1.000000e+00 : f32
    %jit3A_54 = arith.constant 0.000000e+00 : f32
    %broadcast_in_dim3A_55 = vector.broadcast %jit3A_53 : f32 to vector<10240x1xf32>
    %broadcast_in_dim3A_56 = vector.broadcast %jit3A_54 : f32 to vector<10240x1xf32>
    %select_n3A_57 = arith.select %or3A, %broadcast_in_dim3A_55, %broadcast_in_dim3A_56 : vector<10240x1xi1>, vector<10240x1xf32>
    %swap3A = arith.constant 0 : index
    %swap3A_58 = arith.constant 0 : index
    %swap3A_59 = vector.load %arg3[%swap3A, %swap3A_58] : memref<10240x1xf32, #tpu.memory_space<vmem>>, vector<10240x1xf32>
    tpu.vector_store %arg3[%swap3A, %swap3A_58], %select_n3A_57 {strides = array<i32>} : memref<10240x1xf32, #tpu.memory_space<vmem>>, vector<10240x1xf32>,
    %swap3A_60 = arith.constant 0 : index
    %swap3A_61 = arith.constant 0 : index
    %swap3A_62 = vector.load %arg4[%swap3A_60, %swap3A_61] : memref<10240x1xf32, #tpu.memory_space<vmem>>, vector<10240x1xf32>
    tpu.vector_store %arg4[%swap3A_60, %swap3A_61], %tanh3A {strides = array<i32>} : memref<10240x1xf32, #tpu.memory_space<vmem>>, vector<10240x1xf32>,
    return
  }
}

module attributes {stable_mosaic.version = 14 : i64} {
  func.func @_prep_body(%arg0: i32, %arg1: memref<2560x64xf32, #tpu.memory_space<vmem>>, %arg2: memref<64x128xf32, #tpu.memory_space<vmem>>, %arg3: memref<2x2560x16xf32, #tpu.memory_space<vmem>>, %arg4: memref<2560x1xf32, #tpu.memory_space<vmem>>, %arg5: memref<2560x1xf32, #tpu.memory_space<vmem>>, %arg6: memref<2560x128xf32, #tpu.memory_space<vmem>>, %arg7: memref<2560x1xf32, #tpu.memory_space<vmem>>) attributes {dimension_semantics = [#tpu.dimension_semantics<arbitrary>], iteration_bounds = array<i64: 4>, scalar_prefetch = 0 : i64, scratch_operands = 0 : i64, tpu.core_type = #tpu.core_type<tc>, window_params = [{transform_indices = @transform_0, window_bounds = array<i64: 2560, 64>}, {pipeline_mode = #tpu.pipeline_mode<synchronous>, transform_indices = @transform_1, window_bounds = array<i64: 64, 128>}, {transform_indices = @transform_2, window_bounds = array<i64: 2, 2560, 16>}, {transform_indices = @transform_3, window_bounds = array<i64: 2560, 1>}, {transform_indices = @transform_4, window_bounds = array<i64: 2560, 1>}, {transform_indices = @transform_5, window_bounds = array<i64: 2560, 128>}, {transform_indices = @transform_6, window_bounds = array<i64: 2560, 1>}]} {
    %get3A = arith.constant 0 : index
    %get3A_0 = arith.constant 0 : index
    %get3A_1 = arith.constant 0 : index
    %get3A_2 = vector.load %arg3[%get3A, %get3A_0, %get3A_1] : memref<2x2560x16xf32, #tpu.memory_space<vmem>>, vector<1x2560x1xf32>
    %get3A_3 = vector.shape_cast %get3A_2 : vector<1x2560x1xf32> to vector<2560x1xf32>
    %get3A_4 = arith.constant 1 : index
    %get3A_5 = arith.constant 0 : index
    %get3A_6 = arith.constant 0 : index
    %get3A_7 = vector.load %arg3[%get3A_4, %get3A_5, %get3A_6] : memref<2x2560x16xf32, #tpu.memory_space<vmem>>, vector<1x2560x1xf32>
    %get3A_8 = vector.shape_cast %get3A_7 : vector<1x2560x1xf32> to vector<2560x1xf32>
    %add3A = arith.addf %get3A_3, %get3A_8 : vector<2560x1xf32>
    %add3A_9 = arith.constant 2.000000e+00 : f32
    %add3A_10 = vector.broadcast %add3A_9 : f32 to vector<2560x1xf32>
    %add3A_11 = arith.addf %add3A, %add3A_10 : vector<2560x1xf32>
    %rsqrt3A = math.rsqrt %add3A_11 : vector<2560x1xf32>
    %get3A_12 = arith.constant 0 : index
    %get3A_13 = arith.constant 0 : index
    %get3A_14 = vector.load %arg1[%get3A_12, %get3A_13] : memref<2560x64xf32, #tpu.memory_space<vmem>>, vector<2560x64xf32>
    %get3A_15 = arith.constant 0 : index
    %get3A_16 = arith.constant 0 : index
    %get3A_17 = vector.load %arg4[%get3A_15, %get3A_16] : memref<2560x1xf32, #tpu.memory_space<vmem>>, vector<2560x1xf32>
    %mul3A = vector.broadcast %get3A_17 : vector<2560x1xf32> to vector<2560x64xf32>
    %mul3A_18 = arith.mulf %get3A_14, %mul3A : vector<2560x64xf32>
    %get3A_19 = arith.constant 0 : index
    %get3A_20 = arith.constant 0 : index
    %get3A_21 = vector.load %arg2[%get3A_19, %get3A_20] : memref<64x128xf32, #tpu.memory_space<vmem>>, vector<64x128xf32>
    %dot_general3A = arith.constant dense<0.000000e+00> : vector<2560x128xf32>
    %dot_general3A_22 = tpu.matmul %mul3A_18, %get3A_21, %dot_general3A {dimension_numbers = #tpu.dot_dimension_numbers<[1], [0], [0], [1], [0, 0, 1, 1], [], []>, transpose_lhs_hint = false} : vector<2560x64xf32>, vector<64x128xf32>, vector<2560x128xf32> -> vector<2560x128xf32>
    %mul3A_23 = vector.broadcast %rsqrt3A : vector<2560x1xf32> to vector<2560x128xf32>
    %mul3A_24 = arith.mulf %dot_general3A_22, %mul3A_23 : vector<2560x128xf32>
    %get3A_25 = arith.constant 0 : index
    %get3A_26 = arith.constant 0 : index
    %get3A_27 = vector.load %arg5[%get3A_25, %get3A_26] : memref<2560x1xf32, #tpu.memory_space<vmem>>, vector<2560x1xf32>
    %mul3A_28 = vector.broadcast %get3A_27 : vector<2560x1xf32> to vector<2560x128xf32>
    %mul3A_29 = arith.mulf %mul3A_24, %mul3A_28 : vector<2560x128xf32>
    %swap3A = arith.constant 0 : index
    %swap3A_30 = arith.constant 0 : index
    %swap3A_31 = vector.load %arg6[%swap3A, %swap3A_30] : memref<2560x128xf32, #tpu.memory_space<vmem>>, vector<2560x128xf32>
    tpu.vector_store %arg6[%swap3A, %swap3A_30], %mul3A_29 {strides = array<i32>} : memref<2560x128xf32, #tpu.memory_space<vmem>>, vector<2560x128xf32>,
    %swap3A_32 = arith.constant 0 : index
    %swap3A_33 = arith.constant 0 : index
    %swap3A_34 = vector.load %arg7[%swap3A_32, %swap3A_33] : memref<2560x1xf32, #tpu.memory_space<vmem>>, vector<2560x1xf32>
    tpu.vector_store %arg7[%swap3A_32, %swap3A_33], %rsqrt3A {strides = array<i32>} : memref<2560x1xf32, #tpu.memory_space<vmem>>, vector<2560x1xf32>,
    return
  }
  func.func @transform_0(%arg0: i32) -> (i32, i32) {
    %c0_i32 = arith.constant 0 : i32
    %c0_i32_0 = arith.constant 0 : i32
    return %arg0, %c0_i32 : i32, i32
  }
  func.func @transform_1(%arg0: i32) -> (i32, i32) {
    %c0_i32 = arith.constant 0 : i32
    %c0_i32_0 = arith.constant 0 : i32
    %c0_i32_1 = arith.constant 0 : i32
    return %c0_i32, %c0_i32_0 : i32, i32
  }
  func.func @transform_2(%arg0: i32) -> (i32, i32, i32) {
    %c0_i32 = arith.constant 0 : i32
    %c0_i32_0 = arith.constant 0 : i32
    %c0_i32_1 = arith.constant 0 : i32
    return %c0_i32, %arg0, %c0_i32_0 : i32, i32, i32
  }
  func.func @transform_3(%arg0: i32) -> (i32, i32) {
    %c0_i32 = arith.constant 0 : i32
    %c0_i32_0 = arith.constant 0 : i32
    return %arg0, %c0_i32 : i32, i32
  }
  func.func @transform_4(%arg0: i32) -> (i32, i32) {
    %c0_i32 = arith.constant 0 : i32
    %c0_i32_0 = arith.constant 0 : i32
    return %arg0, %c0_i32 : i32, i32
  }
  func.func @transform_5(%arg0: i32) -> (i32, i32) {
    %c0_i32 = arith.constant 0 : i32
    %c0_i32_0 = arith.constant 0 : i32
    return %arg0, %c0_i32 : i32, i32
  }
  func.func @transform_6(%arg0: i32) -> (i32, i32) {
    %c0_i32 = arith.constant 0 : i32
    %c0_i32_0 = arith.constant 0 : i32
    return %arg0, %c0_i32 : i32, i32
  }
}

module attributes {stable_mosaic.version = 14 : i64} {
  func.func @_finish_body(%arg0: i32, %arg1: memref<2x2560x128xf32, #tpu.memory_space<vmem>>, %arg2: memref<2560x128xf32, #tpu.memory_space<vmem>>, %arg3: memref<2560x1xf32, #tpu.memory_space<vmem>>, %arg4: memref<1x128xf32, #tpu.memory_space<vmem>>, %arg5: memref<2560x1xf32, #tpu.memory_space<vmem>>, %arg6: memref<2560x128xf32, #tpu.memory_space<vmem>>) attributes {dimension_semantics = [#tpu.dimension_semantics<arbitrary>], iteration_bounds = array<i64: 4>, scalar_prefetch = 0 : i64, scratch_operands = 0 : i64, tpu.core_type = #tpu.core_type<tc>, window_params = [{transform_indices = @transform_0, window_bounds = array<i64: 2, 2560, 128>}, {transform_indices = @transform_1, window_bounds = array<i64: 2560, 128>}, {transform_indices = @transform_2, window_bounds = array<i64: 2560, 1>}, {pipeline_mode = #tpu.pipeline_mode<synchronous>, transform_indices = @transform_3, window_bounds = array<i64: 1, 128>}, {transform_indices = @transform_4, window_bounds = array<i64: 2560, 1>}, {transform_indices = @transform_5, window_bounds = array<i64: 2560, 128>}]} {
    %get3A = arith.constant 0 : index
    %get3A_0 = arith.constant 0 : index
    %get3A_1 = arith.constant 0 : index
    %get3A_2 = vector.load %arg1[%get3A, %get3A_0, %get3A_1] : memref<2x2560x128xf32, #tpu.memory_space<vmem>>, vector<1x2560x128xf32>
    %get3A_3 = vector.shape_cast %get3A_2 : vector<1x2560x128xf32> to vector<2560x128xf32>
    %get3A_4 = arith.constant 1 : index
    %get3A_5 = arith.constant 0 : index
    %get3A_6 = arith.constant 0 : index
    %get3A_7 = vector.load %arg1[%get3A_4, %get3A_5, %get3A_6] : memref<2x2560x128xf32, #tpu.memory_space<vmem>>, vector<1x2560x128xf32>
    %get3A_8 = vector.shape_cast %get3A_7 : vector<1x2560x128xf32> to vector<2560x128xf32>
    %add3A = arith.addf %get3A_3, %get3A_8 : vector<2560x128xf32>
    %get3A_9 = arith.constant 0 : index
    %get3A_10 = arith.constant 0 : index
    %get3A_11 = vector.load %arg3[%get3A_9, %get3A_10] : memref<2560x1xf32, #tpu.memory_space<vmem>>, vector<2560x1xf32>
    %mul3A = vector.broadcast %get3A_11 : vector<2560x1xf32> to vector<2560x128xf32>
    %mul3A_12 = arith.mulf %mul3A, %add3A : vector<2560x128xf32>
    %mul3A_13 = arith.constant 2.000000e+00 : f32
    %mul3A_14 = vector.broadcast %mul3A_13 : f32 to vector<2560x1xf32>
    %mul3A_15 = arith.mulf %mul3A_14, %get3A_11 : vector<2560x1xf32>
    %get3A_16 = arith.constant 0 : index
    %get3A_17 = arith.constant 0 : index
    %get3A_18 = vector.load %arg2[%get3A_16, %get3A_17] : memref<2560x128xf32, #tpu.memory_space<vmem>>, vector<2560x128xf32>
    %mul3A_19 = vector.broadcast %mul3A_15 : vector<2560x1xf32> to vector<2560x128xf32>
    %mul3A_20 = arith.mulf %mul3A_19, %get3A_18 : vector<2560x128xf32>
    %add3A_21 = arith.addf %mul3A_12, %mul3A_20 : vector<2560x128xf32>
    %get3A_22 = arith.constant 0 : index
    %get3A_23 = arith.constant 0 : index
    %get3A_24 = vector.load %arg4[%get3A_22, %get3A_23] : memref<1x128xf32, #tpu.memory_space<vmem>>, vector<1x128xf32>
    %add3A_25 = vector.broadcast %get3A_24 : vector<1x128xf32> to vector<2560x128xf32>
    %add3A_26 = arith.addf %add3A_21, %add3A_25 : vector<2560x128xf32>
    %max3A = arith.constant 0.000000e+00 : f32
    %max3A_27 = vector.broadcast %max3A : f32 to vector<2560x128xf32>
    %max3A_28 = arith.maximumf %add3A_26, %max3A_27 : vector<2560x128xf32>
    %get3A_29 = arith.constant 0 : index
    %get3A_30 = arith.constant 0 : index
    %get3A_31 = vector.load %arg5[%get3A_29, %get3A_30] : memref<2560x1xf32, #tpu.memory_space<vmem>>, vector<2560x1xf32>
    %mul3A_32 = vector.broadcast %get3A_31 : vector<2560x1xf32> to vector<2560x128xf32>
    %mul3A_33 = arith.mulf %max3A_28, %mul3A_32 : vector<2560x128xf32>
    %swap3A = arith.constant 0 : index
    %swap3A_34 = arith.constant 0 : index
    %swap3A_35 = vector.load %arg6[%swap3A, %swap3A_34] : memref<2560x128xf32, #tpu.memory_space<vmem>>, vector<2560x128xf32>
    tpu.vector_store %arg6[%swap3A, %swap3A_34], %mul3A_33 {strides = array<i32>} : memref<2560x128xf32, #tpu.memory_space<vmem>>, vector<2560x128xf32>,
    return
  }
  func.func @transform_0(%arg0: i32) -> (i32, i32, i32) {
    %c0_i32 = arith.constant 0 : i32
    %c0_i32_0 = arith.constant 0 : i32
    %c0_i32_1 = arith.constant 0 : i32
    return %c0_i32, %arg0, %c0_i32_0 : i32, i32, i32
  }
  func.func @transform_1(%arg0: i32) -> (i32, i32) {
    %c0_i32 = arith.constant 0 : i32
    %c0_i32_0 = arith.constant 0 : i32
    return %arg0, %c0_i32 : i32, i32
  }
  func.func @transform_2(%arg0: i32) -> (i32, i32) {
    %c0_i32 = arith.constant 0 : i32
    %c0_i32_0 = arith.constant 0 : i32
    return %arg0, %c0_i32 : i32, i32
  }
  func.func @transform_3(%arg0: i32) -> (i32, i32) {
    %c0_i32 = arith.constant 0 : i32
    %c0_i32_0 = arith.constant 0 : i32
    %c0_i32_1 = arith.constant 0 : i32
    return %c0_i32, %c0_i32_0 : i32, i32
  }
  func.func @transform_4(%arg0: i32) -> (i32, i32) {
    %c0_i32 = arith.constant 0 : i32
    %c0_i32_0 = arith.constant 0 : i32
    return %arg0, %c0_i32 : i32, i32
  }
  func.func @transform_5(%arg0: i32) -> (i32, i32) {
    %c0_i32 = arith.constant 0 : i32
    %c0_i32_0 = arith.constant 0 : i32
    return %arg0, %c0_i32 : i32, i32
  }
}

module attributes {stable_mosaic.version = 14 : i64} {
  func.func @_score_body(%arg0: memref<10240x128xf32, #tpu.memory_space<vmem>>, %arg1: memref<128x1xf32, #tpu.memory_space<vmem>>, %arg2: memref<10240x1xf32, #tpu.memory_space<vmem>>, %arg3: memref<10240x1xf32, #tpu.memory_space<vmem>>, %arg4: memref<10240x1xf32, #tpu.memory_space<vmem>>) attributes {dimension_semantics = [], scalar_prefetch = 0 : i64, scratch_operands = 0 : i64, tpu.core_type = #tpu.core_type<tc>} {
    %get3A = arith.constant 0 : index
    %get3A_0 = arith.constant 0 : index
    %get3A_1 = vector.load %arg1[%get3A, %get3A_0] : memref<128x1xf32, #tpu.memory_space<vmem>>, vector<128x1xf32>
    %mul3A = arith.mulf %get3A_1, %get3A_1 : vector<128x1xf32>
    %reduce_sum3A = vector.shape_cast %mul3A : vector<128x1xf32> to vector<1x128x1xf32>
    %reduce_sum3A_2 = arith.constant dense<0.000000e+00> : vector<1xf32>
    %reduce_sum3A_3 = vector.multi_reduction <add>, %reduce_sum3A, %reduce_sum3A_2 [1, 2] : vector<1x128x1xf32> to vector<1xf32>
    %reduce_sum3A_4 = vector.shape_cast %reduce_sum3A_3 : vector<1xf32> to vector<1x1x1xf32>
    %reduce_sum3A_5 = vector.extract %reduce_sum3A_4[0, 0, 0] : f32 from vector<1x1x1xf32>
    %sqrt3A = math.sqrt %reduce_sum3A_5 : f32
    %get3A_6 = arith.constant 0 : index
    %get3A_7 = arith.constant 0 : index
    %get3A_8 = vector.load %arg0[%get3A_6, %get3A_7] : memref<10240x128xf32, #tpu.memory_space<vmem>>, vector<10240x128xf32>
    %dot_general3A = arith.constant dense<0.000000e+00> : vector<10240x1xf32>
    %dot_general3A_9 = tpu.matmul %get3A_8, %get3A_1, %dot_general3A {dimension_numbers = #tpu.dot_dimension_numbers<[1], [0], [0], [1], [0, 0, 1, 1], [], []>, transpose_lhs_hint = false} : vector<10240x128xf32>, vector<128x1xf32>, vector<10240x1xf32> -> vector<10240x1xf32>
    %div3A = vector.broadcast %sqrt3A : f32 to vector<10240x1xf32>
    %div3A_10 = arith.divf %dot_general3A_9, %div3A : vector<10240x1xf32>
    %tanh3A = math.tanh %div3A_10 : vector<10240x1xf32>
    %get3A_11 = arith.constant 0 : index
    %get3A_12 = arith.constant 0 : index
    %get3A_13 = vector.load %arg2[%get3A_11, %get3A_12] : memref<10240x1xf32, #tpu.memory_space<vmem>>, vector<10240x1xf32>
    %gt3A = arith.constant 0.000000e+00 : f32
    %gt3A_14 = vector.broadcast %gt3A : f32 to vector<10240x1xf32>
    %gt3A_15 = arith.cmpf ogt, %get3A_13, %gt3A_14 : vector<10240x1xf32>
    %jit3A = arith.constant -3.000000e+00 : f32
    %broadcast_in_dim3A = vector.broadcast %jit3A : f32 to vector<10240x1xf32>
    %select_n3A = arith.select %gt3A_15, %tanh3A, %broadcast_in_dim3A : vector<10240x1xi1>, vector<10240x1xf32>
    %bitcast_convert_type3A = tpu.bitcast %select_n3A : vector<10240x1xf32> -> vector<10240x1xi32>
    %and3A = arith.constant 2147483647 : i32
    %and3A_16 = vector.broadcast %and3A : i32 to vector<10240x1xi32>
    %and3A_17 = arith.andi %bitcast_convert_type3A, %and3A_16 : vector<10240x1xi32>
    %ge3A = arith.constant 0 : i32
    %ge3A_18 = vector.broadcast %ge3A : i32 to vector<10240x1xi32>
    %ge3A_19 = arith.cmpi sge, %bitcast_convert_type3A, %ge3A_18 : vector<10240x1xi32>
    %neg3A = arith.constant 0 : i32
    %neg3A_20 = vector.broadcast %neg3A : i32 to vector<10240x1xi32>
    %neg3A_21 = arith.subi %neg3A_20, %and3A_17 : vector<10240x1xi32>
    %select_n3A_22 = arith.select %ge3A_19, %bitcast_convert_type3A, %neg3A_21 : vector<10240x1xi1>, vector<10240x1xi32>
    %scan3A = arith.constant 6.400000e+03 : f32
    %scan3A_23 = arith.constant -1077936129 : i32
    %scan3A_24 = arith.constant 1065353216 : i32
    %scan3A_25 = arith.constant 0 : i32
    %scan3A_26 = arith.constant 32 : i32
    %scan3A_27 = arith.addi %scan3A_25, %scan3A_26 : i32
    %scan3A_28 = arith.constant 1 : i32
    %scan3A_29:2 = scf.for %scan3A_63 = %scan3A_25 to %scan3A_27 step %scan3A_28 iter_args(%scan3A_64 = %scan3A_23, %scan3A_65 = %scan3A_24) -> (i32, i32)  : i32 {
      %sub3A_66 = arith.subi %scan3A_65, %scan3A_64 : i32
      %add3A = arith.constant 1 : i32
      %add3A_67 = arith.addi %sub3A_66, %add3A : i32
      %jit3A_68 = arith.constant 2 : i32
      %div3A_69 = arith.divsi %add3A_67, %jit3A_68 : i32
      %sign3A = arith.constant 0 : i32
      %sign3A_70 = arith.cmpi sgt, %add3A_67, %sign3A : i32
      %sign3A_71 = arith.extui %sign3A_70 : i1 to i32
      %sign3A_72 = arith.constant 0 : i32
      %sign3A_73 = arith.cmpi slt, %add3A_67, %sign3A_72 : i32
      %sign3A_74 = arith.extui %sign3A_73 : i1 to i32
      %sign3A_75 = arith.subi %sign3A_71, %sign3A_74 : i32
      %sign3A_76 = arith.constant 0 : i32
      %sign3A_77 = arith.cmpi sgt, %jit3A_68, %sign3A_76 : i32
      %sign3A_78 = arith.extui %sign3A_77 : i1 to i32
      %sign3A_79 = arith.constant 0 : i32
      %sign3A_80 = arith.cmpi slt, %jit3A_68, %sign3A_79 : i32
      %sign3A_81 = arith.extui %sign3A_80 : i1 to i32
      %sign3A_82 = arith.subi %sign3A_78, %sign3A_81 : i32
      %ne3A = arith.cmpi ne, %sign3A_75, %sign3A_82 : i32
      %rem3A = arith.remsi %add3A_67, %jit3A_68 : i32
      %ne3A_83 = arith.constant 0 : i32
      %ne3A_84 = arith.cmpi ne, %rem3A, %ne3A_83 : i32
      %and3A_85 = arith.andi %ne3A, %ne3A_84 : i1
      %sub3A_86 = arith.constant 1 : i32
      %sub3A_87 = arith.subi %div3A_69, %sub3A_86 : i32
      %select_n3A_88 = arith.select %and3A_85, %sub3A_87, %div3A_69 : i32
      %add3A_89 = arith.addi %scan3A_64, %select_n3A_88 : i32
      %ge3A_90 = vector.broadcast %add3A_89 : i32 to vector<10240x1xi32>
      %ge3A_91 = arith.cmpi sge, %select_n3A_22, %ge3A_90 : vector<10240x1xi32>
      %jit3A_92 = arith.constant 1.000000e+00 : f32
      %jit3A_93 = arith.constant 0.000000e+00 : f32
      %broadcast_in_dim3A_94 = vector.broadcast %jit3A_92 : f32 to vector<10240x1xf32>
      %broadcast_in_dim3A_95 = vector.broadcast %jit3A_93 : f32 to vector<10240x1xf32>
      %select_n3A_96 = arith.select %ge3A_91, %broadcast_in_dim3A_94, %broadcast_in_dim3A_95 : vector<10240x1xi1>, vector<10240x1xf32>
      %reduce_sum3A_97 = vector.shape_cast %select_n3A_96 : vector<10240x1xf32> to vector<1x10240x1xf32>
      %reduce_sum3A_98 = arith.constant dense<0.000000e+00> : vector<1xf32>
      %reduce_sum3A_99 = vector.multi_reduction <add>, %reduce_sum3A_97, %reduce_sum3A_98 [1, 2] : vector<1x10240x1xf32> to vector<1xf32>
      %reduce_sum3A_100 = vector.shape_cast %reduce_sum3A_99 : vector<1xf32> to vector<1x1x1xf32>
      %reduce_sum3A_101 = vector.extract %reduce_sum3A_100[0, 0, 0] : f32 from vector<1x1x1xf32>
      %ge3A_102 = arith.cmpf oge, %reduce_sum3A_101, %scan3A : f32
      %select_n3A_103 = arith.select %ge3A_102, %add3A_89, %scan3A_64 : i32
      %sub3A_104 = arith.constant 1 : i32
      %sub3A_105 = arith.subi %add3A_89, %sub3A_104 : i32
      %select_n3A_106 = arith.select %ge3A_102, %scan3A_65, %sub3A_105 : i32
      scf.yield %select_n3A_103, %select_n3A_106 : i32, i32
    }
    %gt3A_30 = vector.broadcast %scan3A_29#0 : i32 to vector<10240x1xi32>
    %gt3A_31 = arith.cmpi sgt, %select_n3A_22, %gt3A_30 : vector<10240x1xi32>
    %eq3A = vector.broadcast %scan3A_29#0 : i32 to vector<10240x1xi32>
    %eq3A_32 = arith.cmpi eq, %select_n3A_22, %eq3A : vector<10240x1xi32>
    %jit3A_33 = arith.constant 1.000000e+00 : f32
    %jit3A_34 = arith.constant 0.000000e+00 : f32
    %broadcast_in_dim3A_35 = vector.broadcast %jit3A_33 : f32 to vector<10240x1xf32>
    %broadcast_in_dim3A_36 = vector.broadcast %jit3A_34 : f32 to vector<10240x1xf32>
    %select_n3A_37 = arith.select %gt3A_31, %broadcast_in_dim3A_35, %broadcast_in_dim3A_36 : vector<10240x1xi1>, vector<10240x1xf32>
    %reduce_sum3A_38 = vector.shape_cast %select_n3A_37 : vector<10240x1xf32> to vector<1x10240x1xf32>
    %reduce_sum3A_39 = arith.constant dense<0.000000e+00> : vector<1xf32>
    %reduce_sum3A_40 = vector.multi_reduction <add>, %reduce_sum3A_38, %reduce_sum3A_39 [1, 2] : vector<1x10240x1xf32> to vector<1xf32>
    %reduce_sum3A_41 = vector.shape_cast %reduce_sum3A_40 : vector<1xf32> to vector<1x1x1xf32>
    %reduce_sum3A_42 = vector.extract %reduce_sum3A_41[0, 0, 0] : f32 from vector<1x1x1xf32>
    %sub3A = arith.constant 6.400000e+03 : f32
    %sub3A_43 = arith.subf %sub3A, %reduce_sum3A_42 : f32
    %iota3A = tpu.iota {dimensions = array<i32: 0>} : vector<10240x1xi32>
    %scan3A_44 = arith.constant 0 : i32
    %scan3A_45 = arith.constant 10240 : i32
    %scan3A_46 = arith.constant 0 : i32
    %scan3A_47 = arith.constant 16 : i32
    %scan3A_48 = arith.addi %scan3A_46, %scan3A_47 : i32
    %scan3A_49 = arith.constant 1 : i32
    %scan3A_50:2 = scf.for %scan3A_63 = %scan3A_46 to %scan3A_48 step %scan3A_49 iter_args(%scan3A_64 = %scan3A_44, %scan3A_65 = %scan3A_45) -> (i32, i32)  : i32 {
      %sub3A_66 = arith.subi %scan3A_65, %scan3A_64 : i32
      %add3A = arith.constant 1 : i32
      %add3A_67 = arith.addi %sub3A_66, %add3A : i32
      %jit3A_68 = arith.constant 2 : i32
      %div3A_69 = arith.divsi %add3A_67, %jit3A_68 : i32
      %sign3A = arith.constant 0 : i32
      %sign3A_70 = arith.cmpi sgt, %add3A_67, %sign3A : i32
      %sign3A_71 = arith.extui %sign3A_70 : i1 to i32
      %sign3A_72 = arith.constant 0 : i32
      %sign3A_73 = arith.cmpi slt, %add3A_67, %sign3A_72 : i32
      %sign3A_74 = arith.extui %sign3A_73 : i1 to i32
      %sign3A_75 = arith.subi %sign3A_71, %sign3A_74 : i32
      %sign3A_76 = arith.constant 0 : i32
      %sign3A_77 = arith.cmpi sgt, %jit3A_68, %sign3A_76 : i32
      %sign3A_78 = arith.extui %sign3A_77 : i1 to i32
      %sign3A_79 = arith.constant 0 : i32
      %sign3A_80 = arith.cmpi slt, %jit3A_68, %sign3A_79 : i32
      %sign3A_81 = arith.extui %sign3A_80 : i1 to i32
      %sign3A_82 = arith.subi %sign3A_78, %sign3A_81 : i32
      %ne3A = arith.cmpi ne, %sign3A_75, %sign3A_82 : i32
      %rem3A = arith.remsi %add3A_67, %jit3A_68 : i32
      %ne3A_83 = arith.constant 0 : i32
      %ne3A_84 = arith.cmpi ne, %rem3A, %ne3A_83 : i32
      %and3A_85 = arith.andi %ne3A, %ne3A_84 : i1
      %sub3A_86 = arith.constant 1 : i32
      %sub3A_87 = arith.subi %div3A_69, %sub3A_86 : i32
      %select_n3A_88 = arith.select %and3A_85, %sub3A_87, %div3A_69 : i32
      %add3A_89 = arith.addi %scan3A_64, %select_n3A_88 : i32
      %lt3A_90 = vector.broadcast %add3A_89 : i32 to vector<10240x1xi32>
      %lt3A_91 = arith.cmpi slt, %iota3A, %lt3A_90 : vector<10240x1xi32>
      %and3A_92 = arith.andi %eq3A_32, %lt3A_91 : vector<10240x1xi1>
      %jit3A_93 = arith.constant 1.000000e+00 : f32
      %jit3A_94 = arith.constant 0.000000e+00 : f32
      %broadcast_in_dim3A_95 = vector.broadcast %jit3A_93 : f32 to vector<10240x1xf32>
      %broadcast_in_dim3A_96 = vector.broadcast %jit3A_94 : f32 to vector<10240x1xf32>
      %select_n3A_97 = arith.select %and3A_92, %broadcast_in_dim3A_95, %broadcast_in_dim3A_96 : vector<10240x1xi1>, vector<10240x1xf32>
      %reduce_sum3A_98 = vector.shape_cast %select_n3A_97 : vector<10240x1xf32> to vector<1x10240x1xf32>
      %reduce_sum3A_99 = arith.constant dense<0.000000e+00> : vector<1xf32>
      %reduce_sum3A_100 = vector.multi_reduction <add>, %reduce_sum3A_98, %reduce_sum3A_99 [1, 2] : vector<1x10240x1xf32> to vector<1xf32>
      %reduce_sum3A_101 = vector.shape_cast %reduce_sum3A_100 : vector<1xf32> to vector<1x1x1xf32>
      %reduce_sum3A_102 = vector.extract %reduce_sum3A_101[0, 0, 0] : f32 from vector<1x1x1xf32>
      %le3A = arith.cmpf ole, %reduce_sum3A_102, %sub3A_43 : f32
      %select_n3A_103 = arith.select %le3A, %add3A_89, %scan3A_64 : i32
      %sub3A_104 = arith.constant 1 : i32
      %sub3A_105 = arith.subi %add3A_89, %sub3A_104 : i32
      %select_n3A_106 = arith.select %le3A, %scan3A_65, %sub3A_105 : i32
      scf.yield %select_n3A_103, %select_n3A_106 : i32, i32
    }
    %lt3A = vector.broadcast %scan3A_50#0 : i32 to vector<10240x1xi32>
    %lt3A_51 = arith.cmpi slt, %iota3A, %lt3A : vector<10240x1xi32>
    %and3A_52 = arith.andi %eq3A_32, %lt3A_51 : vector<10240x1xi1>
    %or3A = arith.ori %gt3A_31, %and3A_52 : vector<10240x1xi1>
    %jit3A_53 = arith.constant 1.000000e+00 : f32
    %jit3A_54 = arith.constant 0.000000e+00 : f32
    %broadcast_in_dim3A_55 = vector.broadcast %jit3A_53 : f32 to vector<10240x1xf32>
    %broadcast_in_dim3A_56 = vector.broadcast %jit3A_54 : f32 to vector<10240x1xf32>
    %select_n3A_57 = arith.select %or3A, %broadcast_in_dim3A_55, %broadcast_in_dim3A_56 : vector<10240x1xi1>, vector<10240x1xf32>
    %swap3A = arith.constant 0 : index
    %swap3A_58 = arith.constant 0 : index
    %swap3A_59 = vector.load %arg3[%swap3A, %swap3A_58] : memref<10240x1xf32, #tpu.memory_space<vmem>>, vector<10240x1xf32>
    tpu.vector_store %arg3[%swap3A, %swap3A_58], %select_n3A_57 {strides = array<i32>} : memref<10240x1xf32, #tpu.memory_space<vmem>>, vector<10240x1xf32>,
    %swap3A_60 = arith.constant 0 : index
    %swap3A_61 = arith.constant 0 : index
    %swap3A_62 = vector.load %arg4[%swap3A_60, %swap3A_61] : memref<10240x1xf32, #tpu.memory_space<vmem>>, vector<10240x1xf32>
    tpu.vector_store %arg4[%swap3A_60, %swap3A_61], %tanh3A {strides = array<i32>} : memref<10240x1xf32, #tpu.memory_space<vmem>>, vector<10240x1xf32>,
    return
  }
}

module attributes {stable_mosaic.version = 14 : i64} {
  func.func @_prep_body(%arg0: i32, %arg1: memref<2560x128xf32, #tpu.memory_space<vmem>>, %arg2: memref<128x256xf32, #tpu.memory_space<vmem>>, %arg3: memref<2x2560x16xf32, #tpu.memory_space<vmem>>, %arg4: memref<2560x1xf32, #tpu.memory_space<vmem>>, %arg5: memref<2560x1xf32, #tpu.memory_space<vmem>>, %arg6: memref<2560x256xf32, #tpu.memory_space<vmem>>, %arg7: memref<2560x1xf32, #tpu.memory_space<vmem>>) attributes {dimension_semantics = [#tpu.dimension_semantics<arbitrary>], iteration_bounds = array<i64: 4>, scalar_prefetch = 0 : i64, scratch_operands = 0 : i64, tpu.core_type = #tpu.core_type<tc>, window_params = [{transform_indices = @transform_0, window_bounds = array<i64: 2560, 128>}, {pipeline_mode = #tpu.pipeline_mode<synchronous>, transform_indices = @transform_1, window_bounds = array<i64: 128, 256>}, {transform_indices = @transform_2, window_bounds = array<i64: 2, 2560, 16>}, {transform_indices = @transform_3, window_bounds = array<i64: 2560, 1>}, {transform_indices = @transform_4, window_bounds = array<i64: 2560, 1>}, {transform_indices = @transform_5, window_bounds = array<i64: 2560, 256>}, {transform_indices = @transform_6, window_bounds = array<i64: 2560, 1>}]} {
    %get3A = arith.constant 0 : index
    %get3A_0 = arith.constant 0 : index
    %get3A_1 = arith.constant 0 : index
    %get3A_2 = vector.load %arg3[%get3A, %get3A_0, %get3A_1] : memref<2x2560x16xf32, #tpu.memory_space<vmem>>, vector<1x2560x1xf32>
    %get3A_3 = vector.shape_cast %get3A_2 : vector<1x2560x1xf32> to vector<2560x1xf32>
    %get3A_4 = arith.constant 1 : index
    %get3A_5 = arith.constant 0 : index
    %get3A_6 = arith.constant 0 : index
    %get3A_7 = vector.load %arg3[%get3A_4, %get3A_5, %get3A_6] : memref<2x2560x16xf32, #tpu.memory_space<vmem>>, vector<1x2560x1xf32>
    %get3A_8 = vector.shape_cast %get3A_7 : vector<1x2560x1xf32> to vector<2560x1xf32>
    %add3A = arith.addf %get3A_3, %get3A_8 : vector<2560x1xf32>
    %add3A_9 = arith.constant 2.000000e+00 : f32
    %add3A_10 = vector.broadcast %add3A_9 : f32 to vector<2560x1xf32>
    %add3A_11 = arith.addf %add3A, %add3A_10 : vector<2560x1xf32>
    %rsqrt3A = math.rsqrt %add3A_11 : vector<2560x1xf32>
    %get3A_12 = arith.constant 0 : index
    %get3A_13 = arith.constant 0 : index
    %get3A_14 = vector.load %arg1[%get3A_12, %get3A_13] : memref<2560x128xf32, #tpu.memory_space<vmem>>, vector<2560x128xf32>
    %get3A_15 = arith.constant 0 : index
    %get3A_16 = arith.constant 0 : index
    %get3A_17 = vector.load %arg4[%get3A_15, %get3A_16] : memref<2560x1xf32, #tpu.memory_space<vmem>>, vector<2560x1xf32>
    %mul3A = vector.broadcast %get3A_17 : vector<2560x1xf32> to vector<2560x128xf32>
    %mul3A_18 = arith.mulf %get3A_14, %mul3A : vector<2560x128xf32>
    %get3A_19 = arith.constant 0 : index
    %get3A_20 = arith.constant 0 : index
    %get3A_21 = vector.load %arg2[%get3A_19, %get3A_20] : memref<128x256xf32, #tpu.memory_space<vmem>>, vector<128x256xf32>
    %dot_general3A = arith.constant dense<0.000000e+00> : vector<2560x256xf32>
    %dot_general3A_22 = tpu.matmul %mul3A_18, %get3A_21, %dot_general3A {dimension_numbers = #tpu.dot_dimension_numbers<[1], [0], [0], [1], [0, 0, 1, 1], [], []>, transpose_lhs_hint = false} : vector<2560x128xf32>, vector<128x256xf32>, vector<2560x256xf32> -> vector<2560x256xf32>
    %mul3A_23 = vector.broadcast %rsqrt3A : vector<2560x1xf32> to vector<2560x256xf32>
    %mul3A_24 = arith.mulf %dot_general3A_22, %mul3A_23 : vector<2560x256xf32>
    %get3A_25 = arith.constant 0 : index
    %get3A_26 = arith.constant 0 : index
    %get3A_27 = vector.load %arg5[%get3A_25, %get3A_26] : memref<2560x1xf32, #tpu.memory_space<vmem>>, vector<2560x1xf32>
    %mul3A_28 = vector.broadcast %get3A_27 : vector<2560x1xf32> to vector<2560x256xf32>
    %mul3A_29 = arith.mulf %mul3A_24, %mul3A_28 : vector<2560x256xf32>
    %swap3A = arith.constant 0 : index
    %swap3A_30 = arith.constant 0 : index
    %swap3A_31 = vector.load %arg6[%swap3A, %swap3A_30] : memref<2560x256xf32, #tpu.memory_space<vmem>>, vector<2560x256xf32>
    tpu.vector_store %arg6[%swap3A, %swap3A_30], %mul3A_29 {strides = array<i32>} : memref<2560x256xf32, #tpu.memory_space<vmem>>, vector<2560x256xf32>,
    %swap3A_32 = arith.constant 0 : index
    %swap3A_33 = arith.constant 0 : index
    %swap3A_34 = vector.load %arg7[%swap3A_32, %swap3A_33] : memref<2560x1xf32, #tpu.memory_space<vmem>>, vector<2560x1xf32>
    tpu.vector_store %arg7[%swap3A_32, %swap3A_33], %rsqrt3A {strides = array<i32>} : memref<2560x1xf32, #tpu.memory_space<vmem>>, vector<2560x1xf32>,
    return
  }
  func.func @transform_0(%arg0: i32) -> (i32, i32) {
    %c0_i32 = arith.constant 0 : i32
    %c0_i32_0 = arith.constant 0 : i32
    return %arg0, %c0_i32 : i32, i32
  }
  func.func @transform_1(%arg0: i32) -> (i32, i32) {
    %c0_i32 = arith.constant 0 : i32
    %c0_i32_0 = arith.constant 0 : i32
    %c0_i32_1 = arith.constant 0 : i32
    return %c0_i32, %c0_i32_0 : i32, i32
  }
  func.func @transform_2(%arg0: i32) -> (i32, i32, i32) {
    %c0_i32 = arith.constant 0 : i32
    %c0_i32_0 = arith.constant 0 : i32
    %c0_i32_1 = arith.constant 0 : i32
    return %c0_i32, %arg0, %c0_i32_0 : i32, i32, i32
  }
  func.func @transform_3(%arg0: i32) -> (i32, i32) {
    %c0_i32 = arith.constant 0 : i32
    %c0_i32_0 = arith.constant 0 : i32
    return %arg0, %c0_i32 : i32, i32
  }
  func.func @transform_4(%arg0: i32) -> (i32, i32) {
    %c0_i32 = arith.constant 0 : i32
    %c0_i32_0 = arith.constant 0 : i32
    return %arg0, %c0_i32 : i32, i32
  }
  func.func @transform_5(%arg0: i32) -> (i32, i32) {
    %c0_i32 = arith.constant 0 : i32
    %c0_i32_0 = arith.constant 0 : i32
    return %arg0, %c0_i32 : i32, i32
  }
  func.func @transform_6(%arg0: i32) -> (i32, i32) {
    %c0_i32 = arith.constant 0 : i32
    %c0_i32_0 = arith.constant 0 : i32
    return %arg0, %c0_i32 : i32, i32
  }
}

module attributes {stable_mosaic.version = 14 : i64} {
  func.func @_finish_body(%arg0: i32, %arg1: memref<2x2560x256xf32, #tpu.memory_space<vmem>>, %arg2: memref<2560x256xf32, #tpu.memory_space<vmem>>, %arg3: memref<2560x1xf32, #tpu.memory_space<vmem>>, %arg4: memref<1x256xf32, #tpu.memory_space<vmem>>, %arg5: memref<2560x1xf32, #tpu.memory_space<vmem>>, %arg6: memref<2560x256xf32, #tpu.memory_space<vmem>>) attributes {dimension_semantics = [#tpu.dimension_semantics<arbitrary>], iteration_bounds = array<i64: 4>, scalar_prefetch = 0 : i64, scratch_operands = 0 : i64, tpu.core_type = #tpu.core_type<tc>, window_params = [{transform_indices = @transform_0, window_bounds = array<i64: 2, 2560, 256>}, {transform_indices = @transform_1, window_bounds = array<i64: 2560, 256>}, {transform_indices = @transform_2, window_bounds = array<i64: 2560, 1>}, {pipeline_mode = #tpu.pipeline_mode<synchronous>, transform_indices = @transform_3, window_bounds = array<i64: 1, 256>}, {transform_indices = @transform_4, window_bounds = array<i64: 2560, 1>}, {transform_indices = @transform_5, window_bounds = array<i64: 2560, 256>}]} {
    %get3A = arith.constant 0 : index
    %get3A_0 = arith.constant 0 : index
    %get3A_1 = arith.constant 0 : index
    %get3A_2 = vector.load %arg1[%get3A, %get3A_0, %get3A_1] : memref<2x2560x256xf32, #tpu.memory_space<vmem>>, vector<1x2560x256xf32>
    %get3A_3 = vector.shape_cast %get3A_2 : vector<1x2560x256xf32> to vector<2560x256xf32>
    %get3A_4 = arith.constant 1 : index
    %get3A_5 = arith.constant 0 : index
    %get3A_6 = arith.constant 0 : index
    %get3A_7 = vector.load %arg1[%get3A_4, %get3A_5, %get3A_6] : memref<2x2560x256xf32, #tpu.memory_space<vmem>>, vector<1x2560x256xf32>
    %get3A_8 = vector.shape_cast %get3A_7 : vector<1x2560x256xf32> to vector<2560x256xf32>
    %add3A = arith.addf %get3A_3, %get3A_8 : vector<2560x256xf32>
    %get3A_9 = arith.constant 0 : index
    %get3A_10 = arith.constant 0 : index
    %get3A_11 = vector.load %arg3[%get3A_9, %get3A_10] : memref<2560x1xf32, #tpu.memory_space<vmem>>, vector<2560x1xf32>
    %mul3A = vector.broadcast %get3A_11 : vector<2560x1xf32> to vector<2560x256xf32>
    %mul3A_12 = arith.mulf %mul3A, %add3A : vector<2560x256xf32>
    %mul3A_13 = arith.constant 2.000000e+00 : f32
    %mul3A_14 = vector.broadcast %mul3A_13 : f32 to vector<2560x1xf32>
    %mul3A_15 = arith.mulf %mul3A_14, %get3A_11 : vector<2560x1xf32>
    %get3A_16 = arith.constant 0 : index
    %get3A_17 = arith.constant 0 : index
    %get3A_18 = vector.load %arg2[%get3A_16, %get3A_17] : memref<2560x256xf32, #tpu.memory_space<vmem>>, vector<2560x256xf32>
    %mul3A_19 = vector.broadcast %mul3A_15 : vector<2560x1xf32> to vector<2560x256xf32>
    %mul3A_20 = arith.mulf %mul3A_19, %get3A_18 : vector<2560x256xf32>
    %add3A_21 = arith.addf %mul3A_12, %mul3A_20 : vector<2560x256xf32>
    %get3A_22 = arith.constant 0 : index
    %get3A_23 = arith.constant 0 : index
    %get3A_24 = vector.load %arg4[%get3A_22, %get3A_23] : memref<1x256xf32, #tpu.memory_space<vmem>>, vector<1x256xf32>
    %add3A_25 = vector.broadcast %get3A_24 : vector<1x256xf32> to vector<2560x256xf32>
    %add3A_26 = arith.addf %add3A_21, %add3A_25 : vector<2560x256xf32>
    %max3A = arith.constant 0.000000e+00 : f32
    %max3A_27 = vector.broadcast %max3A : f32 to vector<2560x256xf32>
    %max3A_28 = arith.maximumf %add3A_26, %max3A_27 : vector<2560x256xf32>
    %get3A_29 = arith.constant 0 : index
    %get3A_30 = arith.constant 0 : index
    %get3A_31 = vector.load %arg5[%get3A_29, %get3A_30] : memref<2560x1xf32, #tpu.memory_space<vmem>>, vector<2560x1xf32>
    %mul3A_32 = vector.broadcast %get3A_31 : vector<2560x1xf32> to vector<2560x256xf32>
    %mul3A_33 = arith.mulf %max3A_28, %mul3A_32 : vector<2560x256xf32>
    %swap3A = arith.constant 0 : index
    %swap3A_34 = arith.constant 0 : index
    %swap3A_35 = vector.load %arg6[%swap3A, %swap3A_34] : memref<2560x256xf32, #tpu.memory_space<vmem>>, vector<2560x256xf32>
    tpu.vector_store %arg6[%swap3A, %swap3A_34], %mul3A_33 {strides = array<i32>} : memref<2560x256xf32, #tpu.memory_space<vmem>>, vector<2560x256xf32>,
    return
  }
  func.func @transform_0(%arg0: i32) -> (i32, i32, i32) {
    %c0_i32 = arith.constant 0 : i32
    %c0_i32_0 = arith.constant 0 : i32
    %c0_i32_1 = arith.constant 0 : i32
    return %c0_i32, %arg0, %c0_i32_0 : i32, i32, i32
  }
  func.func @transform_1(%arg0: i32) -> (i32, i32) {
    %c0_i32 = arith.constant 0 : i32
    %c0_i32_0 = arith.constant 0 : i32
    return %arg0, %c0_i32 : i32, i32
  }
  func.func @transform_2(%arg0: i32) -> (i32, i32) {
    %c0_i32 = arith.constant 0 : i32
    %c0_i32_0 = arith.constant 0 : i32
    return %arg0, %c0_i32 : i32, i32
  }
  func.func @transform_3(%arg0: i32) -> (i32, i32) {
    %c0_i32 = arith.constant 0 : i32
    %c0_i32_0 = arith.constant 0 : i32
    %c0_i32_1 = arith.constant 0 : i32
    return %c0_i32, %c0_i32_0 : i32, i32
  }
  func.func @transform_4(%arg0: i32) -> (i32, i32) {
    %c0_i32 = arith.constant 0 : i32
    %c0_i32_0 = arith.constant 0 : i32
    return %arg0, %c0_i32 : i32, i32
  }
  func.func @transform_5(%arg0: i32) -> (i32, i32) {
    %c0_i32 = arith.constant 0 : i32
    %c0_i32_0 = arith.constant 0 : i32
    return %arg0, %c0_i32 : i32, i32
  }
}

module attributes {stable_mosaic.version = 14 : i64} {
  func.func @_prep_body(%arg0: i32, %arg1: memref<2560x384xf32, #tpu.memory_space<vmem>>, %arg2: memref<384x128xf32, #tpu.memory_space<vmem>>, %arg3: memref<2x2560x16xf32, #tpu.memory_space<vmem>>, %arg4: memref<2560x1xf32, #tpu.memory_space<vmem>>, %arg5: memref<2560x1xf32, #tpu.memory_space<vmem>>, %arg6: memref<2560x128xf32, #tpu.memory_space<vmem>>, %arg7: memref<2560x1xf32, #tpu.memory_space<vmem>>) attributes {dimension_semantics = [#tpu.dimension_semantics<arbitrary>], iteration_bounds = array<i64: 4>, scalar_prefetch = 0 : i64, scratch_operands = 0 : i64, tpu.core_type = #tpu.core_type<tc>, window_params = [{transform_indices = @transform_0, window_bounds = array<i64: 2560, 384>}, {pipeline_mode = #tpu.pipeline_mode<synchronous>, transform_indices = @transform_1, window_bounds = array<i64: 384, 128>}, {transform_indices = @transform_2, window_bounds = array<i64: 2, 2560, 16>}, {transform_indices = @transform_3, window_bounds = array<i64: 2560, 1>}, {transform_indices = @transform_4, window_bounds = array<i64: 2560, 1>}, {transform_indices = @transform_5, window_bounds = array<i64: 2560, 128>}, {transform_indices = @transform_6, window_bounds = array<i64: 2560, 1>}]} {
    %get3A = arith.constant 0 : index
    %get3A_0 = arith.constant 0 : index
    %get3A_1 = arith.constant 0 : index
    %get3A_2 = vector.load %arg3[%get3A, %get3A_0, %get3A_1] : memref<2x2560x16xf32, #tpu.memory_space<vmem>>, vector<1x2560x1xf32>
    %get3A_3 = vector.shape_cast %get3A_2 : vector<1x2560x1xf32> to vector<2560x1xf32>
    %get3A_4 = arith.constant 1 : index
    %get3A_5 = arith.constant 0 : index
    %get3A_6 = arith.constant 0 : index
    %get3A_7 = vector.load %arg3[%get3A_4, %get3A_5, %get3A_6] : memref<2x2560x16xf32, #tpu.memory_space<vmem>>, vector<1x2560x1xf32>
    %get3A_8 = vector.shape_cast %get3A_7 : vector<1x2560x1xf32> to vector<2560x1xf32>
    %add3A = arith.addf %get3A_3, %get3A_8 : vector<2560x1xf32>
    %add3A_9 = arith.constant 2.000000e+00 : f32
    %add3A_10 = vector.broadcast %add3A_9 : f32 to vector<2560x1xf32>
    %add3A_11 = arith.addf %add3A, %add3A_10 : vector<2560x1xf32>
    %rsqrt3A = math.rsqrt %add3A_11 : vector<2560x1xf32>
    %get3A_12 = arith.constant 0 : index
    %get3A_13 = arith.constant 0 : index
    %get3A_14 = vector.load %arg1[%get3A_12, %get3A_13] : memref<2560x384xf32, #tpu.memory_space<vmem>>, vector<2560x384xf32>
    %get3A_15 = arith.constant 0 : index
    %get3A_16 = arith.constant 0 : index
    %get3A_17 = vector.load %arg4[%get3A_15, %get3A_16] : memref<2560x1xf32, #tpu.memory_space<vmem>>, vector<2560x1xf32>
    %mul3A = vector.broadcast %get3A_17 : vector<2560x1xf32> to vector<2560x384xf32>
    %mul3A_18 = arith.mulf %get3A_14, %mul3A : vector<2560x384xf32>
    %get3A_19 = arith.constant 0 : index
    %get3A_20 = arith.constant 0 : index
    %get3A_21 = vector.load %arg2[%get3A_19, %get3A_20] : memref<384x128xf32, #tpu.memory_space<vmem>>, vector<384x128xf32>
    %dot_general3A = arith.constant dense<0.000000e+00> : vector<2560x128xf32>
    %dot_general3A_22 = tpu.matmul %mul3A_18, %get3A_21, %dot_general3A {dimension_numbers = #tpu.dot_dimension_numbers<[1], [0], [0], [1], [0, 0, 1, 1], [], []>, transpose_lhs_hint = false} : vector<2560x384xf32>, vector<384x128xf32>, vector<2560x128xf32> -> vector<2560x128xf32>
    %mul3A_23 = vector.broadcast %rsqrt3A : vector<2560x1xf32> to vector<2560x128xf32>
    %mul3A_24 = arith.mulf %dot_general3A_22, %mul3A_23 : vector<2560x128xf32>
    %get3A_25 = arith.constant 0 : index
    %get3A_26 = arith.constant 0 : index
    %get3A_27 = vector.load %arg5[%get3A_25, %get3A_26] : memref<2560x1xf32, #tpu.memory_space<vmem>>, vector<2560x1xf32>
    %mul3A_28 = vector.broadcast %get3A_27 : vector<2560x1xf32> to vector<2560x128xf32>
    %mul3A_29 = arith.mulf %mul3A_24, %mul3A_28 : vector<2560x128xf32>
    %swap3A = arith.constant 0 : index
    %swap3A_30 = arith.constant 0 : index
    %swap3A_31 = vector.load %arg6[%swap3A, %swap3A_30] : memref<2560x128xf32, #tpu.memory_space<vmem>>, vector<2560x128xf32>
    tpu.vector_store %arg6[%swap3A, %swap3A_30], %mul3A_29 {strides = array<i32>} : memref<2560x128xf32, #tpu.memory_space<vmem>>, vector<2560x128xf32>,
    %swap3A_32 = arith.constant 0 : index
    %swap3A_33 = arith.constant 0 : index
    %swap3A_34 = vector.load %arg7[%swap3A_32, %swap3A_33] : memref<2560x1xf32, #tpu.memory_space<vmem>>, vector<2560x1xf32>
    tpu.vector_store %arg7[%swap3A_32, %swap3A_33], %rsqrt3A {strides = array<i32>} : memref<2560x1xf32, #tpu.memory_space<vmem>>, vector<2560x1xf32>,
    return
  }
  func.func @transform_0(%arg0: i32) -> (i32, i32) {
    %c0_i32 = arith.constant 0 : i32
    %c0_i32_0 = arith.constant 0 : i32
    return %arg0, %c0_i32 : i32, i32
  }
  func.func @transform_1(%arg0: i32) -> (i32, i32) {
    %c0_i32 = arith.constant 0 : i32
    %c0_i32_0 = arith.constant 0 : i32
    %c0_i32_1 = arith.constant 0 : i32
    return %c0_i32, %c0_i32_0 : i32, i32
  }
  func.func @transform_2(%arg0: i32) -> (i32, i32, i32) {
    %c0_i32 = arith.constant 0 : i32
    %c0_i32_0 = arith.constant 0 : i32
    %c0_i32_1 = arith.constant 0 : i32
    return %c0_i32, %arg0, %c0_i32_0 : i32, i32, i32
  }
  func.func @transform_3(%arg0: i32) -> (i32, i32) {
    %c0_i32 = arith.constant 0 : i32
    %c0_i32_0 = arith.constant 0 : i32
    return %arg0, %c0_i32 : i32, i32
  }
  func.func @transform_4(%arg0: i32) -> (i32, i32) {
    %c0_i32 = arith.constant 0 : i32
    %c0_i32_0 = arith.constant 0 : i32
    return %arg0, %c0_i32 : i32, i32
  }
  func.func @transform_5(%arg0: i32) -> (i32, i32) {
    %c0_i32 = arith.constant 0 : i32
    %c0_i32_0 = arith.constant 0 : i32
    return %arg0, %c0_i32 : i32, i32
  }
  func.func @transform_6(%arg0: i32) -> (i32, i32) {
    %c0_i32 = arith.constant 0 : i32
    %c0_i32_0 = arith.constant 0 : i32
    return %arg0, %c0_i32 : i32, i32
  }
}

module attributes {stable_mosaic.version = 14 : i64} {
  func.func @_prep_body(%arg0: i32, %arg1: memref<2560x192xf32, #tpu.memory_space<vmem>>, %arg2: memref<192x64xf32, #tpu.memory_space<vmem>>, %arg3: memref<2x2560x16xf32, #tpu.memory_space<vmem>>, %arg4: memref<2560x1xf32, #tpu.memory_space<vmem>>, %arg5: memref<2560x1xf32, #tpu.memory_space<vmem>>, %arg6: memref<2560x64xf32, #tpu.memory_space<vmem>>, %arg7: memref<2560x1xf32, #tpu.memory_space<vmem>>) attributes {dimension_semantics = [#tpu.dimension_semantics<arbitrary>], iteration_bounds = array<i64: 4>, scalar_prefetch = 0 : i64, scratch_operands = 0 : i64, tpu.core_type = #tpu.core_type<tc>, window_params = [{transform_indices = @transform_0, window_bounds = array<i64: 2560, 192>}, {pipeline_mode = #tpu.pipeline_mode<synchronous>, transform_indices = @transform_1, window_bounds = array<i64: 192, 64>}, {transform_indices = @transform_2, window_bounds = array<i64: 2, 2560, 16>}, {transform_indices = @transform_3, window_bounds = array<i64: 2560, 1>}, {transform_indices = @transform_4, window_bounds = array<i64: 2560, 1>}, {transform_indices = @transform_5, window_bounds = array<i64: 2560, 64>}, {transform_indices = @transform_6, window_bounds = array<i64: 2560, 1>}]} {
    %get3A = arith.constant 0 : index
    %get3A_0 = arith.constant 0 : index
    %get3A_1 = arith.constant 0 : index
    %get3A_2 = vector.load %arg3[%get3A, %get3A_0, %get3A_1] : memref<2x2560x16xf32, #tpu.memory_space<vmem>>, vector<1x2560x1xf32>
    %get3A_3 = vector.shape_cast %get3A_2 : vector<1x2560x1xf32> to vector<2560x1xf32>
    %get3A_4 = arith.constant 1 : index
    %get3A_5 = arith.constant 0 : index
    %get3A_6 = arith.constant 0 : index
    %get3A_7 = vector.load %arg3[%get3A_4, %get3A_5, %get3A_6] : memref<2x2560x16xf32, #tpu.memory_space<vmem>>, vector<1x2560x1xf32>
    %get3A_8 = vector.shape_cast %get3A_7 : vector<1x2560x1xf32> to vector<2560x1xf32>
    %add3A = arith.addf %get3A_3, %get3A_8 : vector<2560x1xf32>
    %add3A_9 = arith.constant 2.000000e+00 : f32
    %add3A_10 = vector.broadcast %add3A_9 : f32 to vector<2560x1xf32>
    %add3A_11 = arith.addf %add3A, %add3A_10 : vector<2560x1xf32>
    %rsqrt3A = math.rsqrt %add3A_11 : vector<2560x1xf32>
    %get3A_12 = arith.constant 0 : index
    %get3A_13 = arith.constant 0 : index
    %get3A_14 = vector.load %arg1[%get3A_12, %get3A_13] : memref<2560x192xf32, #tpu.memory_space<vmem>>, vector<2560x192xf32>
    %get3A_15 = arith.constant 0 : index
    %get3A_16 = arith.constant 0 : index
    %get3A_17 = vector.load %arg4[%get3A_15, %get3A_16] : memref<2560x1xf32, #tpu.memory_space<vmem>>, vector<2560x1xf32>
    %mul3A = vector.broadcast %get3A_17 : vector<2560x1xf32> to vector<2560x192xf32>
    %mul3A_18 = arith.mulf %get3A_14, %mul3A : vector<2560x192xf32>
    %get3A_19 = arith.constant 0 : index
    %get3A_20 = arith.constant 0 : index
    %get3A_21 = vector.load %arg2[%get3A_19, %get3A_20] : memref<192x64xf32, #tpu.memory_space<vmem>>, vector<192x64xf32>
    %dot_general3A = arith.constant dense<0.000000e+00> : vector<2560x64xf32>
    %dot_general3A_22 = tpu.matmul %mul3A_18, %get3A_21, %dot_general3A {dimension_numbers = #tpu.dot_dimension_numbers<[1], [0], [0], [1], [0, 0, 1, 1], [], []>, transpose_lhs_hint = false} : vector<2560x192xf32>, vector<192x64xf32>, vector<2560x64xf32> -> vector<2560x64xf32>
    %mul3A_23 = vector.broadcast %rsqrt3A : vector<2560x1xf32> to vector<2560x64xf32>
    %mul3A_24 = arith.mulf %dot_general3A_22, %mul3A_23 : vector<2560x64xf32>
    %get3A_25 = arith.constant 0 : index
    %get3A_26 = arith.constant 0 : index
    %get3A_27 = vector.load %arg5[%get3A_25, %get3A_26] : memref<2560x1xf32, #tpu.memory_space<vmem>>, vector<2560x1xf32>
    %mul3A_28 = vector.broadcast %get3A_27 : vector<2560x1xf32> to vector<2560x64xf32>
    %mul3A_29 = arith.mulf %mul3A_24, %mul3A_28 : vector<2560x64xf32>
    %swap3A = arith.constant 0 : index
    %swap3A_30 = arith.constant 0 : index
    %swap3A_31 = vector.load %arg6[%swap3A, %swap3A_30] : memref<2560x64xf32, #tpu.memory_space<vmem>>, vector<2560x64xf32>
    tpu.vector_store %arg6[%swap3A, %swap3A_30], %mul3A_29 {strides = array<i32>} : memref<2560x64xf32, #tpu.memory_space<vmem>>, vector<2560x64xf32>,
    %swap3A_32 = arith.constant 0 : index
    %swap3A_33 = arith.constant 0 : index
    %swap3A_34 = vector.load %arg7[%swap3A_32, %swap3A_33] : memref<2560x1xf32, #tpu.memory_space<vmem>>, vector<2560x1xf32>
    tpu.vector_store %arg7[%swap3A_32, %swap3A_33], %rsqrt3A {strides = array<i32>} : memref<2560x1xf32, #tpu.memory_space<vmem>>, vector<2560x1xf32>,
    return
  }
  func.func @transform_0(%arg0: i32) -> (i32, i32) {
    %c0_i32 = arith.constant 0 : i32
    %c0_i32_0 = arith.constant 0 : i32
    return %arg0, %c0_i32 : i32, i32
  }
  func.func @transform_1(%arg0: i32) -> (i32, i32) {
    %c0_i32 = arith.constant 0 : i32
    %c0_i32_0 = arith.constant 0 : i32
    %c0_i32_1 = arith.constant 0 : i32
    return %c0_i32, %c0_i32_0 : i32, i32
  }
  func.func @transform_2(%arg0: i32) -> (i32, i32, i32) {
    %c0_i32 = arith.constant 0 : i32
    %c0_i32_0 = arith.constant 0 : i32
    %c0_i32_1 = arith.constant 0 : i32
    return %c0_i32, %arg0, %c0_i32_0 : i32, i32, i32
  }
  func.func @transform_3(%arg0: i32) -> (i32, i32) {
    %c0_i32 = arith.constant 0 : i32
    %c0_i32_0 = arith.constant 0 : i32
    return %arg0, %c0_i32 : i32, i32
  }
  func.func @transform_4(%arg0: i32) -> (i32, i32) {
    %c0_i32 = arith.constant 0 : i32
    %c0_i32_0 = arith.constant 0 : i32
    return %arg0, %c0_i32 : i32, i32
  }
  func.func @transform_5(%arg0: i32) -> (i32, i32) {
    %c0_i32 = arith.constant 0 : i32
    %c0_i32_0 = arith.constant 0 : i32
    return %arg0, %c0_i32 : i32, i32
  }
  func.func @transform_6(%arg0: i32) -> (i32, i32) {
    %c0_i32 = arith.constant 0 : i32
    %c0_i32_0 = arith.constant 0 : i32
    return %arg0, %c0_i32 : i32, i32
  }
}

module attributes {stable_mosaic.version = 14 : i64} {
  func.func @_logsoftmax_body(%arg0: i32, %arg1: memref<2x2560x64xf32, #tpu.memory_space<vmem>>, %arg2: memref<2560x64xf32, #tpu.memory_space<vmem>>, %arg3: memref<2560x1xf32, #tpu.memory_space<vmem>>, %arg4: memref<1x64xf32, #tpu.memory_space<vmem>>, %arg5: memref<1x64xf32, #tpu.memory_space<vmem>>, %arg6: memref<2560x64xf32, #tpu.memory_space<vmem>>) attributes {dimension_semantics = [#tpu.dimension_semantics<arbitrary>], iteration_bounds = array<i64: 4>, scalar_prefetch = 0 : i64, scratch_operands = 0 : i64, tpu.core_type = #tpu.core_type<tc>, window_params = [{transform_indices = @transform_0, window_bounds = array<i64: 2, 2560, 64>}, {transform_indices = @transform_1, window_bounds = array<i64: 2560, 64>}, {transform_indices = @transform_2, window_bounds = array<i64: 2560, 1>}, {pipeline_mode = #tpu.pipeline_mode<synchronous>, transform_indices = @transform_3, window_bounds = array<i64: 1, 64>}, {pipeline_mode = #tpu.pipeline_mode<synchronous>, transform_indices = @transform_4, window_bounds = array<i64: 1, 64>}, {transform_indices = @transform_5, window_bounds = array<i64: 2560, 64>}]} {
    %get3A = arith.constant 0 : index
    %get3A_0 = arith.constant 0 : index
    %get3A_1 = arith.constant 0 : index
    %get3A_2 = vector.load %arg1[%get3A, %get3A_0, %get3A_1] : memref<2x2560x64xf32, #tpu.memory_space<vmem>>, vector<1x2560x64xf32>
    %get3A_3 = vector.shape_cast %get3A_2 : vector<1x2560x64xf32> to vector<2560x64xf32>
    %get3A_4 = arith.constant 1 : index
    %get3A_5 = arith.constant 0 : index
    %get3A_6 = arith.constant 0 : index
    %get3A_7 = vector.load %arg1[%get3A_4, %get3A_5, %get3A_6] : memref<2x2560x64xf32, #tpu.memory_space<vmem>>, vector<1x2560x64xf32>
    %get3A_8 = vector.shape_cast %get3A_7 : vector<1x2560x64xf32> to vector<2560x64xf32>
    %add3A = arith.addf %get3A_3, %get3A_8 : vector<2560x64xf32>
    %get3A_9 = arith.constant 0 : index
    %get3A_10 = arith.constant 0 : index
    %get3A_11 = vector.load %arg3[%get3A_9, %get3A_10] : memref<2560x1xf32, #tpu.memory_space<vmem>>, vector<2560x1xf32>
    %mul3A = vector.broadcast %get3A_11 : vector<2560x1xf32> to vector<2560x64xf32>
    %mul3A_12 = arith.mulf %mul3A, %add3A : vector<2560x64xf32>
    %mul3A_13 = arith.constant 2.000000e+00 : f32
    %mul3A_14 = vector.broadcast %mul3A_13 : f32 to vector<2560x1xf32>
    %mul3A_15 = arith.mulf %mul3A_14, %get3A_11 : vector<2560x1xf32>
    %get3A_16 = arith.constant 0 : index
    %get3A_17 = arith.constant 0 : index
    %get3A_18 = vector.load %arg2[%get3A_16, %get3A_17] : memref<2560x64xf32, #tpu.memory_space<vmem>>, vector<2560x64xf32>
    %mul3A_19 = vector.broadcast %mul3A_15 : vector<2560x1xf32> to vector<2560x64xf32>
    %mul3A_20 = arith.mulf %mul3A_19, %get3A_18 : vector<2560x64xf32>
    %add3A_21 = arith.addf %mul3A_12, %mul3A_20 : vector<2560x64xf32>
    %get3A_22 = arith.constant 0 : index
    %get3A_23 = arith.constant 0 : index
    %get3A_24 = vector.load %arg4[%get3A_22, %get3A_23] : memref<1x64xf32, #tpu.memory_space<vmem>>, vector<1x64xf32>
    %add3A_25 = vector.broadcast %get3A_24 : vector<1x64xf32> to vector<2560x64xf32>
    %add3A_26 = arith.addf %add3A_21, %add3A_25 : vector<2560x64xf32>
    %get3A_27 = arith.constant 0 : index
    %get3A_28 = arith.constant 0 : index
    %get3A_29 = vector.load %arg5[%get3A_27, %get3A_28] : memref<1x64xf32, #tpu.memory_space<vmem>>, vector<1x64xf32>
    %gt3A = arith.constant 0.000000e+00 : f32
    %gt3A_30 = vector.broadcast %gt3A : f32 to vector<1x64xf32>
    %gt3A_31 = arith.cmpf ogt, %get3A_29, %gt3A_30 : vector<1x64xf32>
    %jit3A = arith.constant -1.000000e+30 : f32
    %broadcast_in_dim3A = vector.shape_cast %gt3A_31 : vector<1x64xi1> to vector<1x64xi1>
    %broadcast_in_dim3A_32 = vector.broadcast %broadcast_in_dim3A : vector<1x64xi1> to vector<2560x64xi1>
    %broadcast_in_dim3A_33 = vector.broadcast %jit3A : f32 to vector<2560x64xf32>
    %select_n3A = arith.select %broadcast_in_dim3A_32, %add3A_26, %broadcast_in_dim3A_33 : vector<2560x64xi1>, vector<2560x64xf32>
    %reduce_max3A = arith.constant dense<0xFF800000> : vector<2560xf32>
    %reduce_max3A_34 = vector.multi_reduction <maximumf>, %select_n3A, %reduce_max3A [1] : vector<2560x64xf32> to vector<2560xf32>
    %broadcast_in_dim3A_35 = vector.shape_cast %reduce_max3A_34 : vector<2560xf32> to vector<2560x1xf32>
    %gt3A_36 = arith.constant 0.000000e+00 : f32
    %gt3A_37 = vector.broadcast %gt3A_36 : f32 to vector<1x64xf32>
    %gt3A_38 = arith.cmpf ogt, %get3A_29, %gt3A_37 : vector<1x64xf32>
    %sub3A = vector.broadcast %broadcast_in_dim3A_35 : vector<2560x1xf32> to vector<2560x64xf32>
    %sub3A_39 = arith.subf %select_n3A, %sub3A : vector<2560x64xf32>
    %exp3A = math.exp %sub3A_39 : vector<2560x64xf32>
    %jit3A_40 = arith.constant 0.000000e+00 : f32
    %broadcast_in_dim3A_41 = vector.shape_cast %gt3A_38 : vector<1x64xi1> to vector<1x64xi1>
    %broadcast_in_dim3A_42 = vector.broadcast %broadcast_in_dim3A_41 : vector<1x64xi1> to vector<2560x64xi1>
    %broadcast_in_dim3A_43 = vector.broadcast %jit3A_40 : f32 to vector<2560x64xf32>
    %select_n3A_44 = arith.select %broadcast_in_dim3A_42, %exp3A, %broadcast_in_dim3A_43 : vector<2560x64xi1>, vector<2560x64xf32>
    %reduce_sum3A = arith.constant dense<0.000000e+00> : vector<2560xf32>
    %reduce_sum3A_45 = vector.multi_reduction <add>, %select_n3A_44, %reduce_sum3A [1] : vector<2560x64xf32> to vector<2560xf32>
    %broadcast_in_dim3A_46 = vector.shape_cast %reduce_sum3A_45 : vector<2560xf32> to vector<2560x1xf32>
    %sub3A_47 = vector.broadcast %broadcast_in_dim3A_35 : vector<2560x1xf32> to vector<2560x64xf32>
    %sub3A_48 = arith.subf %select_n3A, %sub3A_47 : vector<2560x64xf32>
    %log3A = math.log %broadcast_in_dim3A_46 : vector<2560x1xf32>
    %sub3A_49 = vector.broadcast %log3A : vector<2560x1xf32> to vector<2560x64xf32>
    %sub3A_50 = arith.subf %sub3A_48, %sub3A_49 : vector<2560x64xf32>
    %swap3A = arith.constant 0 : index
    %swap3A_51 = arith.constant 0 : index
    %swap3A_52 = vector.load %arg6[%swap3A, %swap3A_51] : memref<2560x64xf32, #tpu.memory_space<vmem>>, vector<2560x64xf32>
    tpu.vector_store %arg6[%swap3A, %swap3A_51], %sub3A_50 {strides = array<i32>} : memref<2560x64xf32, #tpu.memory_space<vmem>>, vector<2560x64xf32>,
    return
  }
  func.func @transform_0(%arg0: i32) -> (i32, i32, i32) {
    %c0_i32 = arith.constant 0 : i32
    %c0_i32_0 = arith.constant 0 : i32
    %c0_i32_1 = arith.constant 0 : i32
    return %c0_i32, %arg0, %c0_i32_0 : i32, i32, i32
  }
  func.func @transform_1(%arg0: i32) -> (i32, i32) {
    %c0_i32 = arith.constant 0 : i32
    %c0_i32_0 = arith.constant 0 : i32
    return %arg0, %c0_i32 : i32, i32
  }
  func.func @transform_2(%arg0: i32) -> (i32, i32) {
    %c0_i32 = arith.constant 0 : i32
    %c0_i32_0 = arith.constant 0 : i32
    return %arg0, %c0_i32 : i32, i32
  }
  func.func @transform_3(%arg0: i32) -> (i32, i32) {
    %c0_i32 = arith.constant 0 : i32
    %c0_i32_0 = arith.constant 0 : i32
    %c0_i32_1 = arith.constant 0 : i32
    return %c0_i32, %c0_i32_0 : i32, i32
  }
  func.func @transform_4(%arg0: i32) -> (i32, i32) {
    %c0_i32 = arith.constant 0 : i32
    %c0_i32_0 = arith.constant 0 : i32
    %c0_i32_1 = arith.constant 0 : i32
    return %c0_i32, %c0_i32_0 : i32, i32
  }
  func.func @transform_5(%arg0: i32) -> (i32, i32) {
    %c0_i32 = arith.constant 0 : i32
    %c0_i32_0 = arith.constant 0 : i32
    return %arg0, %c0_i32 : i32, i32
  }
}

</mosaic_0001>

<sc_bundles>
// kernel: kernel.23.cloned.1.call-start
scs
__scs_entry_jumppad:
0x0: {  	(pc) =	sbr.rel $0x88, $3  }
0x1: {  	(tag) =	ssettag $0x0;
	lr =	simm.s32 $0x1  }
0x2: {  	[smem:$0x3F92] =	sst lr;
	_ =	strace $0xD0000000  }
0x3: {  	_ = 	snop  }
0x4: {  	_ = 	snop  }
0x5: {  	_ = 	snop  }
0x6: {  	_ = 	snop  }
0x7: {  	_ = 	snop  }
__scs_overlays_trampoline_lowered:
0x8: {  	[smem:$0x3FA1] =	sst s0  }
0x9: {  	[smem:$0x3FA2] =	sst s1  }
0xa: {  	[smem:$0x3FA3] =	sst s2  }
0xb: {  	[smem:$0x3FA4] =	sst s3  }
0xc: {  	[smem:$0x3FA5] =	sst s4  }
0xd: {  	[smem:$0x3FA6] =	sst s5  }
0xe: {  	[smem:$0x3FA7] =	sst s6  }
0xf: {  	[smem:$0x3FA8] =	sst s7  }
0x10: {  	[smem:$0x3FA9] =	sst s8  }
0x11: {  	[smem:$0x3FAA] =	sst s9;
	s0 =	simm.s32 @!p0 $0x0  }
0x12: {  	s1 =	sld [smem:$0x3F90];
	s0 =	simm.s32 @p0 $0x1  }
0x13: {  	[smem:$0x3FAB] =	sst s0;
	s0 =	simm.s32 @!p1 $0x0  }
0x14: {  	s2 =	sld [smem:$0x3F8F];
	s0 =	simm.s32 @p1 $0x1  }
0x15: {  	[smem:$0x3FAC] =	sst s0;
	s0 =	simm.s32 @!p2 $0x0  }
0x16: {  	s3 =	sld [smem:$0x3FDB];
	s0 =	simm.s32 @p2 $0x1  }
0x17: {  	s4 =	simm.s32 $0x1BF5;
	[smem:$0x3FAE] =	sst s0  }
0x18: {  	s0 =	sld [smem:$0x3F91];
	_ =	swait.ge [sflag:s4], $0x0  }
0x19: {  	s7 =	sld [smem:$0x3F92]  }
0x1a: {  	s8 =	sadd.s32 $0xFFFFE003, lr  }
0x1b: {  	s9 =	sadd.s32 $0xFFFFFEF7, lr;
	s5 =	simm.s32 $0xFFFFFFFF;
	p2 =	slt.u32 s8, $0xFFFFF086  }
0x1c: {  	p1 =	slt.u32 s9, $0xF7A;
	s5 =	simm.s32 @!p2 $0x0  }
0x1d: {  	s5 =	simm.s32 @p1 $0x1;
	p0 =	seq.s32 s7, s2  }
0x1e: {  	s7 =	smul.u32 @!p0 $0xF7A, s2;
	p2 =	seq.s32 @!p0 s5, $0x0  }
0x1f: {  	s9 =	smul.u32 $0xF7A, s1;
	s8 =	simm.s32 @!p0 $0x1BF5;
	p2 =	por !p2, p0  }
0x20: {  	[sflag:s8] =	ssyncset.s32 @!p0 $0xFFFFF086;
	s6 =	sadd.s32 @!p0 s3, s7;
	s7 =	simm.s32 @!p0 $0x108  }
0x21: {  	s3 =	sadd.s32 s3, s9;
	s6 =	sadd.s32 @!p0 $0x88, s6;
	s7 =	simm.s32 @p2 $0x1082  }
0x22: {  	[simem:s7], [sflag:s8] =	dma.local @!p0 [hbm:s6], $0xF7A  }
0x23: {  	s9 =	sor.u32 $0xD0000000, s2;
	s6 =	simm.s32 $0x108;
	_ =	swait.ge @!p0 [sflag:s8], $0x0  }
0x24: {  	s3 =	sadd.s32 $0x88, s3;
	s6 =	simm.s32 @!p1 $0x1082;
	[sflag:s4] =	ssyncset.s32 $0xFFFFF086  }
0x25: {  	[simem:s6], [sflag:s4] =	dma.local [hbm:s3], $0xF7A  }
0x26: {  	[smem:$0x3F92] =	sst s1;
	(tag) =	ssettag s2;
	_ =	strace s9  }
0x27: {  	s1 =	sld [smem:$0x3FA2]  }
0x28: {  	s2 =	sld [smem:$0x3FA3]  }
0x29: {  	s4 =	sld [smem:$0x3FA5]  }
0x2a: {  	p0 =	seq.s32 s5, $0x0;
	s5 =	sld [smem:$0x3FA6]  }
0x2b: {  	s6 =	sld [smem:$0x3FA7]  }
0x2c: {  	s7 =	sld [smem:$0x3FA8]  }
0x2d: {  	s3 =	simm.s32 $0x108;
	s8 =	sld [smem:$0x3FA9]  }
0x2e: {  	s3 =	simm.s32 @!p0 $0x1082;
	s9 =	sld [smem:$0x3FAA]  }
0x2f: {  	lr =	sadd.s32 s0, s3;
	s0 =	sld [smem:$0x3FA1]  }
0x30: {  	s3 =	sld [smem:$0x3FA4]  }
0x31: {  	[smem:$0x3FAD] =	sst s10  }
0x32: {  	s10 =	sld [smem:$0x3FAB];
	_ =	sdelay $0x3  }
0x33: {  	p0 =	seq.s32 s10, $0x1;
	s10 =	sld [smem:$0x3FAD];
	_ =	sdelay $0x3  }
0x34: {  	[smem:$0x3FAD] =	sst s10  }
0x35: {  	s10 =	sld [smem:$0x3FAC];
	_ =	sdelay $0x3  }
0x36: {  	p1 =	seq.s32 s10, $0x1;
	s10 =	sld [smem:$0x3FAD];
	_ =	sdelay $0x3  }
0x37: {  	[smem:$0x3FAD] =	sst s10  }
0x38: {  	s10 =	sld [smem:$0x3FAE]  }
0x39: {  	_ = 	snop;
	(pc) =	sbr.ind lr, $3  }
0x3a: {  	_ = 	snop  }
0x3b: {  	_ = 	snop  }
0x3c: {  	p2 =	seq.s32 s10, $0x1;
	s10 =	sld [smem:$0x3FAD]  }
0x3d: {  	_ =	shalt  }
0x3e: {  	_ =	shalt  }
0x3f: {  	_ =	shalt  }
0x40: {  	_ =	shalt  }
0x41: {  	_ =	shalt  }
0x42: {  	_ =	shalt  }
0x43: {  	_ =	shalt  }
0x44: {  	_ =	shalt  }
0x45: {  	_ =	shalt  }
0x46: {  	_ =	shalt  }
0x47: {  	_ =	shalt  }
0x48: {  	_ =	shalt  }
0x49: {  	_ =	shalt  }
0x4a: {  	_ =	shalt  }
0x4b: {  	_ =	shalt  }
0x4c: {  	_ =	shalt  }
0x4d: {  	_ =	shalt  }
0x4e: {  	_ =	shalt  }
0x4f: {  	_ =	shalt  }
0x50: {  	_ =	shalt  }
0x51: {  	_ =	shalt  }
0x52: {  	_ =	shalt  }
0x53: {  	_ =	shalt  }
0x54: {  	_ =	shalt  }
0x55: {  	_ =	shalt  }
0x56: {  	_ =	shalt  }
0x57: {  	_ =	shalt  }
0x58: {  	_ =	shalt  }
0x59: {  	_ =	shalt  }
0x5a: {  	_ =	shalt  }
0x5b: {  	_ =	shalt  }
0x5c: {  	_ =	shalt  }
0x5d: {  	_ =	shalt  }
0x5e: {  	_ =	shalt  }
0x5f: {  	_ =	shalt  }
0x60: {  	_ =	shalt  }
0x61: {  	_ =	shalt  }
0x62: {  	_ =	shalt  }
0x63: {  	_ =	shalt  }
0x64: {  	_ =	shalt  }
0x65: {  	_ =	shalt  }
0x66: {  	_ =	shalt  }
0x67: {  	_ =	shalt  }
0x68: {  	_ =	shalt  }
0x69: {  	_ =	shalt  }
0x6a: {  	_ =	shalt  }
0x6b: {  	_ =	shalt  }
0x6c: {  	_ =	shalt  }
0x6d: {  	_ =	shalt  }
0x6e: {  	_ =	shalt  }
0x6f: {  	_ =	shalt  }
0x70: {  	_ =	shalt  }
0x71: {  	_ =	shalt  }
0x72: {  	_ =	shalt  }
0x73: {  	_ =	shalt  }
0x74: {  	_ =	shalt  }
0x75: {  	_ =	shalt  }
0x76: {  	_ =	shalt  }
0x77: {  	_ =	shalt  }
0x78: {  	_ =	shalt  }
0x79: {  	_ =	shalt  }
0x7a: {  	_ =	shalt  }
0x7b: {  	_ =	shalt  }
0x7c: {  	_ =	shalt  }
0x7d: {  	_ =	shalt  }
0x7e: {  	_ =	shalt  }
0x7f: {  	_ =	shalt  }
0x80: {  	_ =	shalt  }
0x81: {  	_ =	shalt  }
0x82: {  	_ =	shalt  }
0x83: {  	_ =	shalt  }
0x84: {  	_ =	shalt  }
0x85: {  	_ =	shalt  }
0x86: {  	_ =	shalt  }
0x87: {  	_ =	shalt  }
.Lfunc_end0:
.L_simem_size_0:
called_computation_lowered:
.L_overlay_start_0:
0x88: {  	s2 =	sld [smem:$0x3FD9]  }
0x89: {  	s3 =	sld [smem:$0x3FFE];
	_ =	sdelay $0x1  }
0x8a: {  	s1 =	srdreg.scid  }
0x8b: {  	s0 =	sand.u32 $0x1, s1  }
0x8c: {  	s17 =	sshll.u32 s0, $0xA;
	s2 =	sadd.s32 s3, s2  }
0x8d: {  	s2 =	sadd.s32 s2, s17  }
0x8e: {  	[smem:$0x3FB9] =	sst s2  }
0x8f: {  	_ = 	snop  }
0x90: {  	s2 =	sld [smem:$0x3FD0];
	(tm) =	ssettm $0x1  }
0x91: {  	s18 =	sld [smem:$0x3FFB];
	_ =	sdelay $0x3  }
0x92: {  	_ =	strace s18  }
0x93: {  	s3 =	sld [smem:$0x3FFC];
	_ =	sdelay $0x3  }
0x94: {  	_ =	strace s3  }
0x95: {  	s3 =	sld [smem:$0x3FFD];
	_ =	sdelay $0x3  }
0x96: {  	_ =	strace s3  }
0x97: {  	_ =	strace $0x8FFFFFFF  }
0x98: {  	s19 =	sld [smem:$0x3FDB];
	_ =	sdelay $0x1  }
0x99: {  	s4 =	simm.s32 $_scs_section_size  }
0x9a: {  	s5 =	simm.s32 $_size__tile_overlayer_lowered;
	s6 =	simm.s32 $_tile_overlayer_lowered  }
0x9b: {  	s22 =	simm.s32 $0x1BFF;
	s21 =	sshll.u32 s6, $0x1;
	s3 =	sadd.s32 s4, s19  }
0x9c: {  	s7 =	simm.s32 $0x0;
	s20 =	sshll.u32 s5, $0x1;
	s5 =	sadd.s32 s21, s3  }
0x9d: {  	[timem:s7], [sflag:s22] =	dma.local [hbm:s5], s20  }
0x9e: {  	_ =	swait.ge [sflag:s22], s20  }
0x9f: {  	s4 =	ssub.s32 $0x0, s20;
	[sflag:s22] =	ssyncset.done $0x0  }
0xa0: {  	[sflag:s22] =	ssyncadd.s32 s4;
	_ =	sdelay $0x1  }
0xa1: {  	s23 =	simm.s32 $0x1B8B  }
0xa2: {  	_ =	swait.ge [sflag:s23], $0x1  }
0xa3: {  	[sflag:s23] =	ssyncset.done $0x0  }
0xa4: {  	s25 =	simm.s32 $0x1B8E;
	s24 =	sld [smem:$0x3FFE];
	[sflag:s23] =	ssyncadd.s32 $0xFFFFFFFF  }
0xa5: {  	s26 =	simm.s32 $execute0_lowered;
	[smem:$0x3FD2] =	sst s25  }
0xa6: {  	s5 =	sshll.u32 s26, $0x1;
	_ =	strace $0x80000046;
	[dreg:$0x1] =	wrdreg $0xFFFFFFFF  }
0xa7: {  	s28 =	simm.s32 $_size_execute0_lowered;
	s3 =	sadd.s32 s3, s5;
	[dreg:$0x0] =	wrdreg $0x0  }
0xa8: {  	s5 =	sshll.u32 s28, $0x1;
	[dreg:$0x2] =	wrdreg s3  }
0xa9: {  	[dreg:$0x3] =	wrdreg s5  }
0xaa: {  	[dreg:$0x4] =	wrdreg $0xC0  }
0xab: {  	_ =	task [dreg:s7], $0x5FFFF  }
0xac: {  	[dreg:$0x1] =	wrdreg $0xFFFFFFFF  }
0xad: {  	[dreg:$0x0] =	wrdreg $0x60  }
0xae: {  	[dreg:$0x2] =	wrdreg s24  }
0xaf: {  	[dreg:$0x3] =	wrdreg s2  }
0xb0: {  	[dreg:$0x4] =	wrdreg $0x48000  }
0xb1: {  	[dreg:$0x5] =	wrdreg $0x9  }
0xb2: {  	_ =	task.clear_ibuf [dreg:s7], $0x6FFFF;
	_ =	strace $0x90000046  }
0xb3: {  	s29 =	simm.s32 $0x9;
	_ =	strace $0x80000048  }
0xb4: {  	_ =	swait.ge [sflag:s29], $0x1  }
0xb5: {  	[sflag:s29] =	ssyncadd.s32 $0xFFFFFFFF  }
0xb6: {  	_ =	strace $0x90000048  }
0xb7: {  	_ =	sfence  }
0xb8: {  	s30 =	sld [smem:$0x0];
	_ =	sdelay $0x2  }
0xb9: {  	s31 =	sshll.u32 s1, $0xD;
	s1 =	sshrl.u32 s1, $0x2  }
0xba: {  	s3 =	sand.u32 $0x4000, s31;
	s1 =	sadd.s32 s1, s30  }
0xbb: {  	s0 =	sor.u32 s3, s0;
	s1 =	sshll.u32 s1, $0x11  }
0xbc: {  	s0 =	sor.u32 s1, s0  }
0xbd: {  	s0 =	sadd.s32 $0x8F2B, s0  }
0xbe: {  	[sflag:s0] =	ssyncadd.remote.s32 $0x1  }
0xbf: {  	_ =	sfence.sel $0xFFFF  }
0xc0: {  	[dreg:$0x0] =	wrdreg $0xFFFFFFFF;
	(pc) =	sbr.abs _section_cstart, $3  }
0xc1: {  	[dreg:$0x1] =	wrdreg $0xFFFFFFFF  }
0xc2: {  	_ =	task.clear_ibuf [dreg:s7], $0x2FFFF;
	_ =	strace $0x9FFFFFFF  }
0xc3: {  	(tm) =	ssettm $0x7FFFFFFF  }
tec
execute0_lowered:
.L_overlay_start_1:
0x0: {  	(tag) =	ssettag $0x1  }
0x1: {  	s0 =	rddreg [dreg:$0x0]  }
0x2: {  	s9 =	rddreg [dreg:$0x1]  }
0x3: {  	s2 =	rddreg [dreg:$0x2];
	s4 =	srdreg.scid  }
0x4: {  	s1 =	stileid.u32;
	s3 =	simm.s32 $0x0;
	s14 =	simm.s32 $0x2800  }
0x5: {  	s15 =	simm.s32 $0x3000;
	s16 =	simm.s32 $0x100;
	s17 =	simm.s32 $0x3800  }
0x6: {  	s18 =	simm.s32 $0x180;
	s19 =	simm.s32 $0x4000;
	s20 =	simm.s32 $0x1  }
0x7: {  	s21 =	simm.s32 $0x2;
	s22 =	simm.s32 $0x3;
	s23 =	simm.s32 $0x4  }
0x8: {  	s28 =	simm.s32 $0x2700;
	s29 =	simm.s32 $0x2780;
	s30 =	simm.s32 $0x0  }
0x9: {  	s5 =	sand.u32 $0x1, s4;
	s24 =	sshll.u32 s1, $0x1;
	[smem:$0x7FF] =	sst s3  }
0xa: {  	s6 =	smul.u32 $0x2800, s1;
	s26 =	sshll.u32 s1, $0x6;
	s4 =	sor.u32 s5, s24  }
0xb: {  	_ =	strace $0x80000047;
	s8 =	ssub.s32 $0x2, s5;
	s12 =	smul.u32 $0x5000, s5  }
0xc: {  	s7 =	smul.u32 $0x280, s4;
	s4 =	sadd.s32 $0x12000, s0;
	s24 =	sshrl.u32 s6, $0x3  }
0xd: {  	s25 =	sshrl.u32 s8, $0x1;
	s13 =	sadd.s32 s6, s2;
	s6 =	sor.u32 $0x1C05, s26  }
0xe: {  	s26 =	simm.s32 $0x2680;
	s11 =	ssub.s32 s8, s25;
	s31 =	sadd.s32 s9, s12  }
0xf: {  	s12 =	simm.s32 $0x1400;
	s25 =	simm.s32 $0x2600;
	s10 =	sadd.s32 s7, s0  }
0x10: {  	s0 =	sadd.s32 s24, s0;
	s9 =	smax.u32 s11, $0x1;
	s11 =	simm.s32 $0x5  }
0x11: {  	s24 =	sadd.s32 s24, s31;
	s5 =	sadd.s32 $0x17000, s0;
	s7 =	sadd.s32 $0xD000, s10  }
0x12: {  	s8 =	sadd.s32 $0x8000, s10;
	s10 =	sshrl.u32 s13, $0x3;
	s13 =	simm.s32 $0x80  }
.LBB2_1:
0x13: {  	[spmem:s10], [sflag:s6] =	dma.local [hbm:s5], $0x500  }
0x14: {  	_ =	swait.ge [sflag:s11], $0x500  }
0x15: {  	[sflag:s11] =	ssyncset.done $0x0  }
0x16: {  	[sflag:s11] =	ssyncadd.s32 $0xFFFFFB00  }
0x17: {  	[bflag:$0x0] =	sbarrier.arrive $0xFFFF  }
0x18: {  	[tilespmem:s3], [sflag:$0x5] =	stream.linear.gather [hbm4b:s7+s3], $0x1400, $0x38;
	[tilespmem:$0x7000] =	vst v63  }
0x19: {  	_ =	swait.ge [sflag:s11], $0x1400  }
0x1a: {  	[sflag:s11] =	ssyncset.done $0x0  }
0x1b: {  	[sflag:s11] =	ssyncadd.s32 $0xFFFFEC00  }
0x1c: {  	[tilespmem:s12], [sflag:$0x5] =	stream.linear.gather [hbm4b:s8+s3], $0x1400, $0x38;
	[tilespmem:$0x7000] =	vst v63  }
0x1d: {  	_ =	swait.ge [sflag:s11], $0x1400  }
0x1e: {  	[sflag:s11] =	ssyncset.done $0x0  }
0x1f: {  	[sflag:s11] =	ssyncadd.s32 $0xFFFFEC00  }
0x20: {  	[tilespmem:s14], [sflag:$0x1] =	stream.indirect.gather [hbm4b:s4+s13], $0x10, s3, s13, $0xb8;
	[tilespmem:$0x7000] =	vst v63  }
0x21: {  	_ = 	snop  }
0x22: {  	[tilespmem:s15], [sflag:$0x2] =	stream.indirect.gather [hbm4b:s4+s13], $0x10, s13, s13, $0xb8;
	[tilespmem:$0x7000] =	vst v63  }
0x23: {  	_ = 	snop  }
0x24: {  	[tilespmem:s17], [sflag:$0x3] =	stream.indirect.gather [hbm4b:s4+s13], $0x10, s16, s13, $0xb8;
	[tilespmem:$0x7000] =	vst v63  }
0x25: {  	_ = 	snop  }
0x26: {  	[tilespmem:s19], [sflag:$0x4] =	stream.indirect.gather [hbm4b:s4+s13], $0x10, s18, s13, $0xb8;
	[tilespmem:$0x7000] =	vst v63  }
0x27: {  	_ =	swait.ge [sflag:s20], $0x800  }
0x28: {  	[sflag:s20] =	ssyncset.done $0x0  }
0x29: {  	s0 =	simm.s32 $0x1400;
	[sflag:s20] =	ssyncadd.s32 $0xFFFFF800  }
0x2a: {  	[spmem:s2] =	stream.indirect.scatter.add.f32 [tilespmem:s14], [sflag:$0x5], $0x10, s0, s13, $0xb8;
	[tilespmem:$0x7000] =	vst v63  }
0x2b: {  	_ =	swait.ge [sflag:s11], $0x800  }
0x2c: {  	[sflag:s11] =	ssyncset.done $0x0  }
0x2d: {  	s1 =	simm.s32 $0x200;
	[sflag:s11] =	ssyncadd.s32 $0xFFFFF800  }
0x2e: {  	[tilespmem:s14], [sflag:$0x1] =	stream.indirect.gather [hbm4b:s4+s13], $0x10, s1, s13, $0xb8;
	[tilespmem:$0x7000] =	vst v63  }
0x2f: {  	_ =	swait.ge [sflag:s21], $0x800  }
0x30: {  	[sflag:s21] =	ssyncset.done $0x0  }
0x31: {  	s1 =	simm.s32 $0x1480;
	[sflag:s21] =	ssyncadd.s32 $0xFFFFF800  }
0x32: {  	[spmem:s2] =	stream.indirect.scatter.add.f32 [tilespmem:s15], [sflag:$0x5], $0x10, s1, s13, $0xb8;
	[tilespmem:$0x7000] =	vst v63  }
0x33: {  	_ =	swait.ge [sflag:s11], $0x800  }
0x34: {  	[sflag:s11] =	ssyncset.done $0x0  }
0x35: {  	s1 =	simm.s32 $0x280;
	[sflag:s11] =	ssyncadd.s32 $0xFFFFF800  }
0x36: {  	[tilespmem:s15], [sflag:$0x2] =	stream.indirect.gather [hbm4b:s4+s13], $0x10, s1, s13, $0xb8;
	[tilespmem:$0x7000] =	vst v63  }
0x37: {  	_ =	swait.ge [sflag:s22], $0x800  }
0x38: {  	[sflag:s22] =	ssyncset.done $0x0  }
0x39: {  	s1 =	simm.s32 $0x1500;
	[sflag:s22] =	ssyncadd.s32 $0xFFFFF800  }
0x3a: {  	[spmem:s2] =	stream.indirect.scatter.add.f32 [tilespmem:s17], [sflag:$0x5], $0x10, s1, s13, $0xb8;
	[tilespmem:$0x7000] =	vst v63  }
0x3b: {  	_ =	swait.ge [sflag:s11], $0x800  }
0x3c: {  	[sflag:s11] =	ssyncset.done $0x0  }
0x3d: {  	s1 =	simm.s32 $0x300;
	[sflag:s11] =	ssyncadd.s32 $0xFFFFF800  }
0x3e: {  	[tilespmem:s17], [sflag:$0x3] =	stream.indirect.gather [hbm4b:s4+s13], $0x10, s1, s13, $0xb8;
	[tilespmem:$0x7000] =	vst v63  }
0x3f: {  	_ =	swait.ge [sflag:s23], $0x800  }
0x40: {  	[sflag:s23] =	ssyncset.done $0x0  }
0x41: {  	s1 =	simm.s32 $0x1580;
	[sflag:s23] =	ssyncadd.s32 $0xFFFFF800  }
0x42: {  	[spmem:s2] =	stream.indirect.scatter.add.f32 [tilespmem:s19], [sflag:$0x5], $0x10, s1, s13, $0xb8;
	[tilespmem:$0x7000] =	vst v63  }
0x43: {  	_ =	swait.ge [sflag:s11], $0x800  }
0x44: {  	[sflag:s11] =	ssyncset.done $0x0  }
0x45: {  	s31 =	simm.s32 $0x800;
	s0 =	simm.s32 $0x380;
	[sflag:s11] =	ssyncadd.s32 $0xFFFFF800  }
.LBB2_2:
0x46: {  	[tilespmem:s19], [sflag:$0x4] =	stream.indirect.gather [hbm4b:s4+s13], $0x10, s0, s13, $0xb8;
	[tilespmem:$0x7000] =	vst v63  }
0x47: {  	s0 =	smov.u32 s31  }
0x48: {  	p0 =	sne.s32 s31, $0x4000;
	s31 =	sadd.s32 $0x800, s31;
	_ =	swait.ge [sflag:s20], $0x800  }
0x49: {  	s0 =	sshra.s32 s0, $0x2;
	[sflag:s20] =	ssyncset.done $0x0  }
0x4a: {  	s1 =	sadd.s32 $0x1400, s0;
	[sflag:s20] =	ssyncadd.s32 $0xFFFFF800  }
0x4b: {  	[spmem:s2] =	stream.indirect.scatter.add.f32 [tilespmem:s14], [sflag:$0x5], $0x10, s1, s13, $0xb8;
	[tilespmem:$0x7000] =	vst v63  }
0x4c: {  	_ =	swait.ge [sflag:s11], $0x800  }
0x4d: {  	[sflag:s11] =	ssyncset.done $0x0  }
0x4e: {  	s1 =	sadd.s32 $0x200, s0;
	[sflag:s11] =	ssyncadd.s32 $0xFFFFF800  }
0x4f: {  	[tilespmem:s14], [sflag:$0x1] =	stream.indirect.gather [hbm4b:s4+s13], $0x10, s1, s13, $0xb8;
	[tilespmem:$0x7000] =	vst v63  }
0x50: {  	_ =	swait.ge [sflag:s21], $0x800  }
0x51: {  	[sflag:s21] =	ssyncset.done $0x0  }
0x52: {  	s1 =	sadd.s32 $0x1480, s0;
	[sflag:s21] =	ssyncadd.s32 $0xFFFFF800  }
0x53: {  	[spmem:s2] =	stream.indirect.scatter.add.f32 [tilespmem:s15], [sflag:$0x5], $0x10, s1, s13, $0xb8;
	[tilespmem:$0x7000] =	vst v63  }
0x54: {  	_ =	swait.ge [sflag:s11], $0x800  }
0x55: {  	[sflag:s11] =	ssyncset.done $0x0  }
0x56: {  	s1 =	sadd.s32 $0x280, s0;
	[sflag:s11] =	ssyncadd.s32 $0xFFFFF800  }
0x57: {  	[tilespmem:s15], [sflag:$0x2] =	stream.indirect.gather [hbm4b:s4+s13], $0x10, s1, s13, $0xb8;
	[tilespmem:$0x7000] =	vst v63  }
0x58: {  	_ =	swait.ge [sflag:s22], $0x800  }
0x59: {  	[sflag:s22] =	ssyncset.done $0x0  }
0x5a: {  	s1 =	sadd.s32 $0x1500, s0;
	[sflag:s22] =	ssyncadd.s32 $0xFFFFF800  }
0x5b: {  	[spmem:s2] =	stream.indirect.scatter.add.f32 [tilespmem:s17], [sflag:$0x5], $0x10, s1, s13, $0xb8;
	[tilespmem:$0x7000] =	vst v63  }
0x5c: {  	_ =	swait.ge [sflag:s11], $0x800  }
0x5d: {  	[sflag:s11] =	ssyncset.done $0x0  }
0x5e: {  	s1 =	sadd.s32 $0x300, s0;
	[sflag:s11] =	ssyncadd.s32 $0xFFFFF800  }
0x5f: {  	[tilespmem:s17], [sflag:$0x3] =	stream.indirect.gather [hbm4b:s4+s13], $0x10, s1, s13, $0xb8;
	[tilespmem:$0x7000] =	vst v63  }
0x60: {  	_ =	swait.ge [sflag:s23], $0x800  }
0x61: {  	[sflag:s23] =	ssyncset.done $0x0  }
.Ltmp0:
0x62: {  	s1 =	sadd.s32 $0x1580, s0;
	[sflag:s23] =	ssyncadd.s32 $0xFFFFF800;
	(pc) =	sbr.rel @p0 .LBB2_2-.Ltmp0, $4  }
0x63: {  	[spmem:s2] =	stream.indirect.scatter.add.f32 [tilespmem:s19], [sflag:$0x5], $0x10, s1, s13, $0xb8;
	[tilespmem:$0x7000] =	vst v63  }
0x64: {  	_ =	swait.ge [sflag:s11], $0x800  }
0x65: {  	[sflag:s11] =	ssyncset.done $0x0  }
0x66: {  	s0 =	sadd.s32 $0x380, s0;
	[sflag:s11] =	ssyncadd.s32 $0xFFFFF800  }
0x67: {  	[tilespmem:s19], [sflag:$0x4] =	stream.indirect.gather [hbm4b:s4+s13], $0x10, s0, s13, $0xb8;
	[tilespmem:$0x7000] =	vst v63  }
0x68: {  	_ =	swait.ge [sflag:s20], $0x800  }
0x69: {  	[sflag:s20] =	ssyncset.done $0x0  }
0x6a: {  	[sflag:s20] =	ssyncadd.s32 $0xFFFFF800  }
0x6b: {  	[spmem:s2] =	stream.indirect.scatter.add.f32 [tilespmem:s14], [sflag:$0x5], $0x10, s25, s13, $0xb8;
	[tilespmem:$0x7000] =	vst v63  }
0x6c: {  	_ =	swait.ge [sflag:s11], $0x800  }
0x6d: {  	[sflag:s11] =	ssyncset.done $0x0  }
0x6e: {  	[sflag:s11] =	ssyncadd.s32 $0xFFFFF800  }
0x6f: {  	_ =	swait.ge [sflag:s21], $0x800  }
0x70: {  	[sflag:s21] =	ssyncset.done $0x0  }
0x71: {  	[sflag:s21] =	ssyncadd.s32 $0xFFFFF800  }
0x72: {  	[spmem:s2] =	stream.indirect.scatter.add.f32 [tilespmem:s15], [sflag:$0x5], $0x10, s26, s13, $0xb8;
	[tilespmem:$0x7000] =	vst v63  }
0x73: {  	_ =	swait.ge [sflag:s11], $0x800  }
0x74: {  	[sflag:s11] =	ssyncset.done $0x0  }
0x75: {  	[sflag:s11] =	ssyncadd.s32 $0xFFFFF800  }
0x76: {  	_ =	swait.ge [sflag:s22], $0x800  }
0x77: {  	[sflag:s22] =	ssyncset.done $0x0  }
0x78: {  	[sflag:s22] =	ssyncadd.s32 $0xFFFFF800  }
0x79: {  	[spmem:s2] =	stream.indirect.scatter.add.f32 [tilespmem:s17], [sflag:$0x5], $0x10, s28, s13, $0xb8;
	[tilespmem:$0x7000] =	vst v63  }
0x7a: {  	_ =	swait.ge [sflag:s11], $0x800  }
0x7b: {  	[sflag:s11] =	ssyncset.done $0x0  }
0x7c: {  	[sflag:s11] =	ssyncadd.s32 $0xFFFFF800  }
0x7d: {  	_ =	swait.ge [sflag:s23], $0x800  }
0x7e: {  	[sflag:s23] =	ssyncset.done $0x0  }
0x7f: {  	[sflag:s23] =	ssyncadd.s32 $0xFFFFF800  }
0x80: {  	[spmem:s2] =	stream.indirect.scatter.add.f32 [tilespmem:s19], [sflag:$0x5], $0x10, s29, s13, $0xb8;
	[tilespmem:$0x7000] =	vst v63  }
0x81: {  	_ =	swait.ge [sflag:s11], $0x800  }
0x82: {  	s30 =	sadd.s32 $0x1, s30;
	[sflag:s11] =	ssyncset.done $0x0  }
0x83: {  	p0 =	sne.s32 s30, s9;
	[sflag:s11] =	ssyncadd.s32 $0xFFFFF800  }
.Ltmp1:
0x84: {  	[bflag:$0x0] =	sbarrier.arrive $0xFFFF;
	(pc) =	sbr.rel @p0 .LBB2_1-.Ltmp1, $4  }
0x85: {  	[hbm:s24], [sflag:s6] =	dma.local [spmem:s10], $0x500  }
0x86: {  	_ =	swait.ge [sflag:s11], $0x500  }
0x87: {  	[sflag:s11] =	ssyncset.done $0x0  }
0x88: {  	[sflag:s11] =	ssyncadd.s32 $0xFFFFFB00  }
0x89: {  	_ =	sfence.sel $0x180000  }
0x8a: {  	[bflag:$0x0] =	sbarrier.arrive $0xFFFF  }
0x8b: {  	_ =	strace $0x90000047  }
0x8c: {  	s0 =	stileid.u32;
	[bflag:$0x2] =	sbarrier.arrive $0xFFFF  }
0x8d: {  	p0 =	sne.s32 s0, $0x0;
	s0 =	rddreg [dreg:$0x3]  }
0x8e: {  	s0 =	sadd.s32 @!p0 $0x100000, s0  }
0x8f: {  	[sflag:s0] =	ssyncadd.tile.s32 @!p0 $0x1;
	_ =	shalt  }
.Lfunc_end2:
_tile_overlayer_lowered:
.L_overlay_start_2:
0x90: {  	(tag) =	ssettag $0x2  }
0x91: {  	s0 =	rddreg [dreg:$0x0];
	s2 =	stileid.u32  }
0x92: {  	s1 =	rddreg [dreg:$0x1];
	p0 =	sne.s32 s2, $0x0  }
0x93: {  	s3 =	rddreg [dreg:$0x2];
	[bflag:$0x3] =	sbarrier.arrive $0xFFFF;
	s2 =	simm.s32 @!p0 $0x1C05  }
0x94: {  	[timem:s3], [sflag:s2] =	dma.local @!p0 [hbm:s0], s1  }
0x95: {  	s0 =	simm.s32 @!p0 $0x5  }
0x96: {  	_ =	swait.ge @!p0 [sflag:s0], s1  }
0x97: {  	s1 =	ssub.s32 @!p0 $0x0, s1;
	[sflag:s0] =	ssyncset.done @!p0 $0x0  }
0x98: {  	[sflag:s0] =	ssyncadd.s32 @!p0 s1  }
0x99: {  	[bflag:$0x3] =	sbarrier.arrive $0xFFFF  }
0x9a: {  	_ =	shalt  }

// kernel: kernel.26.cloned.1.call-start
scs
__scs_entry_jumppad:
0x0: {  	(pc) =	sbr.rel $0x88, $3  }
0x1: {  	(tag) =	ssettag $0x0;
	lr =	simm.s32 $0x1  }
0x2: {  	[smem:$0x3F92] =	sst lr;
	_ =	strace $0xD0000000  }
0x3: {  	_ = 	snop  }
0x4: {  	_ = 	snop  }
0x5: {  	_ = 	snop  }
0x6: {  	_ = 	snop  }
0x7: {  	_ = 	snop  }
__scs_overlays_trampoline_lowered:
0x8: {  	[smem:$0x3FA1] =	sst s0  }
0x9: {  	[smem:$0x3FA2] =	sst s1  }
0xa: {  	[smem:$0x3FA3] =	sst s2  }
0xb: {  	[smem:$0x3FA4] =	sst s3  }
0xc: {  	[smem:$0x3FA5] =	sst s4  }
0xd: {  	[smem:$0x3FA6] =	sst s5  }
0xe: {  	[smem:$0x3FA7] =	sst s6  }
0xf: {  	[smem:$0x3FA8] =	sst s7  }
0x10: {  	[smem:$0x3FA9] =	sst s8  }
0x11: {  	[smem:$0x3FAA] =	sst s9;
	s0 =	simm.s32 @!p0 $0x0  }
0x12: {  	s1 =	sld [smem:$0x3F90];
	s0 =	simm.s32 @p0 $0x1  }
0x13: {  	[smem:$0x3FAB] =	sst s0;
	s0 =	simm.s32 @!p1 $0x0  }
0x14: {  	s2 =	sld [smem:$0x3F8F];
	s0 =	simm.s32 @p1 $0x1  }
0x15: {  	[smem:$0x3FAC] =	sst s0;
	s0 =	simm.s32 @!p2 $0x0  }
0x16: {  	s3 =	sld [smem:$0x3FDB];
	s0 =	simm.s32 @p2 $0x1  }
0x17: {  	s4 =	simm.s32 $0x1BF5;
	[smem:$0x3FAE] =	sst s0  }
0x18: {  	s0 =	sld [smem:$0x3F91];
	_ =	swait.ge [sflag:s4], $0x0  }
0x19: {  	s7 =	sld [smem:$0x3F92]  }
0x1a: {  	s8 =	sadd.s32 $0xFFFFE003, lr  }
0x1b: {  	s9 =	sadd.s32 $0xFFFFFEF7, lr;
	s5 =	simm.s32 $0xFFFFFFFF;
	p2 =	slt.u32 s8, $0xFFFFF086  }
0x1c: {  	p1 =	slt.u32 s9, $0xF7A;
	s5 =	simm.s32 @!p2 $0x0  }
0x1d: {  	s5 =	simm.s32 @p1 $0x1;
	p0 =	seq.s32 s7, s2  }
0x1e: {  	s7 =	smul.u32 @!p0 $0xF7A, s2;
	p2 =	seq.s32 @!p0 s5, $0x0  }
0x1f: {  	s9 =	smul.u32 $0xF7A, s1;
	s8 =	simm.s32 @!p0 $0x1BF5;
	p2 =	por !p2, p0  }
0x20: {  	[sflag:s8] =	ssyncset.s32 @!p0 $0xFFFFF086;
	s6 =	sadd.s32 @!p0 s3, s7;
	s7 =	simm.s32 @!p0 $0x108  }
0x21: {  	s3 =	sadd.s32 s3, s9;
	s6 =	sadd.s32 @!p0 $0x88, s6;
	s7 =	simm.s32 @p2 $0x1082  }
0x22: {  	[simem:s7], [sflag:s8] =	dma.local @!p0 [hbm:s6], $0xF7A  }
0x23: {  	s9 =	sor.u32 $0xD0000000, s2;
	s6 =	simm.s32 $0x108;
	_ =	swait.ge @!p0 [sflag:s8], $0x0  }
0x24: {  	s3 =	sadd.s32 $0x88, s3;
	s6 =	simm.s32 @!p1 $0x1082;
	[sflag:s4] =	ssyncset.s32 $0xFFFFF086  }
0x25: {  	[simem:s6], [sflag:s4] =	dma.local [hbm:s3], $0xF7A  }
0x26: {  	[smem:$0x3F92] =	sst s1;
	(tag) =	ssettag s2;
	_ =	strace s9  }
0x27: {  	s1 =	sld [smem:$0x3FA2]  }
0x28: {  	s2 =	sld [smem:$0x3FA3]  }
0x29: {  	s4 =	sld [smem:$0x3FA5]  }
0x2a: {  	p0 =	seq.s32 s5, $0x0;
	s5 =	sld [smem:$0x3FA6]  }
0x2b: {  	s6 =	sld [smem:$0x3FA7]  }
0x2c: {  	s7 =	sld [smem:$0x3FA8]  }
0x2d: {  	s3 =	simm.s32 $0x108;
	s8 =	sld [smem:$0x3FA9]  }
0x2e: {  	s3 =	simm.s32 @!p0 $0x1082;
	s9 =	sld [smem:$0x3FAA]  }
0x2f: {  	lr =	sadd.s32 s0, s3;
	s0 =	sld [smem:$0x3FA1]  }
0x30: {  	s3 =	sld [smem:$0x3FA4]  }
0x31: {  	[smem:$0x3FAD] =	sst s10  }
0x32: {  	s10 =	sld [smem:$0x3FAB];
	_ =	sdelay $0x3  }
0x33: {  	p0 =	seq.s32 s10, $0x1;
	s10 =	sld [smem:$0x3FAD];
	_ =	sdelay $0x3  }
0x34: {  	[smem:$0x3FAD] =	sst s10  }
0x35: {  	s10 =	sld [smem:$0x3FAC];
	_ =	sdelay $0x3  }
0x36: {  	p1 =	seq.s32 s10, $0x1;
	s10 =	sld [smem:$0x3FAD];
	_ =	sdelay $0x3  }
0x37: {  	[smem:$0x3FAD] =	sst s10  }
0x38: {  	s10 =	sld [smem:$0x3FAE]  }
0x39: {  	_ = 	snop;
	(pc) =	sbr.ind lr, $3  }
0x3a: {  	_ = 	snop  }
0x3b: {  	_ = 	snop  }
0x3c: {  	p2 =	seq.s32 s10, $0x1;
	s10 =	sld [smem:$0x3FAD]  }
0x3d: {  	_ =	shalt  }
0x3e: {  	_ =	shalt  }
0x3f: {  	_ =	shalt  }
0x40: {  	_ =	shalt  }
0x41: {  	_ =	shalt  }
0x42: {  	_ =	shalt  }
0x43: {  	_ =	shalt  }
0x44: {  	_ =	shalt  }
0x45: {  	_ =	shalt  }
0x46: {  	_ =	shalt  }
0x47: {  	_ =	shalt  }
0x48: {  	_ =	shalt  }
0x49: {  	_ =	shalt  }
0x4a: {  	_ =	shalt  }
0x4b: {  	_ =	shalt  }
0x4c: {  	_ =	shalt  }
0x4d: {  	_ =	shalt  }
0x4e: {  	_ =	shalt  }
0x4f: {  	_ =	shalt  }
0x50: {  	_ =	shalt  }
0x51: {  	_ =	shalt  }
0x52: {  	_ =	shalt  }
0x53: {  	_ =	shalt  }
0x54: {  	_ =	shalt  }
0x55: {  	_ =	shalt  }
0x56: {  	_ =	shalt  }
0x57: {  	_ =	shalt  }
0x58: {  	_ =	shalt  }
0x59: {  	_ =	shalt  }
0x5a: {  	_ =	shalt  }
0x5b: {  	_ =	shalt  }
0x5c: {  	_ =	shalt  }
0x5d: {  	_ =	shalt  }
0x5e: {  	_ =	shalt  }
0x5f: {  	_ =	shalt  }
0x60: {  	_ =	shalt  }
0x61: {  	_ =	shalt  }
0x62: {  	_ =	shalt  }
0x63: {  	_ =	shalt  }
0x64: {  	_ =	shalt  }
0x65: {  	_ =	shalt  }
0x66: {  	_ =	shalt  }
0x67: {  	_ =	shalt  }
0x68: {  	_ =	shalt  }
0x69: {  	_ =	shalt  }
0x6a: {  	_ =	shalt  }
0x6b: {  	_ =	shalt  }
0x6c: {  	_ =	shalt  }
0x6d: {  	_ =	shalt  }
0x6e: {  	_ =	shalt  }
0x6f: {  	_ =	shalt  }
0x70: {  	_ =	shalt  }
0x71: {  	_ =	shalt  }
0x72: {  	_ =	shalt  }
0x73: {  	_ =	shalt  }
0x74: {  	_ =	shalt  }
0x75: {  	_ =	shalt  }
0x76: {  	_ =	shalt  }
0x77: {  	_ =	shalt  }
0x78: {  	_ =	shalt  }
0x79: {  	_ =	shalt  }
0x7a: {  	_ =	shalt  }
0x7b: {  	_ =	shalt  }
0x7c: {  	_ =	shalt  }
0x7d: {  	_ =	shalt  }
0x7e: {  	_ =	shalt  }
0x7f: {  	_ =	shalt  }
0x80: {  	_ =	shalt  }
0x81: {  	_ =	shalt  }
0x82: {  	_ =	shalt  }
0x83: {  	_ =	shalt  }
0x84: {  	_ =	shalt  }
0x85: {  	_ =	shalt  }
0x86: {  	_ =	shalt  }
0x87: {  	_ =	shalt  }
.Lfunc_end0:
.L_simem_size_0:
called_computation.1_lowered:
.L_overlay_start_0:
0x88: {  	s2 =	sld [smem:$0x3FD9]  }
0x89: {  	s3 =	sld [smem:$0x3FFE];
	_ =	sdelay $0x1  }
0x8a: {  	s1 =	srdreg.scid  }
0x8b: {  	s0 =	sand.u32 $0x1, s1  }
0x8c: {  	s16 =	sshll.u32 s0, $0xA;
	s2 =	sadd.s32 s3, s2  }
0x8d: {  	s2 =	sadd.s32 s2, s16  }
0x8e: {  	[smem:$0x3FB9] =	sst s2  }
0x8f: {  	_ = 	snop  }
0x90: {  	(tm) =	ssettm $0x1  }
0x91: {  	s17 =	sld [smem:$0x3FFB];
	_ =	sdelay $0x3  }
0x92: {  	_ =	strace s17  }
0x93: {  	s2 =	sld [smem:$0x3FFC];
	_ =	sdelay $0x3  }
0x94: {  	_ =	strace s2  }
0x95: {  	s2 =	sld [smem:$0x3FFD];
	_ =	sdelay $0x3  }
0x96: {  	_ =	strace s2  }
0x97: {  	_ =	strace $0x8FFFFFFF  }
0x98: {  	s18 =	sld [smem:$0x3FDB];
	_ =	sdelay $0x1  }
0x99: {  	s19 =	simm.s32 $_scs_section_size  }
0x9a: {  	s4 =	simm.s32 $_size__tile_overlayer_lowered;
	s5 =	simm.s32 $_tile_overlayer_lowered  }
0x9b: {  	s22 =	simm.s32 $0x1BFF;
	s21 =	sshll.u32 s5, $0x1;
	s2 =	sadd.s32 s19, s18  }
0x9c: {  	s6 =	simm.s32 $0x0;
	s20 =	sshll.u32 s4, $0x1;
	s4 =	sadd.s32 s21, s2  }
0x9d: {  	[timem:s6], [sflag:s22] =	dma.local [hbm:s4], s20  }
0x9e: {  	_ =	swait.ge [sflag:s22], s20  }
0x9f: {  	s3 =	ssub.s32 $0x0, s20;
	[sflag:s22] =	ssyncset.done $0x0  }
0xa0: {  	[sflag:s22] =	ssyncadd.s32 s3;
	_ =	sdelay $0x1  }
0xa1: {  	s23 =	simm.s32 $0x1B8B  }
0xa2: {  	_ =	swait.ge [sflag:s23], $0x1  }
0xa3: {  	[sflag:s23] =	ssyncset.done $0x0  }
0xa4: {  	s25 =	simm.s32 $0x1B8E;
	s24 =	sld [smem:$0x3FFE];
	[sflag:s23] =	ssyncadd.s32 $0xFFFFFFFF  }
0xa5: {  	s26 =	simm.s32 $execute0_lowered;
	[smem:$0x3FD2] =	sst s25  }
0xa6: {  	s4 =	sshll.u32 s26, $0x1;
	_ =	strace $0x80000049;
	[dreg:$0x1] =	wrdreg $0xFFFFFFFF  }
0xa7: {  	s28 =	simm.s32 $_size_execute0_lowered;
	s2 =	sadd.s32 s2, s4;
	[dreg:$0x0] =	wrdreg $0x0  }
0xa8: {  	s4 =	sshll.u32 s28, $0x1;
	[dreg:$0x2] =	wrdreg s2  }
0xa9: {  	[dreg:$0x3] =	wrdreg s4  }
0xaa: {  	[dreg:$0x4] =	wrdreg $0xC0  }
0xab: {  	_ =	task [dreg:s6], $0x5FFFF  }
0xac: {  	[dreg:$0x1] =	wrdreg $0xFFFFFFFF  }
0xad: {  	[dreg:$0x0] =	wrdreg $0x60  }
0xae: {  	[dreg:$0x2] =	wrdreg s24  }
0xaf: {  	[dreg:$0x3] =	wrdreg $0xA8000  }
0xb0: {  	[dreg:$0x4] =	wrdreg $0x9  }
0xb1: {  	_ =	task.clear_ibuf [dreg:s6], $0x5FFFF;
	_ =	strace $0x90000049  }
0xb2: {  	s29 =	simm.s32 $0x9;
	_ =	strace $0x8000004B  }
0xb3: {  	_ =	swait.ge [sflag:s29], $0x1  }
0xb4: {  	[sflag:s29] =	ssyncadd.s32 $0xFFFFFFFF  }
0xb5: {  	_ =	strace $0x9000004B  }
0xb6: {  	_ =	sfence  }
0xb7: {  	s30 =	sld [smem:$0x0];
	_ =	sdelay $0x2  }
0xb8: {  	s31 =	sshll.u32 s1, $0xD;
	s1 =	sshrl.u32 s1, $0x2  }
0xb9: {  	s3 =	sand.u32 $0x4000, s31;
	s1 =	sadd.s32 s1, s30  }
0xba: {  	s0 =	sor.u32 s3, s0;
	s1 =	sshll.u32 s1, $0x11  }
0xbb: {  	s0 =	sor.u32 s1, s0  }
0xbc: {  	s0 =	sadd.s32 $0x8F2B, s0  }
0xbd: {  	[sflag:s0] =	ssyncadd.remote.s32 $0x1  }
0xbe: {  	_ =	sfence.sel $0xFFFF  }
0xbf: {  	[dreg:$0x0] =	wrdreg $0xFFFFFFFF;
	(pc) =	sbr.abs _section_cstart, $3  }
0xc0: {  	[dreg:$0x1] =	wrdreg $0xFFFFFFFF  }
0xc1: {  	_ =	task.clear_ibuf [dreg:s6], $0x2FFFF;
	_ =	strace $0x9FFFFFFF  }
0xc2: {  	(tm) =	ssettm $0x7FFFFFFF  }
0xc3: {  	_ =	shalt  }
tec
execute0_lowered:
.L_overlay_start_1:
0x0: {  	(tag) =	ssettag $0x1  }
0x1: {  	s0 =	rddreg [dreg:$0x0]  }
0x2: {  	s2 =	rddreg [dreg:$0x1]  }
0x3: {  	s4 =	srdreg.scid;
	s1 =	stileid.u32  }
0x4: {  	s3 =	simm.s32 $0x0;
	s12 =	simm.s32 $0x1400;
	s13 =	simm.s32 $0x80  }
0x5: {  	s14 =	simm.s32 $0x2800;
	s15 =	simm.s32 $0x4800;
	s16 =	simm.s32 $0x100  }
0x6: {  	s17 =	simm.s32 $0x6800;
	s18 =	simm.s32 $0x180;
	s19 =	simm.s32 $0x8800  }
0x7: {  	s20 =	simm.s32 $0x1;
	s21 =	simm.s32 $0x2;
	s22 =	simm.s32 $0x3  }
0x8: {  	s23 =	simm.s32 $0x4;
	s28 =	simm.s32 $0x2700;
	s29 =	simm.s32 $0x2780  }
0x9: {  	s30 =	simm.s32 $0x0;
	s5 =	sand.u32 $0x1, s4;
	s25 =	sshll.u32 s1, $0x1  }
0xa: {  	[smem:$0x7FF] =	sst s3;
	s7 =	smul.u32 $0xA000, s1;
	s4 =	sadd.s32 $0xE4000, s0  }
0xb: {  	s31 =	sshll.u32 s1, $0x6;
	s6 =	sor.u32 s5, s25;
	_ =	strace $0x8000004A  }
0xc: {  	s8 =	smul.u32 $0x14000, s5;
	s5 =	ssub.s32 $0x2, s5;
	s25 =	simm.s32 $0x2600  }
0xd: {  	s6 =	smul.u32 $0x280, s6;
	s24 =	sshrl.u32 s7, $0x3;
	s10 =	sshrl.u32 s5, $0x1  }
0xe: {  	s11 =	sadd.s32 s7, s2;
	s26 =	sadd.s32 s24, s0;
	s10 =	ssub.s32 s5, s10  }
0xf: {  	s9 =	sadd.s32 s6, s0;
	s0 =	sadd.s32 s8, s0;
	s5 =	sadd.s32 $0xF8000, s26  }
0x10: {  	s6 =	sor.u32 $0x1C05, s31;
	s26 =	simm.s32 $0x2680;
	s7 =	sadd.s32 $0xD000, s9  }
0x11: {  	s8 =	sadd.s32 $0x8000, s9;
	s0 =	sadd.s32 $0x10C000, s0;
	s9 =	smax.u32 s10, $0x1  }
0x12: {  	s10 =	sshrl.u32 s11, $0x3;
	s11 =	simm.s32 $0x5;
	s24 =	sadd.s32 s24, s0  }
.LBB2_1:
0x13: {  	[spmem:s10], [sflag:s6] =	dma.local [hbm:s5], $0x1400  }
0x14: {  	_ =	swait.ge [sflag:s11], $0x1400  }
0x15: {  	[sflag:s11] =	ssyncset.done $0x0  }
0x16: {  	[sflag:s11] =	ssyncadd.s32 $0xFFFFEC00  }
0x17: {  	[bflag:$0x0] =	sbarrier.arrive $0xFFFF  }
0x18: {  	[tilespmem:s3], [sflag:$0x5] =	stream.linear.gather [hbm4b:s7+s3], $0x1400, $0x38;
	[tilespmem:$0x14800] =	vst v63  }
0x19: {  	_ =	swait.ge [sflag:s11], $0x1400  }
0x1a: {  	[sflag:s11] =	ssyncset.done $0x0  }
0x1b: {  	[sflag:s11] =	ssyncadd.s32 $0xFFFFEC00  }
0x1c: {  	[tilespmem:s12], [sflag:$0x5] =	stream.linear.gather [hbm4b:s8+s3], $0x1400, $0x38;
	[tilespmem:$0x14800] =	vst v63  }
0x1d: {  	_ =	swait.ge [sflag:s11], $0x1400  }
0x1e: {  	[sflag:s11] =	ssyncset.done $0x0  }
0x1f: {  	[sflag:s11] =	ssyncadd.s32 $0xFFFFEC00  }
0x20: {  	[tilespmem:s14], [sflag:$0x1] =	stream.indirect.gather [hbm4b:s4+s13], $0x40, s3, s13, $0xb8;
	[tilespmem:$0x14800] =	vst v63  }
0x21: {  	_ = 	snop  }
0x22: {  	[tilespmem:s15], [sflag:$0x2] =	stream.indirect.gather [hbm4b:s4+s13], $0x40, s13, s13, $0xb8;
	[tilespmem:$0x14800] =	vst v63  }
0x23: {  	_ = 	snop  }
0x24: {  	[tilespmem:s17], [sflag:$0x3] =	stream.indirect.gather [hbm4b:s4+s13], $0x40, s16, s13, $0xb8;
	[tilespmem:$0x14800] =	vst v63  }
0x25: {  	_ = 	snop  }
0x26: {  	[tilespmem:s19], [sflag:$0x4] =	stream.indirect.gather [hbm4b:s4+s13], $0x40, s18, s13, $0xb8;
	[tilespmem:$0x14800] =	vst v63  }
0x27: {  	_ =	swait.ge [sflag:s20], $0x2000  }
0x28: {  	[sflag:s20] =	ssyncset.done $0x0  }
0x29: {  	s0 =	simm.s32 $0x1400;
	[sflag:s20] =	ssyncadd.s32 $0xFFFFE000  }
0x2a: {  	[spmem:s2] =	stream.indirect.scatter.add.f32 [tilespmem:s14], [sflag:$0x5], $0x40, s0, s13, $0xb8;
	[tilespmem:$0x14800] =	vst v63  }
0x2b: {  	_ =	swait.ge [sflag:s11], $0x2000  }
0x2c: {  	[sflag:s11] =	ssyncset.done $0x0  }
0x2d: {  	s1 =	simm.s32 $0x200;
	[sflag:s11] =	ssyncadd.s32 $0xFFFFE000  }
0x2e: {  	[tilespmem:s14], [sflag:$0x1] =	stream.indirect.gather [hbm4b:s4+s13], $0x40, s1, s13, $0xb8;
	[tilespmem:$0x14800] =	vst v63  }
0x2f: {  	_ =	swait.ge [sflag:s21], $0x2000  }
0x30: {  	[sflag:s21] =	ssyncset.done $0x0  }
0x31: {  	s1 =	simm.s32 $0x1480;
	[sflag:s21] =	ssyncadd.s32 $0xFFFFE000  }
0x32: {  	[spmem:s2] =	stream.indirect.scatter.add.f32 [tilespmem:s15], [sflag:$0x5], $0x40, s1, s13, $0xb8;
	[tilespmem:$0x14800] =	vst v63  }
0x33: {  	_ =	swait.ge [sflag:s11], $0x2000  }
0x34: {  	[sflag:s11] =	ssyncset.done $0x0  }
0x35: {  	s1 =	simm.s32 $0x280;
	[sflag:s11] =	ssyncadd.s32 $0xFFFFE000  }
0x36: {  	[tilespmem:s15], [sflag:$0x2] =	stream.indirect.gather [hbm4b:s4+s13], $0x40, s1, s13, $0xb8;
	[tilespmem:$0x14800] =	vst v63  }
0x37: {  	_ =	swait.ge [sflag:s22], $0x2000  }
0x38: {  	[sflag:s22] =	ssyncset.done $0x0  }
0x39: {  	s1 =	simm.s32 $0x1500;
	[sflag:s22] =	ssyncadd.s32 $0xFFFFE000  }
0x3a: {  	[spmem:s2] =	stream.indirect.scatter.add.f32 [tilespmem:s17], [sflag:$0x5], $0x40, s1, s13, $0xb8;
	[tilespmem:$0x14800] =	vst v63  }
0x3b: {  	_ =	swait.ge [sflag:s11], $0x2000  }
0x3c: {  	[sflag:s11] =	ssyncset.done $0x0  }
0x3d: {  	s1 =	simm.s32 $0x300;
	[sflag:s11] =	ssyncadd.s32 $0xFFFFE000  }
0x3e: {  	[tilespmem:s17], [sflag:$0x3] =	stream.indirect.gather [hbm4b:s4+s13], $0x40, s1, s13, $0xb8;
	[tilespmem:$0x14800] =	vst v63  }
0x3f: {  	_ =	swait.ge [sflag:s23], $0x2000  }
0x40: {  	[sflag:s23] =	ssyncset.done $0x0  }
0x41: {  	s1 =	simm.s32 $0x1580;
	[sflag:s23] =	ssyncadd.s32 $0xFFFFE000  }
0x42: {  	[spmem:s2] =	stream.indirect.scatter.add.f32 [tilespmem:s19], [sflag:$0x5], $0x40, s1, s13, $0xb8;
	[tilespmem:$0x14800] =	vst v63  }
0x43: {  	_ =	swait.ge [sflag:s11], $0x2000  }
0x44: {  	[sflag:s11] =	ssyncset.done $0x0  }
0x45: {  	s31 =	simm.s32 $0x800;
	s0 =	simm.s32 $0x380;
	[sflag:s11] =	ssyncadd.s32 $0xFFFFE000  }
.LBB2_2:
0x46: {  	[tilespmem:s19], [sflag:$0x4] =	stream.indirect.gather [hbm4b:s4+s13], $0x40, s0, s13, $0xb8;
	[tilespmem:$0x14800] =	vst v63  }
0x47: {  	s0 =	smov.u32 s31  }
0x48: {  	p0 =	sne.s32 s31, $0x4000;
	s31 =	sadd.s32 $0x800, s31;
	_ =	swait.ge [sflag:s20], $0x2000  }
0x49: {  	s0 =	sshra.s32 s0, $0x2;
	[sflag:s20] =	ssyncset.done $0x0  }
0x4a: {  	s1 =	sadd.s32 $0x1400, s0;
	[sflag:s20] =	ssyncadd.s32 $0xFFFFE000  }
0x4b: {  	[spmem:s2] =	stream.indirect.scatter.add.f32 [tilespmem:s14], [sflag:$0x5], $0x40, s1, s13, $0xb8;
	[tilespmem:$0x14800] =	vst v63  }
0x4c: {  	_ =	swait.ge [sflag:s11], $0x2000  }
0x4d: {  	[sflag:s11] =	ssyncset.done $0x0  }
0x4e: {  	s1 =	sadd.s32 $0x200, s0;
	[sflag:s11] =	ssyncadd.s32 $0xFFFFE000  }
0x4f: {  	[tilespmem:s14], [sflag:$0x1] =	stream.indirect.gather [hbm4b:s4+s13], $0x40, s1, s13, $0xb8;
	[tilespmem:$0x14800] =	vst v63  }
0x50: {  	_ =	swait.ge [sflag:s21], $0x2000  }
0x51: {  	[sflag:s21] =	ssyncset.done $0x0  }
0x52: {  	s1 =	sadd.s32 $0x1480, s0;
	[sflag:s21] =	ssyncadd.s32 $0xFFFFE000  }
0x53: {  	[spmem:s2] =	stream.indirect.scatter.add.f32 [tilespmem:s15], [sflag:$0x5], $0x40, s1, s13, $0xb8;
	[tilespmem:$0x14800] =	vst v63  }
0x54: {  	_ =	swait.ge [sflag:s11], $0x2000  }
0x55: {  	[sflag:s11] =	ssyncset.done $0x0  }
0x56: {  	s1 =	sadd.s32 $0x280, s0;
	[sflag:s11] =	ssyncadd.s32 $0xFFFFE000  }
0x57: {  	[tilespmem:s15], [sflag:$0x2] =	stream.indirect.gather [hbm4b:s4+s13], $0x40, s1, s13, $0xb8;
	[tilespmem:$0x14800] =	vst v63  }
0x58: {  	_ =	swait.ge [sflag:s22], $0x2000  }
0x59: {  	[sflag:s22] =	ssyncset.done $0x0  }
0x5a: {  	s1 =	sadd.s32 $0x1500, s0;
	[sflag:s22] =	ssyncadd.s32 $0xFFFFE000  }
0x5b: {  	[spmem:s2] =	stream.indirect.scatter.add.f32 [tilespmem:s17], [sflag:$0x5], $0x40, s1, s13, $0xb8;
	[tilespmem:$0x14800] =	vst v63  }
0x5c: {  	_ =	swait.ge [sflag:s11], $0x2000  }
0x5d: {  	[sflag:s11] =	ssyncset.done $0x0  }
0x5e: {  	s1 =	sadd.s32 $0x300, s0;
	[sflag:s11] =	ssyncadd.s32 $0xFFFFE000  }
0x5f: {  	[tilespmem:s17], [sflag:$0x3] =	stream.indirect.gather [hbm4b:s4+s13], $0x40, s1, s13, $0xb8;
	[tilespmem:$0x14800] =	vst v63  }
0x60: {  	_ =	swait.ge [sflag:s23], $0x2000  }
0x61: {  	[sflag:s23] =	ssyncset.done $0x0  }
.Ltmp0:
0x62: {  	s1 =	sadd.s32 $0x1580, s0;
	[sflag:s23] =	ssyncadd.s32 $0xFFFFE000;
	(pc) =	sbr.rel @p0 .LBB2_2-.Ltmp0, $4  }
0x63: {  	[spmem:s2] =	stream.indirect.scatter.add.f32 [tilespmem:s19], [sflag:$0x5], $0x40, s1, s13, $0xb8;
	[tilespmem:$0x14800] =	vst v63  }
0x64: {  	_ =	swait.ge [sflag:s11], $0x2000  }
0x65: {  	[sflag:s11] =	ssyncset.done $0x0  }
0x66: {  	s0 =	sadd.s32 $0x380, s0;
	[sflag:s11] =	ssyncadd.s32 $0xFFFFE000  }
0x67: {  	[tilespmem:s19], [sflag:$0x4] =	stream.indirect.gather [hbm4b:s4+s13], $0x40, s0, s13, $0xb8;
	[tilespmem:$0x14800] =	vst v63  }
0x68: {  	_ =	swait.ge [sflag:s20], $0x2000  }
0x69: {  	[sflag:s20] =	ssyncset.done $0x0  }
0x6a: {  	[sflag:s20] =	ssyncadd.s32 $0xFFFFE000  }
0x6b: {  	[spmem:s2] =	stream.indirect.scatter.add.f32 [tilespmem:s14], [sflag:$0x5], $0x40, s25, s13, $0xb8;
	[tilespmem:$0x14800] =	vst v63  }
0x6c: {  	_ =	swait.ge [sflag:s11], $0x2000  }
0x6d: {  	[sflag:s11] =	ssyncset.done $0x0  }
0x6e: {  	[sflag:s11] =	ssyncadd.s32 $0xFFFFE000  }
0x6f: {  	_ =	swait.ge [sflag:s21], $0x2000  }
0x70: {  	[sflag:s21] =	ssyncset.done $0x0  }
0x71: {  	[sflag:s21] =	ssyncadd.s32 $0xFFFFE000  }
0x72: {  	[spmem:s2] =	stream.indirect.scatter.add.f32 [tilespmem:s15], [sflag:$0x5], $0x40, s26, s13, $0xb8;
	[tilespmem:$0x14800] =	vst v63  }
0x73: {  	_ =	swait.ge [sflag:s11], $0x2000  }
0x74: {  	[sflag:s11] =	ssyncset.done $0x0  }
0x75: {  	[sflag:s11] =	ssyncadd.s32 $0xFFFFE000  }
0x76: {  	_ =	swait.ge [sflag:s22], $0x2000  }
0x77: {  	[sflag:s22] =	ssyncset.done $0x0  }
0x78: {  	[sflag:s22] =	ssyncadd.s32 $0xFFFFE000  }
0x79: {  	[spmem:s2] =	stream.indirect.scatter.add.f32 [tilespmem:s17], [sflag:$0x5], $0x40, s28, s13, $0xb8;
	[tilespmem:$0x14800] =	vst v63  }
0x7a: {  	_ =	swait.ge [sflag:s11], $0x2000  }
0x7b: {  	[sflag:s11] =	ssyncset.done $0x0  }
0x7c: {  	[sflag:s11] =	ssyncadd.s32 $0xFFFFE000  }
0x7d: {  	_ =	swait.ge [sflag:s23], $0x2000  }
0x7e: {  	[sflag:s23] =	ssyncset.done $0x0  }
0x7f: {  	[sflag:s23] =	ssyncadd.s32 $0xFFFFE000  }
0x80: {  	[spmem:s2] =	stream.indirect.scatter.add.f32 [tilespmem:s19], [sflag:$0x5], $0x40, s29, s13, $0xb8;
	[tilespmem:$0x14800] =	vst v63  }
0x81: {  	_ =	swait.ge [sflag:s11], $0x2000  }
0x82: {  	s30 =	sadd.s32 $0x1, s30;
	[sflag:s11] =	ssyncset.done $0x0  }
0x83: {  	p0 =	sne.s32 s30, s9;
	[sflag:s11] =	ssyncadd.s32 $0xFFFFE000  }
.Ltmp1:
0x84: {  	[bflag:$0x0] =	sbarrier.arrive $0xFFFF;
	(pc) =	sbr.rel @p0 .LBB2_1-.Ltmp1, $4  }
0x85: {  	[hbm:s24], [sflag:s6] =	dma.local [spmem:s10], $0x1400  }
0x86: {  	_ =	swait.ge [sflag:s11], $0x1400  }
0x87: {  	[sflag:s11] =	ssyncset.done $0x0  }
0x88: {  	[sflag:s11] =	ssyncadd.s32 $0xFFFFEC00  }
0x89: {  	_ =	sfence.sel $0x180000  }
0x8a: {  	[bflag:$0x0] =	sbarrier.arrive $0xFFFF  }
0x8b: {  	_ =	strace $0x9000004A  }
0x8c: {  	s0 =	stileid.u32;
	[bflag:$0x2] =	sbarrier.arrive $0xFFFF  }
0x8d: {  	p0 =	sne.s32 s0, $0x0;
	s0 =	rddreg [dreg:$0x2]  }
0x8e: {  	s0 =	sadd.s32 @!p0 $0x100000, s0  }
0x8f: {  	[sflag:s0] =	ssyncadd.tile.s32 @!p0 $0x1;
	_ =	shalt  }
.Lfunc_end2:
_tile_overlayer_lowered:
.L_overlay_start_2:
0x90: {  	(tag) =	ssettag $0x2  }
0x91: {  	s0 =	rddreg [dreg:$0x0];
	s2 =	stileid.u32  }
0x92: {  	s1 =	rddreg [dreg:$0x1];
	p0 =	sne.s32 s2, $0x0  }
0x93: {  	s3 =	rddreg [dreg:$0x2];
	[bflag:$0x3] =	sbarrier.arrive $0xFFFF;
	s2 =	simm.s32 @!p0 $0x1C05  }
0x94: {  	[timem:s3], [sflag:s2] =	dma.local @!p0 [hbm:s0], s1  }
0x95: {  	s0 =	simm.s32 @!p0 $0x5  }
0x96: {  	_ =	swait.ge @!p0 [sflag:s0], s1  }
0x97: {  	s1 =	ssub.s32 @!p0 $0x0, s1;
	[sflag:s0] =	ssyncset.done @!p0 $0x0  }
0x98: {  	[sflag:s0] =	ssyncadd.s32 @!p0 s1  }
0x99: {  	[bflag:$0x3] =	sbarrier.arrive $0xFFFF  }
0x9a: {  	_ =	shalt  }

// kernel: kernel.29.cloned.1.call-start
scs
__scs_entry_jumppad:
0x0: {  	(pc) =	sbr.rel $0x88, $3  }
0x1: {  	(tag) =	ssettag $0x0;
	lr =	simm.s32 $0x1  }
0x2: {  	[smem:$0x3F92] =	sst lr;
	_ =	strace $0xD0000000  }
0x3: {  	_ = 	snop  }
0x4: {  	_ = 	snop  }
0x5: {  	_ = 	snop  }
0x6: {  	_ = 	snop  }
0x7: {  	_ = 	snop  }
__scs_overlays_trampoline_lowered:
0x8: {  	[smem:$0x3FA1] =	sst s0  }
0x9: {  	[smem:$0x3FA2] =	sst s1  }
0xa: {  	[smem:$0x3FA3] =	sst s2  }
0xb: {  	[smem:$0x3FA4] =	sst s3  }
0xc: {  	[smem:$0x3FA5] =	sst s4  }
0xd: {  	[smem:$0x3FA6] =	sst s5  }
0xe: {  	[smem:$0x3FA7] =	sst s6  }
0xf: {  	[smem:$0x3FA8] =	sst s7  }
0x10: {  	[smem:$0x3FA9] =	sst s8  }
0x11: {  	[smem:$0x3FAA] =	sst s9;
	s0 =	simm.s32 @!p0 $0x0  }
0x12: {  	s1 =	sld [smem:$0x3F90];
	s0 =	simm.s32 @p0 $0x1  }
0x13: {  	[smem:$0x3FAB] =	sst s0;
	s0 =	simm.s32 @!p1 $0x0  }
0x14: {  	s2 =	sld [smem:$0x3F8F];
	s0 =	simm.s32 @p1 $0x1  }
0x15: {  	[smem:$0x3FAC] =	sst s0;
	s0 =	simm.s32 @!p2 $0x0  }
0x16: {  	s3 =	sld [smem:$0x3FDB];
	s0 =	simm.s32 @p2 $0x1  }
0x17: {  	s4 =	simm.s32 $0x1BF5;
	[smem:$0x3FAE] =	sst s0  }
0x18: {  	s0 =	sld [smem:$0x3F91];
	_ =	swait.ge [sflag:s4], $0x0  }
0x19: {  	s7 =	sld [smem:$0x3F92]  }
0x1a: {  	s8 =	sadd.s32 $0xFFFFE003, lr  }
0x1b: {  	s9 =	sadd.s32 $0xFFFFFEF7, lr;
	s5 =	simm.s32 $0xFFFFFFFF;
	p2 =	slt.u32 s8, $0xFFFFF086  }
0x1c: {  	p1 =	slt.u32 s9, $0xF7A;
	s5 =	simm.s32 @!p2 $0x0  }
0x1d: {  	s5 =	simm.s32 @p1 $0x1;
	p0 =	seq.s32 s7, s2  }
0x1e: {  	s7 =	smul.u32 @!p0 $0xF7A, s2;
	p2 =	seq.s32 @!p0 s5, $0x0  }
0x1f: {  	s9 =	smul.u32 $0xF7A, s1;
	s8 =	simm.s32 @!p0 $0x1BF5;
	p2 =	por !p2, p0  }
0x20: {  	[sflag:s8] =	ssyncset.s32 @!p0 $0xFFFFF086;
	s6 =	sadd.s32 @!p0 s3, s7;
	s7 =	simm.s32 @!p0 $0x108  }
0x21: {  	s3 =	sadd.s32 s3, s9;
	s6 =	sadd.s32 @!p0 $0x88, s6;
	s7 =	simm.s32 @p2 $0x1082  }
0x22: {  	[simem:s7], [sflag:s8] =	dma.local @!p0 [hbm:s6], $0xF7A  }
0x23: {  	s9 =	sor.u32 $0xD0000000, s2;
	s6 =	simm.s32 $0x108;
	_ =	swait.ge @!p0 [sflag:s8], $0x0  }
0x24: {  	s3 =	sadd.s32 $0x88, s3;
	s6 =	simm.s32 @!p1 $0x1082;
	[sflag:s4] =	ssyncset.s32 $0xFFFFF086  }
0x25: {  	[simem:s6], [sflag:s4] =	dma.local [hbm:s3], $0xF7A  }
0x26: {  	[smem:$0x3F92] =	sst s1;
	(tag) =	ssettag s2;
	_ =	strace s9  }
0x27: {  	s1 =	sld [smem:$0x3FA2]  }
0x28: {  	s2 =	sld [smem:$0x3FA3]  }
0x29: {  	s4 =	sld [smem:$0x3FA5]  }
0x2a: {  	p0 =	seq.s32 s5, $0x0;
	s5 =	sld [smem:$0x3FA6]  }
0x2b: {  	s6 =	sld [smem:$0x3FA7]  }
0x2c: {  	s7 =	sld [smem:$0x3FA8]  }
0x2d: {  	s3 =	simm.s32 $0x108;
	s8 =	sld [smem:$0x3FA9]  }
0x2e: {  	s3 =	simm.s32 @!p0 $0x1082;
	s9 =	sld [smem:$0x3FAA]  }
0x2f: {  	lr =	sadd.s32 s0, s3;
	s0 =	sld [smem:$0x3FA1]  }
0x30: {  	s3 =	sld [smem:$0x3FA4]  }
0x31: {  	[smem:$0x3FAD] =	sst s10  }
0x32: {  	s10 =	sld [smem:$0x3FAB];
	_ =	sdelay $0x3  }
0x33: {  	p0 =	seq.s32 s10, $0x1;
	s10 =	sld [smem:$0x3FAD];
	_ =	sdelay $0x3  }
0x34: {  	[smem:$0x3FAD] =	sst s10  }
0x35: {  	s10 =	sld [smem:$0x3FAC];
	_ =	sdelay $0x3  }
0x36: {  	p1 =	seq.s32 s10, $0x1;
	s10 =	sld [smem:$0x3FAD];
	_ =	sdelay $0x3  }
0x37: {  	[smem:$0x3FAD] =	sst s10  }
0x38: {  	s10 =	sld [smem:$0x3FAE]  }
0x39: {  	_ = 	snop;
	(pc) =	sbr.ind lr, $3  }
0x3a: {  	_ = 	snop  }
0x3b: {  	_ = 	snop  }
0x3c: {  	p2 =	seq.s32 s10, $0x1;
	s10 =	sld [smem:$0x3FAD]  }
0x3d: {  	_ =	shalt  }
0x3e: {  	_ =	shalt  }
0x3f: {  	_ =	shalt  }
0x40: {  	_ =	shalt  }
0x41: {  	_ =	shalt  }
0x42: {  	_ =	shalt  }
0x43: {  	_ =	shalt  }
0x44: {  	_ =	shalt  }
0x45: {  	_ =	shalt  }
0x46: {  	_ =	shalt  }
0x47: {  	_ =	shalt  }
0x48: {  	_ =	shalt  }
0x49: {  	_ =	shalt  }
0x4a: {  	_ =	shalt  }
0x4b: {  	_ =	shalt  }
0x4c: {  	_ =	shalt  }
0x4d: {  	_ =	shalt  }
0x4e: {  	_ =	shalt  }
0x4f: {  	_ =	shalt  }
0x50: {  	_ =	shalt  }
0x51: {  	_ =	shalt  }
0x52: {  	_ =	shalt  }
0x53: {  	_ =	shalt  }
0x54: {  	_ =	shalt  }
0x55: {  	_ =	shalt  }
0x56: {  	_ =	shalt  }
0x57: {  	_ =	shalt  }
0x58: {  	_ =	shalt  }
0x59: {  	_ =	shalt  }
0x5a: {  	_ =	shalt  }
0x5b: {  	_ =	shalt  }
0x5c: {  	_ =	shalt  }
0x5d: {  	_ =	shalt  }
0x5e: {  	_ =	shalt  }
0x5f: {  	_ =	shalt  }
0x60: {  	_ =	shalt  }
0x61: {  	_ =	shalt  }
0x62: {  	_ =	shalt  }
0x63: {  	_ =	shalt  }
0x64: {  	_ =	shalt  }
0x65: {  	_ =	shalt  }
0x66: {  	_ =	shalt  }
0x67: {  	_ =	shalt  }
0x68: {  	_ =	shalt  }
0x69: {  	_ =	shalt  }
0x6a: {  	_ =	shalt  }
0x6b: {  	_ =	shalt  }
0x6c: {  	_ =	shalt  }
0x6d: {  	_ =	shalt  }
0x6e: {  	_ =	shalt  }
0x6f: {  	_ =	shalt  }
0x70: {  	_ =	shalt  }
0x71: {  	_ =	shalt  }
0x72: {  	_ =	shalt  }
0x73: {  	_ =	shalt  }
0x74: {  	_ =	shalt  }
0x75: {  	_ =	shalt  }
0x76: {  	_ =	shalt  }
0x77: {  	_ =	shalt  }
0x78: {  	_ =	shalt  }
0x79: {  	_ =	shalt  }
0x7a: {  	_ =	shalt  }
0x7b: {  	_ =	shalt  }
0x7c: {  	_ =	shalt  }
0x7d: {  	_ =	shalt  }
0x7e: {  	_ =	shalt  }
0x7f: {  	_ =	shalt  }
0x80: {  	_ =	shalt  }
0x81: {  	_ =	shalt  }
0x82: {  	_ =	shalt  }
0x83: {  	_ =	shalt  }
0x84: {  	_ =	shalt  }
0x85: {  	_ =	shalt  }
0x86: {  	_ =	shalt  }
0x87: {  	_ =	shalt  }
.Lfunc_end0:
.L_simem_size_0:
called_computation.2_lowered:
.L_overlay_start_0:
0x88: {  	s2 =	sld [smem:$0x3FD9]  }
0x89: {  	s3 =	sld [smem:$0x3FFE];
	_ =	sdelay $0x1  }
0x8a: {  	s1 =	srdreg.scid  }
0x8b: {  	s0 =	sand.u32 $0x1, s1  }
0x8c: {  	s17 =	sshll.u32 s0, $0xA;
	s2 =	sadd.s32 s3, s2  }
0x8d: {  	s2 =	sadd.s32 s2, s17  }
0x8e: {  	[smem:$0x3FB9] =	sst s2  }
0x8f: {  	_ = 	snop  }
0x90: {  	s2 =	sld [smem:$0x3FD0];
	(tm) =	ssettm $0x1  }
0x91: {  	s18 =	sld [smem:$0x3FFB];
	_ =	sdelay $0x3  }
0x92: {  	_ =	strace s18  }
0x93: {  	s3 =	sld [smem:$0x3FFC];
	_ =	sdelay $0x3  }
0x94: {  	_ =	strace s3  }
0x95: {  	s3 =	sld [smem:$0x3FFD];
	_ =	sdelay $0x3  }
0x96: {  	_ =	strace s3  }
0x97: {  	_ =	strace $0x8FFFFFFF  }
0x98: {  	s19 =	sld [smem:$0x3FDB];
	_ =	sdelay $0x1  }
0x99: {  	s4 =	simm.s32 $_scs_section_size  }
0x9a: {  	s5 =	simm.s32 $_size__tile_overlayer_lowered;
	s6 =	simm.s32 $_tile_overlayer_lowered  }
0x9b: {  	s22 =	simm.s32 $0x1BFF;
	s21 =	sshll.u32 s6, $0x1;
	s3 =	sadd.s32 s4, s19  }
0x9c: {  	s7 =	simm.s32 $0x0;
	s20 =	sshll.u32 s5, $0x1;
	s5 =	sadd.s32 s21, s3  }
0x9d: {  	[timem:s7], [sflag:s22] =	dma.local [hbm:s5], s20  }
0x9e: {  	_ =	swait.ge [sflag:s22], s20  }
0x9f: {  	s4 =	ssub.s32 $0x0, s20;
	[sflag:s22] =	ssyncset.done $0x0  }
0xa0: {  	[sflag:s22] =	ssyncadd.s32 s4;
	_ =	sdelay $0x1  }
0xa1: {  	s23 =	simm.s32 $0x1B8B  }
0xa2: {  	_ =	swait.ge [sflag:s23], $0x1  }
0xa3: {  	[sflag:s23] =	ssyncset.done $0x0  }
0xa4: {  	s25 =	simm.s32 $0x1B8E;
	s24 =	sld [smem:$0x3FFE];
	[sflag:s23] =	ssyncadd.s32 $0xFFFFFFFF  }
0xa5: {  	s26 =	simm.s32 $execute0_lowered;
	[smem:$0x3FD2] =	sst s25  }
0xa6: {  	s5 =	sshll.u32 s26, $0x1;
	_ =	strace $0x8000004C;
	[dreg:$0x1] =	wrdreg $0xFFFFFFFF  }
0xa7: {  	s28 =	simm.s32 $_size_execute0_lowered;
	s3 =	sadd.s32 s3, s5;
	[dreg:$0x0] =	wrdreg $0x0  }
0xa8: {  	s5 =	sshll.u32 s28, $0x1;
	[dreg:$0x2] =	wrdreg s3  }
0xa9: {  	[dreg:$0x3] =	wrdreg s5  }
0xaa: {  	[dreg:$0x4] =	wrdreg $0xC0  }
0xab: {  	_ =	task [dreg:s7], $0x5FFFF  }
0xac: {  	[dreg:$0x1] =	wrdreg $0xFFFFFFFF  }
0xad: {  	[dreg:$0x0] =	wrdreg $0x60  }
0xae: {  	[dreg:$0x2] =	wrdreg s24  }
0xaf: {  	[dreg:$0x3] =	wrdreg s2  }
0xb0: {  	[dreg:$0x4] =	wrdreg $0x48000  }
0xb1: {  	[dreg:$0x5] =	wrdreg $0x9  }
0xb2: {  	_ =	task.clear_ibuf [dreg:s7], $0x6FFFF;
	_ =	strace $0x9000004C  }
0xb3: {  	s29 =	simm.s32 $0x9;
	_ =	strace $0x8000004E  }
0xb4: {  	_ =	swait.ge [sflag:s29], $0x1  }
0xb5: {  	[sflag:s29] =	ssyncadd.s32 $0xFFFFFFFF  }
0xb6: {  	_ =	strace $0x9000004E  }
0xb7: {  	_ =	sfence  }
0xb8: {  	s30 =	sld [smem:$0x0];
	_ =	sdelay $0x2  }
0xb9: {  	s31 =	sshll.u32 s1, $0xD;
	s1 =	sshrl.u32 s1, $0x2  }
0xba: {  	s3 =	sand.u32 $0x4000, s31;
	s1 =	sadd.s32 s1, s30  }
0xbb: {  	s0 =	sor.u32 s3, s0;
	s1 =	sshll.u32 s1, $0x11  }
0xbc: {  	s0 =	sor.u32 s1, s0  }
0xbd: {  	s0 =	sadd.s32 $0x8F2B, s0  }
0xbe: {  	[sflag:s0] =	ssyncadd.remote.s32 $0x1  }
0xbf: {  	_ =	sfence.sel $0xFFFF  }
0xc0: {  	[dreg:$0x0] =	wrdreg $0xFFFFFFFF;
	(pc) =	sbr.abs _section_cstart, $3  }
0xc1: {  	[dreg:$0x1] =	wrdreg $0xFFFFFFFF  }
0xc2: {  	_ =	task.clear_ibuf [dreg:s7], $0x2FFFF;
	_ =	strace $0x9FFFFFFF  }
0xc3: {  	(tm) =	ssettm $0x7FFFFFFF  }
tec
execute0_lowered:
.L_overlay_start_1:
0x0: {  	(tag) =	ssettag $0x1  }
0x1: {  	s0 =	rddreg [dreg:$0x0]  }
0x2: {  	s9 =	rddreg [dreg:$0x1]  }
0x3: {  	s2 =	rddreg [dreg:$0x2];
	s4 =	srdreg.scid  }
0x4: {  	s1 =	stileid.u32;
	s3 =	simm.s32 $0x0;
	s14 =	simm.s32 $0x2800  }
0x5: {  	s15 =	simm.s32 $0x3000;
	s16 =	simm.s32 $0x100;
	s17 =	simm.s32 $0x3800  }
0x6: {  	s18 =	simm.s32 $0x180;
	s19 =	simm.s32 $0x4000;
	s20 =	simm.s32 $0x1  }
0x7: {  	s21 =	simm.s32 $0x2;
	s22 =	simm.s32 $0x3;
	s23 =	simm.s32 $0x4  }
0x8: {  	s28 =	simm.s32 $0x2700;
	s29 =	simm.s32 $0x2780;
	s30 =	simm.s32 $0x0  }
0x9: {  	s5 =	sand.u32 $0x1, s4;
	s24 =	sshll.u32 s1, $0x1;
	[smem:$0x7FF] =	sst s3  }
0xa: {  	s6 =	smul.u32 $0x2800, s1;
	s26 =	sshll.u32 s1, $0x6;
	s4 =	sor.u32 s5, s24  }
0xb: {  	_ =	strace $0x8000004D;
	s8 =	ssub.s32 $0x2, s5;
	s12 =	smul.u32 $0x5000, s5  }
0xc: {  	s7 =	smul.u32 $0x280, s4;
	s4 =	sadd.s32 $0x12000, s0;
	s24 =	sshrl.u32 s6, $0x3  }
0xd: {  	s25 =	sshrl.u32 s8, $0x1;
	s13 =	sadd.s32 s6, s2;
	s6 =	sor.u32 $0x1C05, s26  }
0xe: {  	s26 =	simm.s32 $0x2680;
	s11 =	ssub.s32 s8, s25;
	s31 =	sadd.s32 s9, s12  }
0xf: {  	s12 =	simm.s32 $0x1400;
	s25 =	simm.s32 $0x2600;
	s10 =	sadd.s32 s7, s0  }
0x10: {  	s0 =	sadd.s32 s24, s0;
	s9 =	smax.u32 s11, $0x1;
	s11 =	simm.s32 $0x5  }
0x11: {  	s24 =	sadd.s32 s24, s31;
	s5 =	sadd.s32 $0x17000, s0;
	s7 =	sadd.s32 $0xD000, s10  }
0x12: {  	s8 =	sadd.s32 $0x8000, s10;
	s10 =	sshrl.u32 s13, $0x3;
	s13 =	simm.s32 $0x80  }
.LBB2_1:
0x13: {  	[spmem:s10], [sflag:s6] =	dma.local [hbm:s5], $0x500  }
0x14: {  	_ =	swait.ge [sflag:s11], $0x500  }
0x15: {  	[sflag:s11] =	ssyncset.done $0x0  }
0x16: {  	[sflag:s11] =	ssyncadd.s32 $0xFFFFFB00  }
0x17: {  	[bflag:$0x0] =	sbarrier.arrive $0xFFFF  }
0x18: {  	[tilespmem:s3], [sflag:$0x5] =	stream.linear.gather [hbm4b:s7+s3], $0x1400, $0x38;
	[tilespmem:$0x7000] =	vst v63  }
0x19: {  	_ =	swait.ge [sflag:s11], $0x1400  }
0x1a: {  	[sflag:s11] =	ssyncset.done $0x0  }
0x1b: {  	[sflag:s11] =	ssyncadd.s32 $0xFFFFEC00  }
0x1c: {  	[tilespmem:s12], [sflag:$0x5] =	stream.linear.gather [hbm4b:s8+s3], $0x1400, $0x38;
	[tilespmem:$0x7000] =	vst v63  }
0x1d: {  	_ =	swait.ge [sflag:s11], $0x1400  }
0x1e: {  	[sflag:s11] =	ssyncset.done $0x0  }
0x1f: {  	[sflag:s11] =	ssyncadd.s32 $0xFFFFEC00  }
0x20: {  	[tilespmem:s14], [sflag:$0x1] =	stream.indirect.gather [hbm4b:s4+s13], $0x10, s3, s13, $0xb8;
	[tilespmem:$0x7000] =	vst v63  }
0x21: {  	_ = 	snop  }
0x22: {  	[tilespmem:s15], [sflag:$0x2] =	stream.indirect.gather [hbm4b:s4+s13], $0x10, s13, s13, $0xb8;
	[tilespmem:$0x7000] =	vst v63  }
0x23: {  	_ = 	snop  }
0x24: {  	[tilespmem:s17], [sflag:$0x3] =	stream.indirect.gather [hbm4b:s4+s13], $0x10, s16, s13, $0xb8;
	[tilespmem:$0x7000] =	vst v63  }
0x25: {  	_ = 	snop  }
0x26: {  	[tilespmem:s19], [sflag:$0x4] =	stream.indirect.gather [hbm4b:s4+s13], $0x10, s18, s13, $0xb8;
	[tilespmem:$0x7000] =	vst v63  }
0x27: {  	_ =	swait.ge [sflag:s20], $0x800  }
0x28: {  	[sflag:s20] =	ssyncset.done $0x0  }
0x29: {  	s0 =	simm.s32 $0x1400;
	[sflag:s20] =	ssyncadd.s32 $0xFFFFF800  }
0x2a: {  	[spmem:s2] =	stream.indirect.scatter.add.f32 [tilespmem:s14], [sflag:$0x5], $0x10, s0, s13, $0xb8;
	[tilespmem:$0x7000] =	vst v63  }
0x2b: {  	_ =	swait.ge [sflag:s11], $0x800  }
0x2c: {  	[sflag:s11] =	ssyncset.done $0x0  }
0x2d: {  	s1 =	simm.s32 $0x200;
	[sflag:s11] =	ssyncadd.s32 $0xFFFFF800  }
0x2e: {  	[tilespmem:s14], [sflag:$0x1] =	stream.indirect.gather [hbm4b:s4+s13], $0x10, s1, s13, $0xb8;
	[tilespmem:$0x7000] =	vst v63  }
0x2f: {  	_ =	swait.ge [sflag:s21], $0x800  }
0x30: {  	[sflag:s21] =	ssyncset.done $0x0  }
0x31: {  	s1 =	simm.s32 $0x1480;
	[sflag:s21] =	ssyncadd.s32 $0xFFFFF800  }
0x32: {  	[spmem:s2] =	stream.indirect.scatter.add.f32 [tilespmem:s15], [sflag:$0x5], $0x10, s1, s13, $0xb8;
	[tilespmem:$0x7000] =	vst v63  }
0x33: {  	_ =	swait.ge [sflag:s11], $0x800  }
0x34: {  	[sflag:s11] =	ssyncset.done $0x0  }
0x35: {  	s1 =	simm.s32 $0x280;
	[sflag:s11] =	ssyncadd.s32 $0xFFFFF800  }
0x36: {  	[tilespmem:s15], [sflag:$0x2] =	stream.indirect.gather [hbm4b:s4+s13], $0x10, s1, s13, $0xb8;
	[tilespmem:$0x7000] =	vst v63  }
0x37: {  	_ =	swait.ge [sflag:s22], $0x800  }
0x38: {  	[sflag:s22] =	ssyncset.done $0x0  }
0x39: {  	s1 =	simm.s32 $0x1500;
	[sflag:s22] =	ssyncadd.s32 $0xFFFFF800  }
0x3a: {  	[spmem:s2] =	stream.indirect.scatter.add.f32 [tilespmem:s17], [sflag:$0x5], $0x10, s1, s13, $0xb8;
	[tilespmem:$0x7000] =	vst v63  }
0x3b: {  	_ =	swait.ge [sflag:s11], $0x800  }
0x3c: {  	[sflag:s11] =	ssyncset.done $0x0  }
0x3d: {  	s1 =	simm.s32 $0x300;
	[sflag:s11] =	ssyncadd.s32 $0xFFFFF800  }
0x3e: {  	[tilespmem:s17], [sflag:$0x3] =	stream.indirect.gather [hbm4b:s4+s13], $0x10, s1, s13, $0xb8;
	[tilespmem:$0x7000] =	vst v63  }
0x3f: {  	_ =	swait.ge [sflag:s23], $0x800  }
0x40: {  	[sflag:s23] =	ssyncset.done $0x0  }
0x41: {  	s1 =	simm.s32 $0x1580;
	[sflag:s23] =	ssyncadd.s32 $0xFFFFF800  }
0x42: {  	[spmem:s2] =	stream.indirect.scatter.add.f32 [tilespmem:s19], [sflag:$0x5], $0x10, s1, s13, $0xb8;
	[tilespmem:$0x7000] =	vst v63  }
0x43: {  	_ =	swait.ge [sflag:s11], $0x800  }
0x44: {  	[sflag:s11] =	ssyncset.done $0x0  }
0x45: {  	s31 =	simm.s32 $0x800;
	s0 =	simm.s32 $0x380;
	[sflag:s11] =	ssyncadd.s32 $0xFFFFF800  }
.LBB2_2:
0x46: {  	[tilespmem:s19], [sflag:$0x4] =	stream.indirect.gather [hbm4b:s4+s13], $0x10, s0, s13, $0xb8;
	[tilespmem:$0x7000] =	vst v63  }
0x47: {  	s0 =	smov.u32 s31  }
0x48: {  	p0 =	sne.s32 s31, $0x4000;
	s31 =	sadd.s32 $0x800, s31;
	_ =	swait.ge [sflag:s20], $0x800  }
0x49: {  	s0 =	sshra.s32 s0, $0x2;
	[sflag:s20] =	ssyncset.done $0x0  }
0x4a: {  	s1 =	sadd.s32 $0x1400, s0;
	[sflag:s20] =	ssyncadd.s32 $0xFFFFF800  }
0x4b: {  	[spmem:s2] =	stream.indirect.scatter.add.f32 [tilespmem:s14], [sflag:$0x5], $0x10, s1, s13, $0xb8;
	[tilespmem:$0x7000] =	vst v63  }
0x4c: {  	_ =	swait.ge [sflag:s11], $0x800  }
0x4d: {  	[sflag:s11] =	ssyncset.done $0x0  }
0x4e: {  	s1 =	sadd.s32 $0x200, s0;
	[sflag:s11] =	ssyncadd.s32 $0xFFFFF800  }
0x4f: {  	[tilespmem:s14], [sflag:$0x1] =	stream.indirect.gather [hbm4b:s4+s13], $0x10, s1, s13, $0xb8;
	[tilespmem:$0x7000] =	vst v63  }
0x50: {  	_ =	swait.ge [sflag:s21], $0x800  }
0x51: {  	[sflag:s21] =	ssyncset.done $0x0  }
0x52: {  	s1 =	sadd.s32 $0x1480, s0;
	[sflag:s21] =	ssyncadd.s32 $0xFFFFF800  }
0x53: {  	[spmem:s2] =	stream.indirect.scatter.add.f32 [tilespmem:s15], [sflag:$0x5], $0x10, s1, s13, $0xb8;
	[tilespmem:$0x7000] =	vst v63  }
0x54: {  	_ =	swait.ge [sflag:s11], $0x800  }
0x55: {  	[sflag:s11] =	ssyncset.done $0x0  }
0x56: {  	s1 =	sadd.s32 $0x280, s0;
	[sflag:s11] =	ssyncadd.s32 $0xFFFFF800  }
0x57: {  	[tilespmem:s15], [sflag:$0x2] =	stream.indirect.gather [hbm4b:s4+s13], $0x10, s1, s13, $0xb8;
	[tilespmem:$0x7000] =	vst v63  }
0x58: {  	_ =	swait.ge [sflag:s22], $0x800  }
0x59: {  	[sflag:s22] =	ssyncset.done $0x0  }
0x5a: {  	s1 =	sadd.s32 $0x1500, s0;
	[sflag:s22] =	ssyncadd.s32 $0xFFFFF800  }
0x5b: {  	[spmem:s2] =	stream.indirect.scatter.add.f32 [tilespmem:s17], [sflag:$0x5], $0x10, s1, s13, $0xb8;
	[tilespmem:$0x7000] =	vst v63  }
0x5c: {  	_ =	swait.ge [sflag:s11], $0x800  }
0x5d: {  	[sflag:s11] =	ssyncset.done $0x0  }
0x5e: {  	s1 =	sadd.s32 $0x300, s0;
	[sflag:s11] =	ssyncadd.s32 $0xFFFFF800  }
0x5f: {  	[tilespmem:s17], [sflag:$0x3] =	stream.indirect.gather [hbm4b:s4+s13], $0x10, s1, s13, $0xb8;
	[tilespmem:$0x7000] =	vst v63  }
0x60: {  	_ =	swait.ge [sflag:s23], $0x800  }
0x61: {  	[sflag:s23] =	ssyncset.done $0x0  }
.Ltmp0:
0x62: {  	s1 =	sadd.s32 $0x1580, s0;
	[sflag:s23] =	ssyncadd.s32 $0xFFFFF800;
	(pc) =	sbr.rel @p0 .LBB2_2-.Ltmp0, $4  }
0x63: {  	[spmem:s2] =	stream.indirect.scatter.add.f32 [tilespmem:s19], [sflag:$0x5], $0x10, s1, s13, $0xb8;
	[tilespmem:$0x7000] =	vst v63  }
0x64: {  	_ =	swait.ge [sflag:s11], $0x800  }
0x65: {  	[sflag:s11] =	ssyncset.done $0x0  }
0x66: {  	s0 =	sadd.s32 $0x380, s0;
	[sflag:s11] =	ssyncadd.s32 $0xFFFFF800  }
0x67: {  	[tilespmem:s19], [sflag:$0x4] =	stream.indirect.gather [hbm4b:s4+s13], $0x10, s0, s13, $0xb8;
	[tilespmem:$0x7000] =	vst v63  }
0x68: {  	_ =	swait.ge [sflag:s20], $0x800  }
0x69: {  	[sflag:s20] =	ssyncset.done $0x0  }
0x6a: {  	[sflag:s20] =	ssyncadd.s32 $0xFFFFF800  }
0x6b: {  	[spmem:s2] =	stream.indirect.scatter.add.f32 [tilespmem:s14], [sflag:$0x5], $0x10, s25, s13, $0xb8;
	[tilespmem:$0x7000] =	vst v63  }
0x6c: {  	_ =	swait.ge [sflag:s11], $0x800  }
0x6d: {  	[sflag:s11] =	ssyncset.done $0x0  }
0x6e: {  	[sflag:s11] =	ssyncadd.s32 $0xFFFFF800  }
0x6f: {  	_ =	swait.ge [sflag:s21], $0x800  }
0x70: {  	[sflag:s21] =	ssyncset.done $0x0  }
0x71: {  	[sflag:s21] =	ssyncadd.s32 $0xFFFFF800  }
0x72: {  	[spmem:s2] =	stream.indirect.scatter.add.f32 [tilespmem:s15], [sflag:$0x5], $0x10, s26, s13, $0xb8;
	[tilespmem:$0x7000] =	vst v63  }
0x73: {  	_ =	swait.ge [sflag:s11], $0x800  }
0x74: {  	[sflag:s11] =	ssyncset.done $0x0  }
0x75: {  	[sflag:s11] =	ssyncadd.s32 $0xFFFFF800  }
0x76: {  	_ =	swait.ge [sflag:s22], $0x800  }
0x77: {  	[sflag:s22] =	ssyncset.done $0x0  }
0x78: {  	[sflag:s22] =	ssyncadd.s32 $0xFFFFF800  }
0x79: {  	[spmem:s2] =	stream.indirect.scatter.add.f32 [tilespmem:s17], [sflag:$0x5], $0x10, s28, s13, $0xb8;
	[tilespmem:$0x7000] =	vst v63  }
0x7a: {  	_ =	swait.ge [sflag:s11], $0x800  }
0x7b: {  	[sflag:s11] =	ssyncset.done $0x0  }
0x7c: {  	[sflag:s11] =	ssyncadd.s32 $0xFFFFF800  }
0x7d: {  	_ =	swait.ge [sflag:s23], $0x800  }
0x7e: {  	[sflag:s23] =	ssyncset.done $0x0  }
0x7f: {  	[sflag:s23] =	ssyncadd.s32 $0xFFFFF800  }
0x80: {  	[spmem:s2] =	stream.indirect.scatter.add.f32 [tilespmem:s19], [sflag:$0x5], $0x10, s29, s13, $0xb8;
	[tilespmem:$0x7000] =	vst v63  }
0x81: {  	_ =	swait.ge [sflag:s11], $0x800  }
0x82: {  	s30 =	sadd.s32 $0x1, s30;
	[sflag:s11] =	ssyncset.done $0x0  }
0x83: {  	p0 =	sne.s32 s30, s9;
	[sflag:s11] =	ssyncadd.s32 $0xFFFFF800  }
.Ltmp1:
0x84: {  	[bflag:$0x0] =	sbarrier.arrive $0xFFFF;
	(pc) =	sbr.rel @p0 .LBB2_1-.Ltmp1, $4  }
0x85: {  	[hbm:s24], [sflag:s6] =	dma.local [spmem:s10], $0x500  }
0x86: {  	_ =	swait.ge [sflag:s11], $0x500  }
0x87: {  	[sflag:s11] =	ssyncset.done $0x0  }
0x88: {  	[sflag:s11] =	ssyncadd.s32 $0xFFFFFB00  }
0x89: {  	_ =	sfence.sel $0x180000  }
0x8a: {  	[bflag:$0x0] =	sbarrier.arrive $0xFFFF  }
0x8b: {  	_ =	strace $0x9000004D  }
0x8c: {  	s0 =	stileid.u32;
	[bflag:$0x2] =	sbarrier.arrive $0xFFFF  }
0x8d: {  	p0 =	sne.s32 s0, $0x0;
	s0 =	rddreg [dreg:$0x3]  }
0x8e: {  	s0 =	sadd.s32 @!p0 $0x100000, s0  }
0x8f: {  	[sflag:s0] =	ssyncadd.tile.s32 @!p0 $0x1;
	_ =	shalt  }
.Lfunc_end2:
_tile_overlayer_lowered:
.L_overlay_start_2:
0x90: {  	(tag) =	ssettag $0x2  }
0x91: {  	s0 =	rddreg [dreg:$0x0];
	s2 =	stileid.u32  }
0x92: {  	s1 =	rddreg [dreg:$0x1];
	p0 =	sne.s32 s2, $0x0  }
0x93: {  	s3 =	rddreg [dreg:$0x2];
	[bflag:$0x3] =	sbarrier.arrive $0xFFFF;
	s2 =	simm.s32 @!p0 $0x1C05  }
0x94: {  	[timem:s3], [sflag:s2] =	dma.local @!p0 [hbm:s0], s1  }
0x95: {  	s0 =	simm.s32 @!p0 $0x5  }
0x96: {  	_ =	swait.ge @!p0 [sflag:s0], s1  }
0x97: {  	s1 =	ssub.s32 @!p0 $0x0, s1;
	[sflag:s0] =	ssyncset.done @!p0 $0x0  }
0x98: {  	[sflag:s0] =	ssyncadd.s32 @!p0 s1  }
0x99: {  	[bflag:$0x3] =	sbarrier.arrive $0xFFFF  }
0x9a: {  	_ =	shalt  }

// kernel: kernel.32.cloned.1.call-start
scs
__scs_entry_jumppad:
0x0: {  	(pc) =	sbr.rel $0x88, $3  }
0x1: {  	(tag) =	ssettag $0x0;
	lr =	simm.s32 $0x1  }
0x2: {  	[smem:$0x3F92] =	sst lr;
	_ =	strace $0xD0000000  }
0x3: {  	_ = 	snop  }
0x4: {  	_ = 	snop  }
0x5: {  	_ = 	snop  }
0x6: {  	_ = 	snop  }
0x7: {  	_ = 	snop  }
__scs_overlays_trampoline_lowered:
0x8: {  	[smem:$0x3FA1] =	sst s0  }
0x9: {  	[smem:$0x3FA2] =	sst s1  }
0xa: {  	[smem:$0x3FA3] =	sst s2  }
0xb: {  	[smem:$0x3FA4] =	sst s3  }
0xc: {  	[smem:$0x3FA5] =	sst s4  }
0xd: {  	[smem:$0x3FA6] =	sst s5  }
0xe: {  	[smem:$0x3FA7] =	sst s6  }
0xf: {  	[smem:$0x3FA8] =	sst s7  }
0x10: {  	[smem:$0x3FA9] =	sst s8  }
0x11: {  	[smem:$0x3FAA] =	sst s9;
	s0 =	simm.s32 @!p0 $0x0  }
0x12: {  	s1 =	sld [smem:$0x3F90];
	s0 =	simm.s32 @p0 $0x1  }
0x13: {  	[smem:$0x3FAB] =	sst s0;
	s0 =	simm.s32 @!p1 $0x0  }
0x14: {  	s2 =	sld [smem:$0x3F8F];
	s0 =	simm.s32 @p1 $0x1  }
0x15: {  	[smem:$0x3FAC] =	sst s0;
	s0 =	simm.s32 @!p2 $0x0  }
0x16: {  	s3 =	sld [smem:$0x3FDB];
	s0 =	simm.s32 @p2 $0x1  }
0x17: {  	s4 =	simm.s32 $0x1BF5;
	[smem:$0x3FAE] =	sst s0  }
0x18: {  	s0 =	sld [smem:$0x3F91];
	_ =	swait.ge [sflag:s4], $0x0  }
0x19: {  	s7 =	sld [smem:$0x3F92]  }
0x1a: {  	s8 =	sadd.s32 $0xFFFFE003, lr  }
0x1b: {  	s9 =	sadd.s32 $0xFFFFFEF7, lr;
	s5 =	simm.s32 $0xFFFFFFFF;
	p2 =	slt.u32 s8, $0xFFFFF086  }
0x1c: {  	p1 =	slt.u32 s9, $0xF7A;
	s5 =	simm.s32 @!p2 $0x0  }
0x1d: {  	s5 =	simm.s32 @p1 $0x1;
	p0 =	seq.s32 s7, s2  }
0x1e: {  	s7 =	smul.u32 @!p0 $0xF7A, s2;
	p2 =	seq.s32 @!p0 s5, $0x0  }
0x1f: {  	s9 =	smul.u32 $0xF7A, s1;
	s8 =	simm.s32 @!p0 $0x1BF5;
	p2 =	por !p2, p0  }
0x20: {  	[sflag:s8] =	ssyncset.s32 @!p0 $0xFFFFF086;
	s6 =	sadd.s32 @!p0 s3, s7;
	s7 =	simm.s32 @!p0 $0x108  }
0x21: {  	s3 =	sadd.s32 s3, s9;
	s6 =	sadd.s32 @!p0 $0x88, s6;
	s7 =	simm.s32 @p2 $0x1082  }
0x22: {  	[simem:s7], [sflag:s8] =	dma.local @!p0 [hbm:s6], $0xF7A  }
0x23: {  	s9 =	sor.u32 $0xD0000000, s2;
	s6 =	simm.s32 $0x108;
	_ =	swait.ge @!p0 [sflag:s8], $0x0  }
0x24: {  	s3 =	sadd.s32 $0x88, s3;
	s6 =	simm.s32 @!p1 $0x1082;
	[sflag:s4] =	ssyncset.s32 $0xFFFFF086  }
0x25: {  	[simem:s6], [sflag:s4] =	dma.local [hbm:s3], $0xF7A  }
0x26: {  	[smem:$0x3F92] =	sst s1;
	(tag) =	ssettag s2;
	_ =	strace s9  }
0x27: {  	s1 =	sld [smem:$0x3FA2]  }
0x28: {  	s2 =	sld [smem:$0x3FA3]  }
0x29: {  	s4 =	sld [smem:$0x3FA5]  }
0x2a: {  	p0 =	seq.s32 s5, $0x0;
	s5 =	sld [smem:$0x3FA6]  }
0x2b: {  	s6 =	sld [smem:$0x3FA7]  }
0x2c: {  	s7 =	sld [smem:$0x3FA8]  }
0x2d: {  	s3 =	simm.s32 $0x108;
	s8 =	sld [smem:$0x3FA9]  }
0x2e: {  	s3 =	simm.s32 @!p0 $0x1082;
	s9 =	sld [smem:$0x3FAA]  }
0x2f: {  	lr =	sadd.s32 s0, s3;
	s0 =	sld [smem:$0x3FA1]  }
0x30: {  	s3 =	sld [smem:$0x3FA4]  }
0x31: {  	[smem:$0x3FAD] =	sst s10  }
0x32: {  	s10 =	sld [smem:$0x3FAB];
	_ =	sdelay $0x3  }
0x33: {  	p0 =	seq.s32 s10, $0x1;
	s10 =	sld [smem:$0x3FAD];
	_ =	sdelay $0x3  }
0x34: {  	[smem:$0x3FAD] =	sst s10  }
0x35: {  	s10 =	sld [smem:$0x3FAC];
	_ =	sdelay $0x3  }
0x36: {  	p1 =	seq.s32 s10, $0x1;
	s10 =	sld [smem:$0x3FAD];
	_ =	sdelay $0x3  }
0x37: {  	[smem:$0x3FAD] =	sst s10  }
0x38: {  	s10 =	sld [smem:$0x3FAE]  }
0x39: {  	_ = 	snop;
	(pc) =	sbr.ind lr, $3  }
0x3a: {  	_ = 	snop  }
0x3b: {  	_ = 	snop  }
0x3c: {  	p2 =	seq.s32 s10, $0x1;
	s10 =	sld [smem:$0x3FAD]  }
0x3d: {  	_ =	shalt  }
0x3e: {  	_ =	shalt  }
0x3f: {  	_ =	shalt  }
0x40: {  	_ =	shalt  }
0x41: {  	_ =	shalt  }
0x42: {  	_ =	shalt  }
0x43: {  	_ =	shalt  }
0x44: {  	_ =	shalt  }
0x45: {  	_ =	shalt  }
0x46: {  	_ =	shalt  }
0x47: {  	_ =	shalt  }
0x48: {  	_ =	shalt  }
0x49: {  	_ =	shalt  }
0x4a: {  	_ =	shalt  }
0x4b: {  	_ =	shalt  }
0x4c: {  	_ =	shalt  }
0x4d: {  	_ =	shalt  }
0x4e: {  	_ =	shalt  }
0x4f: {  	_ =	shalt  }
0x50: {  	_ =	shalt  }
0x51: {  	_ =	shalt  }
0x52: {  	_ =	shalt  }
0x53: {  	_ =	shalt  }
0x54: {  	_ =	shalt  }
0x55: {  	_ =	shalt  }
0x56: {  	_ =	shalt  }
0x57: {  	_ =	shalt  }
0x58: {  	_ =	shalt  }
0x59: {  	_ =	shalt  }
0x5a: {  	_ =	shalt  }
0x5b: {  	_ =	shalt  }
0x5c: {  	_ =	shalt  }
0x5d: {  	_ =	shalt  }
0x5e: {  	_ =	shalt  }
0x5f: {  	_ =	shalt  }
0x60: {  	_ =	shalt  }
0x61: {  	_ =	shalt  }
0x62: {  	_ =	shalt  }
0x63: {  	_ =	shalt  }
0x64: {  	_ =	shalt  }
0x65: {  	_ =	shalt  }
0x66: {  	_ =	shalt  }
0x67: {  	_ =	shalt  }
0x68: {  	_ =	shalt  }
0x69: {  	_ =	shalt  }
0x6a: {  	_ =	shalt  }
0x6b: {  	_ =	shalt  }
0x6c: {  	_ =	shalt  }
0x6d: {  	_ =	shalt  }
0x6e: {  	_ =	shalt  }
0x6f: {  	_ =	shalt  }
0x70: {  	_ =	shalt  }
0x71: {  	_ =	shalt  }
0x72: {  	_ =	shalt  }
0x73: {  	_ =	shalt  }
0x74: {  	_ =	shalt  }
0x75: {  	_ =	shalt  }
0x76: {  	_ =	shalt  }
0x77: {  	_ =	shalt  }
0x78: {  	_ =	shalt  }
0x79: {  	_ =	shalt  }
0x7a: {  	_ =	shalt  }
0x7b: {  	_ =	shalt  }
0x7c: {  	_ =	shalt  }
0x7d: {  	_ =	shalt  }
0x7e: {  	_ =	shalt  }
0x7f: {  	_ =	shalt  }
0x80: {  	_ =	shalt  }
0x81: {  	_ =	shalt  }
0x82: {  	_ =	shalt  }
0x83: {  	_ =	shalt  }
0x84: {  	_ =	shalt  }
0x85: {  	_ =	shalt  }
0x86: {  	_ =	shalt  }
0x87: {  	_ =	shalt  }
.Lfunc_end0:
.L_simem_size_0:
called_computation.3_lowered:
.L_overlay_start_0:
0x88: {  	s2 =	sld [smem:$0x3FD9]  }
0x89: {  	s3 =	sld [smem:$0x3FFE];
	_ =	sdelay $0x1  }
0x8a: {  	s1 =	srdreg.scid  }
0x8b: {  	s0 =	sand.u32 $0x1, s1  }
0x8c: {  	s16 =	sshll.u32 s0, $0xA;
	s2 =	sadd.s32 s3, s2  }
0x8d: {  	s2 =	sadd.s32 s2, s16  }
0x8e: {  	[smem:$0x3FB9] =	sst s2  }
0x8f: {  	_ = 	snop  }
0x90: {  	(tm) =	ssettm $0x1  }
0x91: {  	s17 =	sld [smem:$0x3FFB];
	_ =	sdelay $0x3  }
0x92: {  	_ =	strace s17  }
0x93: {  	s2 =	sld [smem:$0x3FFC];
	_ =	sdelay $0x3  }
0x94: {  	_ =	strace s2  }
0x95: {  	s2 =	sld [smem:$0x3FFD];
	_ =	sdelay $0x3  }
0x96: {  	_ =	strace s2  }
0x97: {  	_ =	strace $0x8FFFFFFF  }
0x98: {  	s18 =	sld [smem:$0x3FDB];
	_ =	sdelay $0x1  }
0x99: {  	s19 =	simm.s32 $_scs_section_size  }
0x9a: {  	s4 =	simm.s32 $_size__tile_overlayer_lowered;
	s5 =	simm.s32 $_tile_overlayer_lowered  }
0x9b: {  	s22 =	simm.s32 $0x1BFF;
	s21 =	sshll.u32 s5, $0x1;
	s2 =	sadd.s32 s19, s18  }
0x9c: {  	s6 =	simm.s32 $0x0;
	s20 =	sshll.u32 s4, $0x1;
	s4 =	sadd.s32 s21, s2  }
0x9d: {  	[timem:s6], [sflag:s22] =	dma.local [hbm:s4], s20  }
0x9e: {  	_ =	swait.ge [sflag:s22], s20  }
0x9f: {  	s3 =	ssub.s32 $0x0, s20;
	[sflag:s22] =	ssyncset.done $0x0  }
0xa0: {  	[sflag:s22] =	ssyncadd.s32 s3;
	_ =	sdelay $0x1  }
0xa1: {  	s23 =	simm.s32 $0x1B8B  }
0xa2: {  	_ =	swait.ge [sflag:s23], $0x1  }
0xa3: {  	[sflag:s23] =	ssyncset.done $0x0  }
0xa4: {  	s25 =	simm.s32 $0x1B8E;
	s24 =	sld [smem:$0x3FFE];
	[sflag:s23] =	ssyncadd.s32 $0xFFFFFFFF  }
0xa5: {  	s26 =	simm.s32 $execute0_lowered;
	[smem:$0x3FD2] =	sst s25  }
0xa6: {  	s4 =	sshll.u32 s26, $0x1;
	_ =	strace $0x8000004F;
	[dreg:$0x1] =	wrdreg $0xFFFFFFFF  }
0xa7: {  	s28 =	simm.s32 $_size_execute0_lowered;
	s2 =	sadd.s32 s2, s4;
	[dreg:$0x0] =	wrdreg $0x0  }
0xa8: {  	s4 =	sshll.u32 s28, $0x1;
	[dreg:$0x2] =	wrdreg s2  }
0xa9: {  	[dreg:$0x3] =	wrdreg s4  }
0xaa: {  	[dreg:$0x4] =	wrdreg $0xC0  }
0xab: {  	_ =	task [dreg:s6], $0x5FFFF  }
0xac: {  	[dreg:$0x1] =	wrdreg $0xFFFFFFFF  }
0xad: {  	[dreg:$0x0] =	wrdreg $0x60  }
0xae: {  	[dreg:$0x2] =	wrdreg s24  }
0xaf: {  	[dreg:$0x3] =	wrdreg $0xA8000  }
0xb0: {  	[dreg:$0x4] =	wrdreg $0x9  }
0xb1: {  	_ =	task.clear_ibuf [dreg:s6], $0x5FFFF;
	_ =	strace $0x9000004F  }
0xb2: {  	s29 =	simm.s32 $0x9;
	_ =	strace $0x80000051  }
0xb3: {  	_ =	swait.ge [sflag:s29], $0x1  }
0xb4: {  	[sflag:s29] =	ssyncadd.s32 $0xFFFFFFFF  }
0xb5: {  	_ =	strace $0x90000051  }
0xb6: {  	_ =	sfence  }
0xb7: {  	s30 =	sld [smem:$0x0];
	_ =	sdelay $0x2  }
0xb8: {  	s31 =	sshll.u32 s1, $0xD;
	s1 =	sshrl.u32 s1, $0x2  }
0xb9: {  	s3 =	sand.u32 $0x4000, s31;
	s1 =	sadd.s32 s1, s30  }
0xba: {  	s0 =	sor.u32 s3, s0;
	s1 =	sshll.u32 s1, $0x11  }
0xbb: {  	s0 =	sor.u32 s1, s0  }
0xbc: {  	s0 =	sadd.s32 $0x8F2B, s0  }
0xbd: {  	[sflag:s0] =	ssyncadd.remote.s32 $0x1  }
0xbe: {  	_ =	sfence.sel $0xFFFF  }
0xbf: {  	[dreg:$0x0] =	wrdreg $0xFFFFFFFF;
	(pc) =	sbr.abs _section_cstart, $3  }
0xc0: {  	[dreg:$0x1] =	wrdreg $0xFFFFFFFF  }
0xc1: {  	_ =	task.clear_ibuf [dreg:s6], $0x2FFFF;
	_ =	strace $0x9FFFFFFF  }
0xc2: {  	(tm) =	ssettm $0x7FFFFFFF  }
0xc3: {  	_ =	shalt  }
tec
execute0_lowered:
.L_overlay_start_1:
0x0: {  	(tag) =	ssettag $0x1  }
0x1: {  	s1 =	srdreg.scid  }
0x2: {  	s0 =	stileid.u32;
	s5 =	rddreg [dreg:$0x0]  }
0x3: {  	s2 =	rddreg [dreg:$0x1];
	s3 =	simm.s32 $0x0;
	s13 =	simm.s32 $0x80  }
0x4: {  	s14 =	simm.s32 $0x2800;
	s15 =	simm.s32 $0x6800;
	s16 =	simm.s32 $0x1  }
0x5: {  	s17 =	simm.s32 $0x2;
	s18 =	simm.s32 $0x2700;
	s19 =	simm.s32 $0x2780  }
0x6: {  	s6 =	sand.u32 $0x1, s1;
	s28 =	sshll.u32 s0, $0x1;
	s1 =	rddreg [dreg:$0x2]  }
0x7: {  	[smem:$0x7FF] =	sst s3;
	s8 =	smul.u32 $0x14000, s0;
	s31 =	sshll.u32 s0, $0x6  }
0x8: {  	s4 =	sor.u32 s6, s28;
	_ =	strace $0x80000050;
	s9 =	smul.u32 $0x28000, s6  }
0x9: {  	s6 =	ssub.s32 $0x2, s6;
	s7 =	smul.u32 $0x280, s4;
	s4 =	sadd.s32 $0x15C000, s5  }
0xa: {  	s20 =	sshrl.u32 s8, $0x3;
	s30 =	sshrl.u32 s6, $0x1;
	s12 =	sadd.s32 s8, s2  }
0xb: {  	s29 =	sadd.s32 s20, s5;
	s9 =	sadd.s32 s9, s5;
	s11 =	ssub.s32 s6, s30  }
0xc: {  	s6 =	sor.u32 $0x1C03, s31;
	s10 =	sadd.s32 s7, s5;
	s5 =	sadd.s32 $0x1FC000, s29  }
0xd: {  	s21 =	sadd.s32 $0x224000, s9;
	s9 =	smax.u32 s11, $0x1;
	s11 =	simm.s32 $0x3  }
0xe: {  	s7 =	sadd.s32 $0xD000, s10;
	s8 =	sadd.s32 $0x8000, s10;
	s10 =	sshrl.u32 s12, $0x3  }
0xf: {  	s12 =	simm.s32 $0x1400;
	s20 =	sadd.s32 s20, s21;
	s21 =	simm.s32 $0x0  }
.LBB2_1:
0x10: {  	[spmem:s10], [sflag:s6] =	dma.local [hbm:s5], $0x2800  }
0x11: {  	_ =	swait.ge [sflag:s11], $0x2800  }
0x12: {  	[sflag:s11] =	ssyncset.done $0x0  }
0x13: {  	[sflag:s11] =	ssyncadd.s32 $0xFFFFD800  }
0x14: {  	[bflag:$0x0] =	sbarrier.arrive $0xFFFF  }
0x15: {  	[tilespmem:s3], [sflag:$0x3] =	stream.linear.gather [hbm4b:s7+s3], $0x1400, $0x38;
	[tilespmem:$0x1E800] =	vst v63  }
0x16: {  	_ =	swait.ge [sflag:s11], $0x1400  }
0x17: {  	[sflag:s11] =	ssyncset.done $0x0  }
0x18: {  	[sflag:s11] =	ssyncadd.s32 $0xFFFFEC00  }
0x19: {  	[tilespmem:s12], [sflag:$0x3] =	stream.linear.gather [hbm4b:s8+s3], $0x1400, $0x38;
	[tilespmem:$0x1E800] =	vst v63  }
0x1a: {  	_ =	swait.ge [sflag:s11], $0x1400  }
0x1b: {  	[sflag:s11] =	ssyncset.done $0x0  }
0x1c: {  	[sflag:s11] =	ssyncadd.s32 $0xFFFFEC00  }
0x1d: {  	[tilespmem:s14], [sflag:$0x1] =	stream.indirect.gather [hbm4b:s4+s13], $0x80, s3, s13, $0xb8;
	[tilespmem:$0x1E800] =	vst v63  }
0x1e: {  	_ = 	snop  }
0x1f: {  	[tilespmem:s15], [sflag:$0x2] =	stream.indirect.gather [hbm4b:s4+s13], $0x80, s13, s13, $0xb8;
	[tilespmem:$0x1E800] =	vst v63  }
0x20: {  	_ =	swait.ge [sflag:s16], $0x4000  }
0x21: {  	[sflag:s16] =	ssyncset.done $0x0  }
0x22: {  	s22 =	simm.s32 $0x1400;
	[sflag:s16] =	ssyncadd.s32 $0xFFFFC000  }
0x23: {  	[spmem:s2] =	stream.indirect.scatter.add.f32 [tilespmem:s14], [sflag:$0x3], $0x80, s22, s13, $0xb8;
	[tilespmem:$0x1E800] =	vst v63  }
0x24: {  	_ =	swait.ge [sflag:s11], $0x4000  }
0x25: {  	[sflag:s11] =	ssyncset.done $0x0  }
0x26: {  	s30 =	simm.s32 $0x100;
	[sflag:s11] =	ssyncadd.s32 $0xFFFFC000  }
0x27: {  	[tilespmem:s14], [sflag:$0x1] =	stream.indirect.gather [hbm4b:s4+s13], $0x80, s30, s13, $0xb8;
	[tilespmem:$0x1E800] =	vst v63  }
0x28: {  	_ =	swait.ge [sflag:s17], $0x4000  }
0x29: {  	[sflag:s17] =	ssyncset.done $0x0  }
0x2a: {  	s31 =	simm.s32 $0x1480;
	[sflag:s17] =	ssyncadd.s32 $0xFFFFC000  }
0x2b: {  	[spmem:s2] =	stream.indirect.scatter.add.f32 [tilespmem:s15], [sflag:$0x3], $0x80, s31, s13, $0xb8;
	[tilespmem:$0x1E800] =	vst v63  }
0x2c: {  	_ =	swait.ge [sflag:s11], $0x4000  }
0x2d: {  	[sflag:s11] =	ssyncset.done $0x0  }
0x2e: {  	s23 =	simm.s32 $0x180;
	s22 =	simm.s32 $0x400;
	[sflag:s11] =	ssyncadd.s32 $0xFFFFC000  }
.LBB2_2:
0x2f: {  	[tilespmem:s15], [sflag:$0x2] =	stream.indirect.gather [hbm4b:s4+s13], $0x80, s23, s13, $0xb8;
	[tilespmem:$0x1E800] =	vst v63  }
0x30: {  	s23 =	smov.u32 s22  }
0x31: {  	p0 =	sne.s32 s22, $0x4800;
	s22 =	sadd.s32 $0x400, s22;
	_ =	swait.ge [sflag:s16], $0x4000  }
0x32: {  	s23 =	sshra.s32 s23, $0x2;
	[sflag:s16] =	ssyncset.done $0x0  }
0x33: {  	s24 =	sadd.s32 $0x1400, s23;
	[sflag:s16] =	ssyncadd.s32 $0xFFFFC000  }
0x34: {  	[spmem:s2] =	stream.indirect.scatter.add.f32 [tilespmem:s14], [sflag:$0x3], $0x80, s24, s13, $0xb8;
	[tilespmem:$0x1E800] =	vst v63  }
0x35: {  	_ =	swait.ge [sflag:s11], $0x4000  }
0x36: {  	[sflag:s11] =	ssyncset.done $0x0  }
0x37: {  	s24 =	sadd.s32 $0x100, s23;
	[sflag:s11] =	ssyncadd.s32 $0xFFFFC000  }
0x38: {  	[tilespmem:s14], [sflag:$0x1] =	stream.indirect.gather [hbm4b:s4+s13], $0x80, s24, s13, $0xb8;
	[tilespmem:$0x1E800] =	vst v63  }
0x39: {  	_ =	swait.ge [sflag:s17], $0x4000  }
0x3a: {  	[sflag:s17] =	ssyncset.done $0x0  }
.Ltmp0:
0x3b: {  	s24 =	sadd.s32 $0x1480, s23;
	[sflag:s17] =	ssyncadd.s32 $0xFFFFC000;
	(pc) =	sbr.rel @p0 .LBB2_2-.Ltmp0, $4  }
0x3c: {  	[spmem:s2] =	stream.indirect.scatter.add.f32 [tilespmem:s15], [sflag:$0x3], $0x80, s24, s13, $0xb8;
	[tilespmem:$0x1E800] =	vst v63  }
0x3d: {  	_ =	swait.ge [sflag:s11], $0x4000  }
0x3e: {  	[sflag:s11] =	ssyncset.done $0x0  }
0x3f: {  	s23 =	sadd.s32 $0x180, s23;
	[sflag:s11] =	ssyncadd.s32 $0xFFFFC000  }
0x40: {  	[tilespmem:s15], [sflag:$0x2] =	stream.indirect.gather [hbm4b:s4+s13], $0x80, s23, s13, $0xb8;
	[tilespmem:$0x1E800] =	vst v63  }
0x41: {  	_ =	swait.ge [sflag:s16], $0x4000  }
0x42: {  	[sflag:s16] =	ssyncset.done $0x0  }
0x43: {  	[sflag:s16] =	ssyncadd.s32 $0xFFFFC000  }
0x44: {  	[spmem:s2] =	stream.indirect.scatter.add.f32 [tilespmem:s14], [sflag:$0x3], $0x80, s18, s13, $0xb8;
	[tilespmem:$0x1E800] =	vst v63  }
0x45: {  	_ =	swait.ge [sflag:s11], $0x4000  }
0x46: {  	[sflag:s11] =	ssyncset.done $0x0  }
0x47: {  	[sflag:s11] =	ssyncadd.s32 $0xFFFFC000  }
0x48: {  	_ =	swait.ge [sflag:s17], $0x4000  }
0x49: {  	[sflag:s17] =	ssyncset.done $0x0  }
0x4a: {  	[sflag:s17] =	ssyncadd.s32 $0xFFFFC000  }
0x4b: {  	[spmem:s2] =	stream.indirect.scatter.add.f32 [tilespmem:s15], [sflag:$0x3], $0x80, s19, s13, $0xb8;
	[tilespmem:$0x1E800] =	vst v63  }
0x4c: {  	_ =	swait.ge [sflag:s11], $0x4000  }
0x4d: {  	s21 =	sadd.s32 $0x1, s21;
	[sflag:s11] =	ssyncset.done $0x0  }
0x4e: {  	p0 =	sne.s32 s21, s9;
	[sflag:s11] =	ssyncadd.s32 $0xFFFFC000  }
.Ltmp1:
0x4f: {  	[bflag:$0x0] =	sbarrier.arrive $0xFFFF;
	(pc) =	sbr.rel @p0 .LBB2_1-.Ltmp1, $4  }
0x50: {  	[hbm:s20], [sflag:s6] =	dma.local [spmem:s10], $0x2800  }
0x51: {  	_ =	swait.ge [sflag:s11], $0x2800  }
0x52: {  	[sflag:s11] =	ssyncset.done $0x0  }
0x53: {  	[sflag:s11] =	ssyncadd.s32 $0xFFFFD800  }
0x54: {  	_ =	sfence.sel $0x180000  }
0x55: {  	[bflag:$0x0] =	sbarrier.arrive $0xFFFF  }
0x56: {  	p0 =	sne.s32 s0, $0x0;
	_ =	strace $0x90000050  }
0x57: {  	s0 =	sadd.s32 @!p0 $0x100000, s1;
	[bflag:$0x2] =	sbarrier.arrive $0xFFFF  }
0x58: {  	[sflag:s0] =	ssyncadd.tile.s32 @!p0 $0x1;
	_ =	shalt  }
.Lfunc_end2:
_tile_overlayer_lowered:
.L_overlay_start_2:
0x59: {  	(tag) =	ssettag $0x2  }
0x5a: {  	s0 =	rddreg [dreg:$0x0];
	s2 =	stileid.u32  }
0x5b: {  	s1 =	rddreg [dreg:$0x1];
	p0 =	sne.s32 s2, $0x0  }
0x5c: {  	s3 =	rddreg [dreg:$0x2];
	[bflag:$0x3] =	sbarrier.arrive $0xFFFF;
	s2 =	simm.s32 @!p0 $0x1C03  }
0x5d: {  	[timem:s3], [sflag:s2] =	dma.local @!p0 [hbm:s0], s1  }
0x5e: {  	s0 =	simm.s32 @!p0 $0x3  }
0x5f: {  	_ =	swait.ge @!p0 [sflag:s0], s1  }
0x60: {  	s1 =	ssub.s32 @!p0 $0x0, s1;
	[sflag:s0] =	ssyncset.done @!p0 $0x0  }
0x61: {  	[sflag:s0] =	ssyncadd.s32 @!p0 s1  }
0x62: {  	[bflag:$0x3] =	sbarrier.arrive $0xFFFF  }
0x63: {  	_ =	shalt  }

// kernel: kernel.35.cloned.1.call-start
scs
__scs_entry_jumppad:
0x0: {  	(pc) =	sbr.rel $0x88, $3  }
0x1: {  	(tag) =	ssettag $0x0;
	lr =	simm.s32 $0x1  }
0x2: {  	[smem:$0x3F92] =	sst lr;
	_ =	strace $0xD0000000  }
0x3: {  	_ = 	snop  }
0x4: {  	_ = 	snop  }
0x5: {  	_ = 	snop  }
0x6: {  	_ = 	snop  }
0x7: {  	_ = 	snop  }
__scs_overlays_trampoline_lowered:
0x8: {  	[smem:$0x3FA1] =	sst s0  }
0x9: {  	[smem:$0x3FA2] =	sst s1  }
0xa: {  	[smem:$0x3FA3] =	sst s2  }
0xb: {  	[smem:$0x3FA4] =	sst s3  }
0xc: {  	[smem:$0x3FA5] =	sst s4  }
0xd: {  	[smem:$0x3FA6] =	sst s5  }
0xe: {  	[smem:$0x3FA7] =	sst s6  }
0xf: {  	[smem:$0x3FA8] =	sst s7  }
0x10: {  	[smem:$0x3FA9] =	sst s8  }
0x11: {  	[smem:$0x3FAA] =	sst s9;
	s0 =	simm.s32 @!p0 $0x0  }
0x12: {  	s1 =	sld [smem:$0x3F90];
	s0 =	simm.s32 @p0 $0x1  }
0x13: {  	[smem:$0x3FAB] =	sst s0;
	s0 =	simm.s32 @!p1 $0x0  }
0x14: {  	s2 =	sld [smem:$0x3F8F];
	s0 =	simm.s32 @p1 $0x1  }
0x15: {  	[smem:$0x3FAC] =	sst s0;
	s0 =	simm.s32 @!p2 $0x0  }
0x16: {  	s3 =	sld [smem:$0x3FDB];
	s0 =	simm.s32 @p2 $0x1  }
0x17: {  	s4 =	simm.s32 $0x1BF5;
	[smem:$0x3FAE] =	sst s0  }
0x18: {  	s0 =	sld [smem:$0x3F91];
	_ =	swait.ge [sflag:s4], $0x0  }
0x19: {  	s7 =	sld [smem:$0x3F92]  }
0x1a: {  	s8 =	sadd.s32 $0xFFFFE003, lr  }
0x1b: {  	s9 =	sadd.s32 $0xFFFFFEF7, lr;
	s5 =	simm.s32 $0xFFFFFFFF;
	p2 =	slt.u32 s8, $0xFFFFF086  }
0x1c: {  	p1 =	slt.u32 s9, $0xF7A;
	s5 =	simm.s32 @!p2 $0x0  }
0x1d: {  	s5 =	simm.s32 @p1 $0x1;
	p0 =	seq.s32 s7, s2  }
0x1e: {  	s7 =	smul.u32 @!p0 $0xF7A, s2;
	p2 =	seq.s32 @!p0 s5, $0x0  }
0x1f: {  	s9 =	smul.u32 $0xF7A, s1;
	s8 =	simm.s32 @!p0 $0x1BF5;
	p2 =	por !p2, p0  }
0x20: {  	[sflag:s8] =	ssyncset.s32 @!p0 $0xFFFFF086;
	s6 =	sadd.s32 @!p0 s3, s7;
	s7 =	simm.s32 @!p0 $0x108  }
0x21: {  	s3 =	sadd.s32 s3, s9;
	s6 =	sadd.s32 @!p0 $0x88, s6;
	s7 =	simm.s32 @p2 $0x1082  }
0x22: {  	[simem:s7], [sflag:s8] =	dma.local @!p0 [hbm:s6], $0xF7A  }
0x23: {  	s9 =	sor.u32 $0xD0000000, s2;
	s6 =	simm.s32 $0x108;
	_ =	swait.ge @!p0 [sflag:s8], $0x0  }
0x24: {  	s3 =	sadd.s32 $0x88, s3;
	s6 =	simm.s32 @!p1 $0x1082;
	[sflag:s4] =	ssyncset.s32 $0xFFFFF086  }
0x25: {  	[simem:s6], [sflag:s4] =	dma.local [hbm:s3], $0xF7A  }
0x26: {  	[smem:$0x3F92] =	sst s1;
	(tag) =	ssettag s2;
	_ =	strace s9  }
0x27: {  	s1 =	sld [smem:$0x3FA2]  }
0x28: {  	s2 =	sld [smem:$0x3FA3]  }
0x29: {  	s4 =	sld [smem:$0x3FA5]  }
0x2a: {  	p0 =	seq.s32 s5, $0x0;
	s5 =	sld [smem:$0x3FA6]  }
0x2b: {  	s6 =	sld [smem:$0x3FA7]  }
0x2c: {  	s7 =	sld [smem:$0x3FA8]  }
0x2d: {  	s3 =	simm.s32 $0x108;
	s8 =	sld [smem:$0x3FA9]  }
0x2e: {  	s3 =	simm.s32 @!p0 $0x1082;
	s9 =	sld [smem:$0x3FAA]  }
0x2f: {  	lr =	sadd.s32 s0, s3;
	s0 =	sld [smem:$0x3FA1]  }
0x30: {  	s3 =	sld [smem:$0x3FA4]  }
0x31: {  	[smem:$0x3FAD] =	sst s10  }
0x32: {  	s10 =	sld [smem:$0x3FAB];
	_ =	sdelay $0x3  }
0x33: {  	p0 =	seq.s32 s10, $0x1;
	s10 =	sld [smem:$0x3FAD];
	_ =	sdelay $0x3  }
0x34: {  	[smem:$0x3FAD] =	sst s10  }
0x35: {  	s10 =	sld [smem:$0x3FAC];
	_ =	sdelay $0x3  }
0x36: {  	p1 =	seq.s32 s10, $0x1;
	s10 =	sld [smem:$0x3FAD];
	_ =	sdelay $0x3  }
0x37: {  	[smem:$0x3FAD] =	sst s10  }
0x38: {  	s10 =	sld [smem:$0x3FAE]  }
0x39: {  	_ = 	snop;
	(pc) =	sbr.ind lr, $3  }
0x3a: {  	_ = 	snop  }
0x3b: {  	_ = 	snop  }
0x3c: {  	p2 =	seq.s32 s10, $0x1;
	s10 =	sld [smem:$0x3FAD]  }
0x3d: {  	_ =	shalt  }
0x3e: {  	_ =	shalt  }
0x3f: {  	_ =	shalt  }
0x40: {  	_ =	shalt  }
0x41: {  	_ =	shalt  }
0x42: {  	_ =	shalt  }
0x43: {  	_ =	shalt  }
0x44: {  	_ =	shalt  }
0x45: {  	_ =	shalt  }
0x46: {  	_ =	shalt  }
0x47: {  	_ =	shalt  }
0x48: {  	_ =	shalt  }
0x49: {  	_ =	shalt  }
0x4a: {  	_ =	shalt  }
0x4b: {  	_ =	shalt  }
0x4c: {  	_ =	shalt  }
0x4d: {  	_ =	shalt  }
0x4e: {  	_ =	shalt  }
0x4f: {  	_ =	shalt  }
0x50: {  	_ =	shalt  }
0x51: {  	_ =	shalt  }
0x52: {  	_ =	shalt  }
0x53: {  	_ =	shalt  }
0x54: {  	_ =	shalt  }
0x55: {  	_ =	shalt  }
0x56: {  	_ =	shalt  }
0x57: {  	_ =	shalt  }
0x58: {  	_ =	shalt  }
0x59: {  	_ =	shalt  }
0x5a: {  	_ =	shalt  }
0x5b: {  	_ =	shalt  }
0x5c: {  	_ =	shalt  }
0x5d: {  	_ =	shalt  }
0x5e: {  	_ =	shalt  }
0x5f: {  	_ =	shalt  }
0x60: {  	_ =	shalt  }
0x61: {  	_ =	shalt  }
0x62: {  	_ =	shalt  }
0x63: {  	_ =	shalt  }
0x64: {  	_ =	shalt  }
0x65: {  	_ =	shalt  }
0x66: {  	_ =	shalt  }
0x67: {  	_ =	shalt  }
0x68: {  	_ =	shalt  }
0x69: {  	_ =	shalt  }
0x6a: {  	_ =	shalt  }
0x6b: {  	_ =	shalt  }
0x6c: {  	_ =	shalt  }
0x6d: {  	_ =	shalt  }
0x6e: {  	_ =	shalt  }
0x6f: {  	_ =	shalt  }
0x70: {  	_ =	shalt  }
0x71: {  	_ =	shalt  }
0x72: {  	_ =	shalt  }
0x73: {  	_ =	shalt  }
0x74: {  	_ =	shalt  }
0x75: {  	_ =	shalt  }
0x76: {  	_ =	shalt  }
0x77: {  	_ =	shalt  }
0x78: {  	_ =	shalt  }
0x79: {  	_ =	shalt  }
0x7a: {  	_ =	shalt  }
0x7b: {  	_ =	shalt  }
0x7c: {  	_ =	shalt  }
0x7d: {  	_ =	shalt  }
0x7e: {  	_ =	shalt  }
0x7f: {  	_ =	shalt  }
0x80: {  	_ =	shalt  }
0x81: {  	_ =	shalt  }
0x82: {  	_ =	shalt  }
0x83: {  	_ =	shalt  }
0x84: {  	_ =	shalt  }
0x85: {  	_ =	shalt  }
0x86: {  	_ =	shalt  }
0x87: {  	_ =	shalt  }
.Lfunc_end0:
.L_simem_size_0:
called_computation.4_lowered:
.L_overlay_start_0:
0x88: {  	s2 =	sld [smem:$0x3FD9]  }
0x89: {  	s3 =	sld [smem:$0x3FFE];
	_ =	sdelay $0x1  }
0x8a: {  	s1 =	srdreg.scid  }
0x8b: {  	s0 =	sand.u32 $0x1, s1  }
0x8c: {  	s17 =	sshll.u32 s0, $0xA;
	s2 =	sadd.s32 s3, s2  }
0x8d: {  	s2 =	sadd.s32 s2, s17  }
0x8e: {  	[smem:$0x3FB9] =	sst s2  }
0x8f: {  	_ = 	snop  }
0x90: {  	s2 =	sld [smem:$0x3FD0];
	(tm) =	ssettm $0x1  }
0x91: {  	s18 =	sld [smem:$0x3FFB];
	_ =	sdelay $0x3  }
0x92: {  	_ =	strace s18  }
0x93: {  	s3 =	sld [smem:$0x3FFC];
	_ =	sdelay $0x3  }
0x94: {  	_ =	strace s3  }
0x95: {  	s3 =	sld [smem:$0x3FFD];
	_ =	sdelay $0x3  }
0x96: {  	_ =	strace s3  }
0x97: {  	_ =	strace $0x8FFFFFFF  }
0x98: {  	s19 =	sld [smem:$0x3FDB];
	_ =	sdelay $0x1  }
0x99: {  	s4 =	simm.s32 $_scs_section_size  }
0x9a: {  	s5 =	simm.s32 $_size__tile_overlayer_lowered;
	s6 =	simm.s32 $_tile_overlayer_lowered  }
0x9b: {  	s22 =	simm.s32 $0x1BFF;
	s21 =	sshll.u32 s6, $0x1;
	s3 =	sadd.s32 s4, s19  }
0x9c: {  	s7 =	simm.s32 $0x0;
	s20 =	sshll.u32 s5, $0x1;
	s5 =	sadd.s32 s21, s3  }
0x9d: {  	[timem:s7], [sflag:s22] =	dma.local [hbm:s5], s20  }
0x9e: {  	_ =	swait.ge [sflag:s22], s20  }
0x9f: {  	s4 =	ssub.s32 $0x0, s20;
	[sflag:s22] =	ssyncset.done $0x0  }
0xa0: {  	[sflag:s22] =	ssyncadd.s32 s4;
	_ =	sdelay $0x1  }
0xa1: {  	s23 =	simm.s32 $0x1B8B  }
0xa2: {  	_ =	swait.ge [sflag:s23], $0x1  }
0xa3: {  	[sflag:s23] =	ssyncset.done $0x0  }
0xa4: {  	s25 =	simm.s32 $0x1B8E;
	s24 =	sld [smem:$0x3FFE];
	[sflag:s23] =	ssyncadd.s32 $0xFFFFFFFF  }
0xa5: {  	s26 =	simm.s32 $execute0_lowered;
	[smem:$0x3FD2] =	sst s25  }
0xa6: {  	s5 =	sshll.u32 s26, $0x1;
	_ =	strace $0x80000052;
	[dreg:$0x1] =	wrdreg $0xFFFFFFFF  }
0xa7: {  	s28 =	simm.s32 $_size_execute0_lowered;
	s3 =	sadd.s32 s3, s5;
	[dreg:$0x0] =	wrdreg $0x0  }
0xa8: {  	s5 =	sshll.u32 s28, $0x1;
	[dreg:$0x2] =	wrdreg s3  }
0xa9: {  	[dreg:$0x3] =	wrdreg s5  }
0xaa: {  	[dreg:$0x4] =	wrdreg $0xC0  }
0xab: {  	_ =	task [dreg:s7], $0x5FFFF  }
0xac: {  	[dreg:$0x1] =	wrdreg $0xFFFFFFFF  }
0xad: {  	[dreg:$0x0] =	wrdreg $0x60  }
0xae: {  	[dreg:$0x2] =	wrdreg s24  }
0xaf: {  	[dreg:$0x3] =	wrdreg s2  }
0xb0: {  	[dreg:$0x4] =	wrdreg $0x48000  }
0xb1: {  	[dreg:$0x5] =	wrdreg $0x9  }
0xb2: {  	_ =	task.clear_ibuf [dreg:s7], $0x6FFFF;
	_ =	strace $0x90000052  }
0xb3: {  	s29 =	simm.s32 $0x9;
	_ =	strace $0x80000054  }
0xb4: {  	_ =	swait.ge [sflag:s29], $0x1  }
0xb5: {  	[sflag:s29] =	ssyncadd.s32 $0xFFFFFFFF  }
0xb6: {  	_ =	strace $0x90000054  }
0xb7: {  	_ =	sfence  }
0xb8: {  	s30 =	sld [smem:$0x0];
	_ =	sdelay $0x2  }
0xb9: {  	s31 =	sshll.u32 s1, $0xD;
	s1 =	sshrl.u32 s1, $0x2  }
0xba: {  	s3 =	sand.u32 $0x4000, s31;
	s1 =	sadd.s32 s1, s30  }
0xbb: {  	s0 =	sor.u32 s3, s0;
	s1 =	sshll.u32 s1, $0x11  }
0xbc: {  	s0 =	sor.u32 s1, s0  }
0xbd: {  	s0 =	sadd.s32 $0x8F2B, s0  }
0xbe: {  	[sflag:s0] =	ssyncadd.remote.s32 $0x1  }
0xbf: {  	_ =	sfence.sel $0xFFFF  }
0xc0: {  	[dreg:$0x0] =	wrdreg $0xFFFFFFFF;
	(pc) =	sbr.abs _section_cstart, $3  }
0xc1: {  	[dreg:$0x1] =	wrdreg $0xFFFFFFFF  }
0xc2: {  	_ =	task.clear_ibuf [dreg:s7], $0x2FFFF;
	_ =	strace $0x9FFFFFFF  }
0xc3: {  	(tm) =	ssettm $0x7FFFFFFF  }
tec
execute0_lowered:
.L_overlay_start_1:
0x0: {  	(tag) =	ssettag $0x1  }
0x1: {  	s0 =	rddreg [dreg:$0x0]  }
0x2: {  	s9 =	rddreg [dreg:$0x1]  }
0x3: {  	s2 =	rddreg [dreg:$0x2];
	s4 =	srdreg.scid  }
0x4: {  	s1 =	stileid.u32;
	s3 =	simm.s32 $0x0;
	s14 =	simm.s32 $0x2800  }
0x5: {  	s15 =	simm.s32 $0x3000;
	s16 =	simm.s32 $0x100;
	s17 =	simm.s32 $0x3800  }
0x6: {  	s18 =	simm.s32 $0x180;
	s19 =	simm.s32 $0x4000;
	s20 =	simm.s32 $0x1  }
0x7: {  	s21 =	simm.s32 $0x2;
	s22 =	simm.s32 $0x3;
	s23 =	simm.s32 $0x4  }
0x8: {  	s28 =	simm.s32 $0x2700;
	s29 =	simm.s32 $0x2780;
	s30 =	simm.s32 $0x0  }
0x9: {  	s5 =	sand.u32 $0x1, s4;
	s24 =	sshll.u32 s1, $0x1;
	[smem:$0x7FF] =	sst s3  }
0xa: {  	s6 =	smul.u32 $0x2800, s1;
	s26 =	sshll.u32 s1, $0x6;
	s4 =	sor.u32 s5, s24  }
0xb: {  	_ =	strace $0x80000053;
	s8 =	ssub.s32 $0x2, s5;
	s12 =	smul.u32 $0x5000, s5  }
0xc: {  	s7 =	smul.u32 $0x280, s4;
	s4 =	sadd.s32 $0x12000, s0;
	s24 =	sshrl.u32 s6, $0x3  }
0xd: {  	s25 =	sshrl.u32 s8, $0x1;
	s13 =	sadd.s32 s6, s2;
	s6 =	sor.u32 $0x1C05, s26  }
0xe: {  	s26 =	simm.s32 $0x2680;
	s11 =	ssub.s32 s8, s25;
	s31 =	sadd.s32 s9, s12  }
0xf: {  	s12 =	simm.s32 $0x1400;
	s25 =	simm.s32 $0x2600;
	s10 =	sadd.s32 s7, s0  }
0x10: {  	s0 =	sadd.s32 s24, s0;
	s9 =	smax.u32 s11, $0x1;
	s11 =	simm.s32 $0x5  }
0x11: {  	s24 =	sadd.s32 s24, s31;
	s5 =	sadd.s32 $0x17000, s0;
	s7 =	sadd.s32 $0xD000, s10  }
0x12: {  	s8 =	sadd.s32 $0x8000, s10;
	s10 =	sshrl.u32 s13, $0x3;
	s13 =	simm.s32 $0x80  }
.LBB2_1:
0x13: {  	[spmem:s10], [sflag:s6] =	dma.local [hbm:s5], $0x500  }
0x14: {  	_ =	swait.ge [sflag:s11], $0x500  }
0x15: {  	[sflag:s11] =	ssyncset.done $0x0  }
0x16: {  	[sflag:s11] =	ssyncadd.s32 $0xFFFFFB00  }
0x17: {  	[bflag:$0x0] =	sbarrier.arrive $0xFFFF  }
0x18: {  	[tilespmem:s3], [sflag:$0x5] =	stream.linear.gather [hbm4b:s7+s3], $0x1400, $0x38;
	[tilespmem:$0x7000] =	vst v63  }
0x19: {  	_ =	swait.ge [sflag:s11], $0x1400  }
0x1a: {  	[sflag:s11] =	ssyncset.done $0x0  }
0x1b: {  	[sflag:s11] =	ssyncadd.s32 $0xFFFFEC00  }
0x1c: {  	[tilespmem:s12], [sflag:$0x5] =	stream.linear.gather [hbm4b:s8+s3], $0x1400, $0x38;
	[tilespmem:$0x7000] =	vst v63  }
0x1d: {  	_ =	swait.ge [sflag:s11], $0x1400  }
0x1e: {  	[sflag:s11] =	ssyncset.done $0x0  }
0x1f: {  	[sflag:s11] =	ssyncadd.s32 $0xFFFFEC00  }
0x20: {  	[tilespmem:s14], [sflag:$0x1] =	stream.indirect.gather [hbm4b:s4+s13], $0x10, s3, s13, $0xb8;
	[tilespmem:$0x7000] =	vst v63  }
0x21: {  	_ = 	snop  }
0x22: {  	[tilespmem:s15], [sflag:$0x2] =	stream.indirect.gather [hbm4b:s4+s13], $0x10, s13, s13, $0xb8;
	[tilespmem:$0x7000] =	vst v63  }
0x23: {  	_ = 	snop  }
0x24: {  	[tilespmem:s17], [sflag:$0x3] =	stream.indirect.gather [hbm4b:s4+s13], $0x10, s16, s13, $0xb8;
	[tilespmem:$0x7000] =	vst v63  }
0x25: {  	_ = 	snop  }
0x26: {  	[tilespmem:s19], [sflag:$0x4] =	stream.indirect.gather [hbm4b:s4+s13], $0x10, s18, s13, $0xb8;
	[tilespmem:$0x7000] =	vst v63  }
0x27: {  	_ =	swait.ge [sflag:s20], $0x800  }
0x28: {  	[sflag:s20] =	ssyncset.done $0x0  }
0x29: {  	s0 =	simm.s32 $0x1400;
	[sflag:s20] =	ssyncadd.s32 $0xFFFFF800  }
0x2a: {  	[spmem:s2] =	stream.indirect.scatter.add.f32 [tilespmem:s14], [sflag:$0x5], $0x10, s0, s13, $0xb8;
	[tilespmem:$0x7000] =	vst v63  }
0x2b: {  	_ =	swait.ge [sflag:s11], $0x800  }
0x2c: {  	[sflag:s11] =	ssyncset.done $0x0  }
0x2d: {  	s1 =	simm.s32 $0x200;
	[sflag:s11] =	ssyncadd.s32 $0xFFFFF800  }
0x2e: {  	[tilespmem:s14], [sflag:$0x1] =	stream.indirect.gather [hbm4b:s4+s13], $0x10, s1, s13, $0xb8;
	[tilespmem:$0x7000] =	vst v63  }
0x2f: {  	_ =	swait.ge [sflag:s21], $0x800  }
0x30: {  	[sflag:s21] =	ssyncset.done $0x0  }
0x31: {  	s1 =	simm.s32 $0x1480;
	[sflag:s21] =	ssyncadd.s32 $0xFFFFF800  }
0x32: {  	[spmem:s2] =	stream.indirect.scatter.add.f32 [tilespmem:s15], [sflag:$0x5], $0x10, s1, s13, $0xb8;
	[tilespmem:$0x7000] =	vst v63  }
0x33: {  	_ =	swait.ge [sflag:s11], $0x800  }
0x34: {  	[sflag:s11] =	ssyncset.done $0x0  }
0x35: {  	s1 =	simm.s32 $0x280;
	[sflag:s11] =	ssyncadd.s32 $0xFFFFF800  }
0x36: {  	[tilespmem:s15], [sflag:$0x2] =	stream.indirect.gather [hbm4b:s4+s13], $0x10, s1, s13, $0xb8;
	[tilespmem:$0x7000] =	vst v63  }
0x37: {  	_ =	swait.ge [sflag:s22], $0x800  }
0x38: {  	[sflag:s22] =	ssyncset.done $0x0  }
0x39: {  	s1 =	simm.s32 $0x1500;
	[sflag:s22] =	ssyncadd.s32 $0xFFFFF800  }
0x3a: {  	[spmem:s2] =	stream.indirect.scatter.add.f32 [tilespmem:s17], [sflag:$0x5], $0x10, s1, s13, $0xb8;
	[tilespmem:$0x7000] =	vst v63  }
0x3b: {  	_ =	swait.ge [sflag:s11], $0x800  }
0x3c: {  	[sflag:s11] =	ssyncset.done $0x0  }
0x3d: {  	s1 =	simm.s32 $0x300;
	[sflag:s11] =	ssyncadd.s32 $0xFFFFF800  }
0x3e: {  	[tilespmem:s17], [sflag:$0x3] =	stream.indirect.gather [hbm4b:s4+s13], $0x10, s1, s13, $0xb8;
	[tilespmem:$0x7000] =	vst v63  }
0x3f: {  	_ =	swait.ge [sflag:s23], $0x800  }
0x40: {  	[sflag:s23] =	ssyncset.done $0x0  }
0x41: {  	s1 =	simm.s32 $0x1580;
	[sflag:s23] =	ssyncadd.s32 $0xFFFFF800  }
0x42: {  	[spmem:s2] =	stream.indirect.scatter.add.f32 [tilespmem:s19], [sflag:$0x5], $0x10, s1, s13, $0xb8;
	[tilespmem:$0x7000] =	vst v63  }
0x43: {  	_ =	swait.ge [sflag:s11], $0x800  }
0x44: {  	[sflag:s11] =	ssyncset.done $0x0  }
0x45: {  	s31 =	simm.s32 $0x800;
	s0 =	simm.s32 $0x380;
	[sflag:s11] =	ssyncadd.s32 $0xFFFFF800  }
.LBB2_2:
0x46: {  	[tilespmem:s19], [sflag:$0x4] =	stream.indirect.gather [hbm4b:s4+s13], $0x10, s0, s13, $0xb8;
	[tilespmem:$0x7000] =	vst v63  }
0x47: {  	s0 =	smov.u32 s31  }
0x48: {  	p0 =	sne.s32 s31, $0x4000;
	s31 =	sadd.s32 $0x800, s31;
	_ =	swait.ge [sflag:s20], $0x800  }
0x49: {  	s0 =	sshra.s32 s0, $0x2;
	[sflag:s20] =	ssyncset.done $0x0  }
0x4a: {  	s1 =	sadd.s32 $0x1400, s0;
	[sflag:s20] =	ssyncadd.s32 $0xFFFFF800  }
0x4b: {  	[spmem:s2] =	stream.indirect.scatter.add.f32 [tilespmem:s14], [sflag:$0x5], $0x10, s1, s13, $0xb8;
	[tilespmem:$0x7000] =	vst v63  }
0x4c: {  	_ =	swait.ge [sflag:s11], $0x800  }
0x4d: {  	[sflag:s11] =	ssyncset.done $0x0  }
0x4e: {  	s1 =	sadd.s32 $0x200, s0;
	[sflag:s11] =	ssyncadd.s32 $0xFFFFF800  }
0x4f: {  	[tilespmem:s14], [sflag:$0x1] =	stream.indirect.gather [hbm4b:s4+s13], $0x10, s1, s13, $0xb8;
	[tilespmem:$0x7000] =	vst v63  }
0x50: {  	_ =	swait.ge [sflag:s21], $0x800  }
0x51: {  	[sflag:s21] =	ssyncset.done $0x0  }
0x52: {  	s1 =	sadd.s32 $0x1480, s0;
	[sflag:s21] =	ssyncadd.s32 $0xFFFFF800  }
0x53: {  	[spmem:s2] =	stream.indirect.scatter.add.f32 [tilespmem:s15], [sflag:$0x5], $0x10, s1, s13, $0xb8;
	[tilespmem:$0x7000] =	vst v63  }
0x54: {  	_ =	swait.ge [sflag:s11], $0x800  }
0x55: {  	[sflag:s11] =	ssyncset.done $0x0  }
0x56: {  	s1 =	sadd.s32 $0x280, s0;
	[sflag:s11] =	ssyncadd.s32 $0xFFFFF800  }
0x57: {  	[tilespmem:s15], [sflag:$0x2] =	stream.indirect.gather [hbm4b:s4+s13], $0x10, s1, s13, $0xb8;
	[tilespmem:$0x7000] =	vst v63  }
0x58: {  	_ =	swait.ge [sflag:s22], $0x800  }
0x59: {  	[sflag:s22] =	ssyncset.done $0x0  }
0x5a: {  	s1 =	sadd.s32 $0x1500, s0;
	[sflag:s22] =	ssyncadd.s32 $0xFFFFF800  }
0x5b: {  	[spmem:s2] =	stream.indirect.scatter.add.f32 [tilespmem:s17], [sflag:$0x5], $0x10, s1, s13, $0xb8;
	[tilespmem:$0x7000] =	vst v63  }
0x5c: {  	_ =	swait.ge [sflag:s11], $0x800  }
0x5d: {  	[sflag:s11] =	ssyncset.done $0x0  }
0x5e: {  	s1 =	sadd.s32 $0x300, s0;
	[sflag:s11] =	ssyncadd.s32 $0xFFFFF800  }
0x5f: {  	[tilespmem:s17], [sflag:$0x3] =	stream.indirect.gather [hbm4b:s4+s13], $0x10, s1, s13, $0xb8;
	[tilespmem:$0x7000] =	vst v63  }
0x60: {  	_ =	swait.ge [sflag:s23], $0x800  }
0x61: {  	[sflag:s23] =	ssyncset.done $0x0  }
.Ltmp0:
0x62: {  	s1 =	sadd.s32 $0x1580, s0;
	[sflag:s23] =	ssyncadd.s32 $0xFFFFF800;
	(pc) =	sbr.rel @p0 .LBB2_2-.Ltmp0, $4  }
0x63: {  	[spmem:s2] =	stream.indirect.scatter.add.f32 [tilespmem:s19], [sflag:$0x5], $0x10, s1, s13, $0xb8;
	[tilespmem:$0x7000] =	vst v63  }
0x64: {  	_ =	swait.ge [sflag:s11], $0x800  }
0x65: {  	[sflag:s11] =	ssyncset.done $0x0  }
0x66: {  	s0 =	sadd.s32 $0x380, s0;
	[sflag:s11] =	ssyncadd.s32 $0xFFFFF800  }
0x67: {  	[tilespmem:s19], [sflag:$0x4] =	stream.indirect.gather [hbm4b:s4+s13], $0x10, s0, s13, $0xb8;
	[tilespmem:$0x7000] =	vst v63  }
0x68: {  	_ =	swait.ge [sflag:s20], $0x800  }
0x69: {  	[sflag:s20] =	ssyncset.done $0x0  }
0x6a: {  	[sflag:s20] =	ssyncadd.s32 $0xFFFFF800  }
0x6b: {  	[spmem:s2] =	stream.indirect.scatter.add.f32 [tilespmem:s14], [sflag:$0x5], $0x10, s25, s13, $0xb8;
	[tilespmem:$0x7000] =	vst v63  }
0x6c: {  	_ =	swait.ge [sflag:s11], $0x800  }
0x6d: {  	[sflag:s11] =	ssyncset.done $0x0  }
0x6e: {  	[sflag:s11] =	ssyncadd.s32 $0xFFFFF800  }
0x6f: {  	_ =	swait.ge [sflag:s21], $0x800  }
0x70: {  	[sflag:s21] =	ssyncset.done $0x0  }
0x71: {  	[sflag:s21] =	ssyncadd.s32 $0xFFFFF800  }
0x72: {  	[spmem:s2] =	stream.indirect.scatter.add.f32 [tilespmem:s15], [sflag:$0x5], $0x10, s26, s13, $0xb8;
	[tilespmem:$0x7000] =	vst v63  }
0x73: {  	_ =	swait.ge [sflag:s11], $0x800  }
0x74: {  	[sflag:s11] =	ssyncset.done $0x0  }
0x75: {  	[sflag:s11] =	ssyncadd.s32 $0xFFFFF800  }
0x76: {  	_ =	swait.ge [sflag:s22], $0x800  }
0x77: {  	[sflag:s22] =	ssyncset.done $0x0  }
0x78: {  	[sflag:s22] =	ssyncadd.s32 $0xFFFFF800  }
0x79: {  	[spmem:s2] =	stream.indirect.scatter.add.f32 [tilespmem:s17], [sflag:$0x5], $0x10, s28, s13, $0xb8;
	[tilespmem:$0x7000] =	vst v63  }
0x7a: {  	_ =	swait.ge [sflag:s11], $0x800  }
0x7b: {  	[sflag:s11] =	ssyncset.done $0x0  }
0x7c: {  	[sflag:s11] =	ssyncadd.s32 $0xFFFFF800  }
0x7d: {  	_ =	swait.ge [sflag:s23], $0x800  }
0x7e: {  	[sflag:s23] =	ssyncset.done $0x0  }
0x7f: {  	[sflag:s23] =	ssyncadd.s32 $0xFFFFF800  }
0x80: {  	[spmem:s2] =	stream.indirect.scatter.add.f32 [tilespmem:s19], [sflag:$0x5], $0x10, s29, s13, $0xb8;
	[tilespmem:$0x7000] =	vst v63  }
0x81: {  	_ =	swait.ge [sflag:s11], $0x800  }
0x82: {  	s30 =	sadd.s32 $0x1, s30;
	[sflag:s11] =	ssyncset.done $0x0  }
0x83: {  	p0 =	sne.s32 s30, s9;
	[sflag:s11] =	ssyncadd.s32 $0xFFFFF800  }
.Ltmp1:
0x84: {  	[bflag:$0x0] =	sbarrier.arrive $0xFFFF;
	(pc) =	sbr.rel @p0 .LBB2_1-.Ltmp1, $4  }
0x85: {  	[hbm:s24], [sflag:s6] =	dma.local [spmem:s10], $0x500  }
0x86: {  	_ =	swait.ge [sflag:s11], $0x500  }
0x87: {  	[sflag:s11] =	ssyncset.done $0x0  }
0x88: {  	[sflag:s11] =	ssyncadd.s32 $0xFFFFFB00  }
0x89: {  	_ =	sfence.sel $0x180000  }
0x8a: {  	[bflag:$0x0] =	sbarrier.arrive $0xFFFF  }
0x8b: {  	_ =	strace $0x90000053  }
0x8c: {  	s0 =	stileid.u32;
	[bflag:$0x2] =	sbarrier.arrive $0xFFFF  }
0x8d: {  	p0 =	sne.s32 s0, $0x0;
	s0 =	rddreg [dreg:$0x3]  }
0x8e: {  	s0 =	sadd.s32 @!p0 $0x100000, s0  }
0x8f: {  	[sflag:s0] =	ssyncadd.tile.s32 @!p0 $0x1;
	_ =	shalt  }
.Lfunc_end2:
_tile_overlayer_lowered:
.L_overlay_start_2:
0x90: {  	(tag) =	ssettag $0x2  }
0x91: {  	s0 =	rddreg [dreg:$0x0];
	s2 =	stileid.u32  }
0x92: {  	s1 =	rddreg [dreg:$0x1];
	p0 =	sne.s32 s2, $0x0  }
0x93: {  	s3 =	rddreg [dreg:$0x2];
	[bflag:$0x3] =	sbarrier.arrive $0xFFFF;
	s2 =	simm.s32 @!p0 $0x1C05  }
0x94: {  	[timem:s3], [sflag:s2] =	dma.local @!p0 [hbm:s0], s1  }
0x95: {  	s0 =	simm.s32 @!p0 $0x5  }
0x96: {  	_ =	swait.ge @!p0 [sflag:s0], s1  }
0x97: {  	s1 =	ssub.s32 @!p0 $0x0, s1;
	[sflag:s0] =	ssyncset.done @!p0 $0x0  }
0x98: {  	[sflag:s0] =	ssyncadd.s32 @!p0 s1  }
0x99: {  	[bflag:$0x3] =	sbarrier.arrive $0xFFFF  }
0x9a: {  	_ =	shalt  }

// kernel: kernel.38.cloned.1.call-start
scs
__scs_entry_jumppad:
0x0: {  	(pc) =	sbr.rel $0x88, $3  }
0x1: {  	(tag) =	ssettag $0x0;
	lr =	simm.s32 $0x1  }
0x2: {  	[smem:$0x3F92] =	sst lr;
	_ =	strace $0xD0000000  }
0x3: {  	_ = 	snop  }
0x4: {  	_ = 	snop  }
0x5: {  	_ = 	snop  }
0x6: {  	_ = 	snop  }
0x7: {  	_ = 	snop  }
__scs_overlays_trampoline_lowered:
0x8: {  	[smem:$0x3FA1] =	sst s0  }
0x9: {  	[smem:$0x3FA2] =	sst s1  }
0xa: {  	[smem:$0x3FA3] =	sst s2  }
0xb: {  	[smem:$0x3FA4] =	sst s3  }
0xc: {  	[smem:$0x3FA5] =	sst s4  }
0xd: {  	[smem:$0x3FA6] =	sst s5  }
0xe: {  	[smem:$0x3FA7] =	sst s6  }
0xf: {  	[smem:$0x3FA8] =	sst s7  }
0x10: {  	[smem:$0x3FA9] =	sst s8  }
0x11: {  	[smem:$0x3FAA] =	sst s9;
	s0 =	simm.s32 @!p0 $0x0  }
0x12: {  	s1 =	sld [smem:$0x3F90];
	s0 =	simm.s32 @p0 $0x1  }
0x13: {  	[smem:$0x3FAB] =	sst s0;
	s0 =	simm.s32 @!p1 $0x0  }
0x14: {  	s2 =	sld [smem:$0x3F8F];
	s0 =	simm.s32 @p1 $0x1  }
0x15: {  	[smem:$0x3FAC] =	sst s0;
	s0 =	simm.s32 @!p2 $0x0  }
0x16: {  	s3 =	sld [smem:$0x3FDB];
	s0 =	simm.s32 @p2 $0x1  }
0x17: {  	s4 =	simm.s32 $0x1BF5;
	[smem:$0x3FAE] =	sst s0  }
0x18: {  	s0 =	sld [smem:$0x3F91];
	_ =	swait.ge [sflag:s4], $0x0  }
0x19: {  	s7 =	sld [smem:$0x3F92]  }
0x1a: {  	s8 =	sadd.s32 $0xFFFFE003, lr  }
0x1b: {  	s9 =	sadd.s32 $0xFFFFFEF7, lr;
	s5 =	simm.s32 $0xFFFFFFFF;
	p2 =	slt.u32 s8, $0xFFFFF086  }
0x1c: {  	p1 =	slt.u32 s9, $0xF7A;
	s5 =	simm.s32 @!p2 $0x0  }
0x1d: {  	s5 =	simm.s32 @p1 $0x1;
	p0 =	seq.s32 s7, s2  }
0x1e: {  	s7 =	smul.u32 @!p0 $0xF7A, s2;
	p2 =	seq.s32 @!p0 s5, $0x0  }
0x1f: {  	s9 =	smul.u32 $0xF7A, s1;
	s8 =	simm.s32 @!p0 $0x1BF5;
	p2 =	por !p2, p0  }
0x20: {  	[sflag:s8] =	ssyncset.s32 @!p0 $0xFFFFF086;
	s6 =	sadd.s32 @!p0 s3, s7;
	s7 =	simm.s32 @!p0 $0x108  }
0x21: {  	s3 =	sadd.s32 s3, s9;
	s6 =	sadd.s32 @!p0 $0x88, s6;
	s7 =	simm.s32 @p2 $0x1082  }
0x22: {  	[simem:s7], [sflag:s8] =	dma.local @!p0 [hbm:s6], $0xF7A  }
0x23: {  	s9 =	sor.u32 $0xD0000000, s2;
	s6 =	simm.s32 $0x108;
	_ =	swait.ge @!p0 [sflag:s8], $0x0  }
0x24: {  	s3 =	sadd.s32 $0x88, s3;
	s6 =	simm.s32 @!p1 $0x1082;
	[sflag:s4] =	ssyncset.s32 $0xFFFFF086  }
0x25: {  	[simem:s6], [sflag:s4] =	dma.local [hbm:s3], $0xF7A  }
0x26: {  	[smem:$0x3F92] =	sst s1;
	(tag) =	ssettag s2;
	_ =	strace s9  }
0x27: {  	s1 =	sld [smem:$0x3FA2]  }
0x28: {  	s2 =	sld [smem:$0x3FA3]  }
0x29: {  	s4 =	sld [smem:$0x3FA5]  }
0x2a: {  	p0 =	seq.s32 s5, $0x0;
	s5 =	sld [smem:$0x3FA6]  }
0x2b: {  	s6 =	sld [smem:$0x3FA7]  }
0x2c: {  	s7 =	sld [smem:$0x3FA8]  }
0x2d: {  	s3 =	simm.s32 $0x108;
	s8 =	sld [smem:$0x3FA9]  }
0x2e: {  	s3 =	simm.s32 @!p0 $0x1082;
	s9 =	sld [smem:$0x3FAA]  }
0x2f: {  	lr =	sadd.s32 s0, s3;
	s0 =	sld [smem:$0x3FA1]  }
0x30: {  	s3 =	sld [smem:$0x3FA4]  }
0x31: {  	[smem:$0x3FAD] =	sst s10  }
0x32: {  	s10 =	sld [smem:$0x3FAB];
	_ =	sdelay $0x3  }
0x33: {  	p0 =	seq.s32 s10, $0x1;
	s10 =	sld [smem:$0x3FAD];
	_ =	sdelay $0x3  }
0x34: {  	[smem:$0x3FAD] =	sst s10  }
0x35: {  	s10 =	sld [smem:$0x3FAC];
	_ =	sdelay $0x3  }
0x36: {  	p1 =	seq.s32 s10, $0x1;
	s10 =	sld [smem:$0x3FAD];
	_ =	sdelay $0x3  }
0x37: {  	[smem:$0x3FAD] =	sst s10  }
0x38: {  	s10 =	sld [smem:$0x3FAE]  }
0x39: {  	_ = 	snop;
	(pc) =	sbr.ind lr, $3  }
0x3a: {  	_ = 	snop  }
0x3b: {  	_ = 	snop  }
0x3c: {  	p2 =	seq.s32 s10, $0x1;
	s10 =	sld [smem:$0x3FAD]  }
0x3d: {  	_ =	shalt  }
0x3e: {  	_ =	shalt  }
0x3f: {  	_ =	shalt  }
0x40: {  	_ =	shalt  }
0x41: {  	_ =	shalt  }
0x42: {  	_ =	shalt  }
0x43: {  	_ =	shalt  }
0x44: {  	_ =	shalt  }
0x45: {  	_ =	shalt  }
0x46: {  	_ =	shalt  }
0x47: {  	_ =	shalt  }
0x48: {  	_ =	shalt  }
0x49: {  	_ =	shalt  }
0x4a: {  	_ =	shalt  }
0x4b: {  	_ =	shalt  }
0x4c: {  	_ =	shalt  }
0x4d: {  	_ =	shalt  }
0x4e: {  	_ =	shalt  }
0x4f: {  	_ =	shalt  }
0x50: {  	_ =	shalt  }
0x51: {  	_ =	shalt  }
0x52: {  	_ =	shalt  }
0x53: {  	_ =	shalt  }
0x54: {  	_ =	shalt  }
0x55: {  	_ =	shalt  }
0x56: {  	_ =	shalt  }
0x57: {  	_ =	shalt  }
0x58: {  	_ =	shalt  }
0x59: {  	_ =	shalt  }
0x5a: {  	_ =	shalt  }
0x5b: {  	_ =	shalt  }
0x5c: {  	_ =	shalt  }
0x5d: {  	_ =	shalt  }
0x5e: {  	_ =	shalt  }
0x5f: {  	_ =	shalt  }
0x60: {  	_ =	shalt  }
0x61: {  	_ =	shalt  }
0x62: {  	_ =	shalt  }
0x63: {  	_ =	shalt  }
0x64: {  	_ =	shalt  }
0x65: {  	_ =	shalt  }
0x66: {  	_ =	shalt  }
0x67: {  	_ =	shalt  }
0x68: {  	_ =	shalt  }
0x69: {  	_ =	shalt  }
0x6a: {  	_ =	shalt  }
0x6b: {  	_ =	shalt  }
0x6c: {  	_ =	shalt  }
0x6d: {  	_ =	shalt  }
0x6e: {  	_ =	shalt  }
0x6f: {  	_ =	shalt  }
0x70: {  	_ =	shalt  }
0x71: {  	_ =	shalt  }
0x72: {  	_ =	shalt  }
0x73: {  	_ =	shalt  }
0x74: {  	_ =	shalt  }
0x75: {  	_ =	shalt  }
0x76: {  	_ =	shalt  }
0x77: {  	_ =	shalt  }
0x78: {  	_ =	shalt  }
0x79: {  	_ =	shalt  }
0x7a: {  	_ =	shalt  }
0x7b: {  	_ =	shalt  }
0x7c: {  	_ =	shalt  }
0x7d: {  	_ =	shalt  }
0x7e: {  	_ =	shalt  }
0x7f: {  	_ =	shalt  }
0x80: {  	_ =	shalt  }
0x81: {  	_ =	shalt  }
0x82: {  	_ =	shalt  }
0x83: {  	_ =	shalt  }
0x84: {  	_ =	shalt  }
0x85: {  	_ =	shalt  }
0x86: {  	_ =	shalt  }
0x87: {  	_ =	shalt  }
.Lfunc_end0:
.L_simem_size_0:
called_computation.5_lowered:
.L_overlay_start_0:
0x88: {  	s2 =	sld [smem:$0x3FD9]  }
0x89: {  	s3 =	sld [smem:$0x3FFE];
	_ =	sdelay $0x1  }
0x8a: {  	s1 =	srdreg.scid  }
0x8b: {  	s0 =	sand.u32 $0x1, s1  }
0x8c: {  	s16 =	sshll.u32 s0, $0xA;
	s2 =	sadd.s32 s3, s2  }
0x8d: {  	s2 =	sadd.s32 s2, s16  }
0x8e: {  	[smem:$0x3FB9] =	sst s2  }
0x8f: {  	_ = 	snop  }
0x90: {  	(tm) =	ssettm $0x1  }
0x91: {  	s17 =	sld [smem:$0x3FFB];
	_ =	sdelay $0x3  }
0x92: {  	_ =	strace s17  }
0x93: {  	s2 =	sld [smem:$0x3FFC];
	_ =	sdelay $0x3  }
0x94: {  	_ =	strace s2  }
0x95: {  	s2 =	sld [smem:$0x3FFD];
	_ =	sdelay $0x3  }
0x96: {  	_ =	strace s2  }
0x97: {  	_ =	strace $0x8FFFFFFF  }
0x98: {  	s18 =	sld [smem:$0x3FDB];
	_ =	sdelay $0x1  }
0x99: {  	s19 =	simm.s32 $_scs_section_size  }
0x9a: {  	s4 =	simm.s32 $_size__tile_overlayer_lowered;
	s5 =	simm.s32 $_tile_overlayer_lowered  }
0x9b: {  	s22 =	simm.s32 $0x1BFF;
	s21 =	sshll.u32 s5, $0x1;
	s2 =	sadd.s32 s19, s18  }
0x9c: {  	s6 =	simm.s32 $0x0;
	s20 =	sshll.u32 s4, $0x1;
	s4 =	sadd.s32 s21, s2  }
0x9d: {  	[timem:s6], [sflag:s22] =	dma.local [hbm:s4], s20  }
0x9e: {  	_ =	swait.ge [sflag:s22], s20  }
0x9f: {  	s3 =	ssub.s32 $0x0, s20;
	[sflag:s22] =	ssyncset.done $0x0  }
0xa0: {  	[sflag:s22] =	ssyncadd.s32 s3;
	_ =	sdelay $0x1  }
0xa1: {  	s23 =	simm.s32 $0x1B8B  }
0xa2: {  	_ =	swait.ge [sflag:s23], $0x1  }
0xa3: {  	[sflag:s23] =	ssyncset.done $0x0  }
0xa4: {  	s25 =	simm.s32 $0x1B8E;
	s24 =	sld [smem:$0x3FFE];
	[sflag:s23] =	ssyncadd.s32 $0xFFFFFFFF  }
0xa5: {  	s26 =	simm.s32 $execute0_lowered;
	[smem:$0x3FD2] =	sst s25  }
0xa6: {  	s4 =	sshll.u32 s26, $0x1;
	_ =	strace $0x80000055;
	[dreg:$0x1] =	wrdreg $0xFFFFFFFF  }
0xa7: {  	s28 =	simm.s32 $_size_execute0_lowered;
	s2 =	sadd.s32 s2, s4;
	[dreg:$0x0] =	wrdreg $0x0  }
0xa8: {  	s4 =	sshll.u32 s28, $0x1;
	[dreg:$0x2] =	wrdreg s2  }
0xa9: {  	[dreg:$0x3] =	wrdreg s4  }
0xaa: {  	[dreg:$0x4] =	wrdreg $0xC0  }
0xab: {  	_ =	task [dreg:s6], $0x5FFFF  }
0xac: {  	[dreg:$0x1] =	wrdreg $0xFFFFFFFF  }
0xad: {  	[dreg:$0x0] =	wrdreg $0x60  }
0xae: {  	[dreg:$0x2] =	wrdreg s24  }
0xaf: {  	[dreg:$0x3] =	wrdreg $0xA8000  }
0xb0: {  	[dreg:$0x4] =	wrdreg $0x9  }
0xb1: {  	_ =	task.clear_ibuf [dreg:s6], $0x5FFFF;
	_ =	strace $0x90000055  }
0xb2: {  	s29 =	simm.s32 $0x9;
	_ =	strace $0x80000057  }
0xb3: {  	_ =	swait.ge [sflag:s29], $0x1  }
0xb4: {  	[sflag:s29] =	ssyncadd.s32 $0xFFFFFFFF  }
0xb5: {  	_ =	strace $0x90000057  }
0xb6: {  	_ =	sfence  }
0xb7: {  	s30 =	sld [smem:$0x0];
	_ =	sdelay $0x2  }
0xb8: {  	s31 =	sshll.u32 s1, $0xD;
	s1 =	sshrl.u32 s1, $0x2  }
0xb9: {  	s3 =	sand.u32 $0x4000, s31;
	s1 =	sadd.s32 s1, s30  }
0xba: {  	s0 =	sor.u32 s3, s0;
	s1 =	sshll.u32 s1, $0x11  }
0xbb: {  	s0 =	sor.u32 s1, s0  }
0xbc: {  	s0 =	sadd.s32 $0x8F2B, s0  }
0xbd: {  	[sflag:s0] =	ssyncadd.remote.s32 $0x1  }
0xbe: {  	_ =	sfence.sel $0xFFFF  }
0xbf: {  	[dreg:$0x0] =	wrdreg $0xFFFFFFFF;
	(pc) =	sbr.abs _section_cstart, $3  }
0xc0: {  	[dreg:$0x1] =	wrdreg $0xFFFFFFFF  }
0xc1: {  	_ =	task.clear_ibuf [dreg:s6], $0x2FFFF;
	_ =	strace $0x9FFFFFFF  }
0xc2: {  	(tm) =	ssettm $0x7FFFFFFF  }
0xc3: {  	_ =	shalt  }
tec
execute0_lowered:
.L_overlay_start_1:
0x0: {  	(tag) =	ssettag $0x1  }
0x1: {  	s1 =	srdreg.scid  }
0x2: {  	s0 =	stileid.u32;
	s5 =	rddreg [dreg:$0x0]  }
0x3: {  	s2 =	rddreg [dreg:$0x1];
	s3 =	simm.s32 $0x0;
	s13 =	simm.s32 $0x80  }
0x4: {  	s14 =	simm.s32 $0x2800;
	s15 =	simm.s32 $0x6800;
	s16 =	simm.s32 $0x1  }
0x5: {  	s17 =	simm.s32 $0x2;
	s18 =	simm.s32 $0x2700;
	s19 =	simm.s32 $0x2780  }
0x6: {  	s6 =	sand.u32 $0x1, s1;
	s28 =	sshll.u32 s0, $0x1;
	s1 =	rddreg [dreg:$0x2]  }
0x7: {  	[smem:$0x7FF] =	sst s3;
	s8 =	smul.u32 $0x14000, s0;
	s31 =	sshll.u32 s0, $0x6  }
0x8: {  	s4 =	sor.u32 s6, s28;
	_ =	strace $0x80000056;
	s9 =	smul.u32 $0x28000, s6  }
0x9: {  	s6 =	ssub.s32 $0x2, s6;
	s7 =	smul.u32 $0x280, s4;
	s4 =	sadd.s32 $0x15C000, s5  }
0xa: {  	s20 =	sshrl.u32 s8, $0x3;
	s30 =	sshrl.u32 s6, $0x1;
	s12 =	sadd.s32 s8, s2  }
0xb: {  	s29 =	sadd.s32 s20, s5;
	s9 =	sadd.s32 s9, s5;
	s11 =	ssub.s32 s6, s30  }
0xc: {  	s6 =	sor.u32 $0x1C03, s31;
	s10 =	sadd.s32 s7, s5;
	s5 =	sadd.s32 $0x1FC000, s29  }
0xd: {  	s21 =	sadd.s32 $0x2C4000, s9;
	s9 =	smax.u32 s11, $0x1;
	s11 =	simm.s32 $0x3  }
0xe: {  	s7 =	sadd.s32 $0xD000, s10;
	s8 =	sadd.s32 $0x8000, s10;
	s10 =	sshrl.u32 s12, $0x3  }
0xf: {  	s12 =	simm.s32 $0x1400;
	s20 =	sadd.s32 s20, s21;
	s21 =	simm.s32 $0x0  }
.LBB2_1:
0x10: {  	[spmem:s10], [sflag:s6] =	dma.local [hbm:s5], $0x2800  }
0x11: {  	_ =	swait.ge [sflag:s11], $0x2800  }
0x12: {  	[sflag:s11] =	ssyncset.done $0x0  }
0x13: {  	[sflag:s11] =	ssyncadd.s32 $0xFFFFD800  }
0x14: {  	[bflag:$0x0] =	sbarrier.arrive $0xFFFF  }
0x15: {  	[tilespmem:s3], [sflag:$0x3] =	stream.linear.gather [hbm4b:s7+s3], $0x1400, $0x38;
	[tilespmem:$0x1E800] =	vst v63  }
0x16: {  	_ =	swait.ge [sflag:s11], $0x1400  }
0x17: {  	[sflag:s11] =	ssyncset.done $0x0  }
0x18: {  	[sflag:s11] =	ssyncadd.s32 $0xFFFFEC00  }
0x19: {  	[tilespmem:s12], [sflag:$0x3] =	stream.linear.gather [hbm4b:s8+s3], $0x1400, $0x38;
	[tilespmem:$0x1E800] =	vst v63  }
0x1a: {  	_ =	swait.ge [sflag:s11], $0x1400  }
0x1b: {  	[sflag:s11] =	ssyncset.done $0x0  }
0x1c: {  	[sflag:s11] =	ssyncadd.s32 $0xFFFFEC00  }
0x1d: {  	[tilespmem:s14], [sflag:$0x1] =	stream.indirect.gather [hbm4b:s4+s13], $0x80, s3, s13, $0xb8;
	[tilespmem:$0x1E800] =	vst v63  }
0x1e: {  	_ = 	snop  }
0x1f: {  	[tilespmem:s15], [sflag:$0x2] =	stream.indirect.gather [hbm4b:s4+s13], $0x80, s13, s13, $0xb8;
	[tilespmem:$0x1E800] =	vst v63  }
0x20: {  	_ =	swait.ge [sflag:s16], $0x4000  }
0x21: {  	[sflag:s16] =	ssyncset.done $0x0  }
0x22: {  	s22 =	simm.s32 $0x1400;
	[sflag:s16] =	ssyncadd.s32 $0xFFFFC000  }
0x23: {  	[spmem:s2] =	stream.indirect.scatter.add.f32 [tilespmem:s14], [sflag:$0x3], $0x80, s22, s13, $0xb8;
	[tilespmem:$0x1E800] =	vst v63  }
0x24: {  	_ =	swait.ge [sflag:s11], $0x4000  }
0x25: {  	[sflag:s11] =	ssyncset.done $0x0  }
0x26: {  	s30 =	simm.s32 $0x100;
	[sflag:s11] =	ssyncadd.s32 $0xFFFFC000  }
0x27: {  	[tilespmem:s14], [sflag:$0x1] =	stream.indirect.gather [hbm4b:s4+s13], $0x80, s30, s13, $0xb8;
	[tilespmem:$0x1E800] =	vst v63  }
0x28: {  	_ =	swait.ge [sflag:s17], $0x4000  }
0x29: {  	[sflag:s17] =	ssyncset.done $0x0  }
0x2a: {  	s31 =	simm.s32 $0x1480;
	[sflag:s17] =	ssyncadd.s32 $0xFFFFC000  }
0x2b: {  	[spmem:s2] =	stream.indirect.scatter.add.f32 [tilespmem:s15], [sflag:$0x3], $0x80, s31, s13, $0xb8;
	[tilespmem:$0x1E800] =	vst v63  }
0x2c: {  	_ =	swait.ge [sflag:s11], $0x4000  }
0x2d: {  	[sflag:s11] =	ssyncset.done $0x0  }
0x2e: {  	s23 =	simm.s32 $0x180;
	s22 =	simm.s32 $0x400;
	[sflag:s11] =	ssyncadd.s32 $0xFFFFC000  }
.LBB2_2:
0x2f: {  	[tilespmem:s15], [sflag:$0x2] =	stream.indirect.gather [hbm4b:s4+s13], $0x80, s23, s13, $0xb8;
	[tilespmem:$0x1E800] =	vst v63  }
0x30: {  	s23 =	smov.u32 s22  }
0x31: {  	p0 =	sne.s32 s22, $0x4800;
	s22 =	sadd.s32 $0x400, s22;
	_ =	swait.ge [sflag:s16], $0x4000  }
0x32: {  	s23 =	sshra.s32 s23, $0x2;
	[sflag:s16] =	ssyncset.done $0x0  }
0x33: {  	s24 =	sadd.s32 $0x1400, s23;
	[sflag:s16] =	ssyncadd.s32 $0xFFFFC000  }
0x34: {  	[spmem:s2] =	stream.indirect.scatter.add.f32 [tilespmem:s14], [sflag:$0x3], $0x80, s24, s13, $0xb8;
	[tilespmem:$0x1E800] =	vst v63  }
0x35: {  	_ =	swait.ge [sflag:s11], $0x4000  }
0x36: {  	[sflag:s11] =	ssyncset.done $0x0  }
0x37: {  	s24 =	sadd.s32 $0x100, s23;
	[sflag:s11] =	ssyncadd.s32 $0xFFFFC000  }
0x38: {  	[tilespmem:s14], [sflag:$0x1] =	stream.indirect.gather [hbm4b:s4+s13], $0x80, s24, s13, $0xb8;
	[tilespmem:$0x1E800] =	vst v63  }
0x39: {  	_ =	swait.ge [sflag:s17], $0x4000  }
0x3a: {  	[sflag:s17] =	ssyncset.done $0x0  }
.Ltmp0:
0x3b: {  	s24 =	sadd.s32 $0x1480, s23;
	[sflag:s17] =	ssyncadd.s32 $0xFFFFC000;
	(pc) =	sbr.rel @p0 .LBB2_2-.Ltmp0, $4  }
0x3c: {  	[spmem:s2] =	stream.indirect.scatter.add.f32 [tilespmem:s15], [sflag:$0x3], $0x80, s24, s13, $0xb8;
	[tilespmem:$0x1E800] =	vst v63  }
0x3d: {  	_ =	swait.ge [sflag:s11], $0x4000  }
0x3e: {  	[sflag:s11] =	ssyncset.done $0x0  }
0x3f: {  	s23 =	sadd.s32 $0x180, s23;
	[sflag:s11] =	ssyncadd.s32 $0xFFFFC000  }
0x40: {  	[tilespmem:s15], [sflag:$0x2] =	stream.indirect.gather [hbm4b:s4+s13], $0x80, s23, s13, $0xb8;
	[tilespmem:$0x1E800] =	vst v63  }
0x41: {  	_ =	swait.ge [sflag:s16], $0x4000  }
0x42: {  	[sflag:s16] =	ssyncset.done $0x0  }
0x43: {  	[sflag:s16] =	ssyncadd.s32 $0xFFFFC000  }
0x44: {  	[spmem:s2] =	stream.indirect.scatter.add.f32 [tilespmem:s14], [sflag:$0x3], $0x80, s18, s13, $0xb8;
	[tilespmem:$0x1E800] =	vst v63  }
0x45: {  	_ =	swait.ge [sflag:s11], $0x4000  }
0x46: {  	[sflag:s11] =	ssyncset.done $0x0  }
0x47: {  	[sflag:s11] =	ssyncadd.s32 $0xFFFFC000  }
0x48: {  	_ =	swait.ge [sflag:s17], $0x4000  }
0x49: {  	[sflag:s17] =	ssyncset.done $0x0  }
0x4a: {  	[sflag:s17] =	ssyncadd.s32 $0xFFFFC000  }
0x4b: {  	[spmem:s2] =	stream.indirect.scatter.add.f32 [tilespmem:s15], [sflag:$0x3], $0x80, s19, s13, $0xb8;
	[tilespmem:$0x1E800] =	vst v63  }
0x4c: {  	_ =	swait.ge [sflag:s11], $0x4000  }
0x4d: {  	s21 =	sadd.s32 $0x1, s21;
	[sflag:s11] =	ssyncset.done $0x0  }
0x4e: {  	p0 =	sne.s32 s21, s9;
	[sflag:s11] =	ssyncadd.s32 $0xFFFFC000  }
.Ltmp1:
0x4f: {  	[bflag:$0x0] =	sbarrier.arrive $0xFFFF;
	(pc) =	sbr.rel @p0 .LBB2_1-.Ltmp1, $4  }
0x50: {  	[hbm:s20], [sflag:s6] =	dma.local [spmem:s10], $0x2800  }
0x51: {  	_ =	swait.ge [sflag:s11], $0x2800  }
0x52: {  	[sflag:s11] =	ssyncset.done $0x0  }
0x53: {  	[sflag:s11] =	ssyncadd.s32 $0xFFFFD800  }
0x54: {  	_ =	sfence.sel $0x180000  }
0x55: {  	[bflag:$0x0] =	sbarrier.arrive $0xFFFF  }
0x56: {  	p0 =	sne.s32 s0, $0x0;
	_ =	strace $0x90000056  }
0x57: {  	s0 =	sadd.s32 @!p0 $0x100000, s1;
	[bflag:$0x2] =	sbarrier.arrive $0xFFFF  }
0x58: {  	[sflag:s0] =	ssyncadd.tile.s32 @!p0 $0x1;
	_ =	shalt  }
.Lfunc_end2:
_tile_overlayer_lowered:
.L_overlay_start_2:
0x59: {  	(tag) =	ssettag $0x2  }
0x5a: {  	s0 =	rddreg [dreg:$0x0];
	s2 =	stileid.u32  }
0x5b: {  	s1 =	rddreg [dreg:$0x1];
	p0 =	sne.s32 s2, $0x0  }
0x5c: {  	s3 =	rddreg [dreg:$0x2];
	[bflag:$0x3] =	sbarrier.arrive $0xFFFF;
	s2 =	simm.s32 @!p0 $0x1C03  }
0x5d: {  	[timem:s3], [sflag:s2] =	dma.local @!p0 [hbm:s0], s1  }
0x5e: {  	s0 =	simm.s32 @!p0 $0x3  }
0x5f: {  	_ =	swait.ge @!p0 [sflag:s0], s1  }
0x60: {  	s1 =	ssub.s32 @!p0 $0x0, s1;
	[sflag:s0] =	ssyncset.done @!p0 $0x0  }
0x61: {  	[sflag:s0] =	ssyncadd.s32 @!p0 s1  }
0x62: {  	[bflag:$0x3] =	sbarrier.arrive $0xFFFF  }
0x63: {  	_ =	shalt  }

// kernel: kernel.41.cloned.1.call-start
scs
__scs_entry_jumppad:
0x0: {  	(pc) =	sbr.rel $0x88, $3  }
0x1: {  	(tag) =	ssettag $0x0;
	lr =	simm.s32 $0x1  }
0x2: {  	[smem:$0x3F92] =	sst lr;
	_ =	strace $0xD0000000  }
0x3: {  	_ = 	snop  }
0x4: {  	_ = 	snop  }
0x5: {  	_ = 	snop  }
0x6: {  	_ = 	snop  }
0x7: {  	_ = 	snop  }
__scs_overlays_trampoline_lowered:
0x8: {  	[smem:$0x3FA1] =	sst s0  }
0x9: {  	[smem:$0x3FA2] =	sst s1  }
0xa: {  	[smem:$0x3FA3] =	sst s2  }
0xb: {  	[smem:$0x3FA4] =	sst s3  }
0xc: {  	[smem:$0x3FA5] =	sst s4  }
0xd: {  	[smem:$0x3FA6] =	sst s5  }
0xe: {  	[smem:$0x3FA7] =	sst s6  }
0xf: {  	[smem:$0x3FA8] =	sst s7  }
0x10: {  	[smem:$0x3FA9] =	sst s8  }
0x11: {  	[smem:$0x3FAA] =	sst s9;
	s0 =	simm.s32 @!p0 $0x0  }
0x12: {  	s1 =	sld [smem:$0x3F90];
	s0 =	simm.s32 @p0 $0x1  }
0x13: {  	[smem:$0x3FAB] =	sst s0;
	s0 =	simm.s32 @!p1 $0x0  }
0x14: {  	s2 =	sld [smem:$0x3F8F];
	s0 =	simm.s32 @p1 $0x1  }
0x15: {  	[smem:$0x3FAC] =	sst s0;
	s0 =	simm.s32 @!p2 $0x0  }
0x16: {  	s3 =	sld [smem:$0x3FDB];
	s0 =	simm.s32 @p2 $0x1  }
0x17: {  	s4 =	simm.s32 $0x1BF5;
	[smem:$0x3FAE] =	sst s0  }
0x18: {  	s0 =	sld [smem:$0x3F91];
	_ =	swait.ge [sflag:s4], $0x0  }
0x19: {  	s7 =	sld [smem:$0x3F92]  }
0x1a: {  	s8 =	sadd.s32 $0xFFFFE003, lr  }
0x1b: {  	s9 =	sadd.s32 $0xFFFFFEF7, lr;
	s5 =	simm.s32 $0xFFFFFFFF;
	p2 =	slt.u32 s8, $0xFFFFF086  }
0x1c: {  	p1 =	slt.u32 s9, $0xF7A;
	s5 =	simm.s32 @!p2 $0x0  }
0x1d: {  	s5 =	simm.s32 @p1 $0x1;
	p0 =	seq.s32 s7, s2  }
0x1e: {  	s7 =	smul.u32 @!p0 $0xF7A, s2;
	p2 =	seq.s32 @!p0 s5, $0x0  }
0x1f: {  	s9 =	smul.u32 $0xF7A, s1;
	s8 =	simm.s32 @!p0 $0x1BF5;
	p2 =	por !p2, p0  }
0x20: {  	[sflag:s8] =	ssyncset.s32 @!p0 $0xFFFFF086;
	s6 =	sadd.s32 @!p0 s3, s7;
	s7 =	simm.s32 @!p0 $0x108  }
0x21: {  	s3 =	sadd.s32 s3, s9;
	s6 =	sadd.s32 @!p0 $0x88, s6;
	s7 =	simm.s32 @p2 $0x1082  }
0x22: {  	[simem:s7], [sflag:s8] =	dma.local @!p0 [hbm:s6], $0xF7A  }
0x23: {  	s9 =	sor.u32 $0xD0000000, s2;
	s6 =	simm.s32 $0x108;
	_ =	swait.ge @!p0 [sflag:s8], $0x0  }
0x24: {  	s3 =	sadd.s32 $0x88, s3;
	s6 =	simm.s32 @!p1 $0x1082;
	[sflag:s4] =	ssyncset.s32 $0xFFFFF086  }
0x25: {  	[simem:s6], [sflag:s4] =	dma.local [hbm:s3], $0xF7A  }
0x26: {  	[smem:$0x3F92] =	sst s1;
	(tag) =	ssettag s2;
	_ =	strace s9  }
0x27: {  	s1 =	sld [smem:$0x3FA2]  }
0x28: {  	s2 =	sld [smem:$0x3FA3]  }
0x29: {  	s4 =	sld [smem:$0x3FA5]  }
0x2a: {  	p0 =	seq.s32 s5, $0x0;
	s5 =	sld [smem:$0x3FA6]  }
0x2b: {  	s6 =	sld [smem:$0x3FA7]  }
0x2c: {  	s7 =	sld [smem:$0x3FA8]  }
0x2d: {  	s3 =	simm.s32 $0x108;
	s8 =	sld [smem:$0x3FA9]  }
0x2e: {  	s3 =	simm.s32 @!p0 $0x1082;
	s9 =	sld [smem:$0x3FAA]  }
0x2f: {  	lr =	sadd.s32 s0, s3;
	s0 =	sld [smem:$0x3FA1]  }
0x30: {  	s3 =	sld [smem:$0x3FA4]  }
0x31: {  	[smem:$0x3FAD] =	sst s10  }
0x32: {  	s10 =	sld [smem:$0x3FAB];
	_ =	sdelay $0x3  }
0x33: {  	p0 =	seq.s32 s10, $0x1;
	s10 =	sld [smem:$0x3FAD];
	_ =	sdelay $0x3  }
0x34: {  	[smem:$0x3FAD] =	sst s10  }
0x35: {  	s10 =	sld [smem:$0x3FAC];
	_ =	sdelay $0x3  }
0x36: {  	p1 =	seq.s32 s10, $0x1;
	s10 =	sld [smem:$0x3FAD];
	_ =	sdelay $0x3  }
0x37: {  	[smem:$0x3FAD] =	sst s10  }
0x38: {  	s10 =	sld [smem:$0x3FAE]  }
0x39: {  	_ = 	snop;
	(pc) =	sbr.ind lr, $3  }
0x3a: {  	_ = 	snop  }
0x3b: {  	_ = 	snop  }
0x3c: {  	p2 =	seq.s32 s10, $0x1;
	s10 =	sld [smem:$0x3FAD]  }
0x3d: {  	_ =	shalt  }
0x3e: {  	_ =	shalt  }
0x3f: {  	_ =	shalt  }
0x40: {  	_ =	shalt  }
0x41: {  	_ =	shalt  }
0x42: {  	_ =	shalt  }
0x43: {  	_ =	shalt  }
0x44: {  	_ =	shalt  }
0x45: {  	_ =	shalt  }
0x46: {  	_ =	shalt  }
0x47: {  	_ =	shalt  }
0x48: {  	_ =	shalt  }
0x49: {  	_ =	shalt  }
0x4a: {  	_ =	shalt  }
0x4b: {  	_ =	shalt  }
0x4c: {  	_ =	shalt  }
0x4d: {  	_ =	shalt  }
0x4e: {  	_ =	shalt  }
0x4f: {  	_ =	shalt  }
0x50: {  	_ =	shalt  }
0x51: {  	_ =	shalt  }
0x52: {  	_ =	shalt  }
0x53: {  	_ =	shalt  }
0x54: {  	_ =	shalt  }
0x55: {  	_ =	shalt  }
0x56: {  	_ =	shalt  }
0x57: {  	_ =	shalt  }
0x58: {  	_ =	shalt  }
0x59: {  	_ =	shalt  }
0x5a: {  	_ =	shalt  }
0x5b: {  	_ =	shalt  }
0x5c: {  	_ =	shalt  }
0x5d: {  	_ =	shalt  }
0x5e: {  	_ =	shalt  }
0x5f: {  	_ =	shalt  }
0x60: {  	_ =	shalt  }
0x61: {  	_ =	shalt  }
0x62: {  	_ =	shalt  }
0x63: {  	_ =	shalt  }
0x64: {  	_ =	shalt  }
0x65: {  	_ =	shalt  }
0x66: {  	_ =	shalt  }
0x67: {  	_ =	shalt  }
0x68: {  	_ =	shalt  }
0x69: {  	_ =	shalt  }
0x6a: {  	_ =	shalt  }
0x6b: {  	_ =	shalt  }
0x6c: {  	_ =	shalt  }
0x6d: {  	_ =	shalt  }
0x6e: {  	_ =	shalt  }
0x6f: {  	_ =	shalt  }
0x70: {  	_ =	shalt  }
0x71: {  	_ =	shalt  }
0x72: {  	_ =	shalt  }
0x73: {  	_ =	shalt  }
0x74: {  	_ =	shalt  }
0x75: {  	_ =	shalt  }
0x76: {  	_ =	shalt  }
0x77: {  	_ =	shalt  }
0x78: {  	_ =	shalt  }
0x79: {  	_ =	shalt  }
0x7a: {  	_ =	shalt  }
0x7b: {  	_ =	shalt  }
0x7c: {  	_ =	shalt  }
0x7d: {  	_ =	shalt  }
0x7e: {  	_ =	shalt  }
0x7f: {  	_ =	shalt  }
0x80: {  	_ =	shalt  }
0x81: {  	_ =	shalt  }
0x82: {  	_ =	shalt  }
0x83: {  	_ =	shalt  }
0x84: {  	_ =	shalt  }
0x85: {  	_ =	shalt  }
0x86: {  	_ =	shalt  }
0x87: {  	_ =	shalt  }
.Lfunc_end0:
.L_simem_size_0:
called_computation.6_lowered:
.L_overlay_start_0:
0x88: {  	s2 =	sld [smem:$0x3FD9]  }
0x89: {  	s3 =	sld [smem:$0x3FFE];
	_ =	sdelay $0x1  }
0x8a: {  	s1 =	srdreg.scid  }
0x8b: {  	s0 =	sand.u32 $0x1, s1  }
0x8c: {  	s17 =	sshll.u32 s0, $0xA;
	s2 =	sadd.s32 s3, s2  }
0x8d: {  	s2 =	sadd.s32 s2, s17  }
0x8e: {  	[smem:$0x3FB9] =	sst s2  }
0x8f: {  	_ = 	snop  }
0x90: {  	(tm) =	ssettm $0x1  }
0x91: {  	s18 =	sld [smem:$0x3FFB];
	_ =	sdelay $0x3  }
0x92: {  	_ =	strace s18  }
0x93: {  	s2 =	sld [smem:$0x3FFC];
	_ =	sdelay $0x3  }
0x94: {  	_ =	strace s2  }
0x95: {  	s2 =	sld [smem:$0x3FFD];
	_ =	sdelay $0x3  }
0x96: {  	_ =	strace s2  }
0x97: {  	_ =	strace $0x8FFFFFFF  }
0x98: {  	s19 =	sld [smem:$0x3FDB];
	_ =	sdelay $0x1  }
0x99: {  	s20 =	simm.s32 $_scs_section_size  }
0x9a: {  	s4 =	simm.s32 $_size__tile_overlayer_lowered;
	s5 =	simm.s32 $_tile_overlayer_lowered  }
0x9b: {  	s6 =	simm.s32 $0x1BFF;
	s21 =	sshll.u32 s5, $0x1;
	s3 =	sadd.s32 s20, s19  }
0x9c: {  	s22 =	simm.s32 $0x0;
	s4 =	sshll.u32 s4, $0x1;
	s5 =	sadd.s32 s21, s3  }
0x9d: {  	[timem:s22], [sflag:s6] =	dma.local [hbm:s5], s4  }
0x9e: {  	_ =	swait.ge [sflag:s6], s4  }
0x9f: {  	s4 =	ssub.s32 $0x0, s4;
	[sflag:s6] =	ssyncset.done $0x0  }
0xa0: {  	[sflag:s6] =	ssyncadd.s32 s4;
	_ =	sdelay $0x1  }
0xa1: {  	s23 =	simm.s32 $0x1B8B  }
0xa2: {  	_ =	swait.ge [sflag:s23], $0x1  }
0xa3: {  	[sflag:s23] =	ssyncset.done $0x0  }
0xa4: {  	[sflag:s23] =	ssyncadd.s32 $0xFFFFFFFF  }
0xa5: {  	s4 =	sld [smem:$0x0]  }
0xa6: {  	s5 =	sand.u32 $0xFFFFFFFE, s1  }
0xa7: {  	p0 =	sne.s32 s1, s5  }
0xa8: {  	s5 =	sshll.u32 @p0 s5, $0xE  }
0xa9: {  	s5 =	sadd.s32 @p0 $0x11B8D, s5;
	s6 =	sshll.u32 @p0 s4, $0x11  }
0xaa: {  	s5 =	sor.u32 @p0 s6, s5  }
0xab: {  	[sflag:s5] =	ssyncadd.remote.s32 @p0 $0x1;
	_ =	sdelay $0x1  }
0xac: {  	s5 =	simm.s32 @p0 $0x1B8D  }
0xad: {  	_ =	swait.eq @p0 [sflag:s5], $0x1  }
0xae: {  	[sflag:s5] =	ssyncadd.s32 @p0 $0xFFFFFFFF  }
0xaf: {  	s6 =	sshll.u32 @!p0 s1, $0xE  }
0xb0: {  	s6 =	sor.u32 @!p0 $0x4000, s6;
	s5 =	simm.s32 @!p0 $0x1B8D  }
0xb1: {  	s4 =	sshll.u32 @!p0 s4, $0x11;
	s6 =	sadd.s32 @!p0 $0x11B8D, s6;
	_ =	swait.eq @!p0 [sflag:s5], $0x1  }
0xb2: {  	s4 =	sor.u32 @!p0 s4, s6;
	[sflag:s5] =	ssyncadd.s32 @!p0 $0xFFFFFFFF  }
0xb3: {  	s25 =	simm.s32 $0x1B8E;
	s24 =	sld [smem:$0x3FFE];
	[sflag:s4] =	ssyncadd.remote.s32 @!p0 $0x1  }
0xb4: {  	s26 =	simm.s32 $execute0_lowered;
	[smem:$0x3FD2] =	sst s25  }
0xb5: {  	s5 =	sshll.u32 s26, $0x1;
	_ =	strace $0x80000058;
	[dreg:$0x1] =	wrdreg $0xFFFFFFFF  }
0xb6: {  	s28 =	simm.s32 $_size_execute0_lowered;
	s3 =	sadd.s32 s3, s5;
	[dreg:$0x0] =	wrdreg $0x0  }
0xb7: {  	s5 =	sshll.u32 s28, $0x1;
	[dreg:$0x2] =	wrdreg s3  }
0xb8: {  	[dreg:$0x3] =	wrdreg s5  }
0xb9: {  	[dreg:$0x4] =	wrdreg $0xC0  }
0xba: {  	_ =	task [dreg:s22], $0x5FFFF  }
0xbb: {  	[dreg:$0x1] =	wrdreg $0xFFFFFFFF  }
0xbc: {  	[dreg:$0x0] =	wrdreg $0x60  }
0xbd: {  	[dreg:$0x2] =	wrdreg s24  }
0xbe: {  	[dreg:$0x3] =	wrdreg $0xA8000  }
0xbf: {  	[dreg:$0x4] =	wrdreg $0xA  }
0xc0: {  	_ =	task.clear_ibuf [dreg:s22], $0x5FFFF;
	_ =	strace $0x90000058  }
0xc1: {  	s29 =	simm.s32 $0xA;
	_ =	strace $0x8000005A  }
0xc2: {  	_ =	swait.ge [sflag:s29], $0x1  }
0xc3: {  	[sflag:s29] =	ssyncadd.s32 $0xFFFFFFFF  }
0xc4: {  	_ =	strace $0x9000005A  }
0xc5: {  	_ =	sfence  }
0xc6: {  	s30 =	sld [smem:$0x0];
	_ =	sdelay $0x2  }
0xc7: {  	s31 =	sshll.u32 s1, $0xD;
	s1 =	sshrl.u32 s1, $0x2  }
0xc8: {  	s4 =	sand.u32 $0x4000, s31;
	s1 =	sadd.s32 s1, s30  }
0xc9: {  	s0 =	sor.u32 s4, s0;
	s1 =	sshll.u32 s1, $0x11  }
0xca: {  	s0 =	sor.u32 s1, s0  }
0xcb: {  	s0 =	sadd.s32 $0x8F2B, s0  }
0xcc: {  	[sflag:s0] =	ssyncadd.remote.s32 $0x1  }
0xcd: {  	_ =	sfence.sel $0xFFFF  }
0xce: {  	[dreg:$0x0] =	wrdreg $0xFFFFFFFF;
	(pc) =	sbr.abs _section_cstart, $3  }
0xcf: {  	[dreg:$0x1] =	wrdreg $0xFFFFFFFF  }
0xd0: {  	_ =	task.clear_ibuf [dreg:s22], $0x2FFFF;
	_ =	strace $0x9FFFFFFF  }
0xd1: {  	(tm) =	ssettm $0x7FFFFFFF  }
tec
execute0_lowered:
.L_overlay_start_1:
0x0: {  	(tag) =	ssettag $0x1  }
0x1: {  	s1 =	srdreg.scid  }
0x2: {  	s0 =	stileid.u32;
	s5 =	rddreg [dreg:$0x0]  }
0x3: {  	s2 =	rddreg [dreg:$0x1];
	s3 =	simm.s32 $0x0;
	s13 =	simm.s32 $0x80  }
0x4: {  	s14 =	simm.s32 $0x2800;
	s15 =	simm.s32 $0x6800;
	s16 =	simm.s32 $0x1  }
0x5: {  	s17 =	simm.s32 $0x2;
	s18 =	simm.s32 $0x2700;
	s19 =	simm.s32 $0x2780  }
0x6: {  	s6 =	sand.u32 $0x1, s1;
	s28 =	sshll.u32 s0, $0x1;
	s1 =	rddreg [dreg:$0x2]  }
0x7: {  	[smem:$0x7FF] =	sst s3;
	s8 =	smul.u32 $0x14000, s0;
	s31 =	sshll.u32 s0, $0x6  }
0x8: {  	s4 =	sor.u32 s6, s28;
	_ =	strace $0x80000059;
	s9 =	smul.u32 $0x28000, s6  }
0x9: {  	s6 =	ssub.s32 $0x2, s6;
	s7 =	smul.u32 $0x280, s4;
	s4 =	sadd.s32 $0x224000, s5  }
0xa: {  	s20 =	sshrl.u32 s8, $0x3;
	s30 =	sshrl.u32 s6, $0x1;
	s12 =	sadd.s32 s8, s2  }
0xb: {  	s29 =	sadd.s32 s20, s5;
	s9 =	sadd.s32 s9, s5;
	s11 =	ssub.s32 s6, s30  }
0xc: {  	s6 =	sor.u32 $0x1C03, s31;
	s10 =	sadd.s32 s7, s5;
	s5 =	sadd.s32 $0x1FC000, s29  }
0xd: {  	s21 =	sadd.s32 $0x314000, s9;
	s9 =	smax.u32 s11, $0x1;
	s11 =	simm.s32 $0x3  }
0xe: {  	s7 =	sadd.s32 $0xD000, s10;
	s8 =	sadd.s32 $0x8000, s10;
	s10 =	sshrl.u32 s12, $0x3  }
0xf: {  	s12 =	simm.s32 $0x1400;
	s20 =	sadd.s32 s20, s21;
	s21 =	simm.s32 $0x0  }
.LBB2_1:
0x10: {  	[spmem:s10], [sflag:s6] =	dma.local [hbm:s5], $0x2800  }
0x11: {  	_ =	swait.ge [sflag:s11], $0x2800  }
0x12: {  	[sflag:s11] =	ssyncset.done $0x0  }
0x13: {  	[sflag:s11] =	ssyncadd.s32 $0xFFFFD800  }
0x14: {  	[bflag:$0x0] =	sbarrier.arrive $0xFFFF  }
0x15: {  	[tilespmem:s3], [sflag:$0x3] =	stream.linear.gather [hbm4b:s7+s3], $0x1400, $0x38;
	[tilespmem:$0x1E800] =	vst v63  }
0x16: {  	_ =	swait.ge [sflag:s11], $0x1400  }
0x17: {  	[sflag:s11] =	ssyncset.done $0x0  }
0x18: {  	[sflag:s11] =	ssyncadd.s32 $0xFFFFEC00  }
0x19: {  	[tilespmem:s12], [sflag:$0x3] =	stream.linear.gather [hbm4b:s8+s3], $0x1400, $0x38;
	[tilespmem:$0x1E800] =	vst v63  }
0x1a: {  	_ =	swait.ge [sflag:s11], $0x1400  }
0x1b: {  	[sflag:s11] =	ssyncset.done $0x0  }
0x1c: {  	[sflag:s11] =	ssyncadd.s32 $0xFFFFEC00  }
0x1d: {  	[tilespmem:s14], [sflag:$0x1] =	stream.indirect.gather [hbm4b:s4+s13], $0x80, s3, s13, $0xb8;
	[tilespmem:$0x1E800] =	vst v63  }
0x1e: {  	_ = 	snop  }
0x1f: {  	[tilespmem:s15], [sflag:$0x2] =	stream.indirect.gather [hbm4b:s4+s13], $0x80, s13, s13, $0xb8;
	[tilespmem:$0x1E800] =	vst v63  }
0x20: {  	_ =	swait.ge [sflag:s16], $0x4000  }
0x21: {  	[sflag:s16] =	ssyncset.done $0x0  }
0x22: {  	s22 =	simm.s32 $0x1400;
	[sflag:s16] =	ssyncadd.s32 $0xFFFFC000  }
0x23: {  	[spmem:s2] =	stream.indirect.scatter.add.f32 [tilespmem:s14], [sflag:$0x3], $0x80, s22, s13, $0xb8;
	[tilespmem:$0x1E800] =	vst v63  }
0x24: {  	_ =	swait.ge [sflag:s11], $0x4000  }
0x25: {  	[sflag:s11] =	ssyncset.done $0x0  }
0x26: {  	s30 =	simm.s32 $0x100;
	[sflag:s11] =	ssyncadd.s32 $0xFFFFC000  }
0x27: {  	[tilespmem:s14], [sflag:$0x1] =	stream.indirect.gather [hbm4b:s4+s13], $0x80, s30, s13, $0xb8;
	[tilespmem:$0x1E800] =	vst v63  }
0x28: {  	_ =	swait.ge [sflag:s17], $0x4000  }
0x29: {  	[sflag:s17] =	ssyncset.done $0x0  }
0x2a: {  	s31 =	simm.s32 $0x1480;
	[sflag:s17] =	ssyncadd.s32 $0xFFFFC000  }
0x2b: {  	[spmem:s2] =	stream.indirect.scatter.add.f32 [tilespmem:s15], [sflag:$0x3], $0x80, s31, s13, $0xb8;
	[tilespmem:$0x1E800] =	vst v63  }
0x2c: {  	_ =	swait.ge [sflag:s11], $0x4000  }
0x2d: {  	[sflag:s11] =	ssyncset.done $0x0  }
0x2e: {  	s23 =	simm.s32 $0x180;
	s22 =	simm.s32 $0x400;
	[sflag:s11] =	ssyncadd.s32 $0xFFFFC000  }
.LBB2_2:
0x2f: {  	[tilespmem:s15], [sflag:$0x2] =	stream.indirect.gather [hbm4b:s4+s13], $0x80, s23, s13, $0xb8;
	[tilespmem:$0x1E800] =	vst v63  }
0x30: {  	s23 =	smov.u32 s22  }
0x31: {  	p0 =	sne.s32 s22, $0x4800;
	s22 =	sadd.s32 $0x400, s22;
	_ =	swait.ge [sflag:s16], $0x4000  }
0x32: {  	s23 =	sshra.s32 s23, $0x2;
	[sflag:s16] =	ssyncset.done $0x0  }
0x33: {  	s24 =	sadd.s32 $0x1400, s23;
	[sflag:s16] =	ssyncadd.s32 $0xFFFFC000  }
0x34: {  	[spmem:s2] =	stream.indirect.scatter.add.f32 [tilespmem:s14], [sflag:$0x3], $0x80, s24, s13, $0xb8;
	[tilespmem:$0x1E800] =	vst v63  }
0x35: {  	_ =	swait.ge [sflag:s11], $0x4000  }
0x36: {  	[sflag:s11] =	ssyncset.done $0x0  }
0x37: {  	s24 =	sadd.s32 $0x100, s23;
	[sflag:s11] =	ssyncadd.s32 $0xFFFFC000  }
0x38: {  	[tilespmem:s14], [sflag:$0x1] =	stream.indirect.gather [hbm4b:s4+s13], $0x80, s24, s13, $0xb8;
	[tilespmem:$0x1E800] =	vst v63  }
0x39: {  	_ =	swait.ge [sflag:s17], $0x4000  }
0x3a: {  	[sflag:s17] =	ssyncset.done $0x0  }
.Ltmp0:
0x3b: {  	s24 =	sadd.s32 $0x1480, s23;
	[sflag:s17] =	ssyncadd.s32 $0xFFFFC000;
	(pc) =	sbr.rel @p0 .LBB2_2-.Ltmp0, $4  }
0x3c: {  	[spmem:s2] =	stream.indirect.scatter.add.f32 [tilespmem:s15], [sflag:$0x3], $0x80, s24, s13, $0xb8;
	[tilespmem:$0x1E800] =	vst v63  }
0x3d: {  	_ =	swait.ge [sflag:s11], $0x4000  }
0x3e: {  	[sflag:s11] =	ssyncset.done $0x0  }
0x3f: {  	s23 =	sadd.s32 $0x180, s23;
	[sflag:s11] =	ssyncadd.s32 $0xFFFFC000  }
0x40: {  	[tilespmem:s15], [sflag:$0x2] =	stream.indirect.gather [hbm4b:s4+s13], $0x80, s23, s13, $0xb8;
	[tilespmem:$0x1E800] =	vst v63  }
0x41: {  	_ =	swait.ge [sflag:s16], $0x4000  }
0x42: {  	[sflag:s16] =	ssyncset.done $0x0  }
0x43: {  	[sflag:s16] =	ssyncadd.s32 $0xFFFFC000  }
0x44: {  	[spmem:s2] =	stream.indirect.scatter.add.f32 [tilespmem:s14], [sflag:$0x3], $0x80, s18, s13, $0xb8;
	[tilespmem:$0x1E800] =	vst v63  }
0x45: {  	_ =	swait.ge [sflag:s11], $0x4000  }
0x46: {  	[sflag:s11] =	ssyncset.done $0x0  }
0x47: {  	[sflag:s11] =	ssyncadd.s32 $0xFFFFC000  }
0x48: {  	_ =	swait.ge [sflag:s17], $0x4000  }
0x49: {  	[sflag:s17] =	ssyncset.done $0x0  }
0x4a: {  	[sflag:s17] =	ssyncadd.s32 $0xFFFFC000  }
0x4b: {  	[spmem:s2] =	stream.indirect.scatter.add.f32 [tilespmem:s15], [sflag:$0x3], $0x80, s19, s13, $0xb8;
	[tilespmem:$0x1E800] =	vst v63  }
0x4c: {  	_ =	swait.ge [sflag:s11], $0x4000  }
0x4d: {  	s21 =	sadd.s32 $0x1, s21;
	[sflag:s11] =	ssyncset.done $0x0  }
0x4e: {  	p0 =	sne.s32 s21, s9;
	[sflag:s11] =	ssyncadd.s32 $0xFFFFC000  }
.Ltmp1:
0x4f: {  	[bflag:$0x0] =	sbarrier.arrive $0xFFFF;
	(pc) =	sbr.rel @p0 .LBB2_1-.Ltmp1, $4  }
0x50: {  	[hbm:s20], [sflag:s6] =	dma.local [spmem:s10], $0x2800  }
0x51: {  	_ =	swait.ge [sflag:s11], $0x2800  }
0x52: {  	[sflag:s11] =	ssyncset.done $0x0  }
0x53: {  	[sflag:s11] =	ssyncadd.s32 $0xFFFFD800  }
0x54: {  	_ =	sfence.sel $0x180000  }
0x55: {  	[bflag:$0x0] =	sbarrier.arrive $0xFFFF  }
0x56: {  	p0 =	sne.s32 s0, $0x0;
	_ =	strace $0x90000059  }
0x57: {  	s0 =	sadd.s32 @!p0 $0x100000, s1;
	[bflag:$0x2] =	sbarrier.arrive $0xFFFF  }
0x58: {  	[sflag:s0] =	ssyncadd.tile.s32 @!p0 $0x1;
	_ =	shalt  }
.Lfunc_end2:
_tile_overlayer_lowered:
.L_overlay_start_2:
0x59: {  	(tag) =	ssettag $0x2  }
0x5a: {  	s0 =	rddreg [dreg:$0x0];
	s2 =	stileid.u32  }
0x5b: {  	s1 =	rddreg [dreg:$0x1];
	p0 =	sne.s32 s2, $0x0  }
0x5c: {  	s3 =	rddreg [dreg:$0x2];
	[bflag:$0x3] =	sbarrier.arrive $0xFFFF;
	s2 =	simm.s32 @!p0 $0x1C03  }
0x5d: {  	[timem:s3], [sflag:s2] =	dma.local @!p0 [hbm:s0], s1  }
0x5e: {  	s0 =	simm.s32 @!p0 $0x3  }
0x5f: {  	_ =	swait.ge @!p0 [sflag:s0], s1  }
0x60: {  	s1 =	ssub.s32 @!p0 $0x0, s1;
	[sflag:s0] =	ssyncset.done @!p0 $0x0  }
0x61: {  	[sflag:s0] =	ssyncadd.s32 @!p0 s1  }
0x62: {  	[bflag:$0x3] =	sbarrier.arrive $0xFFFF  }
0x63: {  	_ =	shalt  }

// kernel: kernel.44.cloned.1.call-start
scs
__scs_entry_jumppad:
0x0: {  	(pc) =	sbr.rel $0x88, $3  }
0x1: {  	(tag) =	ssettag $0x0;
	lr =	simm.s32 $0x1  }
0x2: {  	[smem:$0x3F92] =	sst lr;
	_ =	strace $0xD0000000  }
0x3: {  	_ = 	snop  }
0x4: {  	_ = 	snop  }
0x5: {  	_ = 	snop  }
0x6: {  	_ = 	snop  }
0x7: {  	_ = 	snop  }
__scs_overlays_trampoline_lowered:
0x8: {  	[smem:$0x3FA1] =	sst s0  }
0x9: {  	[smem:$0x3FA2] =	sst s1  }
0xa: {  	[smem:$0x3FA3] =	sst s2  }
0xb: {  	[smem:$0x3FA4] =	sst s3  }
0xc: {  	[smem:$0x3FA5] =	sst s4  }
0xd: {  	[smem:$0x3FA6] =	sst s5  }
0xe: {  	[smem:$0x3FA7] =	sst s6  }
0xf: {  	[smem:$0x3FA8] =	sst s7  }
0x10: {  	[smem:$0x3FA9] =	sst s8  }
0x11: {  	[smem:$0x3FAA] =	sst s9;
	s0 =	simm.s32 @!p0 $0x0  }
0x12: {  	s1 =	sld [smem:$0x3F90];
	s0 =	simm.s32 @p0 $0x1  }
0x13: {  	[smem:$0x3FAB] =	sst s0;
	s0 =	simm.s32 @!p1 $0x0  }
0x14: {  	s2 =	sld [smem:$0x3F8F];
	s0 =	simm.s32 @p1 $0x1  }
0x15: {  	[smem:$0x3FAC] =	sst s0;
	s0 =	simm.s32 @!p2 $0x0  }
0x16: {  	s3 =	sld [smem:$0x3FDB];
	s0 =	simm.s32 @p2 $0x1  }
0x17: {  	s4 =	simm.s32 $0x1BF5;
	[smem:$0x3FAE] =	sst s0  }
0x18: {  	s0 =	sld [smem:$0x3F91];
	_ =	swait.ge [sflag:s4], $0x0  }
0x19: {  	s7 =	sld [smem:$0x3F92]  }
0x1a: {  	s8 =	sadd.s32 $0xFFFFE003, lr  }
0x1b: {  	s9 =	sadd.s32 $0xFFFFFEF7, lr;
	s5 =	simm.s32 $0xFFFFFFFF;
	p2 =	slt.u32 s8, $0xFFFFF086  }
0x1c: {  	p1 =	slt.u32 s9, $0xF7A;
	s5 =	simm.s32 @!p2 $0x0  }
0x1d: {  	s5 =	simm.s32 @p1 $0x1;
	p0 =	seq.s32 s7, s2  }
0x1e: {  	s7 =	smul.u32 @!p0 $0xF7A, s2;
	p2 =	seq.s32 @!p0 s5, $0x0  }
0x1f: {  	s9 =	smul.u32 $0xF7A, s1;
	s8 =	simm.s32 @!p0 $0x1BF5;
	p2 =	por !p2, p0  }
0x20: {  	[sflag:s8] =	ssyncset.s32 @!p0 $0xFFFFF086;
	s6 =	sadd.s32 @!p0 s3, s7;
	s7 =	simm.s32 @!p0 $0x108  }
0x21: {  	s3 =	sadd.s32 s3, s9;
	s6 =	sadd.s32 @!p0 $0x88, s6;
	s7 =	simm.s32 @p2 $0x1082  }
0x22: {  	[simem:s7], [sflag:s8] =	dma.local @!p0 [hbm:s6], $0xF7A  }
0x23: {  	s9 =	sor.u32 $0xD0000000, s2;
	s6 =	simm.s32 $0x108;
	_ =	swait.ge @!p0 [sflag:s8], $0x0  }
0x24: {  	s3 =	sadd.s32 $0x88, s3;
	s6 =	simm.s32 @!p1 $0x1082;
	[sflag:s4] =	ssyncset.s32 $0xFFFFF086  }
0x25: {  	[simem:s6], [sflag:s4] =	dma.local [hbm:s3], $0xF7A  }
0x26: {  	[smem:$0x3F92] =	sst s1;
	(tag) =	ssettag s2;
	_ =	strace s9  }
0x27: {  	s1 =	sld [smem:$0x3FA2]  }
0x28: {  	s2 =	sld [smem:$0x3FA3]  }
0x29: {  	s4 =	sld [smem:$0x3FA5]  }
0x2a: {  	p0 =	seq.s32 s5, $0x0;
	s5 =	sld [smem:$0x3FA6]  }
0x2b: {  	s6 =	sld [smem:$0x3FA7]  }
0x2c: {  	s7 =	sld [smem:$0x3FA8]  }
0x2d: {  	s3 =	simm.s32 $0x108;
	s8 =	sld [smem:$0x3FA9]  }
0x2e: {  	s3 =	simm.s32 @!p0 $0x1082;
	s9 =	sld [smem:$0x3FAA]  }
0x2f: {  	lr =	sadd.s32 s0, s3;
	s0 =	sld [smem:$0x3FA1]  }
0x30: {  	s3 =	sld [smem:$0x3FA4]  }
0x31: {  	[smem:$0x3FAD] =	sst s10  }
0x32: {  	s10 =	sld [smem:$0x3FAB];
	_ =	sdelay $0x3  }
0x33: {  	p0 =	seq.s32 s10, $0x1;
	s10 =	sld [smem:$0x3FAD];
	_ =	sdelay $0x3  }
0x34: {  	[smem:$0x3FAD] =	sst s10  }
0x35: {  	s10 =	sld [smem:$0x3FAC];
	_ =	sdelay $0x3  }
0x36: {  	p1 =	seq.s32 s10, $0x1;
	s10 =	sld [smem:$0x3FAD];
	_ =	sdelay $0x3  }
0x37: {  	[smem:$0x3FAD] =	sst s10  }
0x38: {  	s10 =	sld [smem:$0x3FAE]  }
0x39: {  	_ = 	snop;
	(pc) =	sbr.ind lr, $3  }
0x3a: {  	_ = 	snop  }
0x3b: {  	_ = 	snop  }
0x3c: {  	p2 =	seq.s32 s10, $0x1;
	s10 =	sld [smem:$0x3FAD]  }
0x3d: {  	_ =	shalt  }
0x3e: {  	_ =	shalt  }
0x3f: {  	_ =	shalt  }
0x40: {  	_ =	shalt  }
0x41: {  	_ =	shalt  }
0x42: {  	_ =	shalt  }
0x43: {  	_ =	shalt  }
0x44: {  	_ =	shalt  }
0x45: {  	_ =	shalt  }
0x46: {  	_ =	shalt  }
0x47: {  	_ =	shalt  }
0x48: {  	_ =	shalt  }
0x49: {  	_ =	shalt  }
0x4a: {  	_ =	shalt  }
0x4b: {  	_ =	shalt  }
0x4c: {  	_ =	shalt  }
0x4d: {  	_ =	shalt  }
0x4e: {  	_ =	shalt  }
0x4f: {  	_ =	shalt  }
0x50: {  	_ =	shalt  }
0x51: {  	_ =	shalt  }
0x52: {  	_ =	shalt  }
0x53: {  	_ =	shalt  }
0x54: {  	_ =	shalt  }
0x55: {  	_ =	shalt  }
0x56: {  	_ =	shalt  }
0x57: {  	_ =	shalt  }
0x58: {  	_ =	shalt  }
0x59: {  	_ =	shalt  }
0x5a: {  	_ =	shalt  }
0x5b: {  	_ =	shalt  }
0x5c: {  	_ =	shalt  }
0x5d: {  	_ =	shalt  }
0x5e: {  	_ =	shalt  }
0x5f: {  	_ =	shalt  }
0x60: {  	_ =	shalt  }
0x61: {  	_ =	shalt  }
0x62: {  	_ =	shalt  }
0x63: {  	_ =	shalt  }
0x64: {  	_ =	shalt  }
0x65: {  	_ =	shalt  }
0x66: {  	_ =	shalt  }
0x67: {  	_ =	shalt  }
0x68: {  	_ =	shalt  }
0x69: {  	_ =	shalt  }
0x6a: {  	_ =	shalt  }
0x6b: {  	_ =	shalt  }
0x6c: {  	_ =	shalt  }
0x6d: {  	_ =	shalt  }
0x6e: {  	_ =	shalt  }
0x6f: {  	_ =	shalt  }
0x70: {  	_ =	shalt  }
0x71: {  	_ =	shalt  }
0x72: {  	_ =	shalt  }
0x73: {  	_ =	shalt  }
0x74: {  	_ =	shalt  }
0x75: {  	_ =	shalt  }
0x76: {  	_ =	shalt  }
0x77: {  	_ =	shalt  }
0x78: {  	_ =	shalt  }
0x79: {  	_ =	shalt  }
0x7a: {  	_ =	shalt  }
0x7b: {  	_ =	shalt  }
0x7c: {  	_ =	shalt  }
0x7d: {  	_ =	shalt  }
0x7e: {  	_ =	shalt  }
0x7f: {  	_ =	shalt  }
0x80: {  	_ =	shalt  }
0x81: {  	_ =	shalt  }
0x82: {  	_ =	shalt  }
0x83: {  	_ =	shalt  }
0x84: {  	_ =	shalt  }
0x85: {  	_ =	shalt  }
0x86: {  	_ =	shalt  }
0x87: {  	_ =	shalt  }
.Lfunc_end0:
.L_simem_size_0:
called_computation.7_lowered:
.L_overlay_start_0:
0x88: {  	s2 =	sld [smem:$0x3FD9]  }
0x89: {  	s3 =	sld [smem:$0x3FFE];
	_ =	sdelay $0x1  }
0x8a: {  	s1 =	srdreg.scid  }
0x8b: {  	s0 =	sand.u32 $0x1, s1  }
0x8c: {  	s16 =	sshll.u32 s0, $0xA;
	s2 =	sadd.s32 s3, s2  }
0x8d: {  	s2 =	sadd.s32 s2, s16  }
0x8e: {  	[smem:$0x3FB9] =	sst s2  }
0x8f: {  	_ = 	snop  }
0x90: {  	(tm) =	ssettm $0x1  }
0x91: {  	s17 =	sld [smem:$0x3FFB];
	_ =	sdelay $0x3  }
0x92: {  	_ =	strace s17  }
0x93: {  	s2 =	sld [smem:$0x3FFC];
	_ =	sdelay $0x3  }
0x94: {  	_ =	strace s2  }
0x95: {  	s2 =	sld [smem:$0x3FFD];
	_ =	sdelay $0x3  }
0x96: {  	_ =	strace s2  }
0x97: {  	_ =	strace $0x8FFFFFFF  }
0x98: {  	s18 =	sld [smem:$0x3FDB];
	_ =	sdelay $0x1  }
0x99: {  	s19 =	simm.s32 $_scs_section_size  }
0x9a: {  	s4 =	simm.s32 $_size__tile_overlayer_lowered;
	s5 =	simm.s32 $_tile_overlayer_lowered  }
0x9b: {  	s22 =	simm.s32 $0x1BFF;
	s21 =	sshll.u32 s5, $0x1;
	s2 =	sadd.s32 s19, s18  }
0x9c: {  	s6 =	simm.s32 $0x0;
	s20 =	sshll.u32 s4, $0x1;
	s4 =	sadd.s32 s21, s2  }
0x9d: {  	[timem:s6], [sflag:s22] =	dma.local [hbm:s4], s20  }
0x9e: {  	_ =	swait.ge [sflag:s22], s20  }
0x9f: {  	s3 =	ssub.s32 $0x0, s20;
	[sflag:s22] =	ssyncset.done $0x0  }
0xa0: {  	[sflag:s22] =	ssyncadd.s32 s3;
	_ =	sdelay $0x1  }
0xa1: {  	s23 =	simm.s32 $0x1B8B  }
0xa2: {  	_ =	swait.ge [sflag:s23], $0x1  }
0xa3: {  	[sflag:s23] =	ssyncset.done $0x0  }
0xa4: {  	s25 =	simm.s32 $0x1B8E;
	s24 =	sld [smem:$0x3FFE];
	[sflag:s23] =	ssyncadd.s32 $0xFFFFFFFF  }
0xa5: {  	s26 =	simm.s32 $execute0_lowered;
	[smem:$0x3FD2] =	sst s25  }
0xa6: {  	s4 =	sshll.u32 s26, $0x1;
	_ =	strace $0x8000005B;
	[dreg:$0x1] =	wrdreg $0xFFFFFFFF  }
0xa7: {  	s28 =	simm.s32 $_size_execute0_lowered;
	s2 =	sadd.s32 s2, s4;
	[dreg:$0x0] =	wrdreg $0x0  }
0xa8: {  	s4 =	sshll.u32 s28, $0x1;
	[dreg:$0x2] =	wrdreg s2  }
0xa9: {  	[dreg:$0x3] =	wrdreg s4  }
0xaa: {  	[dreg:$0x4] =	wrdreg $0xC0  }
0xab: {  	_ =	task [dreg:s6], $0x5FFFF  }
0xac: {  	[dreg:$0x1] =	wrdreg $0xFFFFFFFF  }
0xad: {  	[dreg:$0x0] =	wrdreg $0x60  }
0xae: {  	[dreg:$0x2] =	wrdreg s24  }
0xaf: {  	[dreg:$0x3] =	wrdreg $0xA8000  }
0xb0: {  	[dreg:$0x4] =	wrdreg $0x9  }
0xb1: {  	_ =	task.clear_ibuf [dreg:s6], $0x5FFFF;
	_ =	strace $0x9000005B  }
0xb2: {  	s29 =	simm.s32 $0x9;
	_ =	strace $0x8000005D  }
0xb3: {  	_ =	swait.ge [sflag:s29], $0x1  }
0xb4: {  	[sflag:s29] =	ssyncadd.s32 $0xFFFFFFFF  }
0xb5: {  	_ =	strace $0x9000005D  }
0xb6: {  	_ =	sfence  }
0xb7: {  	s30 =	sld [smem:$0x0];
	_ =	sdelay $0x2  }
0xb8: {  	s31 =	sshll.u32 s1, $0xD;
	s1 =	sshrl.u32 s1, $0x2  }
0xb9: {  	s3 =	sand.u32 $0x4000, s31;
	s1 =	sadd.s32 s1, s30  }
0xba: {  	s0 =	sor.u32 s3, s0;
	s1 =	sshll.u32 s1, $0x11  }
0xbb: {  	s0 =	sor.u32 s1, s0  }
0xbc: {  	s0 =	sadd.s32 $0x8F2B, s0  }
0xbd: {  	[sflag:s0] =	ssyncadd.remote.s32 $0x1  }
0xbe: {  	_ =	sfence.sel $0xFFFF  }
0xbf: {  	[dreg:$0x0] =	wrdreg $0xFFFFFFFF;
	(pc) =	sbr.abs _section_cstart, $3  }
0xc0: {  	[dreg:$0x1] =	wrdreg $0xFFFFFFFF  }
0xc1: {  	_ =	task.clear_ibuf [dreg:s6], $0x2FFFF;
	_ =	strace $0x9FFFFFFF  }
0xc2: {  	(tm) =	ssettm $0x7FFFFFFF  }
0xc3: {  	_ =	shalt  }
tec
execute0_lowered:
.L_overlay_start_1:
0x0: {  	(tag) =	ssettag $0x1  }
0x1: {  	s1 =	srdreg.scid  }
0x2: {  	s0 =	stileid.u32;
	s5 =	rddreg [dreg:$0x0]  }
0x3: {  	s2 =	rddreg [dreg:$0x1];
	s3 =	simm.s32 $0x0;
	s13 =	simm.s32 $0x80  }
0x4: {  	s14 =	simm.s32 $0x2800;
	s15 =	simm.s32 $0x6800;
	s16 =	simm.s32 $0x1  }
0x5: {  	s17 =	simm.s32 $0x2;
	s18 =	simm.s32 $0x2700;
	s19 =	simm.s32 $0x2780  }
0x6: {  	s6 =	sand.u32 $0x1, s1;
	s28 =	sshll.u32 s0, $0x1;
	s1 =	rddreg [dreg:$0x2]  }
0x7: {  	[smem:$0x7FF] =	sst s3;
	s8 =	smul.u32 $0x14000, s0;
	s31 =	sshll.u32 s0, $0x6  }
0x8: {  	s4 =	sor.u32 s6, s28;
	_ =	strace $0x8000005C;
	s9 =	smul.u32 $0x28000, s6  }
0x9: {  	s6 =	ssub.s32 $0x2, s6;
	s7 =	smul.u32 $0x280, s4;
	s4 =	sadd.s32 $0x94000, s5  }
0xa: {  	s20 =	sshrl.u32 s8, $0x3;
	s30 =	sshrl.u32 s6, $0x1;
	s12 =	sadd.s32 s8, s2  }
0xb: {  	s29 =	sadd.s32 s20, s5;
	s9 =	sadd.s32 s9, s5;
	s11 =	ssub.s32 s6, s30  }
0xc: {  	s6 =	sor.u32 $0x1C03, s31;
	s10 =	sadd.s32 s7, s5;
	s5 =	sadd.s32 $0x1FC000, s29  }
0xd: {  	s21 =	sadd.s32 $0x134000, s9;
	s9 =	smax.u32 s11, $0x1;
	s11 =	simm.s32 $0x3  }
0xe: {  	s7 =	sadd.s32 $0xD000, s10;
	s8 =	sadd.s32 $0x8000, s10;
	s10 =	sshrl.u32 s12, $0x3  }
0xf: {  	s12 =	simm.s32 $0x1400;
	s20 =	sadd.s32 s20, s21;
	s21 =	simm.s32 $0x0  }
.LBB2_1:
0x10: {  	[spmem:s10], [sflag:s6] =	dma.local [hbm:s5], $0x2800  }
0x11: {  	_ =	swait.ge [sflag:s11], $0x2800  }
0x12: {  	[sflag:s11] =	ssyncset.done $0x0  }
0x13: {  	[sflag:s11] =	ssyncadd.s32 $0xFFFFD800  }
0x14: {  	[bflag:$0x0] =	sbarrier.arrive $0xFFFF  }
0x15: {  	[tilespmem:s3], [sflag:$0x3] =	stream.linear.gather [hbm4b:s7+s3], $0x1400, $0x38;
	[tilespmem:$0x1E800] =	vst v63  }
0x16: {  	_ =	swait.ge [sflag:s11], $0x1400  }
0x17: {  	[sflag:s11] =	ssyncset.done $0x0  }
0x18: {  	[sflag:s11] =	ssyncadd.s32 $0xFFFFEC00  }
0x19: {  	[tilespmem:s12], [sflag:$0x3] =	stream.linear.gather [hbm4b:s8+s3], $0x1400, $0x38;
	[tilespmem:$0x1E800] =	vst v63  }
0x1a: {  	_ =	swait.ge [sflag:s11], $0x1400  }
0x1b: {  	[sflag:s11] =	ssyncset.done $0x0  }
0x1c: {  	[sflag:s11] =	ssyncadd.s32 $0xFFFFEC00  }
0x1d: {  	[tilespmem:s14], [sflag:$0x1] =	stream.indirect.gather [hbm4b:s4+s13], $0x80, s3, s13, $0xb8;
	[tilespmem:$0x1E800] =	vst v63  }
0x1e: {  	_ = 	snop  }
0x1f: {  	[tilespmem:s15], [sflag:$0x2] =	stream.indirect.gather [hbm4b:s4+s13], $0x80, s13, s13, $0xb8;
	[tilespmem:$0x1E800] =	vst v63  }
0x20: {  	_ =	swait.ge [sflag:s16], $0x4000  }
0x21: {  	[sflag:s16] =	ssyncset.done $0x0  }
0x22: {  	s22 =	simm.s32 $0x1400;
	[sflag:s16] =	ssyncadd.s32 $0xFFFFC000  }
0x23: {  	[spmem:s2] =	stream.indirect.scatter.add.f32 [tilespmem:s14], [sflag:$0x3], $0x80, s22, s13, $0xb8;
	[tilespmem:$0x1E800] =	vst v63  }
0x24: {  	_ =	swait.ge [sflag:s11], $0x4000  }
0x25: {  	[sflag:s11] =	ssyncset.done $0x0  }
0x26: {  	s30 =	simm.s32 $0x100;
	[sflag:s11] =	ssyncadd.s32 $0xFFFFC000  }
0x27: {  	[tilespmem:s14], [sflag:$0x1] =	stream.indirect.gather [hbm4b:s4+s13], $0x80, s30, s13, $0xb8;
	[tilespmem:$0x1E800] =	vst v63  }
0x28: {  	_ =	swait.ge [sflag:s17], $0x4000  }
0x29: {  	[sflag:s17] =	ssyncset.done $0x0  }
0x2a: {  	s31 =	simm.s32 $0x1480;
	[sflag:s17] =	ssyncadd.s32 $0xFFFFC000  }
0x2b: {  	[spmem:s2] =	stream.indirect.scatter.add.f32 [tilespmem:s15], [sflag:$0x3], $0x80, s31, s13, $0xb8;
	[tilespmem:$0x1E800] =	vst v63  }
0x2c: {  	_ =	swait.ge [sflag:s11], $0x4000  }
0x2d: {  	[sflag:s11] =	ssyncset.done $0x0  }
0x2e: {  	s23 =	simm.s32 $0x180;
	s22 =	simm.s32 $0x400;
	[sflag:s11] =	ssyncadd.s32 $0xFFFFC000  }
.LBB2_2:
0x2f: {  	[tilespmem:s15], [sflag:$0x2] =	stream.indirect.gather [hbm4b:s4+s13], $0x80, s23, s13, $0xb8;
	[tilespmem:$0x1E800] =	vst v63  }
0x30: {  	s23 =	smov.u32 s22  }
0x31: {  	p0 =	sne.s32 s22, $0x4800;
	s22 =	sadd.s32 $0x400, s22;
	_ =	swait.ge [sflag:s16], $0x4000  }
0x32: {  	s23 =	sshra.s32 s23, $0x2;
	[sflag:s16] =	ssyncset.done $0x0  }
0x33: {  	s24 =	sadd.s32 $0x1400, s23;
	[sflag:s16] =	ssyncadd.s32 $0xFFFFC000  }
0x34: {  	[spmem:s2] =	stream.indirect.scatter.add.f32 [tilespmem:s14], [sflag:$0x3], $0x80, s24, s13, $0xb8;
	[tilespmem:$0x1E800] =	vst v63  }
0x35: {  	_ =	swait.ge [sflag:s11], $0x4000  }
0x36: {  	[sflag:s11] =	ssyncset.done $0x0  }
0x37: {  	s24 =	sadd.s32 $0x100, s23;
	[sflag:s11] =	ssyncadd.s32 $0xFFFFC000  }
0x38: {  	[tilespmem:s14], [sflag:$0x1] =	stream.indirect.gather [hbm4b:s4+s13], $0x80, s24, s13, $0xb8;
	[tilespmem:$0x1E800] =	vst v63  }
0x39: {  	_ =	swait.ge [sflag:s17], $0x4000  }
0x3a: {  	[sflag:s17] =	ssyncset.done $0x0  }
.Ltmp0:
0x3b: {  	s24 =	sadd.s32 $0x1480, s23;
	[sflag:s17] =	ssyncadd.s32 $0xFFFFC000;
	(pc) =	sbr.rel @p0 .LBB2_2-.Ltmp0, $4  }
0x3c: {  	[spmem:s2] =	stream.indirect.scatter.add.f32 [tilespmem:s15], [sflag:$0x3], $0x80, s24, s13, $0xb8;
	[tilespmem:$0x1E800] =	vst v63  }
0x3d: {  	_ =	swait.ge [sflag:s11], $0x4000  }
0x3e: {  	[sflag:s11] =	ssyncset.done $0x0  }
0x3f: {  	s23 =	sadd.s32 $0x180, s23;
	[sflag:s11] =	ssyncadd.s32 $0xFFFFC000  }
0x40: {  	[tilespmem:s15], [sflag:$0x2] =	stream.indirect.gather [hbm4b:s4+s13], $0x80, s23, s13, $0xb8;
	[tilespmem:$0x1E800] =	vst v63  }
0x41: {  	_ =	swait.ge [sflag:s16], $0x4000  }
0x42: {  	[sflag:s16] =	ssyncset.done $0x0  }
0x43: {  	[sflag:s16] =	ssyncadd.s32 $0xFFFFC000  }
0x44: {  	[spmem:s2] =	stream.indirect.scatter.add.f32 [tilespmem:s14], [sflag:$0x3], $0x80, s18, s13, $0xb8;
	[tilespmem:$0x1E800] =	vst v63  }
0x45: {  	_ =	swait.ge [sflag:s11], $0x4000  }
0x46: {  	[sflag:s11] =	ssyncset.done $0x0  }
0x47: {  	[sflag:s11] =	ssyncadd.s32 $0xFFFFC000  }
0x48: {  	_ =	swait.ge [sflag:s17], $0x4000  }
0x49: {  	[sflag:s17] =	ssyncset.done $0x0  }
0x4a: {  	[sflag:s17] =	ssyncadd.s32 $0xFFFFC000  }
0x4b: {  	[spmem:s2] =	stream.indirect.scatter.add.f32 [tilespmem:s15], [sflag:$0x3], $0x80, s19, s13, $0xb8;
	[tilespmem:$0x1E800] =	vst v63  }
0x4c: {  	_ =	swait.ge [sflag:s11], $0x4000  }
0x4d: {  	s21 =	sadd.s32 $0x1, s21;
	[sflag:s11] =	ssyncset.done $0x0  }
0x4e: {  	p0 =	sne.s32 s21, s9;
	[sflag:s11] =	ssyncadd.s32 $0xFFFFC000  }
.Ltmp1:
0x4f: {  	[bflag:$0x0] =	sbarrier.arrive $0xFFFF;
	(pc) =	sbr.rel @p0 .LBB2_1-.Ltmp1, $4  }
0x50: {  	[hbm:s20], [sflag:s6] =	dma.local [spmem:s10], $0x2800  }
0x51: {  	_ =	swait.ge [sflag:s11], $0x2800  }
0x52: {  	[sflag:s11] =	ssyncset.done $0x0  }
0x53: {  	[sflag:s11] =	ssyncadd.s32 $0xFFFFD800  }
0x54: {  	_ =	sfence.sel $0x180000  }
0x55: {  	[bflag:$0x0] =	sbarrier.arrive $0xFFFF  }
0x56: {  	p0 =	sne.s32 s0, $0x0;
	_ =	strace $0x9000005C  }
0x57: {  	s0 =	sadd.s32 @!p0 $0x100000, s1;
	[bflag:$0x2] =	sbarrier.arrive $0xFFFF  }
0x58: {  	[sflag:s0] =	ssyncadd.tile.s32 @!p0 $0x1;
	_ =	shalt  }
.Lfunc_end2:
_tile_overlayer_lowered:
.L_overlay_start_2:
0x59: {  	(tag) =	ssettag $0x2  }
0x5a: {  	s0 =	rddreg [dreg:$0x0];
	s2 =	stileid.u32  }
0x5b: {  	s1 =	rddreg [dreg:$0x1];
	p0 =	sne.s32 s2, $0x0  }
0x5c: {  	s3 =	rddreg [dreg:$0x2];
	[bflag:$0x3] =	sbarrier.arrive $0xFFFF;
	s2 =	simm.s32 @!p0 $0x1C03  }
0x5d: {  	[timem:s3], [sflag:s2] =	dma.local @!p0 [hbm:s0], s1  }
0x5e: {  	s0 =	simm.s32 @!p0 $0x3  }
0x5f: {  	_ =	swait.ge @!p0 [sflag:s0], s1  }
0x60: {  	s1 =	ssub.s32 @!p0 $0x0, s1;
	[sflag:s0] =	ssyncset.done @!p0 $0x0  }
0x61: {  	[sflag:s0] =	ssyncadd.s32 @!p0 s1  }
0x62: {  	[bflag:$0x3] =	sbarrier.arrive $0xFFFF  }
0x63: {  	_ =	shalt  }

// kernel: kernel.47.cloned.1.call-start
scs
__scs_entry_jumppad:
0x0: {  	(pc) =	sbr.rel $0x88, $3  }
0x1: {  	(tag) =	ssettag $0x0;
	lr =	simm.s32 $0x1  }
0x2: {  	[smem:$0x3F92] =	sst lr;
	_ =	strace $0xD0000000  }
0x3: {  	_ = 	snop  }
0x4: {  	_ = 	snop  }
0x5: {  	_ = 	snop  }
0x6: {  	_ = 	snop  }
0x7: {  	_ = 	snop  }
__scs_overlays_trampoline_lowered:
0x8: {  	[smem:$0x3FA1] =	sst s0  }
0x9: {  	[smem:$0x3FA2] =	sst s1  }
0xa: {  	[smem:$0x3FA3] =	sst s2  }
0xb: {  	[smem:$0x3FA4] =	sst s3  }
0xc: {  	[smem:$0x3FA5] =	sst s4  }
0xd: {  	[smem:$0x3FA6] =	sst s5  }
0xe: {  	[smem:$0x3FA7] =	sst s6  }
0xf: {  	[smem:$0x3FA8] =	sst s7  }
0x10: {  	[smem:$0x3FA9] =	sst s8  }
0x11: {  	[smem:$0x3FAA] =	sst s9;
	s0 =	simm.s32 @!p0 $0x0  }
0x12: {  	s1 =	sld [smem:$0x3F90];
	s0 =	simm.s32 @p0 $0x1  }
0x13: {  	[smem:$0x3FAB] =	sst s0;
	s0 =	simm.s32 @!p1 $0x0  }
0x14: {  	s2 =	sld [smem:$0x3F8F];
	s0 =	simm.s32 @p1 $0x1  }
0x15: {  	[smem:$0x3FAC] =	sst s0;
	s0 =	simm.s32 @!p2 $0x0  }
0x16: {  	s3 =	sld [smem:$0x3FDB];
	s0 =	simm.s32 @p2 $0x1  }
0x17: {  	s4 =	simm.s32 $0x1BF5;
	[smem:$0x3FAE] =	sst s0  }
0x18: {  	s0 =	sld [smem:$0x3F91];
	_ =	swait.ge [sflag:s4], $0x0  }
0x19: {  	s7 =	sld [smem:$0x3F92]  }
0x1a: {  	s8 =	sadd.s32 $0xFFFFE003, lr  }
0x1b: {  	s9 =	sadd.s32 $0xFFFFFEF7, lr;
	s5 =	simm.s32 $0xFFFFFFFF;
	p2 =	slt.u32 s8, $0xFFFFF086  }
0x1c: {  	p1 =	slt.u32 s9, $0xF7A;
	s5 =	simm.s32 @!p2 $0x0  }
0x1d: {  	s5 =	simm.s32 @p1 $0x1;
	p0 =	seq.s32 s7, s2  }
0x1e: {  	s7 =	smul.u32 @!p0 $0xF7A, s2;
	p2 =	seq.s32 @!p0 s5, $0x0  }
0x1f: {  	s9 =	smul.u32 $0xF7A, s1;
	s8 =	simm.s32 @!p0 $0x1BF5;
	p2 =	por !p2, p0  }
0x20: {  	[sflag:s8] =	ssyncset.s32 @!p0 $0xFFFFF086;
	s6 =	sadd.s32 @!p0 s3, s7;
	s7 =	simm.s32 @!p0 $0x108  }
0x21: {  	s3 =	sadd.s32 s3, s9;
	s6 =	sadd.s32 @!p0 $0x88, s6;
	s7 =	simm.s32 @p2 $0x1082  }
0x22: {  	[simem:s7], [sflag:s8] =	dma.local @!p0 [hbm:s6], $0xF7A  }
0x23: {  	s9 =	sor.u32 $0xD0000000, s2;
	s6 =	simm.s32 $0x108;
	_ =	swait.ge @!p0 [sflag:s8], $0x0  }
0x24: {  	s3 =	sadd.s32 $0x88, s3;
	s6 =	simm.s32 @!p1 $0x1082;
	[sflag:s4] =	ssyncset.s32 $0xFFFFF086  }
0x25: {  	[simem:s6], [sflag:s4] =	dma.local [hbm:s3], $0xF7A  }
0x26: {  	[smem:$0x3F92] =	sst s1;
	(tag) =	ssettag s2;
	_ =	strace s9  }
0x27: {  	s1 =	sld [smem:$0x3FA2]  }
0x28: {  	s2 =	sld [smem:$0x3FA3]  }
0x29: {  	s4 =	sld [smem:$0x3FA5]  }
0x2a: {  	p0 =	seq.s32 s5, $0x0;
	s5 =	sld [smem:$0x3FA6]  }
0x2b: {  	s6 =	sld [smem:$0x3FA7]  }
0x2c: {  	s7 =	sld [smem:$0x3FA8]  }
0x2d: {  	s3 =	simm.s32 $0x108;
	s8 =	sld [smem:$0x3FA9]  }
0x2e: {  	s3 =	simm.s32 @!p0 $0x1082;
	s9 =	sld [smem:$0x3FAA]  }
0x2f: {  	lr =	sadd.s32 s0, s3;
	s0 =	sld [smem:$0x3FA1]  }
0x30: {  	s3 =	sld [smem:$0x3FA4]  }
0x31: {  	[smem:$0x3FAD] =	sst s10  }
0x32: {  	s10 =	sld [smem:$0x3FAB];
	_ =	sdelay $0x3  }
0x33: {  	p0 =	seq.s32 s10, $0x1;
	s10 =	sld [smem:$0x3FAD];
	_ =	sdelay $0x3  }
0x34: {  	[smem:$0x3FAD] =	sst s10  }
0x35: {  	s10 =	sld [smem:$0x3FAC];
	_ =	sdelay $0x3  }
0x36: {  	p1 =	seq.s32 s10, $0x1;
	s10 =	sld [smem:$0x3FAD];
	_ =	sdelay $0x3  }
0x37: {  	[smem:$0x3FAD] =	sst s10  }
0x38: {  	s10 =	sld [smem:$0x3FAE]  }
0x39: {  	_ = 	snop;
	(pc) =	sbr.ind lr, $3  }
0x3a: {  	_ = 	snop  }
0x3b: {  	_ = 	snop  }
0x3c: {  	p2 =	seq.s32 s10, $0x1;
	s10 =	sld [smem:$0x3FAD]  }
0x3d: {  	_ =	shalt  }
0x3e: {  	_ =	shalt  }
0x3f: {  	_ =	shalt  }
0x40: {  	_ =	shalt  }
0x41: {  	_ =	shalt  }
0x42: {  	_ =	shalt  }
0x43: {  	_ =	shalt  }
0x44: {  	_ =	shalt  }
0x45: {  	_ =	shalt  }
0x46: {  	_ =	shalt  }
0x47: {  	_ =	shalt  }
0x48: {  	_ =	shalt  }
0x49: {  	_ =	shalt  }
0x4a: {  	_ =	shalt  }
0x4b: {  	_ =	shalt  }
0x4c: {  	_ =	shalt  }
0x4d: {  	_ =	shalt  }
0x4e: {  	_ =	shalt  }
0x4f: {  	_ =	shalt  }
0x50: {  	_ =	shalt  }
0x51: {  	_ =	shalt  }
0x52: {  	_ =	shalt  }
0x53: {  	_ =	shalt  }
0x54: {  	_ =	shalt  }
0x55: {  	_ =	shalt  }
0x56: {  	_ =	shalt  }
0x57: {  	_ =	shalt  }
0x58: {  	_ =	shalt  }
0x59: {  	_ =	shalt  }
0x5a: {  	_ =	shalt  }
0x5b: {  	_ =	shalt  }
0x5c: {  	_ =	shalt  }
0x5d: {  	_ =	shalt  }
0x5e: {  	_ =	shalt  }
0x5f: {  	_ =	shalt  }
0x60: {  	_ =	shalt  }
0x61: {  	_ =	shalt  }
0x62: {  	_ =	shalt  }
0x63: {  	_ =	shalt  }
0x64: {  	_ =	shalt  }
0x65: {  	_ =	shalt  }
0x66: {  	_ =	shalt  }
0x67: {  	_ =	shalt  }
0x68: {  	_ =	shalt  }
0x69: {  	_ =	shalt  }
0x6a: {  	_ =	shalt  }
0x6b: {  	_ =	shalt  }
0x6c: {  	_ =	shalt  }
0x6d: {  	_ =	shalt  }
0x6e: {  	_ =	shalt  }
0x6f: {  	_ =	shalt  }
0x70: {  	_ =	shalt  }
0x71: {  	_ =	shalt  }
0x72: {  	_ =	shalt  }
0x73: {  	_ =	shalt  }
0x74: {  	_ =	shalt  }
0x75: {  	_ =	shalt  }
0x76: {  	_ =	shalt  }
0x77: {  	_ =	shalt  }
0x78: {  	_ =	shalt  }
0x79: {  	_ =	shalt  }
0x7a: {  	_ =	shalt  }
0x7b: {  	_ =	shalt  }
0x7c: {  	_ =	shalt  }
0x7d: {  	_ =	shalt  }
0x7e: {  	_ =	shalt  }
0x7f: {  	_ =	shalt  }
0x80: {  	_ =	shalt  }
0x81: {  	_ =	shalt  }
0x82: {  	_ =	shalt  }
0x83: {  	_ =	shalt  }
0x84: {  	_ =	shalt  }
0x85: {  	_ =	shalt  }
0x86: {  	_ =	shalt  }
0x87: {  	_ =	shalt  }
.Lfunc_end0:
.L_simem_size_0:
called_computation.8_lowered:
.L_overlay_start_0:
0x88: {  	s2 =	sld [smem:$0x3FD9]  }
0x89: {  	s3 =	sld [smem:$0x3FFE];
	_ =	sdelay $0x1  }
0x8a: {  	s1 =	srdreg.scid  }
0x8b: {  	s0 =	sand.u32 $0x1, s1  }
0x8c: {  	s16 =	sshll.u32 s0, $0xA;
	s2 =	sadd.s32 s3, s2  }
0x8d: {  	s2 =	sadd.s32 s2, s16  }
0x8e: {  	[smem:$0x3FB9] =	sst s2  }
0x8f: {  	_ = 	snop  }
0x90: {  	(tm) =	ssettm $0x1  }
0x91: {  	s17 =	sld [smem:$0x3FFB];
	_ =	sdelay $0x3  }
0x92: {  	_ =	strace s17  }
0x93: {  	s2 =	sld [smem:$0x3FFC];
	_ =	sdelay $0x3  }
0x94: {  	_ =	strace s2  }
0x95: {  	s2 =	sld [smem:$0x3FFD];
	_ =	sdelay $0x3  }
0x96: {  	_ =	strace s2  }
0x97: {  	_ =	strace $0x8FFFFFFF  }
0x98: {  	s18 =	sld [smem:$0x3FDB];
	_ =	sdelay $0x1  }
0x99: {  	s19 =	simm.s32 $_scs_section_size  }
0x9a: {  	s4 =	simm.s32 $_size__tile_overlayer_lowered;
	s5 =	simm.s32 $_tile_overlayer_lowered  }
0x9b: {  	s22 =	simm.s32 $0x1BFF;
	s21 =	sshll.u32 s5, $0x1;
	s2 =	sadd.s32 s19, s18  }
0x9c: {  	s6 =	simm.s32 $0x0;
	s20 =	sshll.u32 s4, $0x1;
	s4 =	sadd.s32 s21, s2  }
0x9d: {  	[timem:s6], [sflag:s22] =	dma.local [hbm:s4], s20  }
0x9e: {  	_ =	swait.ge [sflag:s22], s20  }
0x9f: {  	s3 =	ssub.s32 $0x0, s20;
	[sflag:s22] =	ssyncset.done $0x0  }
0xa0: {  	[sflag:s22] =	ssyncadd.s32 s3;
	_ =	sdelay $0x1  }
0xa1: {  	s23 =	simm.s32 $0x1B8B  }
0xa2: {  	_ =	swait.ge [sflag:s23], $0x1  }
0xa3: {  	[sflag:s23] =	ssyncset.done $0x0  }
0xa4: {  	s25 =	simm.s32 $0x1B8E;
	s24 =	sld [smem:$0x3FFE];
	[sflag:s23] =	ssyncadd.s32 $0xFFFFFFFF  }
0xa5: {  	s26 =	simm.s32 $execute0_lowered;
	[smem:$0x3FD2] =	sst s25  }
0xa6: {  	s4 =	sshll.u32 s26, $0x1;
	_ =	strace $0x8000005E;
	[dreg:$0x1] =	wrdreg $0xFFFFFFFF  }
0xa7: {  	s28 =	simm.s32 $_size_execute0_lowered;
	s2 =	sadd.s32 s2, s4;
	[dreg:$0x0] =	wrdreg $0x0  }
0xa8: {  	s4 =	sshll.u32 s28, $0x1;
	[dreg:$0x2] =	wrdreg s2  }
0xa9: {  	[dreg:$0x3] =	wrdreg s4  }
0xaa: {  	[dreg:$0x4] =	wrdreg $0xC0  }
0xab: {  	_ =	task [dreg:s6], $0x5FFFF  }
0xac: {  	[dreg:$0x1] =	wrdreg $0xFFFFFFFF  }
0xad: {  	[dreg:$0x0] =	wrdreg $0x60  }
0xae: {  	[dreg:$0x2] =	wrdreg s24  }
0xaf: {  	[dreg:$0x3] =	wrdreg $0xA8000  }
0xb0: {  	[dreg:$0x4] =	wrdreg $0x9  }
0xb1: {  	_ =	task.clear_ibuf [dreg:s6], $0x5FFFF;
	_ =	strace $0x9000005E  }
0xb2: {  	s29 =	simm.s32 $0x9;
	_ =	strace $0x80000060  }
0xb3: {  	_ =	swait.ge [sflag:s29], $0x1  }
0xb4: {  	[sflag:s29] =	ssyncadd.s32 $0xFFFFFFFF  }
0xb5: {  	_ =	strace $0x90000060  }
0xb6: {  	_ =	sfence  }
0xb7: {  	s30 =	sld [smem:$0x0];
	_ =	sdelay $0x2  }
0xb8: {  	s31 =	sshll.u32 s1, $0xD;
	s1 =	sshrl.u32 s1, $0x2  }
0xb9: {  	s3 =	sand.u32 $0x4000, s31;
	s1 =	sadd.s32 s1, s30  }
0xba: {  	s0 =	sor.u32 s3, s0;
	s1 =	sshll.u32 s1, $0x11  }
0xbb: {  	s0 =	sor.u32 s1, s0  }
0xbc: {  	s0 =	sadd.s32 $0x8F2B, s0  }
0xbd: {  	[sflag:s0] =	ssyncadd.remote.s32 $0x1  }
0xbe: {  	_ =	sfence.sel $0xFFFF  }
0xbf: {  	[dreg:$0x0] =	wrdreg $0xFFFFFFFF;
	(pc) =	sbr.abs _section_cstart, $3  }
0xc0: {  	[dreg:$0x1] =	wrdreg $0xFFFFFFFF  }
0xc1: {  	_ =	task.clear_ibuf [dreg:s6], $0x2FFFF;
	_ =	strace $0x9FFFFFFF  }
0xc2: {  	(tm) =	ssettm $0x7FFFFFFF  }
0xc3: {  	_ =	shalt  }
tec
execute0_lowered:
.L_overlay_start_1:
0x0: {  	(tag) =	ssettag $0x1  }
0x1: {  	s0 =	rddreg [dreg:$0x0]  }
0x2: {  	s2 =	rddreg [dreg:$0x1]  }
0x3: {  	s4 =	srdreg.scid;
	s1 =	stileid.u32  }
0x4: {  	s3 =	simm.s32 $0x0;
	s12 =	simm.s32 $0x1400;
	s13 =	simm.s32 $0x80  }
0x5: {  	s14 =	simm.s32 $0x2800;
	s15 =	simm.s32 $0x4800;
	s16 =	simm.s32 $0x100  }
0x6: {  	s17 =	simm.s32 $0x6800;
	s18 =	simm.s32 $0x180;
	s19 =	simm.s32 $0x8800  }
0x7: {  	s20 =	simm.s32 $0x1;
	s21 =	simm.s32 $0x2;
	s22 =	simm.s32 $0x3  }
0x8: {  	s23 =	simm.s32 $0x4;
	s28 =	simm.s32 $0x2700;
	s29 =	simm.s32 $0x2780  }
0x9: {  	s30 =	simm.s32 $0x0;
	s5 =	sand.u32 $0x1, s4;
	s25 =	sshll.u32 s1, $0x1  }
0xa: {  	[smem:$0x7FF] =	sst s3;
	s7 =	smul.u32 $0xA000, s1;
	s4 =	sadd.s32 $0xE4000, s0  }
0xb: {  	s31 =	sshll.u32 s1, $0x6;
	s6 =	sor.u32 s5, s25;
	_ =	strace $0x8000005F  }
0xc: {  	s8 =	smul.u32 $0x14000, s5;
	s5 =	ssub.s32 $0x2, s5;
	s25 =	simm.s32 $0x2600  }
0xd: {  	s6 =	smul.u32 $0x280, s6;
	s24 =	sshrl.u32 s7, $0x3;
	s10 =	sshrl.u32 s5, $0x1  }
0xe: {  	s11 =	sadd.s32 s7, s2;
	s26 =	sadd.s32 s24, s0;
	s10 =	ssub.s32 s5, s10  }
0xf: {  	s9 =	sadd.s32 s6, s0;
	s0 =	sadd.s32 s8, s0;
	s5 =	sadd.s32 $0xF8000, s26  }
0x10: {  	s6 =	sor.u32 $0x1C05, s31;
	s26 =	simm.s32 $0x2680;
	s7 =	sadd.s32 $0xD000, s9  }
0x11: {  	s8 =	sadd.s32 $0x8000, s9;
	s0 =	sadd.s32 $0x12000, s0;
	s9 =	smax.u32 s10, $0x1  }
0x12: {  	s10 =	sshrl.u32 s11, $0x3;
	s11 =	simm.s32 $0x5;
	s24 =	sadd.s32 s24, s0  }
.LBB2_1:
0x13: {  	[spmem:s10], [sflag:s6] =	dma.local [hbm:s5], $0x1400  }
0x14: {  	_ =	swait.ge [sflag:s11], $0x1400  }
0x15: {  	[sflag:s11] =	ssyncset.done $0x0  }
0x16: {  	[sflag:s11] =	ssyncadd.s32 $0xFFFFEC00  }
0x17: {  	[bflag:$0x0] =	sbarrier.arrive $0xFFFF  }
0x18: {  	[tilespmem:s3], [sflag:$0x5] =	stream.linear.gather [hbm4b:s7+s3], $0x1400, $0x38;
	[tilespmem:$0x14800] =	vst v63  }
0x19: {  	_ =	swait.ge [sflag:s11], $0x1400  }
0x1a: {  	[sflag:s11] =	ssyncset.done $0x0  }
0x1b: {  	[sflag:s11] =	ssyncadd.s32 $0xFFFFEC00  }
0x1c: {  	[tilespmem:s12], [sflag:$0x5] =	stream.linear.gather [hbm4b:s8+s3], $0x1400, $0x38;
	[tilespmem:$0x14800] =	vst v63  }
0x1d: {  	_ =	swait.ge [sflag:s11], $0x1400  }
0x1e: {  	[sflag:s11] =	ssyncset.done $0x0  }
0x1f: {  	[sflag:s11] =	ssyncadd.s32 $0xFFFFEC00  }
0x20: {  	[tilespmem:s14], [sflag:$0x1] =	stream.indirect.gather [hbm4b:s4+s13], $0x40, s3, s13, $0xb8;
	[tilespmem:$0x14800] =	vst v63  }
0x21: {  	_ = 	snop  }
0x22: {  	[tilespmem:s15], [sflag:$0x2] =	stream.indirect.gather [hbm4b:s4+s13], $0x40, s13, s13, $0xb8;
	[tilespmem:$0x14800] =	vst v63  }
0x23: {  	_ = 	snop  }
0x24: {  	[tilespmem:s17], [sflag:$0x3] =	stream.indirect.gather [hbm4b:s4+s13], $0x40, s16, s13, $0xb8;
	[tilespmem:$0x14800] =	vst v63  }
0x25: {  	_ = 	snop  }
0x26: {  	[tilespmem:s19], [sflag:$0x4] =	stream.indirect.gather [hbm4b:s4+s13], $0x40, s18, s13, $0xb8;
	[tilespmem:$0x14800] =	vst v63  }
0x27: {  	_ =	swait.ge [sflag:s20], $0x2000  }
0x28: {  	[sflag:s20] =	ssyncset.done $0x0  }
0x29: {  	s0 =	simm.s32 $0x1400;
	[sflag:s20] =	ssyncadd.s32 $0xFFFFE000  }
0x2a: {  	[spmem:s2] =	stream.indirect.scatter.add.f32 [tilespmem:s14], [sflag:$0x5], $0x40, s0, s13, $0xb8;
	[tilespmem:$0x14800] =	vst v63  }
0x2b: {  	_ =	swait.ge [sflag:s11], $0x2000  }
0x2c: {  	[sflag:s11] =	ssyncset.done $0x0  }
0x2d: {  	s1 =	simm.s32 $0x200;
	[sflag:s11] =	ssyncadd.s32 $0xFFFFE000  }
0x2e: {  	[tilespmem:s14], [sflag:$0x1] =	stream.indirect.gather [hbm4b:s4+s13], $0x40, s1, s13, $0xb8;
	[tilespmem:$0x14800] =	vst v63  }
0x2f: {  	_ =	swait.ge [sflag:s21], $0x2000  }
0x30: {  	[sflag:s21] =	ssyncset.done $0x0  }
0x31: {  	s1 =	simm.s32 $0x1480;
	[sflag:s21] =	ssyncadd.s32 $0xFFFFE000  }
0x32: {  	[spmem:s2] =	stream.indirect.scatter.add.f32 [tilespmem:s15], [sflag:$0x5], $0x40, s1, s13, $0xb8;
	[tilespmem:$0x14800] =	vst v63  }
0x33: {  	_ =	swait.ge [sflag:s11], $0x2000  }
0x34: {  	[sflag:s11] =	ssyncset.done $0x0  }
0x35: {  	s1 =	simm.s32 $0x280;
	[sflag:s11] =	ssyncadd.s32 $0xFFFFE000  }
0x36: {  	[tilespmem:s15], [sflag:$0x2] =	stream.indirect.gather [hbm4b:s4+s13], $0x40, s1, s13, $0xb8;
	[tilespmem:$0x14800] =	vst v63  }
0x37: {  	_ =	swait.ge [sflag:s22], $0x2000  }
0x38: {  	[sflag:s22] =	ssyncset.done $0x0  }
0x39: {  	s1 =	simm.s32 $0x1500;
	[sflag:s22] =	ssyncadd.s32 $0xFFFFE000  }
0x3a: {  	[spmem:s2] =	stream.indirect.scatter.add.f32 [tilespmem:s17], [sflag:$0x5], $0x40, s1, s13, $0xb8;
	[tilespmem:$0x14800] =	vst v63  }
0x3b: {  	_ =	swait.ge [sflag:s11], $0x2000  }
0x3c: {  	[sflag:s11] =	ssyncset.done $0x0  }
0x3d: {  	s1 =	simm.s32 $0x300;
	[sflag:s11] =	ssyncadd.s32 $0xFFFFE000  }
0x3e: {  	[tilespmem:s17], [sflag:$0x3] =	stream.indirect.gather [hbm4b:s4+s13], $0x40, s1, s13, $0xb8;
	[tilespmem:$0x14800] =	vst v63  }
0x3f: {  	_ =	swait.ge [sflag:s23], $0x2000  }
0x40: {  	[sflag:s23] =	ssyncset.done $0x0  }
0x41: {  	s1 =	simm.s32 $0x1580;
	[sflag:s23] =	ssyncadd.s32 $0xFFFFE000  }
0x42: {  	[spmem:s2] =	stream.indirect.scatter.add.f32 [tilespmem:s19], [sflag:$0x5], $0x40, s1, s13, $0xb8;
	[tilespmem:$0x14800] =	vst v63  }
0x43: {  	_ =	swait.ge [sflag:s11], $0x2000  }
0x44: {  	[sflag:s11] =	ssyncset.done $0x0  }
0x45: {  	s31 =	simm.s32 $0x800;
	s0 =	simm.s32 $0x380;
	[sflag:s11] =	ssyncadd.s32 $0xFFFFE000  }
.LBB2_2:
0x46: {  	[tilespmem:s19], [sflag:$0x4] =	stream.indirect.gather [hbm4b:s4+s13], $0x40, s0, s13, $0xb8;
	[tilespmem:$0x14800] =	vst v63  }
0x47: {  	s0 =	smov.u32 s31  }
0x48: {  	p0 =	sne.s32 s31, $0x4000;
	s31 =	sadd.s32 $0x800, s31;
	_ =	swait.ge [sflag:s20], $0x2000  }
0x49: {  	s0 =	sshra.s32 s0, $0x2;
	[sflag:s20] =	ssyncset.done $0x0  }
0x4a: {  	s1 =	sadd.s32 $0x1400, s0;
	[sflag:s20] =	ssyncadd.s32 $0xFFFFE000  }
0x4b: {  	[spmem:s2] =	stream.indirect.scatter.add.f32 [tilespmem:s14], [sflag:$0x5], $0x40, s1, s13, $0xb8;
	[tilespmem:$0x14800] =	vst v63  }
0x4c: {  	_ =	swait.ge [sflag:s11], $0x2000  }
0x4d: {  	[sflag:s11] =	ssyncset.done $0x0  }
0x4e: {  	s1 =	sadd.s32 $0x200, s0;
	[sflag:s11] =	ssyncadd.s32 $0xFFFFE000  }
0x4f: {  	[tilespmem:s14], [sflag:$0x1] =	stream.indirect.gather [hbm4b:s4+s13], $0x40, s1, s13, $0xb8;
	[tilespmem:$0x14800] =	vst v63  }
0x50: {  	_ =	swait.ge [sflag:s21], $0x2000  }
0x51: {  	[sflag:s21] =	ssyncset.done $0x0  }
0x52: {  	s1 =	sadd.s32 $0x1480, s0;
	[sflag:s21] =	ssyncadd.s32 $0xFFFFE000  }
0x53: {  	[spmem:s2] =	stream.indirect.scatter.add.f32 [tilespmem:s15], [sflag:$0x5], $0x40, s1, s13, $0xb8;
	[tilespmem:$0x14800] =	vst v63  }
0x54: {  	_ =	swait.ge [sflag:s11], $0x2000  }
0x55: {  	[sflag:s11] =	ssyncset.done $0x0  }
0x56: {  	s1 =	sadd.s32 $0x280, s0;
	[sflag:s11] =	ssyncadd.s32 $0xFFFFE000  }
0x57: {  	[tilespmem:s15], [sflag:$0x2] =	stream.indirect.gather [hbm4b:s4+s13], $0x40, s1, s13, $0xb8;
	[tilespmem:$0x14800] =	vst v63  }
0x58: {  	_ =	swait.ge [sflag:s22], $0x2000  }
0x59: {  	[sflag:s22] =	ssyncset.done $0x0  }
0x5a: {  	s1 =	sadd.s32 $0x1500, s0;
	[sflag:s22] =	ssyncadd.s32 $0xFFFFE000  }
0x5b: {  	[spmem:s2] =	stream.indirect.scatter.add.f32 [tilespmem:s17], [sflag:$0x5], $0x40, s1, s13, $0xb8;
	[tilespmem:$0x14800] =	vst v63  }
0x5c: {  	_ =	swait.ge [sflag:s11], $0x2000  }
0x5d: {  	[sflag:s11] =	ssyncset.done $0x0  }
0x5e: {  	s1 =	sadd.s32 $0x300, s0;
	[sflag:s11] =	ssyncadd.s32 $0xFFFFE000  }
0x5f: {  	[tilespmem:s17], [sflag:$0x3] =	stream.indirect.gather [hbm4b:s4+s13], $0x40, s1, s13, $0xb8;
	[tilespmem:$0x14800] =	vst v63  }
0x60: {  	_ =	swait.ge [sflag:s23], $0x2000  }
0x61: {  	[sflag:s23] =	ssyncset.done $0x0  }
.Ltmp0:
0x62: {  	s1 =	sadd.s32 $0x1580, s0;
	[sflag:s23] =	ssyncadd.s32 $0xFFFFE000;
	(pc) =	sbr.rel @p0 .LBB2_2-.Ltmp0, $4  }
0x63: {  	[spmem:s2] =	stream.indirect.scatter.add.f32 [tilespmem:s19], [sflag:$0x5], $0x40, s1, s13, $0xb8;
	[tilespmem:$0x14800] =	vst v63  }
0x64: {  	_ =	swait.ge [sflag:s11], $0x2000  }
0x65: {  	[sflag:s11] =	ssyncset.done $0x0  }
0x66: {  	s0 =	sadd.s32 $0x380, s0;
	[sflag:s11] =	ssyncadd.s32 $0xFFFFE000  }
0x67: {  	[tilespmem:s19], [sflag:$0x4] =	stream.indirect.gather [hbm4b:s4+s13], $0x40, s0, s13, $0xb8;
	[tilespmem:$0x14800] =	vst v63  }
0x68: {  	_ =	swait.ge [sflag:s20], $0x2000  }
0x69: {  	[sflag:s20] =	ssyncset.done $0x0  }
0x6a: {  	[sflag:s20] =	ssyncadd.s32 $0xFFFFE000  }
0x6b: {  	[spmem:s2] =	stream.indirect.scatter.add.f32 [tilespmem:s14], [sflag:$0x5], $0x40, s25, s13, $0xb8;
	[tilespmem:$0x14800] =	vst v63  }
0x6c: {  	_ =	swait.ge [sflag:s11], $0x2000  }
0x6d: {  	[sflag:s11] =	ssyncset.done $0x0  }
0x6e: {  	[sflag:s11] =	ssyncadd.s32 $0xFFFFE000  }
0x6f: {  	_ =	swait.ge [sflag:s21], $0x2000  }
0x70: {  	[sflag:s21] =	ssyncset.done $0x0  }
0x71: {  	[sflag:s21] =	ssyncadd.s32 $0xFFFFE000  }
0x72: {  	[spmem:s2] =	stream.indirect.scatter.add.f32 [tilespmem:s15], [sflag:$0x5], $0x40, s26, s13, $0xb8;
	[tilespmem:$0x14800] =	vst v63  }
0x73: {  	_ =	swait.ge [sflag:s11], $0x2000  }
0x74: {  	[sflag:s11] =	ssyncset.done $0x0  }
0x75: {  	[sflag:s11] =	ssyncadd.s32 $0xFFFFE000  }
0x76: {  	_ =	swait.ge [sflag:s22], $0x2000  }
0x77: {  	[sflag:s22] =	ssyncset.done $0x0  }
0x78: {  	[sflag:s22] =	ssyncadd.s32 $0xFFFFE000  }
0x79: {  	[spmem:s2] =	stream.indirect.scatter.add.f32 [tilespmem:s17], [sflag:$0x5], $0x40, s28, s13, $0xb8;
	[tilespmem:$0x14800] =	vst v63  }
0x7a: {  	_ =	swait.ge [sflag:s11], $0x2000  }
0x7b: {  	[sflag:s11] =	ssyncset.done $0x0  }
0x7c: {  	[sflag:s11] =	ssyncadd.s32 $0xFFFFE000  }
0x7d: {  	_ =	swait.ge [sflag:s23], $0x2000  }
0x7e: {  	[sflag:s23] =	ssyncset.done $0x0  }
0x7f: {  	[sflag:s23] =	ssyncadd.s32 $0xFFFFE000  }
0x80: {  	[spmem:s2] =	stream.indirect.scatter.add.f32 [tilespmem:s19], [sflag:$0x5], $0x40, s29, s13, $0xb8;
	[tilespmem:$0x14800] =	vst v63  }
0x81: {  	_ =	swait.ge [sflag:s11], $0x2000  }
0x82: {  	s30 =	sadd.s32 $0x1, s30;
	[sflag:s11] =	ssyncset.done $0x0  }
0x83: {  	p0 =	sne.s32 s30, s9;
	[sflag:s11] =	ssyncadd.s32 $0xFFFFE000  }
.Ltmp1:
0x84: {  	[bflag:$0x0] =	sbarrier.arrive $0xFFFF;
	(pc) =	sbr.rel @p0 .LBB2_1-.Ltmp1, $4  }
0x85: {  	[hbm:s24], [sflag:s6] =	dma.local [spmem:s10], $0x1400  }
0x86: {  	_ =	swait.ge [sflag:s11], $0x1400  }
0x87: {  	[sflag:s11] =	ssyncset.done $0x0  }
0x88: {  	[sflag:s11] =	ssyncadd.s32 $0xFFFFEC00  }
0x89: {  	_ =	sfence.sel $0x180000  }
0x8a: {  	[bflag:$0x0] =	sbarrier.arrive $0xFFFF  }
0x8b: {  	_ =	strace $0x9000005F  }
0x8c: {  	s0 =	stileid.u32;
	[bflag:$0x2] =	sbarrier.arrive $0xFFFF  }
0x8d: {  	p0 =	sne.s32 s0, $0x0;
	s0 =	rddreg [dreg:$0x2]  }
0x8e: {  	s0 =	sadd.s32 @!p0 $0x100000, s0  }
0x8f: {  	[sflag:s0] =	ssyncadd.tile.s32 @!p0 $0x1;
	_ =	shalt  }
.Lfunc_end2:
_tile_overlayer_lowered:
.L_overlay_start_2:
0x90: {  	(tag) =	ssettag $0x2  }
0x91: {  	s0 =	rddreg [dreg:$0x0];
	s2 =	stileid.u32  }
0x92: {  	s1 =	rddreg [dreg:$0x1];
	p0 =	sne.s32 s2, $0x0  }
0x93: {  	s3 =	rddreg [dreg:$0x2];
	[bflag:$0x3] =	sbarrier.arrive $0xFFFF;
	s2 =	simm.s32 @!p0 $0x1C05  }
0x94: {  	[timem:s3], [sflag:s2] =	dma.local @!p0 [hbm:s0], s1  }
0x95: {  	s0 =	simm.s32 @!p0 $0x5  }
0x96: {  	_ =	swait.ge @!p0 [sflag:s0], s1  }
0x97: {  	s1 =	ssub.s32 @!p0 $0x0, s1;
	[sflag:s0] =	ssyncset.done @!p0 $0x0  }
0x98: {  	[sflag:s0] =	ssyncadd.s32 @!p0 s1  }
0x99: {  	[bflag:$0x3] =	sbarrier.arrive $0xFFFF  }
0x9a: {  	_ =	shalt  }

</sc_bundles>
